<compile_context>
chip_gen: v7x
topology: tpu7x:2x2x1
jax: 0.10.2.dev20260603
libtpu: 0.0.44.dev20260713+nightly
codegen_flags: <defaults>
</compile_context>

<pallas_src>
import functools

import numpy as np
import jax
import jax.numpy as jnp
from jax import lax
from jax.experimental import pallas as pl
from jax.experimental.pallas import tpu as pltpu
from jax.experimental.pallas import tpu_sc as plsc

N = 10000
E = 320000
HEADS = 4
LANES = 16
NC, NS = 2, 16
NW = NC * NS
EPT = E // NW
NPAD = 10240
ROWS_PER = NPAD // NS
BN = 1000


def _make_edge_kernel(D, CK, dbuf, nheads=HEADS):
    ROW = D + 16
    NCH = EPT // CK
    G = D // LANES
    HD = D // nheads
    NB = 2 if dbuf else 1
    mesh = plsc.VectorSubcoreMesh(core_axis_name="c", subcore_axis_name="s")

    scratch = [pltpu.VMEM_SHARED((NPAD, ROW), jnp.float32)]
    for _ in range(NB):
        scratch += [pltpu.VMEM((CK,), jnp.int32),
                    pltpu.VMEM((CK,), jnp.int32),
                    pltpu.VMEM((CK, ROW), jnp.float32),
                    pltpu.VMEM((CK, 16), jnp.float32),
                    pltpu.SemaphoreType.DMA,
                    pltpu.SemaphoreType.DMA,
                    pltpu.SemaphoreType.DMA,
                    pltpu.SemaphoreType.DMA]
    scratch += [pltpu.VMEM((CK, ROW), jnp.float32)]

    @functools.partial(
        pl.kernel,
        out_type=jax.ShapeDtypeStruct((NC, NPAD, ROW), jnp.float32),
        mesh=mesh,
        compiler_params=pltpu.CompilerParams(use_tc_tiling_on_sc=False),
        scratch_types=scratch,
    )
    def edge_kernel(featx, qd, src, dst, zeros, out, accum, *bufs):
        c = lax.axis_index("c")
        s = lax.axis_index("s")
        wid = s * NC + c
        r0 = s * ROWS_PER
        sets = [bufs[8 * i:8 * i + 8] for i in range(NB)]
        msg_buf = bufs[8 * NB]
        pltpu.sync_copy(zeros.at[pl.ds(r0, ROWS_PER)],
                        accum.at[pl.ds(r0, ROWS_PER)])
        plsc.subcore_barrier()
        ebase = wid * EPT
        lane = lax.iota(jnp.int32, 16)

        def prefetch(ci, p):
            sb, db, fb, qb, sf, sq, si, sj = sets[p]
            base = ebase + ci * CK
            ci1 = pltpu.async_copy(src.at[pl.ds(base, CK)], sb, si)
            ci2 = pltpu.async_copy(dst.at[pl.ds(base, CK)], db, sj)
            ci1.wait()
            ci2.wait()
            pltpu.async_copy(featx.at[sb], fb, sf)
            pltpu.async_copy(qd.at[db], qb, sq)

        def process(p):
            sb, db, fb, qb, sf, sq, si, sj = sets[p]
            pltpu.make_async_copy(featx.at[sb], fb, sf).wait()
            pltpu.make_async_copy(qd.at[db], qb, sq).wait()

            def edge_body(k, carry2):
                ev = fb[k, pl.ds(D, 16)] + qb[k, :]
                e = jnp.where(ev >= 0.0, ev, ev * 0.2)
                w = jnp.exp(e)
                msg_buf[k, pl.ds(D, 16)] = w
                for g in range(G):
                    ha = (16 * g) // HD
                    hb = (16 * g + 15) // HD
                    if ha == hb:
                        wb = w[ha]
                    else:
                        wb = jnp.where(lane < hb * HD - 16 * g, w[ha], w[hb])
                    msg_buf[k, pl.ds(16 * g, 16)] = (
                        fb[k, pl.ds(16 * g, 16)] * wb)
                return carry2

            lax.fori_loop(0, CK, edge_body, 0)
            pltpu.sync_copy(msg_buf, accum.at[db], add=True)

        if dbuf:
            prefetch(0, 0)

            def pair_body(i, carry):
                prefetch(2 * i + 1, 1)
                process(0)

                @pl.when(2 * i + 2 < NCH)
                def _():
                    prefetch(2 * i + 2, 0)

                process(1)
                return carry

            lax.fori_loop(0, NCH // 2, pair_body, 0)
            if NCH % 2 == 1:
                process(0)
        else:
            def chunk_body(ci, carry):
                prefetch(ci, 0)
                process(0)
                return carry

            lax.fori_loop(0, NCH, chunk_body, 0)
        plsc.subcore_barrier()
        pltpu.sync_copy(accum.at[pl.ds(r0, ROWS_PER)],
                        out.at[c, pl.ds(r0, ROWS_PER)])

    return edge_kernel


_EDGE_K = {128: _make_edge_kernel(128, 80, True),
           80: _make_edge_kernel(80, 80, True, nheads=2)}


def _mm_body(x_ref, w_ref, o_ref):
    o_ref[...] = jnp.dot(x_ref[...], w_ref[...],
                         preferred_element_type=jnp.float32)


def _matmul(x, w):
    k = w.shape[1]
    return pl.pallas_call(
        _mm_body,
        grid=(N // BN,),
        in_specs=[pl.BlockSpec((BN, x.shape[1]), lambda i: (i, 0)),
                  pl.BlockSpec((x.shape[1], k), lambda i: (0, 0))],
        out_specs=pl.BlockSpec((BN, k), lambda i: (i, 0)),
        out_shape=jax.ShapeDtypeStruct((N, k), jnp.float32),
    )(x, w)


def _post01_body(p0_ref, p1_ref, sk_ref, sb_ref, b_ref, o_ref):
    lane = lax.broadcasted_iota(jnp.int32, (BN, 256), 1)
    p = jnp.where(lane < 132, p0_ref[...] + p1_ref[...], 0.0)
    denb = jnp.dot(p, b_ref[...], preferred_element_type=jnp.float32) + 1e-9
    msg = jnp.where(lane < 128, p / denb, 0.0)
    r = msg + sk_ref[...] + sb_ref[...]
    o_ref[...] = jnp.where(r > 0.0, r, jnp.exp(r) - 1.0)


def _post2_body(p0_ref, p1_ref, sk_ref, sb_ref, b_ref, s_ref, o_ref):
    lane = lax.broadcasted_iota(jnp.int32, (BN, 256), 1)
    p = jnp.where(lane < 164, p0_ref[...] + p1_ref[...], 0.0)
    denb = jnp.dot(p, b_ref[...], preferred_element_type=jnp.float32) + 1e-9
    msg = jnp.where(lane < 160, p / denb, 0.0)
    ms = jnp.dot(msg, s_ref[...], preferred_element_type=jnp.float32)
    m = 0.25 * ms + sk_ref[...] + sb_ref[...]
    mm = jnp.where(lane < 40, m, -1e30)
    mx = jnp.max(mm, axis=1, keepdims=True)
    ex = jnp.where(lane < 40, jnp.exp(mm - mx), 0.0)
    lse = jnp.log(jnp.sum(ex, axis=1, keepdims=True))
    o_ref[...] = mm - mx - lse


def _full_spec(shape):
    return pl.BlockSpec(shape, lambda i: tuple(0 for _ in shape))


def _post_call(body, args, extra_consts):
    specs = [pl.BlockSpec((BN, 256), lambda i: (i, 0)),
             pl.BlockSpec((BN, 256), lambda i: (i, 0)),
             pl.BlockSpec((BN, 256), lambda i: (i, 0)),
             _full_spec((1, 256))]
    specs += [_full_spec((256, 256)) for _ in extra_consts]
    return pl.pallas_call(
        body,
        grid=(N // BN,),
        in_specs=specs,
        out_specs=pl.BlockSpec((BN, 256), lambda i: (i, 0)),
        out_shape=jax.ShapeDtypeStruct((N, 256), jnp.float32),
    )(*args, *extra_consts)


def _np_bmat(d, hd):
    b = np.zeros((256, 256), np.float32)
    for h in range(HEADS):
        b[d + h, hd * h:hd * h + hd] = 1.0
    return jnp.asarray(b)


def _np_smat(hd):
    s = np.zeros((256, 256), np.float32)
    for h in range(HEADS):
        for j in range(hd):
            s[hd * h + j, j] = 1.0
    return jnp.asarray(s)


def _pad_cols(a, w):
    return jnp.pad(a, ((0, 0), (0, w - a.shape[1])))


def _layer_pre(h, W, al, ar, sW, D):
    hd = D // HEADS
    w3 = W.reshape(W.shape[0], HEADS, hd)
    wal = jnp.sum(w3 * al[None], axis=-1)
    war = jnp.sum(w3 * ar[None], axis=-1)
    wcat = jnp.concatenate([W, wal, war, sW], axis=1)
    kpad = -(-wcat.shape[1] // 128) * 128
    P = _matmul(h, _pad_cols(wcat, kpad))
    featx = _pad_cols(P[:, :D + 4], D + 16)
    qd = _pad_cols(P[:, D + 4:D + 8], 16)
    skip = P[:, D + 8:D + 8 + sW.shape[1]]
    return featx, qd, skip


def kernel(x, edge_index, W0, al0, ar0, sW0, sb0, W1, al1, ar1, sW1, sb1,
           W2, al2, ar2, sW2, sb2):
    src = edge_index[0]
    dst = edge_index[1]
    zeros01 = jnp.zeros((NPAD, 144), jnp.float32)
    zeros80 = jnp.zeros((NPAD, 96), jnp.float32)
    D2 = 160
    b01 = _np_bmat(128, 32)
    b2 = _np_bmat(160, 40)
    s2 = _np_smat(40)

    featx, qd, skip = _layer_pre(x, W0, al0, ar0, sW0, 128)
    parts = _EDGE_K[128](featx, qd, src, dst, zeros01)[:, :N]
    h = _post_call(_post01_body,
                   (_pad_cols(parts[0], 256), _pad_cols(parts[1], 256),
                    _pad_cols(skip, 256),
                    _pad_cols((sb0)[None, :], 256)),
                   (b01,))[:, :128]

    featx, qd, skip = _layer_pre(h, W1, al1, ar1, sW1, 128)
    parts = _EDGE_K[128](featx, qd, src, dst, zeros01)[:, :N]
    h = _post_call(_post01_body,
                   (_pad_cols(parts[0], 256), _pad_cols(parts[1], 256),
                    _pad_cols(skip, 256),
                    _pad_cols((sb1)[None, :], 256)),
                   (b01,))[:, :128]

    hd2 = D2 // HEADS
    w3 = W2.reshape(W2.shape[0], HEADS, hd2)
    wal = jnp.sum(w3 * al2[None], axis=-1)
    war = jnp.sum(w3 * ar2[None], axis=-1)
    wcat = jnp.concatenate([W2, wal, war, sW2], axis=1)
    P = _matmul(h, _pad_cols(wcat, 256))
    fxA = _pad_cols(jnp.concatenate([P[:, 0:80], P[:, 160:162]], axis=1), 96)
    fxB = _pad_cols(jnp.concatenate([P[:, 80:160], P[:, 162:164]], axis=1), 96)
    qdA = _pad_cols(P[:, 164:166], 16)
    qdB = _pad_cols(P[:, 166:168], 16)
    skip = P[:, 168:208]
    pA = _EDGE_K[80](fxA, qdA, src, dst, zeros80)[:, :N]
    pB = _EDGE_K[80](fxB, qdB, src, dst, zeros80)[:, :N]
    p0 = jnp.concatenate([pA[0, :, 0:80], pB[0, :, 0:80],
                          pA[0, :, 80:82], pB[0, :, 80:82]], axis=1)
    p1 = jnp.concatenate([pA[1, :, 0:80], pB[1, :, 0:80],
                          pA[1, :, 80:82], pB[1, :, 80:82]], axis=1)
    out = _post_call(_post2_body,
                     (_pad_cols(p0, 256), _pad_cols(p1, 256),
                      _pad_cols(skip, 256),
                      _pad_cols((sb2)[None, :], 256)),
                     (b2, s2))[:, :40]
    return out

# --- scband reference (transcript-rebuilt; emitter-appended) ---
"""Pipeline reference for scband-gat-6055903887406 (READ-ONLY COPY).

The authoritative reference and input builder live on the scoring server;
editing this copy changes nothing except your own understanding.
"""

import jax, jax.numpy as jnp
import numpy as np

N = 10000
E = 320000
D_IN = 128
HEADS = 4
HID = 32
OUT = 40


def _gat_layer(x, edge_index, W, al, ar, heads, out_dim):
    n = x.shape[0]
    feat = (x @ W).reshape(n, heads, out_dim)
    src = edge_index[0]
    dst = edge_index[1]
    el = jnp.sum(feat * al[None, :, :], axis=-1)  # [N, H]
    er = jnp.sum(feat * ar[None, :, :], axis=-1)  # [N, H]
    e = jax.nn.leaky_relu(el[src] + er[dst], negative_slope=0.2)  # [E, H]
    emax = jax.ops.segment_max(e, dst, num_segments=n)
    emax = jnp.where(jnp.isfinite(emax), emax, 0.0)
    exp_e = jnp.exp(e - emax[dst])
    denom = jax.ops.segment_sum(exp_e, dst, num_segments=n)
    alpha = exp_e / (denom[dst] + 1e-9)
    msg = feat[src] * alpha[:, :, None]
    out = jax.ops.segment_sum(msg, dst, num_segments=n)  # [N, H, out_dim]
    return out


def setup_inputs(seed: int = 0):
    key = jax.random.key(seed)
    ks = jax.random.split(key, 20)
    x = jax.random.normal(ks[0], (N, D_IN), dtype=jnp.float32)
    edge_index = jax.random.randint(ks[1], (2, E), 0, N, dtype=jnp.int32)
    s = 0.1
    return {
        "x": x,
        "edge_index": edge_index,
        "W0": jax.random.normal(ks[2], (D_IN, HEADS * HID), dtype=jnp.float32) * s,
        "al0": jax.random.normal(ks[3], (HEADS, HID), dtype=jnp.float32) * s,
        "ar0": jax.random.normal(ks[4], (HEADS, HID), dtype=jnp.float32) * s,
        "sW0": jax.random.normal(ks[5], (D_IN, HEADS * HID), dtype=jnp.float32) * s,
        "sb0": jnp.zeros((HEADS * HID,), dtype=jnp.float32),
        "W1": jax.random.normal(ks[6], (HEADS * HID, HEADS * HID), dtype=jnp.float32) * s,
        "al1": jax.random.normal(ks[7], (HEADS, HID), dtype=jnp.float32) * s,
        "ar1": jax.random.normal(ks[8], (HEADS, HID), dtype=jnp.float32) * s,
        "sW1": jax.random.normal(ks[9], (HEADS * HID, HEADS * HID), dtype=jnp.float32) * s,
        "sb1": jnp.zeros((HEADS * HID,), dtype=jnp.float32),
        "W2": jax.random.normal(ks[10], (HEADS * HID, HEADS * OUT), dtype=jnp.float32) * s,
        "al2": jax.random.normal(ks[11], (HEADS, OUT), dtype=jnp.float32) * s,
        "ar2": jax.random.normal(ks[12], (HEADS, OUT), dtype=jnp.float32) * s,
        "sW2": jax.random.normal(ks[13], (HEADS * HID, OUT), dtype=jnp.float32) * s,
        "sb2": jnp.zeros((OUT,), dtype=jnp.float32),
    }


def reference(x, edge_index, W0, al0, ar0, sW0, sb0, W1, al1, ar1, sW1, sb1, W2, al2, ar2, sW2, sb2):
    # Layer 0
    h_res = x
    h = _gat_layer(x, edge_index, W0, al0, ar0, HEADS, HID).reshape(N, HEADS * HID)
    h = h + (h_res @ sW0 + sb0)
    h = jax.nn.elu(h)
    # dropout disabled (eval mode)
    # Layer 1
    h_res = h
    h = _gat_layer(h, edge_index, W1, al1, ar1, HEADS, HID).reshape(N, HEADS * HID)
    h = h + (h_res @ sW1 + sb1)
    h = jax.nn.elu(h)
    # Layer 2 (mean over heads)
    h_res = h
    h = _gat_layer(h, edge_index, W2, al2, ar2, HEADS, OUT).mean(axis=1)
    h = h + (h_res @ sW2 + sb2)
    return jax.nn.log_softmax(h, axis=-1)

if __name__ == "__main__":
    import jax
    _d = setup_inputs()
    print(jax.jit(kernel)(*tuple(_d.values())))

</pallas_src>

<mosaic_0001>
#map = affine_map<(d0, d1) -> (0, 0)>
#map1 = affine_map<(d0, d1) -> (0)>
#map2 = affine_map<(d0, d1) -> (0, 0, 0)>
module attributes {stable_mosaic.version = 14 : i64} {
  func.func @edge_kernel(%arg0: i32, %arg1: i32, %arg2: memref<10000x96xf32, #tpu.memory_space<hbm>>, %arg3: memref<10000x16xf32, #tpu.memory_space<hbm>>, %arg4: memref<320000xi32, #tpu.memory_space<hbm>>, %arg5: memref<320000xi32, #tpu.memory_space<hbm>>, %arg6: memref<10240x96xf32, #tpu.memory_space<hbm>>, %arg7: memref<2x10240x96xf32, #tpu.memory_space<hbm>>, %arg8: memref<10240x96xf32, #tpu.memory_space<vmem_shared>>, %arg9: memref<80xi32, #tpu.memory_space<vmem>>, %arg10: memref<80xi32, #tpu.memory_space<vmem>>, %arg11: memref<80x96xf32, #tpu.memory_space<vmem>>, %arg12: memref<80x16xf32, #tpu.memory_space<vmem>>, %arg13: memref<!tpu.dma_semaphore, #tpu.memory_space<semaphore_mem>>, %arg14: memref<!tpu.dma_semaphore, #tpu.memory_space<semaphore_mem>>, %arg15: memref<!tpu.dma_semaphore, #tpu.memory_space<semaphore_mem>>, %arg16: memref<!tpu.dma_semaphore, #tpu.memory_space<semaphore_mem>>, %arg17: memref<80xi32, #tpu.memory_space<vmem>>, %arg18: memref<80xi32, #tpu.memory_space<vmem>>, %arg19: memref<80x96xf32, #tpu.memory_space<vmem>>, %arg20: memref<80x16xf32, #tpu.memory_space<vmem>>, %arg21: memref<!tpu.dma_semaphore, #tpu.memory_space<semaphore_mem>>, %arg22: memref<!tpu.dma_semaphore, #tpu.memory_space<semaphore_mem>>, %arg23: memref<!tpu.dma_semaphore, #tpu.memory_space<semaphore_mem>>, %arg24: memref<!tpu.dma_semaphore, #tpu.memory_space<semaphore_mem>>, %arg25: memref<80x96xf32, #tpu.memory_space<vmem>>) attributes {dimension_semantics = [#tpu.dimension_semantics<core_parallel>, #tpu.dimension_semantics<subcore_parallel>], iteration_bounds = array<i64: 2, 16>, scalar_prefetch = 0 : i64, scratch_operands = 18 : i64, tpu.core_type = #tpu.core_type<sc_vector_subcore>, window_params = [{transform_indices = #map}, {transform_indices = #map}, {transform_indices = #map1}, {transform_indices = #map1}, {transform_indices = #map}, {transform_indices = #map2}]} {
    %mul3A = arith.constant 2 : i32
    %mul3A_0 = arith.muli %arg1, %mul3A : i32
    %add3A = arith.addi %mul3A_0, %arg0 : i32
    %mul3A_1 = arith.constant 640 : i32
    %mul3A_2 = arith.muli %arg1, %mul3A_1 : i32
    "tpu.region"() ({
      %run_scoped3A = tpu.sem_alloc : memref<!tpu.dma_semaphore, #tpu.memory_space<semaphore_mem>>
      %dma_start3A_37 = arith.constant 0 : i32
      %dma_start3A_38 = tpu.memref_slice %arg8[%mul3A_2, %dma_start3A_37] : memref<10240x96xf32, #tpu.memory_space<vmem_shared>> -> memref<640x96xf32, #tpu.memory_space<vmem_shared>>
      %dma_start3A_39 = arith.constant 0 : i32
      %dma_start3A_40 = tpu.memref_slice %arg6[%mul3A_2, %dma_start3A_39] : memref<10240x96xf32, #tpu.memory_space<hbm>> -> memref<640x96xf32, #tpu.memory_space<hbm>>
      tpu.enqueue_dma source(%dma_start3A_40 : memref<640x96xf32, #tpu.memory_space<hbm>>) target(%dma_start3A_38 : memref<640x96xf32, #tpu.memory_space<vmem_shared>>) target_semaphore(%run_scoped3A : memref<!tpu.dma_semaphore, #tpu.memory_space<semaphore_mem>>)
      %dma_wait3A_41 = arith.constant 0 : i32
      %dma_wait3A_42 = tpu.memref_slice %arg8[%mul3A_2, %dma_wait3A_41] : memref<10240x96xf32, #tpu.memory_space<vmem_shared>> -> memref<640x96xf32, #tpu.memory_space<vmem_shared>>
      %dma_wait3A_43 = arith.constant 0 : i32
      %dma_wait3A_44 = tpu.memref_slice %arg6[%mul3A_2, %dma_wait3A_43] : memref<10240x96xf32, #tpu.memory_space<hbm>> -> memref<640x96xf32, #tpu.memory_space<hbm>>
      tpu.wait_dma2 semaphore(%run_scoped3A : memref<!tpu.dma_semaphore, #tpu.memory_space<semaphore_mem>>) src(%dma_wait3A_44 : memref<640x96xf32, #tpu.memory_space<hbm>>) dst(%dma_wait3A_42 : memref<640x96xf32, #tpu.memory_space<vmem_shared>>)
      tpu.yield
    }) : () -> ()
    %barrier3A = arith.constant 0 : index
    tpu.barrier barrier_id(%barrier3A)
    %mul3A_3 = arith.constant 10000 : i32
    %mul3A_4 = arith.muli %add3A, %mul3A_3 : i32
    %iota3A = tpu.iota {dimensions = array<i32: 0>} : vector<16xi32>
    %add3A_5 = arith.constant 0 : i32
    %add3A_6 = arith.addi %mul3A_4, %add3A_5 : i32
    %dma_start3A = tpu.memref_slice %arg4[%add3A_6] : memref<320000xi32, #tpu.memory_space<hbm>> -> memref<80xi32, #tpu.memory_space<hbm>>
    %dma_start3A_7 = tpu.memref_slice %arg4[%add3A_6] : memref<320000xi32, #tpu.memory_space<hbm>> -> memref<80xi32, #tpu.memory_space<hbm>>
    tpu.enqueue_dma source(%dma_start3A_7 : memref<80xi32, #tpu.memory_space<hbm>>) target(%arg9 : memref<80xi32, #tpu.memory_space<vmem>>) target_semaphore(%arg15 : memref<!tpu.dma_semaphore, #tpu.memory_space<semaphore_mem>>)
    %dma_start3A_8 = tpu.memref_slice %arg5[%add3A_6] : memref<320000xi32, #tpu.memory_space<hbm>> -> memref<80xi32, #tpu.memory_space<hbm>>
    %dma_start3A_9 = tpu.memref_slice %arg5[%add3A_6] : memref<320000xi32, #tpu.memory_space<hbm>> -> memref<80xi32, #tpu.memory_space<hbm>>
    tpu.enqueue_dma source(%dma_start3A_9 : memref<80xi32, #tpu.memory_space<hbm>>) target(%arg10 : memref<80xi32, #tpu.memory_space<vmem>>) target_semaphore(%arg16 : memref<!tpu.dma_semaphore, #tpu.memory_space<semaphore_mem>>)
    %dma_wait3A = tpu.memref_slice %arg4[%add3A_6] : memref<320000xi32, #tpu.memory_space<hbm>> -> memref<80xi32, #tpu.memory_space<hbm>>
    %dma_wait3A_10 = tpu.memref_slice %arg4[%add3A_6] : memref<320000xi32, #tpu.memory_space<hbm>> -> memref<80xi32, #tpu.memory_space<hbm>>
    tpu.wait_dma2 semaphore(%arg15 : memref<!tpu.dma_semaphore, #tpu.memory_space<semaphore_mem>>) src(%dma_wait3A_10 : memref<80xi32, #tpu.memory_space<hbm>>) dst(%arg9 : memref<80xi32, #tpu.memory_space<vmem>>)
    %dma_wait3A_11 = tpu.memref_slice %arg5[%add3A_6] : memref<320000xi32, #tpu.memory_space<hbm>> -> memref<80xi32, #tpu.memory_space<hbm>>
    %dma_wait3A_12 = tpu.memref_slice %arg5[%add3A_6] : memref<320000xi32, #tpu.memory_space<hbm>> -> memref<80xi32, #tpu.memory_space<hbm>>
    tpu.wait_dma2 semaphore(%arg16 : memref<!tpu.dma_semaphore, #tpu.memory_space<semaphore_mem>>) src(%dma_wait3A_12 : memref<80xi32, #tpu.memory_space<hbm>>) dst(%arg10 : memref<80xi32, #tpu.memory_space<vmem>>)
    %dma_start3A_13 = arith.constant 0 : i32
    %dma_start3A_14 = arith.constant 0 : i32
    %dma_start3A_15 = tpu.memref_slice %arg2[%dma_start3A_13, %dma_start3A_14] : memref<10000x96xf32, #tpu.memory_space<hbm>> -> memref<10000x96xf32, #tpu.memory_space<hbm>>
    tpu.enqueue_indirect_dma source(%dma_start3A_15 : memref<10000x96xf32, #tpu.memory_space<hbm>>) target(%arg11 : memref<80x96xf32, #tpu.memory_space<vmem>>) offsets(%arg9 : memref<80xi32, #tpu.memory_space<vmem>>) semaphore(%arg13 : memref<!tpu.dma_semaphore, #tpu.memory_space<semaphore_mem>>)
    %dma_start3A_16 = arith.constant 0 : i32
    %dma_start3A_17 = arith.constant 0 : i32
    %dma_start3A_18 = tpu.memref_slice %arg3[%dma_start3A_16, %dma_start3A_17] : memref<10000x16xf32, #tpu.memory_space<hbm>> -> memref<10000x16xf32, #tpu.memory_space<hbm>>
    tpu.enqueue_indirect_dma source(%dma_start3A_18 : memref<10000x16xf32, #tpu.memory_space<hbm>>) target(%arg12 : memref<80x16xf32, #tpu.memory_space<vmem>>) offsets(%arg10 : memref<80xi32, #tpu.memory_space<vmem>>) semaphore(%arg14 : memref<!tpu.dma_semaphore, #tpu.memory_space<semaphore_mem>>)
    %scan3A = arith.constant 0 : i32
    %scan3A_19 = arith.constant 0 : i32
    %scan3A_20 = arith.constant 62 : i32
    %scan3A_21 = arith.addi %scan3A_19, %scan3A_20 : i32
    %scan3A_22 = arith.constant 1 : i32
    scf.for %scan3A_37 = %scan3A_19 to %scan3A_21 step %scan3A_22  : i32 {
      %mul3A_38 = arith.constant 2 : i32
      %mul3A_39 = arith.muli %mul3A_38, %scan3A_37 : i32
      %add3A_40 = arith.constant 1 : i32
      %add3A_41 = arith.addi %mul3A_39, %add3A_40 : i32
      %mul3A_42 = arith.constant 80 : i32
      %mul3A_43 = arith.muli %add3A_41, %mul3A_42 : i32
      %add3A_44 = arith.addi %mul3A_4, %mul3A_43 : i32
      %dma_start3A_45 = tpu.memref_slice %arg4[%add3A_44] : memref<320000xi32, #tpu.memory_space<hbm>> -> memref<80xi32, #tpu.memory_space<hbm>>
      %dma_start3A_46 = tpu.memref_slice %arg4[%add3A_44] : memref<320000xi32, #tpu.memory_space<hbm>> -> memref<80xi32, #tpu.memory_space<hbm>>
      tpu.enqueue_dma source(%dma_start3A_46 : memref<80xi32, #tpu.memory_space<hbm>>) target(%arg17 : memref<80xi32, #tpu.memory_space<vmem>>) target_semaphore(%arg23 : memref<!tpu.dma_semaphore, #tpu.memory_space<semaphore_mem>>)
      %dma_start3A_47 = tpu.memref_slice %arg5[%add3A_44] : memref<320000xi32, #tpu.memory_space<hbm>> -> memref<80xi32, #tpu.memory_space<hbm>>
      %dma_start3A_48 = tpu.memref_slice %arg5[%add3A_44] : memref<320000xi32, #tpu.memory_space<hbm>> -> memref<80xi32, #tpu.memory_space<hbm>>
      tpu.enqueue_dma source(%dma_start3A_48 : memref<80xi32, #tpu.memory_space<hbm>>) target(%arg18 : memref<80xi32, #tpu.memory_space<vmem>>) target_semaphore(%arg24 : memref<!tpu.dma_semaphore, #tpu.memory_space<semaphore_mem>>)
      %dma_wait3A_49 = tpu.memref_slice %arg4[%add3A_44] : memref<320000xi32, #tpu.memory_space<hbm>> -> memref<80xi32, #tpu.memory_space<hbm>>
      %dma_wait3A_50 = tpu.memref_slice %arg4[%add3A_44] : memref<320000xi32, #tpu.memory_space<hbm>> -> memref<80xi32, #tpu.memory_space<hbm>>
      tpu.wait_dma2 semaphore(%arg23 : memref<!tpu.dma_semaphore, #tpu.memory_space<semaphore_mem>>) src(%dma_wait3A_50 : memref<80xi32, #tpu.memory_space<hbm>>) dst(%arg17 : memref<80xi32, #tpu.memory_space<vmem>>)
      %dma_wait3A_51 = tpu.memref_slice %arg5[%add3A_44] : memref<320000xi32, #tpu.memory_space<hbm>> -> memref<80xi32, #tpu.memory_space<hbm>>
      %dma_wait3A_52 = tpu.memref_slice %arg5[%add3A_44] : memref<320000xi32, #tpu.memory_space<hbm>> -> memref<80xi32, #tpu.memory_space<hbm>>
      tpu.wait_dma2 semaphore(%arg24 : memref<!tpu.dma_semaphore, #tpu.memory_space<semaphore_mem>>) src(%dma_wait3A_52 : memref<80xi32, #tpu.memory_space<hbm>>) dst(%arg18 : memref<80xi32, #tpu.memory_space<vmem>>)
      %dma_start3A_53 = arith.constant 0 : i32
      %dma_start3A_54 = arith.constant 0 : i32
      %dma_start3A_55 = tpu.memref_slice %arg2[%dma_start3A_53, %dma_start3A_54] : memref<10000x96xf32, #tpu.memory_space<hbm>> -> memref<10000x96xf32, #tpu.memory_space<hbm>>
      tpu.enqueue_indirect_dma source(%dma_start3A_55 : memref<10000x96xf32, #tpu.memory_space<hbm>>) target(%arg19 : memref<80x96xf32, #tpu.memory_space<vmem>>) offsets(%arg17 : memref<80xi32, #tpu.memory_space<vmem>>) semaphore(%arg21 : memref<!tpu.dma_semaphore, #tpu.memory_space<semaphore_mem>>)
      %dma_start3A_56 = arith.constant 0 : i32
      %dma_start3A_57 = arith.constant 0 : i32
      %dma_start3A_58 = tpu.memref_slice %arg3[%dma_start3A_56, %dma_start3A_57] : memref<10000x16xf32, #tpu.memory_space<hbm>> -> memref<10000x16xf32, #tpu.memory_space<hbm>>
      tpu.enqueue_indirect_dma source(%dma_start3A_58 : memref<10000x16xf32, #tpu.memory_space<hbm>>) target(%arg20 : memref<80x16xf32, #tpu.memory_space<vmem>>) offsets(%arg18 : memref<80xi32, #tpu.memory_space<vmem>>) semaphore(%arg22 : memref<!tpu.dma_semaphore, #tpu.memory_space<semaphore_mem>>)
      %dma_wait3A_59 = arith.constant 0 : i32
      %dma_wait3A_60 = arith.constant 0 : i32
      %dma_wait3A_61 = tpu.memref_slice %arg2[%dma_wait3A_59, %dma_wait3A_60] : memref<10000x96xf32, #tpu.memory_space<hbm>> -> memref<10000x96xf32, #tpu.memory_space<hbm>>
      tpu.wait_indirect_dma semaphore(%arg13 : memref<!tpu.dma_semaphore, #tpu.memory_space<semaphore_mem>>) src(%dma_wait3A_61 : memref<10000x96xf32, #tpu.memory_space<hbm>>) dst(%arg11 : memref<80x96xf32, #tpu.memory_space<vmem>>)
      %dma_wait3A_62 = arith.constant 0 : i32
      %dma_wait3A_63 = arith.constant 0 : i32
      %dma_wait3A_64 = tpu.memref_slice %arg3[%dma_wait3A_62, %dma_wait3A_63] : memref<10000x16xf32, #tpu.memory_space<hbm>> -> memref<10000x16xf32, #tpu.memory_space<hbm>>
      tpu.wait_indirect_dma semaphore(%arg14 : memref<!tpu.dma_semaphore, #tpu.memory_space<semaphore_mem>>) src(%dma_wait3A_64 : memref<10000x16xf32, #tpu.memory_space<hbm>>) dst(%arg12 : memref<80x16xf32, #tpu.memory_space<vmem>>)
      %scan3A_65 = arith.constant 0 : i32
      %scan3A_66 = arith.constant 0 : i32
      %scan3A_67 = arith.constant 80 : i32
      %scan3A_68 = arith.addi %scan3A_66, %scan3A_67 : i32
      %scan3A_69 = arith.constant 1 : i32
      scf.for %scan3A_89 = %scan3A_66 to %scan3A_68 step %scan3A_69  : i32 {
        %get3A = arith.index_cast %scan3A_89 : i32 to index
        %get3A_90 = arith.constant 80 : index
        %get3A_91 = tpu.vector_load %arg11[%get3A, %get3A_90] {strides = array<i32>} : memref<80x96xf32, #tpu.memory_space<vmem>>, vector<1x16xf32>,
        %get3A_92 = vector.shape_cast %get3A_91 : vector<1x16xf32> to vector<16xf32>
        %get3A_93 = arith.index_cast %scan3A_89 : i32 to index
        %get3A_94 = arith.constant 0 : index
        %get3A_95 = tpu.vector_load %arg12[%get3A_93, %get3A_94] {strides = array<i32>} : memref<80x16xf32, #tpu.memory_space<vmem>>, vector<1x16xf32>,
        %get3A_96 = vector.shape_cast %get3A_95 : vector<1x16xf32> to vector<16xf32>
        %add3A_97 = arith.addf %get3A_92, %get3A_96 : vector<16xf32>
        %ge3A = arith.constant 0.000000e+00 : f32
        %ge3A_98 = vector.broadcast %ge3A : f32 to vector<16xf32>
        %ge3A_99 = arith.cmpf oge, %add3A_97, %ge3A_98 : vector<16xf32>
        %mul3A_100 = arith.constant 2.000000e-01 : f32
        %mul3A_101 = vector.broadcast %mul3A_100 : f32 to vector<16xf32>
        %mul3A_102 = arith.mulf %add3A_97, %mul3A_101 : vector<16xf32>
        %select_n3A = arith.select %ge3A_99, %add3A_97, %mul3A_102 : vector<16xi1>, vector<16xf32>
        %exp3A = math.exp %select_n3A : vector<16xf32>
        %swap3A = arith.index_cast %scan3A_89 : i32 to index
        %swap3A_103 = arith.constant 80 : index
        %swap3A_104 = tpu.vector_load %arg25[%swap3A, %swap3A_103] {strides = array<i32>} : memref<80x96xf32, #tpu.memory_space<vmem>>, vector<1x16xf32>,
        %swap3A_105 = vector.shape_cast %swap3A_104 : vector<1x16xf32> to vector<16xf32>
        %swap3A_106 = vector.shape_cast %exp3A : vector<16xf32> to vector<1x16xf32>
        tpu.vector_store %arg25[%swap3A, %swap3A_103], %swap3A_106 {strides = array<i32>} : memref<80x96xf32, #tpu.memory_space<vmem>>, vector<1x16xf32>,
        %slice3A = vector.extract_strided_slice %exp3A {offsets = [0], sizes = [1], strides = [1]} : vector<16xf32> to vector<1xf32>
        %squeeze3A = vector.extract %slice3A[0] : f32 from vector<1xf32>
        %get3A_107 = arith.index_cast %scan3A_89 : i32 to index
        %get3A_108 = arith.constant 0 : index
        %get3A_109 = tpu.vector_load %arg11[%get3A_107, %get3A_108] {strides = array<i32>} : memref<80x96xf32, #tpu.memory_space<vmem>>, vector<1x16xf32>,
        %get3A_110 = vector.shape_cast %get3A_109 : vector<1x16xf32> to vector<16xf32>
        %mul3A_111 = vector.broadcast %squeeze3A : f32 to vector<16xf32>
        %mul3A_112 = arith.mulf %get3A_110, %mul3A_111 : vector<16xf32>
        %swap3A_113 = arith.index_cast %scan3A_89 : i32 to index
        %swap3A_114 = arith.constant 0 : index
        %swap3A_115 = tpu.vector_load %arg25[%swap3A_113, %swap3A_114] {strides = array<i32>} : memref<80x96xf32, #tpu.memory_space<vmem>>, vector<1x16xf32>,
        %swap3A_116 = vector.shape_cast %swap3A_115 : vector<1x16xf32> to vector<16xf32>
        %swap3A_117 = vector.shape_cast %mul3A_112 : vector<16xf32> to vector<1x16xf32>
        tpu.vector_store %arg25[%swap3A_113, %swap3A_114], %swap3A_117 {strides = array<i32>} : memref<80x96xf32, #tpu.memory_space<vmem>>, vector<1x16xf32>,
        %slice3A_118 = vector.extract_strided_slice %exp3A {offsets = [0], sizes = [1], strides = [1]} : vector<16xf32> to vector<1xf32>
        %squeeze3A_119 = vector.extract %slice3A_118[0] : f32 from vector<1xf32>
        %get3A_120 = arith.index_cast %scan3A_89 : i32 to index
        %get3A_121 = arith.constant 16 : index
        %get3A_122 = tpu.vector_load %arg11[%get3A_120, %get3A_121] {strides = array<i32>} : memref<80x96xf32, #tpu.memory_space<vmem>>, vector<1x16xf32>,
        %get3A_123 = vector.shape_cast %get3A_122 : vector<1x16xf32> to vector<16xf32>
        %mul3A_124 = vector.broadcast %squeeze3A_119 : f32 to vector<16xf32>
        %mul3A_125 = arith.mulf %get3A_123, %mul3A_124 : vector<16xf32>
        %swap3A_126 = arith.index_cast %scan3A_89 : i32 to index
        %swap3A_127 = arith.constant 16 : index
        %swap3A_128 = tpu.vector_load %arg25[%swap3A_126, %swap3A_127] {strides = array<i32>} : memref<80x96xf32, #tpu.memory_space<vmem>>, vector<1x16xf32>,
        %swap3A_129 = vector.shape_cast %swap3A_128 : vector<1x16xf32> to vector<16xf32>
        %swap3A_130 = vector.shape_cast %mul3A_125 : vector<16xf32> to vector<1x16xf32>
        tpu.vector_store %arg25[%swap3A_126, %swap3A_127], %swap3A_130 {strides = array<i32>} : memref<80x96xf32, #tpu.memory_space<vmem>>, vector<1x16xf32>,
        %lt3A_131 = arith.constant 8 : i32
        %lt3A_132 = vector.broadcast %lt3A_131 : i32 to vector<16xi32>
        %lt3A_133 = arith.cmpi slt, %iota3A, %lt3A_132 : vector<16xi32>
        %slice3A_134 = vector.extract_strided_slice %exp3A {offsets = [0], sizes = [1], strides = [1]} : vector<16xf32> to vector<1xf32>
        %squeeze3A_135 = vector.extract %slice3A_134[0] : f32 from vector<1xf32>
        %slice3A_136 = vector.extract_strided_slice %exp3A {offsets = [1], sizes = [1], strides = [1]} : vector<16xf32> to vector<1xf32>
        %squeeze3A_137 = vector.extract %slice3A_136[0] : f32 from vector<1xf32>
        %broadcast_in_dim3A = vector.broadcast %squeeze3A_135 : f32 to vector<16xf32>
        %broadcast_in_dim3A_138 = vector.broadcast %squeeze3A_137 : f32 to vector<16xf32>
        %select_n3A_139 = arith.select %lt3A_133, %broadcast_in_dim3A, %broadcast_in_dim3A_138 : vector<16xi1>, vector<16xf32>
        %get3A_140 = arith.index_cast %scan3A_89 : i32 to index
        %get3A_141 = arith.constant 32 : index
        %get3A_142 = tpu.vector_load %arg11[%get3A_140, %get3A_141] {strides = array<i32>} : memref<80x96xf32, #tpu.memory_space<vmem>>, vector<1x16xf32>,
        %get3A_143 = vector.shape_cast %get3A_142 : vector<1x16xf32> to vector<16xf32>
        %mul3A_144 = arith.mulf %get3A_143, %select_n3A_139 : vector<16xf32>
        %swap3A_145 = arith.index_cast %scan3A_89 : i32 to index
        %swap3A_146 = arith.constant 32 : index
        %swap3A_147 = tpu.vector_load %arg25[%swap3A_145, %swap3A_146] {strides = array<i32>} : memref<80x96xf32, #tpu.memory_space<vmem>>, vector<1x16xf32>,
        %swap3A_148 = vector.shape_cast %swap3A_147 : vector<1x16xf32> to vector<16xf32>
        %swap3A_149 = vector.shape_cast %mul3A_144 : vector<16xf32> to vector<1x16xf32>
        tpu.vector_store %arg25[%swap3A_145, %swap3A_146], %swap3A_149 {strides = array<i32>} : memref<80x96xf32, #tpu.memory_space<vmem>>, vector<1x16xf32>,
        %slice3A_150 = vector.extract_strided_slice %exp3A {offsets = [1], sizes = [1], strides = [1]} : vector<16xf32> to vector<1xf32>
        %squeeze3A_151 = vector.extract %slice3A_150[0] : f32 from vector<1xf32>
        %get3A_152 = arith.index_cast %scan3A_89 : i32 to index
        %get3A_153 = arith.constant 48 : index
        %get3A_154 = tpu.vector_load %arg11[%get3A_152, %get3A_153] {strides = array<i32>} : memref<80x96xf32, #tpu.memory_space<vmem>>, vector<1x16xf32>,
        %get3A_155 = vector.shape_cast %get3A_154 : vector<1x16xf32> to vector<16xf32>
        %mul3A_156 = vector.broadcast %squeeze3A_151 : f32 to vector<16xf32>
        %mul3A_157 = arith.mulf %get3A_155, %mul3A_156 : vector<16xf32>
        %swap3A_158 = arith.index_cast %scan3A_89 : i32 to index
        %swap3A_159 = arith.constant 48 : index
        %swap3A_160 = tpu.vector_load %arg25[%swap3A_158, %swap3A_159] {strides = array<i32>} : memref<80x96xf32, #tpu.memory_space<vmem>>, vector<1x16xf32>,
        %swap3A_161 = vector.shape_cast %swap3A_160 : vector<1x16xf32> to vector<16xf32>
        %swap3A_162 = vector.shape_cast %mul3A_157 : vector<16xf32> to vector<1x16xf32>
        tpu.vector_store %arg25[%swap3A_158, %swap3A_159], %swap3A_162 {strides = array<i32>} : memref<80x96xf32, #tpu.memory_space<vmem>>, vector<1x16xf32>,
        %slice3A_163 = vector.extract_strided_slice %exp3A {offsets = [1], sizes = [1], strides = [1]} : vector<16xf32> to vector<1xf32>
        %squeeze3A_164 = vector.extract %slice3A_163[0] : f32 from vector<1xf32>
        %get3A_165 = arith.index_cast %scan3A_89 : i32 to index
        %get3A_166 = arith.constant 64 : index
        %get3A_167 = tpu.vector_load %arg11[%get3A_165, %get3A_166] {strides = array<i32>} : memref<80x96xf32, #tpu.memory_space<vmem>>, vector<1x16xf32>,
        %get3A_168 = vector.shape_cast %get3A_167 : vector<1x16xf32> to vector<16xf32>
        %mul3A_169 = vector.broadcast %squeeze3A_164 : f32 to vector<16xf32>
        %mul3A_170 = arith.mulf %get3A_168, %mul3A_169 : vector<16xf32>
        %swap3A_171 = arith.index_cast %scan3A_89 : i32 to index
        %swap3A_172 = arith.constant 64 : index
        %swap3A_173 = tpu.vector_load %arg25[%swap3A_171, %swap3A_172] {strides = array<i32>} : memref<80x96xf32, #tpu.memory_space<vmem>>, vector<1x16xf32>,
        %swap3A_174 = vector.shape_cast %swap3A_173 : vector<1x16xf32> to vector<16xf32>
        %swap3A_175 = vector.shape_cast %mul3A_170 : vector<16xf32> to vector<1x16xf32>
        tpu.vector_store %arg25[%swap3A_171, %swap3A_172], %swap3A_175 {strides = array<i32>} : memref<80x96xf32, #tpu.memory_space<vmem>>, vector<1x16xf32>,
      }
      %scan3A_70 = arith.constant 80 : i32
      "tpu.region"() ({
        %run_scoped3A = tpu.sem_alloc : memref<!tpu.dma_semaphore, #tpu.memory_space<semaphore_mem>>
        %dma_start3A_89 = arith.constant 0 : i32
        %dma_start3A_90 = arith.constant 0 : i32
        %dma_start3A_91 = tpu.memref_slice %arg8[%dma_start3A_89, %dma_start3A_90] : memref<10240x96xf32, #tpu.memory_space<vmem_shared>> -> memref<10240x96xf32, #tpu.memory_space<vmem_shared>>
        tpu.enqueue_indirect_dma source(%arg25 : memref<80x96xf32, #tpu.memory_space<vmem>>) target(%dma_start3A_91 : memref<10240x96xf32, #tpu.memory_space<vmem_shared>>) offsets(%arg10 : memref<80xi32, #tpu.memory_space<vmem>>) semaphore(%run_scoped3A : memref<!tpu.dma_semaphore, #tpu.memory_space<semaphore_mem>>) {add = true}
        %dma_wait3A_92 = arith.constant 0 : i32
        %dma_wait3A_93 = arith.constant 0 : i32
        %dma_wait3A_94 = tpu.memref_slice %arg8[%dma_wait3A_92, %dma_wait3A_93] : memref<10240x96xf32, #tpu.memory_space<vmem_shared>> -> memref<10240x96xf32, #tpu.memory_space<vmem_shared>>
        tpu.wait_indirect_dma semaphore(%run_scoped3A : memref<!tpu.dma_semaphore, #tpu.memory_space<semaphore_mem>>) src(%arg25 : memref<80x96xf32, #tpu.memory_space<vmem>>) dst(%dma_wait3A_94 : memref<10240x96xf32, #tpu.memory_space<vmem_shared>>)
        tpu.yield
      }) : () -> ()
      %mul3A_71 = arith.constant 2 : i32
      %mul3A_72 = arith.muli %mul3A_71, %scan3A_37 : i32
      %add3A_73 = arith.constant 2 : i32
      %add3A_74 = arith.addi %mul3A_72, %add3A_73 : i32
      %lt3A = arith.constant 125 : i32
      %lt3A_75 = arith.cmpi slt, %add3A_74, %lt3A : i32
      %convert_element_type3A = arith.extui %lt3A_75 : i1 to i32
      %cond3A = arith.constant 0 : i32
      %cond3A_76 = arith.cmpi ne, %convert_element_type3A, %cond3A : i32
      scf.if %cond3A_76 {
        %mul3A_89 = arith.constant 2 : i32
        %mul3A_90 = arith.muli %mul3A_89, %scan3A_37 : i32
        %add3A_91 = arith.constant 2 : i32
        %add3A_92 = arith.addi %mul3A_90, %add3A_91 : i32
        %mul3A_93 = arith.constant 80 : i32
        %mul3A_94 = arith.muli %add3A_92, %mul3A_93 : i32
        %add3A_95 = arith.addi %mul3A_4, %mul3A_94 : i32
        %dma_start3A_96 = tpu.memref_slice %arg4[%add3A_95] : memref<320000xi32, #tpu.memory_space<hbm>> -> memref<80xi32, #tpu.memory_space<hbm>>
        %dma_start3A_97 = tpu.memref_slice %arg4[%add3A_95] : memref<320000xi32, #tpu.memory_space<hbm>> -> memref<80xi32, #tpu.memory_space<hbm>>
        tpu.enqueue_dma source(%dma_start3A_97 : memref<80xi32, #tpu.memory_space<hbm>>) target(%arg9 : memref<80xi32, #tpu.memory_space<vmem>>) target_semaphore(%arg15 : memref<!tpu.dma_semaphore, #tpu.memory_space<semaphore_mem>>)
        %dma_start3A_98 = tpu.memref_slice %arg5[%add3A_95] : memref<320000xi32, #tpu.memory_space<hbm>> -> memref<80xi32, #tpu.memory_space<hbm>>
        %dma_start3A_99 = tpu.memref_slice %arg5[%add3A_95] : memref<320000xi32, #tpu.memory_space<hbm>> -> memref<80xi32, #tpu.memory_space<hbm>>
        tpu.enqueue_dma source(%dma_start3A_99 : memref<80xi32, #tpu.memory_space<hbm>>) target(%arg10 : memref<80xi32, #tpu.memory_space<vmem>>) target_semaphore(%arg16 : memref<!tpu.dma_semaphore, #tpu.memory_space<semaphore_mem>>)
        %dma_wait3A_100 = tpu.memref_slice %arg4[%add3A_95] : memref<320000xi32, #tpu.memory_space<hbm>> -> memref<80xi32, #tpu.memory_space<hbm>>
        %dma_wait3A_101 = tpu.memref_slice %arg4[%add3A_95] : memref<320000xi32, #tpu.memory_space<hbm>> -> memref<80xi32, #tpu.memory_space<hbm>>
        tpu.wait_dma2 semaphore(%arg15 : memref<!tpu.dma_semaphore, #tpu.memory_space<semaphore_mem>>) src(%dma_wait3A_101 : memref<80xi32, #tpu.memory_space<hbm>>) dst(%arg9 : memref<80xi32, #tpu.memory_space<vmem>>)
        %dma_wait3A_102 = tpu.memref_slice %arg5[%add3A_95] : memref<320000xi32, #tpu.memory_space<hbm>> -> memref<80xi32, #tpu.memory_space<hbm>>
        %dma_wait3A_103 = tpu.memref_slice %arg5[%add3A_95] : memref<320000xi32, #tpu.memory_space<hbm>> -> memref<80xi32, #tpu.memory_space<hbm>>
        tpu.wait_dma2 semaphore(%arg16 : memref<!tpu.dma_semaphore, #tpu.memory_space<semaphore_mem>>) src(%dma_wait3A_103 : memref<80xi32, #tpu.memory_space<hbm>>) dst(%arg10 : memref<80xi32, #tpu.memory_space<vmem>>)
        %dma_start3A_104 = arith.constant 0 : i32
        %dma_start3A_105 = arith.constant 0 : i32
        %dma_start3A_106 = tpu.memref_slice %arg2[%dma_start3A_104, %dma_start3A_105] : memref<10000x96xf32, #tpu.memory_space<hbm>> -> memref<10000x96xf32, #tpu.memory_space<hbm>>
        tpu.enqueue_indirect_dma source(%dma_start3A_106 : memref<10000x96xf32, #tpu.memory_space<hbm>>) target(%arg11 : memref<80x96xf32, #tpu.memory_space<vmem>>) offsets(%arg9 : memref<80xi32, #tpu.memory_space<vmem>>) semaphore(%arg13 : memref<!tpu.dma_semaphore, #tpu.memory_space<semaphore_mem>>)
        %dma_start3A_107 = arith.constant 0 : i32
        %dma_start3A_108 = arith.constant 0 : i32
        %dma_start3A_109 = tpu.memref_slice %arg3[%dma_start3A_107, %dma_start3A_108] : memref<10000x16xf32, #tpu.memory_space<hbm>> -> memref<10000x16xf32, #tpu.memory_space<hbm>>
        tpu.enqueue_indirect_dma source(%dma_start3A_109 : memref<10000x16xf32, #tpu.memory_space<hbm>>) target(%arg12 : memref<80x16xf32, #tpu.memory_space<vmem>>) offsets(%arg10 : memref<80xi32, #tpu.memory_space<vmem>>) semaphore(%arg14 : memref<!tpu.dma_semaphore, #tpu.memory_space<semaphore_mem>>)
      } else {
      }
      %dma_wait3A_77 = arith.constant 0 : i32
      %dma_wait3A_78 = arith.constant 0 : i32
      %dma_wait3A_79 = tpu.memref_slice %arg2[%dma_wait3A_77, %dma_wait3A_78] : memref<10000x96xf32, #tpu.memory_space<hbm>> -> memref<10000x96xf32, #tpu.memory_space<hbm>>
      tpu.wait_indirect_dma semaphore(%arg21 : memref<!tpu.dma_semaphore, #tpu.memory_space<semaphore_mem>>) src(%dma_wait3A_79 : memref<10000x96xf32, #tpu.memory_space<hbm>>) dst(%arg19 : memref<80x96xf32, #tpu.memory_space<vmem>>)
      %dma_wait3A_80 = arith.constant 0 : i32
      %dma_wait3A_81 = arith.constant 0 : i32
      %dma_wait3A_82 = tpu.memref_slice %arg3[%dma_wait3A_80, %dma_wait3A_81] : memref<10000x16xf32, #tpu.memory_space<hbm>> -> memref<10000x16xf32, #tpu.memory_space<hbm>>
      tpu.wait_indirect_dma semaphore(%arg22 : memref<!tpu.dma_semaphore, #tpu.memory_space<semaphore_mem>>) src(%dma_wait3A_82 : memref<10000x16xf32, #tpu.memory_space<hbm>>) dst(%arg20 : memref<80x16xf32, #tpu.memory_space<vmem>>)
      %scan3A_83 = arith.constant 0 : i32
      %scan3A_84 = arith.constant 0 : i32
      %scan3A_85 = arith.constant 80 : i32
      %scan3A_86 = arith.addi %scan3A_84, %scan3A_85 : i32
      %scan3A_87 = arith.constant 1 : i32
      scf.for %scan3A_89 = %scan3A_84 to %scan3A_86 step %scan3A_87  : i32 {
        %get3A = arith.index_cast %scan3A_89 : i32 to index
        %get3A_90 = arith.constant 80 : index
        %get3A_91 = tpu.vector_load %arg19[%get3A, %get3A_90] {strides = array<i32>} : memref<80x96xf32, #tpu.memory_space<vmem>>, vector<1x16xf32>,
        %get3A_92 = vector.shape_cast %get3A_91 : vector<1x16xf32> to vector<16xf32>
        %get3A_93 = arith.index_cast %scan3A_89 : i32 to index
        %get3A_94 = arith.constant 0 : index
        %get3A_95 = tpu.vector_load %arg20[%get3A_93, %get3A_94] {strides = array<i32>} : memref<80x16xf32, #tpu.memory_space<vmem>>, vector<1x16xf32>,
        %get3A_96 = vector.shape_cast %get3A_95 : vector<1x16xf32> to vector<16xf32>
        %add3A_97 = arith.addf %get3A_92, %get3A_96 : vector<16xf32>
        %ge3A = arith.constant 0.000000e+00 : f32
        %ge3A_98 = vector.broadcast %ge3A : f32 to vector<16xf32>
        %ge3A_99 = arith.cmpf oge, %add3A_97, %ge3A_98 : vector<16xf32>
        %mul3A_100 = arith.constant 2.000000e-01 : f32
        %mul3A_101 = vector.broadcast %mul3A_100 : f32 to vector<16xf32>
        %mul3A_102 = arith.mulf %add3A_97, %mul3A_101 : vector<16xf32>
        %select_n3A = arith.select %ge3A_99, %add3A_97, %mul3A_102 : vector<16xi1>, vector<16xf32>
        %exp3A = math.exp %select_n3A : vector<16xf32>
        %swap3A = arith.index_cast %scan3A_89 : i32 to index
        %swap3A_103 = arith.constant 80 : index
        %swap3A_104 = tpu.vector_load %arg25[%swap3A, %swap3A_103] {strides = array<i32>} : memref<80x96xf32, #tpu.memory_space<vmem>>, vector<1x16xf32>,
        %swap3A_105 = vector.shape_cast %swap3A_104 : vector<1x16xf32> to vector<16xf32>
        %swap3A_106 = vector.shape_cast %exp3A : vector<16xf32> to vector<1x16xf32>
        tpu.vector_store %arg25[%swap3A, %swap3A_103], %swap3A_106 {strides = array<i32>} : memref<80x96xf32, #tpu.memory_space<vmem>>, vector<1x16xf32>,
        %slice3A = vector.extract_strided_slice %exp3A {offsets = [0], sizes = [1], strides = [1]} : vector<16xf32> to vector<1xf32>
        %squeeze3A = vector.extract %slice3A[0] : f32 from vector<1xf32>
        %get3A_107 = arith.index_cast %scan3A_89 : i32 to index
        %get3A_108 = arith.constant 0 : index
        %get3A_109 = tpu.vector_load %arg19[%get3A_107, %get3A_108] {strides = array<i32>} : memref<80x96xf32, #tpu.memory_space<vmem>>, vector<1x16xf32>,
        %get3A_110 = vector.shape_cast %get3A_109 : vector<1x16xf32> to vector<16xf32>
        %mul3A_111 = vector.broadcast %squeeze3A : f32 to vector<16xf32>
        %mul3A_112 = arith.mulf %get3A_110, %mul3A_111 : vector<16xf32>
        %swap3A_113 = arith.index_cast %scan3A_89 : i32 to index
        %swap3A_114 = arith.constant 0 : index
        %swap3A_115 = tpu.vector_load %arg25[%swap3A_113, %swap3A_114] {strides = array<i32>} : memref<80x96xf32, #tpu.memory_space<vmem>>, vector<1x16xf32>,
        %swap3A_116 = vector.shape_cast %swap3A_115 : vector<1x16xf32> to vector<16xf32>
        %swap3A_117 = vector.shape_cast %mul3A_112 : vector<16xf32> to vector<1x16xf32>
        tpu.vector_store %arg25[%swap3A_113, %swap3A_114], %swap3A_117 {strides = array<i32>} : memref<80x96xf32, #tpu.memory_space<vmem>>, vector<1x16xf32>,
        %slice3A_118 = vector.extract_strided_slice %exp3A {offsets = [0], sizes = [1], strides = [1]} : vector<16xf32> to vector<1xf32>
        %squeeze3A_119 = vector.extract %slice3A_118[0] : f32 from vector<1xf32>
        %get3A_120 = arith.index_cast %scan3A_89 : i32 to index
        %get3A_121 = arith.constant 16 : index
        %get3A_122 = tpu.vector_load %arg19[%get3A_120, %get3A_121] {strides = array<i32>} : memref<80x96xf32, #tpu.memory_space<vmem>>, vector<1x16xf32>,
        %get3A_123 = vector.shape_cast %get3A_122 : vector<1x16xf32> to vector<16xf32>
        %mul3A_124 = vector.broadcast %squeeze3A_119 : f32 to vector<16xf32>
        %mul3A_125 = arith.mulf %get3A_123, %mul3A_124 : vector<16xf32>
        %swap3A_126 = arith.index_cast %scan3A_89 : i32 to index
        %swap3A_127 = arith.constant 16 : index
        %swap3A_128 = tpu.vector_load %arg25[%swap3A_126, %swap3A_127] {strides = array<i32>} : memref<80x96xf32, #tpu.memory_space<vmem>>, vector<1x16xf32>,
        %swap3A_129 = vector.shape_cast %swap3A_128 : vector<1x16xf32> to vector<16xf32>
        %swap3A_130 = vector.shape_cast %mul3A_125 : vector<16xf32> to vector<1x16xf32>
        tpu.vector_store %arg25[%swap3A_126, %swap3A_127], %swap3A_130 {strides = array<i32>} : memref<80x96xf32, #tpu.memory_space<vmem>>, vector<1x16xf32>,
        %lt3A_131 = arith.constant 8 : i32
        %lt3A_132 = vector.broadcast %lt3A_131 : i32 to vector<16xi32>
        %lt3A_133 = arith.cmpi slt, %iota3A, %lt3A_132 : vector<16xi32>
        %slice3A_134 = vector.extract_strided_slice %exp3A {offsets = [0], sizes = [1], strides = [1]} : vector<16xf32> to vector<1xf32>
        %squeeze3A_135 = vector.extract %slice3A_134[0] : f32 from vector<1xf32>
        %slice3A_136 = vector.extract_strided_slice %exp3A {offsets = [1], sizes = [1], strides = [1]} : vector<16xf32> to vector<1xf32>
        %squeeze3A_137 = vector.extract %slice3A_136[0] : f32 from vector<1xf32>
        %broadcast_in_dim3A = vector.broadcast %squeeze3A_135 : f32 to vector<16xf32>
        %broadcast_in_dim3A_138 = vector.broadcast %squeeze3A_137 : f32 to vector<16xf32>
        %select_n3A_139 = arith.select %lt3A_133, %broadcast_in_dim3A, %broadcast_in_dim3A_138 : vector<16xi1>, vector<16xf32>
        %get3A_140 = arith.index_cast %scan3A_89 : i32 to index
        %get3A_141 = arith.constant 32 : index
        %get3A_142 = tpu.vector_load %arg19[%get3A_140, %get3A_141] {strides = array<i32>} : memref<80x96xf32, #tpu.memory_space<vmem>>, vector<1x16xf32>,
        %get3A_143 = vector.shape_cast %get3A_142 : vector<1x16xf32> to vector<16xf32>
        %mul3A_144 = arith.mulf %get3A_143, %select_n3A_139 : vector<16xf32>
        %swap3A_145 = arith.index_cast %scan3A_89 : i32 to index
        %swap3A_146 = arith.constant 32 : index
        %swap3A_147 = tpu.vector_load %arg25[%swap3A_145, %swap3A_146] {strides = array<i32>} : memref<80x96xf32, #tpu.memory_space<vmem>>, vector<1x16xf32>,
        %swap3A_148 = vector.shape_cast %swap3A_147 : vector<1x16xf32> to vector<16xf32>
        %swap3A_149 = vector.shape_cast %mul3A_144 : vector<16xf32> to vector<1x16xf32>
        tpu.vector_store %arg25[%swap3A_145, %swap3A_146], %swap3A_149 {strides = array<i32>} : memref<80x96xf32, #tpu.memory_space<vmem>>, vector<1x16xf32>,
        %slice3A_150 = vector.extract_strided_slice %exp3A {offsets = [1], sizes = [1], strides = [1]} : vector<16xf32> to vector<1xf32>
        %squeeze3A_151 = vector.extract %slice3A_150[0] : f32 from vector<1xf32>
        %get3A_152 = arith.index_cast %scan3A_89 : i32 to index
        %get3A_153 = arith.constant 48 : index
        %get3A_154 = tpu.vector_load %arg19[%get3A_152, %get3A_153] {strides = array<i32>} : memref<80x96xf32, #tpu.memory_space<vmem>>, vector<1x16xf32>,
        %get3A_155 = vector.shape_cast %get3A_154 : vector<1x16xf32> to vector<16xf32>
        %mul3A_156 = vector.broadcast %squeeze3A_151 : f32 to vector<16xf32>
        %mul3A_157 = arith.mulf %get3A_155, %mul3A_156 : vector<16xf32>
        %swap3A_158 = arith.index_cast %scan3A_89 : i32 to index
        %swap3A_159 = arith.constant 48 : index
        %swap3A_160 = tpu.vector_load %arg25[%swap3A_158, %swap3A_159] {strides = array<i32>} : memref<80x96xf32, #tpu.memory_space<vmem>>, vector<1x16xf32>,
        %swap3A_161 = vector.shape_cast %swap3A_160 : vector<1x16xf32> to vector<16xf32>
        %swap3A_162 = vector.shape_cast %mul3A_157 : vector<16xf32> to vector<1x16xf32>
        tpu.vector_store %arg25[%swap3A_158, %swap3A_159], %swap3A_162 {strides = array<i32>} : memref<80x96xf32, #tpu.memory_space<vmem>>, vector<1x16xf32>,
        %slice3A_163 = vector.extract_strided_slice %exp3A {offsets = [1], sizes = [1], strides = [1]} : vector<16xf32> to vector<1xf32>
        %squeeze3A_164 = vector.extract %slice3A_163[0] : f32 from vector<1xf32>
        %get3A_165 = arith.index_cast %scan3A_89 : i32 to index
        %get3A_166 = arith.constant 64 : index
        %get3A_167 = tpu.vector_load %arg19[%get3A_165, %get3A_166] {strides = array<i32>} : memref<80x96xf32, #tpu.memory_space<vmem>>, vector<1x16xf32>,
        %get3A_168 = vector.shape_cast %get3A_167 : vector<1x16xf32> to vector<16xf32>
        %mul3A_169 = vector.broadcast %squeeze3A_164 : f32 to vector<16xf32>
        %mul3A_170 = arith.mulf %get3A_168, %mul3A_169 : vector<16xf32>
        %swap3A_171 = arith.index_cast %scan3A_89 : i32 to index
        %swap3A_172 = arith.constant 64 : index
        %swap3A_173 = tpu.vector_load %arg25[%swap3A_171, %swap3A_172] {strides = array<i32>} : memref<80x96xf32, #tpu.memory_space<vmem>>, vector<1x16xf32>,
        %swap3A_174 = vector.shape_cast %swap3A_173 : vector<1x16xf32> to vector<16xf32>
        %swap3A_175 = vector.shape_cast %mul3A_170 : vector<16xf32> to vector<1x16xf32>
        tpu.vector_store %arg25[%swap3A_171, %swap3A_172], %swap3A_175 {strides = array<i32>} : memref<80x96xf32, #tpu.memory_space<vmem>>, vector<1x16xf32>,
      }
      %scan3A_88 = arith.constant 80 : i32
      "tpu.region"() ({
        %run_scoped3A = tpu.sem_alloc : memref<!tpu.dma_semaphore, #tpu.memory_space<semaphore_mem>>
        %dma_start3A_89 = arith.constant 0 : i32
        %dma_start3A_90 = arith.constant 0 : i32
        %dma_start3A_91 = tpu.memref_slice %arg8[%dma_start3A_89, %dma_start3A_90] : memref<10240x96xf32, #tpu.memory_space<vmem_shared>> -> memref<10240x96xf32, #tpu.memory_space<vmem_shared>>
        tpu.enqueue_indirect_dma source(%arg25 : memref<80x96xf32, #tpu.memory_space<vmem>>) target(%dma_start3A_91 : memref<10240x96xf32, #tpu.memory_space<vmem_shared>>) offsets(%arg18 : memref<80xi32, #tpu.memory_space<vmem>>) semaphore(%run_scoped3A : memref<!tpu.dma_semaphore, #tpu.memory_space<semaphore_mem>>) {add = true}
        %dma_wait3A_92 = arith.constant 0 : i32
        %dma_wait3A_93 = arith.constant 0 : i32
        %dma_wait3A_94 = tpu.memref_slice %arg8[%dma_wait3A_92, %dma_wait3A_93] : memref<10240x96xf32, #tpu.memory_space<vmem_shared>> -> memref<10240x96xf32, #tpu.memory_space<vmem_shared>>
        tpu.wait_indirect_dma semaphore(%run_scoped3A : memref<!tpu.dma_semaphore, #tpu.memory_space<semaphore_mem>>) src(%arg25 : memref<80x96xf32, #tpu.memory_space<vmem>>) dst(%dma_wait3A_94 : memref<10240x96xf32, #tpu.memory_space<vmem_shared>>)
        tpu.yield
      }) : () -> ()
    }
    %scan3A_23 = arith.constant 62 : i32
    %dma_wait3A_24 = arith.constant 0 : i32
    %dma_wait3A_25 = arith.constant 0 : i32
    %dma_wait3A_26 = tpu.memref_slice %arg2[%dma_wait3A_24, %dma_wait3A_25] : memref<10000x96xf32, #tpu.memory_space<hbm>> -> memref<10000x96xf32, #tpu.memory_space<hbm>>
    tpu.wait_indirect_dma semaphore(%arg13 : memref<!tpu.dma_semaphore, #tpu.memory_space<semaphore_mem>>) src(%dma_wait3A_26 : memref<10000x96xf32, #tpu.memory_space<hbm>>) dst(%arg11 : memref<80x96xf32, #tpu.memory_space<vmem>>)
    %dma_wait3A_27 = arith.constant 0 : i32
    %dma_wait3A_28 = arith.constant 0 : i32
    %dma_wait3A_29 = tpu.memref_slice %arg3[%dma_wait3A_27, %dma_wait3A_28] : memref<10000x16xf32, #tpu.memory_space<hbm>> -> memref<10000x16xf32, #tpu.memory_space<hbm>>
    tpu.wait_indirect_dma semaphore(%arg14 : memref<!tpu.dma_semaphore, #tpu.memory_space<semaphore_mem>>) src(%dma_wait3A_29 : memref<10000x16xf32, #tpu.memory_space<hbm>>) dst(%arg12 : memref<80x16xf32, #tpu.memory_space<vmem>>)
    %scan3A_30 = arith.constant 0 : i32
    %scan3A_31 = arith.constant 0 : i32
    %scan3A_32 = arith.constant 80 : i32
    %scan3A_33 = arith.addi %scan3A_31, %scan3A_32 : i32
    %scan3A_34 = arith.constant 1 : i32
    scf.for %scan3A_37 = %scan3A_31 to %scan3A_33 step %scan3A_34  : i32 {
      %get3A = arith.index_cast %scan3A_37 : i32 to index
      %get3A_38 = arith.constant 80 : index
      %get3A_39 = tpu.vector_load %arg11[%get3A, %get3A_38] {strides = array<i32>} : memref<80x96xf32, #tpu.memory_space<vmem>>, vector<1x16xf32>,
      %get3A_40 = vector.shape_cast %get3A_39 : vector<1x16xf32> to vector<16xf32>
      %get3A_41 = arith.index_cast %scan3A_37 : i32 to index
      %get3A_42 = arith.constant 0 : index
      %get3A_43 = tpu.vector_load %arg12[%get3A_41, %get3A_42] {strides = array<i32>} : memref<80x16xf32, #tpu.memory_space<vmem>>, vector<1x16xf32>,
      %get3A_44 = vector.shape_cast %get3A_43 : vector<1x16xf32> to vector<16xf32>
      %add3A_45 = arith.addf %get3A_40, %get3A_44 : vector<16xf32>
      %ge3A = arith.constant 0.000000e+00 : f32
      %ge3A_46 = vector.broadcast %ge3A : f32 to vector<16xf32>
      %ge3A_47 = arith.cmpf oge, %add3A_45, %ge3A_46 : vector<16xf32>
      %mul3A_48 = arith.constant 2.000000e-01 : f32
      %mul3A_49 = vector.broadcast %mul3A_48 : f32 to vector<16xf32>
      %mul3A_50 = arith.mulf %add3A_45, %mul3A_49 : vector<16xf32>
      %select_n3A = arith.select %ge3A_47, %add3A_45, %mul3A_50 : vector<16xi1>, vector<16xf32>
      %exp3A = math.exp %select_n3A : vector<16xf32>
      %swap3A = arith.index_cast %scan3A_37 : i32 to index
      %swap3A_51 = arith.constant 80 : index
      %swap3A_52 = tpu.vector_load %arg25[%swap3A, %swap3A_51] {strides = array<i32>} : memref<80x96xf32, #tpu.memory_space<vmem>>, vector<1x16xf32>,
      %swap3A_53 = vector.shape_cast %swap3A_52 : vector<1x16xf32> to vector<16xf32>
      %swap3A_54 = vector.shape_cast %exp3A : vector<16xf32> to vector<1x16xf32>
      tpu.vector_store %arg25[%swap3A, %swap3A_51], %swap3A_54 {strides = array<i32>} : memref<80x96xf32, #tpu.memory_space<vmem>>, vector<1x16xf32>,
      %slice3A = vector.extract_strided_slice %exp3A {offsets = [0], sizes = [1], strides = [1]} : vector<16xf32> to vector<1xf32>
      %squeeze3A = vector.extract %slice3A[0] : f32 from vector<1xf32>
      %get3A_55 = arith.index_cast %scan3A_37 : i32 to index
      %get3A_56 = arith.constant 0 : index
      %get3A_57 = tpu.vector_load %arg11[%get3A_55, %get3A_56] {strides = array<i32>} : memref<80x96xf32, #tpu.memory_space<vmem>>, vector<1x16xf32>,
      %get3A_58 = vector.shape_cast %get3A_57 : vector<1x16xf32> to vector<16xf32>
      %mul3A_59 = vector.broadcast %squeeze3A : f32 to vector<16xf32>
      %mul3A_60 = arith.mulf %get3A_58, %mul3A_59 : vector<16xf32>
      %swap3A_61 = arith.index_cast %scan3A_37 : i32 to index
      %swap3A_62 = arith.constant 0 : index
      %swap3A_63 = tpu.vector_load %arg25[%swap3A_61, %swap3A_62] {strides = array<i32>} : memref<80x96xf32, #tpu.memory_space<vmem>>, vector<1x16xf32>,
      %swap3A_64 = vector.shape_cast %swap3A_63 : vector<1x16xf32> to vector<16xf32>
      %swap3A_65 = vector.shape_cast %mul3A_60 : vector<16xf32> to vector<1x16xf32>
      tpu.vector_store %arg25[%swap3A_61, %swap3A_62], %swap3A_65 {strides = array<i32>} : memref<80x96xf32, #tpu.memory_space<vmem>>, vector<1x16xf32>,
      %slice3A_66 = vector.extract_strided_slice %exp3A {offsets = [0], sizes = [1], strides = [1]} : vector<16xf32> to vector<1xf32>
      %squeeze3A_67 = vector.extract %slice3A_66[0] : f32 from vector<1xf32>
      %get3A_68 = arith.index_cast %scan3A_37 : i32 to index
      %get3A_69 = arith.constant 16 : index
      %get3A_70 = tpu.vector_load %arg11[%get3A_68, %get3A_69] {strides = array<i32>} : memref<80x96xf32, #tpu.memory_space<vmem>>, vector<1x16xf32>,
      %get3A_71 = vector.shape_cast %get3A_70 : vector<1x16xf32> to vector<16xf32>
      %mul3A_72 = vector.broadcast %squeeze3A_67 : f32 to vector<16xf32>
      %mul3A_73 = arith.mulf %get3A_71, %mul3A_72 : vector<16xf32>
      %swap3A_74 = arith.index_cast %scan3A_37 : i32 to index
      %swap3A_75 = arith.constant 16 : index
      %swap3A_76 = tpu.vector_load %arg25[%swap3A_74, %swap3A_75] {strides = array<i32>} : memref<80x96xf32, #tpu.memory_space<vmem>>, vector<1x16xf32>,
      %swap3A_77 = vector.shape_cast %swap3A_76 : vector<1x16xf32> to vector<16xf32>
      %swap3A_78 = vector.shape_cast %mul3A_73 : vector<16xf32> to vector<1x16xf32>
      tpu.vector_store %arg25[%swap3A_74, %swap3A_75], %swap3A_78 {strides = array<i32>} : memref<80x96xf32, #tpu.memory_space<vmem>>, vector<1x16xf32>,
      %lt3A = arith.constant 8 : i32
      %lt3A_79 = vector.broadcast %lt3A : i32 to vector<16xi32>
      %lt3A_80 = arith.cmpi slt, %iota3A, %lt3A_79 : vector<16xi32>
      %slice3A_81 = vector.extract_strided_slice %exp3A {offsets = [0], sizes = [1], strides = [1]} : vector<16xf32> to vector<1xf32>
      %squeeze3A_82 = vector.extract %slice3A_81[0] : f32 from vector<1xf32>
      %slice3A_83 = vector.extract_strided_slice %exp3A {offsets = [1], sizes = [1], strides = [1]} : vector<16xf32> to vector<1xf32>
      %squeeze3A_84 = vector.extract %slice3A_83[0] : f32 from vector<1xf32>
      %broadcast_in_dim3A = vector.broadcast %squeeze3A_82 : f32 to vector<16xf32>
      %broadcast_in_dim3A_85 = vector.broadcast %squeeze3A_84 : f32 to vector<16xf32>
      %select_n3A_86 = arith.select %lt3A_80, %broadcast_in_dim3A, %broadcast_in_dim3A_85 : vector<16xi1>, vector<16xf32>
      %get3A_87 = arith.index_cast %scan3A_37 : i32 to index
      %get3A_88 = arith.constant 32 : index
      %get3A_89 = tpu.vector_load %arg11[%get3A_87, %get3A_88] {strides = array<i32>} : memref<80x96xf32, #tpu.memory_space<vmem>>, vector<1x16xf32>,
      %get3A_90 = vector.shape_cast %get3A_89 : vector<1x16xf32> to vector<16xf32>
      %mul3A_91 = arith.mulf %get3A_90, %select_n3A_86 : vector<16xf32>
      %swap3A_92 = arith.index_cast %scan3A_37 : i32 to index
      %swap3A_93 = arith.constant 32 : index
      %swap3A_94 = tpu.vector_load %arg25[%swap3A_92, %swap3A_93] {strides = array<i32>} : memref<80x96xf32, #tpu.memory_space<vmem>>, vector<1x16xf32>,
      %swap3A_95 = vector.shape_cast %swap3A_94 : vector<1x16xf32> to vector<16xf32>
      %swap3A_96 = vector.shape_cast %mul3A_91 : vector<16xf32> to vector<1x16xf32>
      tpu.vector_store %arg25[%swap3A_92, %swap3A_93], %swap3A_96 {strides = array<i32>} : memref<80x96xf32, #tpu.memory_space<vmem>>, vector<1x16xf32>,
      %slice3A_97 = vector.extract_strided_slice %exp3A {offsets = [1], sizes = [1], strides = [1]} : vector<16xf32> to vector<1xf32>
      %squeeze3A_98 = vector.extract %slice3A_97[0] : f32 from vector<1xf32>
      %get3A_99 = arith.index_cast %scan3A_37 : i32 to index
      %get3A_100 = arith.constant 48 : index
      %get3A_101 = tpu.vector_load %arg11[%get3A_99, %get3A_100] {strides = array<i32>} : memref<80x96xf32, #tpu.memory_space<vmem>>, vector<1x16xf32>,
      %get3A_102 = vector.shape_cast %get3A_101 : vector<1x16xf32> to vector<16xf32>
      %mul3A_103 = vector.broadcast %squeeze3A_98 : f32 to vector<16xf32>
      %mul3A_104 = arith.mulf %get3A_102, %mul3A_103 : vector<16xf32>
      %swap3A_105 = arith.index_cast %scan3A_37 : i32 to index
      %swap3A_106 = arith.constant 48 : index
      %swap3A_107 = tpu.vector_load %arg25[%swap3A_105, %swap3A_106] {strides = array<i32>} : memref<80x96xf32, #tpu.memory_space<vmem>>, vector<1x16xf32>,
      %swap3A_108 = vector.shape_cast %swap3A_107 : vector<1x16xf32> to vector<16xf32>
      %swap3A_109 = vector.shape_cast %mul3A_104 : vector<16xf32> to vector<1x16xf32>
      tpu.vector_store %arg25[%swap3A_105, %swap3A_106], %swap3A_109 {strides = array<i32>} : memref<80x96xf32, #tpu.memory_space<vmem>>, vector<1x16xf32>,
      %slice3A_110 = vector.extract_strided_slice %exp3A {offsets = [1], sizes = [1], strides = [1]} : vector<16xf32> to vector<1xf32>
      %squeeze3A_111 = vector.extract %slice3A_110[0] : f32 from vector<1xf32>
      %get3A_112 = arith.index_cast %scan3A_37 : i32 to index
      %get3A_113 = arith.constant 64 : index
      %get3A_114 = tpu.vector_load %arg11[%get3A_112, %get3A_113] {strides = array<i32>} : memref<80x96xf32, #tpu.memory_space<vmem>>, vector<1x16xf32>,
      %get3A_115 = vector.shape_cast %get3A_114 : vector<1x16xf32> to vector<16xf32>
      %mul3A_116 = vector.broadcast %squeeze3A_111 : f32 to vector<16xf32>
      %mul3A_117 = arith.mulf %get3A_115, %mul3A_116 : vector<16xf32>
      %swap3A_118 = arith.index_cast %scan3A_37 : i32 to index
      %swap3A_119 = arith.constant 64 : index
      %swap3A_120 = tpu.vector_load %arg25[%swap3A_118, %swap3A_119] {strides = array<i32>} : memref<80x96xf32, #tpu.memory_space<vmem>>, vector<1x16xf32>,
      %swap3A_121 = vector.shape_cast %swap3A_120 : vector<1x16xf32> to vector<16xf32>
      %swap3A_122 = vector.shape_cast %mul3A_117 : vector<16xf32> to vector<1x16xf32>
      tpu.vector_store %arg25[%swap3A_118, %swap3A_119], %swap3A_122 {strides = array<i32>} : memref<80x96xf32, #tpu.memory_space<vmem>>, vector<1x16xf32>,
    }
    %scan3A_35 = arith.constant 80 : i32
    "tpu.region"() ({
      %run_scoped3A = tpu.sem_alloc : memref<!tpu.dma_semaphore, #tpu.memory_space<semaphore_mem>>
      %dma_start3A_37 = arith.constant 0 : i32
      %dma_start3A_38 = arith.constant 0 : i32
      %dma_start3A_39 = tpu.memref_slice %arg8[%dma_start3A_37, %dma_start3A_38] : memref<10240x96xf32, #tpu.memory_space<vmem_shared>> -> memref<10240x96xf32, #tpu.memory_space<vmem_shared>>
      tpu.enqueue_indirect_dma source(%arg25 : memref<80x96xf32, #tpu.memory_space<vmem>>) target(%dma_start3A_39 : memref<10240x96xf32, #tpu.memory_space<vmem_shared>>) offsets(%arg10 : memref<80xi32, #tpu.memory_space<vmem>>) semaphore(%run_scoped3A : memref<!tpu.dma_semaphore, #tpu.memory_space<semaphore_mem>>) {add = true}
      %dma_wait3A_40 = arith.constant 0 : i32
      %dma_wait3A_41 = arith.constant 0 : i32
      %dma_wait3A_42 = tpu.memref_slice %arg8[%dma_wait3A_40, %dma_wait3A_41] : memref<10240x96xf32, #tpu.memory_space<vmem_shared>> -> memref<10240x96xf32, #tpu.memory_space<vmem_shared>>
      tpu.wait_indirect_dma semaphore(%run_scoped3A : memref<!tpu.dma_semaphore, #tpu.memory_space<semaphore_mem>>) src(%arg25 : memref<80x96xf32, #tpu.memory_space<vmem>>) dst(%dma_wait3A_42 : memref<10240x96xf32, #tpu.memory_space<vmem_shared>>)
      tpu.yield
    }) : () -> ()
    %barrier3A_36 = arith.constant 0 : index
    tpu.barrier barrier_id(%barrier3A_36)
    "tpu.region"() ({
      %run_scoped3A = tpu.sem_alloc : memref<!tpu.dma_semaphore, #tpu.memory_space<semaphore_mem>>
      %dma_start3A_37 = arith.constant 0 : i32
      %dma_start3A_38 = tpu.memref_slice %arg7[%arg0, %mul3A_2, %dma_start3A_37] : memref<2x10240x96xf32, #tpu.memory_space<hbm>> -> memref<1x640x96xf32, #tpu.memory_space<hbm>>
      %dma_start3A_39 = tpu.memref_squeeze %dma_start3A_38 : memref<1x640x96xf32, #tpu.memory_space<hbm>> -> memref<640x96xf32, #tpu.memory_space<hbm>>
      %dma_start3A_40 = arith.constant 0 : i32
      %dma_start3A_41 = tpu.memref_slice %arg8[%mul3A_2, %dma_start3A_40] : memref<10240x96xf32, #tpu.memory_space<vmem_shared>> -> memref<640x96xf32, #tpu.memory_space<vmem_shared>>
      tpu.enqueue_dma source(%dma_start3A_41 : memref<640x96xf32, #tpu.memory_space<vmem_shared>>) target(%dma_start3A_39 : memref<640x96xf32, #tpu.memory_space<hbm>>) target_semaphore(%run_scoped3A : memref<!tpu.dma_semaphore, #tpu.memory_space<semaphore_mem>>)
      %dma_wait3A_42 = arith.constant 0 : i32
      %dma_wait3A_43 = tpu.memref_slice %arg7[%arg0, %mul3A_2, %dma_wait3A_42] : memref<2x10240x96xf32, #tpu.memory_space<hbm>> -> memref<1x640x96xf32, #tpu.memory_space<hbm>>
      %dma_wait3A_44 = tpu.memref_squeeze %dma_wait3A_43 : memref<1x640x96xf32, #tpu.memory_space<hbm>> -> memref<640x96xf32, #tpu.memory_space<hbm>>
      %dma_wait3A_45 = arith.constant 0 : i32
      %dma_wait3A_46 = tpu.memref_slice %arg8[%mul3A_2, %dma_wait3A_45] : memref<10240x96xf32, #tpu.memory_space<vmem_shared>> -> memref<640x96xf32, #tpu.memory_space<vmem_shared>>
      tpu.wait_dma2 semaphore(%run_scoped3A : memref<!tpu.dma_semaphore, #tpu.memory_space<semaphore_mem>>) src(%dma_wait3A_46 : memref<640x96xf32, #tpu.memory_space<vmem_shared>>) dst(%dma_wait3A_44 : memref<640x96xf32, #tpu.memory_space<hbm>>)
      tpu.yield
    }) : () -> ()
    return
  }
}

#map = affine_map<(d0, d1) -> (0, 0)>
#map1 = affine_map<(d0, d1) -> (0)>
#map2 = affine_map<(d0, d1) -> (0, 0, 0)>
module attributes {stable_mosaic.version = 14 : i64} {
  func.func @edge_kernel(%arg0: i32, %arg1: i32, %arg2: memref<10000x144xf32, #tpu.memory_space<hbm>>, %arg3: memref<10000x16xf32, #tpu.memory_space<hbm>>, %arg4: memref<320000xi32, #tpu.memory_space<hbm>>, %arg5: memref<320000xi32, #tpu.memory_space<hbm>>, %arg6: memref<10240x144xf32, #tpu.memory_space<hbm>>, %arg7: memref<2x10240x144xf32, #tpu.memory_space<hbm>>, %arg8: memref<10240x144xf32, #tpu.memory_space<vmem_shared>>, %arg9: memref<80xi32, #tpu.memory_space<vmem>>, %arg10: memref<80xi32, #tpu.memory_space<vmem>>, %arg11: memref<80x144xf32, #tpu.memory_space<vmem>>, %arg12: memref<80x16xf32, #tpu.memory_space<vmem>>, %arg13: memref<!tpu.dma_semaphore, #tpu.memory_space<semaphore_mem>>, %arg14: memref<!tpu.dma_semaphore, #tpu.memory_space<semaphore_mem>>, %arg15: memref<!tpu.dma_semaphore, #tpu.memory_space<semaphore_mem>>, %arg16: memref<!tpu.dma_semaphore, #tpu.memory_space<semaphore_mem>>, %arg17: memref<80xi32, #tpu.memory_space<vmem>>, %arg18: memref<80xi32, #tpu.memory_space<vmem>>, %arg19: memref<80x144xf32, #tpu.memory_space<vmem>>, %arg20: memref<80x16xf32, #tpu.memory_space<vmem>>, %arg21: memref<!tpu.dma_semaphore, #tpu.memory_space<semaphore_mem>>, %arg22: memref<!tpu.dma_semaphore, #tpu.memory_space<semaphore_mem>>, %arg23: memref<!tpu.dma_semaphore, #tpu.memory_space<semaphore_mem>>, %arg24: memref<!tpu.dma_semaphore, #tpu.memory_space<semaphore_mem>>, %arg25: memref<80x144xf32, #tpu.memory_space<vmem>>) attributes {dimension_semantics = [#tpu.dimension_semantics<core_parallel>, #tpu.dimension_semantics<subcore_parallel>], iteration_bounds = array<i64: 2, 16>, scalar_prefetch = 0 : i64, scratch_operands = 18 : i64, tpu.core_type = #tpu.core_type<sc_vector_subcore>, window_params = [{transform_indices = #map}, {transform_indices = #map}, {transform_indices = #map1}, {transform_indices = #map1}, {transform_indices = #map}, {transform_indices = #map2}]} {
    %mul3A = arith.constant 2 : i32
    %mul3A_0 = arith.muli %arg1, %mul3A : i32
    %add3A = arith.addi %mul3A_0, %arg0 : i32
    %mul3A_1 = arith.constant 640 : i32
    %mul3A_2 = arith.muli %arg1, %mul3A_1 : i32
    "tpu.region"() ({
      %run_scoped3A = tpu.sem_alloc : memref<!tpu.dma_semaphore, #tpu.memory_space<semaphore_mem>>
      %dma_start3A_37 = arith.constant 0 : i32
      %dma_start3A_38 = tpu.memref_slice %arg8[%mul3A_2, %dma_start3A_37] : memref<10240x144xf32, #tpu.memory_space<vmem_shared>> -> memref<640x144xf32, #tpu.memory_space<vmem_shared>>
      %dma_start3A_39 = arith.constant 0 : i32
      %dma_start3A_40 = tpu.memref_slice %arg6[%mul3A_2, %dma_start3A_39] : memref<10240x144xf32, #tpu.memory_space<hbm>> -> memref<640x144xf32, #tpu.memory_space<hbm>>
      tpu.enqueue_dma source(%dma_start3A_40 : memref<640x144xf32, #tpu.memory_space<hbm>>) target(%dma_start3A_38 : memref<640x144xf32, #tpu.memory_space<vmem_shared>>) target_semaphore(%run_scoped3A : memref<!tpu.dma_semaphore, #tpu.memory_space<semaphore_mem>>)
      %dma_wait3A_41 = arith.constant 0 : i32
      %dma_wait3A_42 = tpu.memref_slice %arg8[%mul3A_2, %dma_wait3A_41] : memref<10240x144xf32, #tpu.memory_space<vmem_shared>> -> memref<640x144xf32, #tpu.memory_space<vmem_shared>>
      %dma_wait3A_43 = arith.constant 0 : i32
      %dma_wait3A_44 = tpu.memref_slice %arg6[%mul3A_2, %dma_wait3A_43] : memref<10240x144xf32, #tpu.memory_space<hbm>> -> memref<640x144xf32, #tpu.memory_space<hbm>>
      tpu.wait_dma2 semaphore(%run_scoped3A : memref<!tpu.dma_semaphore, #tpu.memory_space<semaphore_mem>>) src(%dma_wait3A_44 : memref<640x144xf32, #tpu.memory_space<hbm>>) dst(%dma_wait3A_42 : memref<640x144xf32, #tpu.memory_space<vmem_shared>>)
      tpu.yield
    }) : () -> ()
    %barrier3A = arith.constant 0 : index
    tpu.barrier barrier_id(%barrier3A)
    %mul3A_3 = arith.constant 10000 : i32
    %mul3A_4 = arith.muli %add3A, %mul3A_3 : i32
    %iota3A = tpu.iota {dimensions = array<i32: 0>} : vector<16xi32>
    %add3A_5 = arith.constant 0 : i32
    %add3A_6 = arith.addi %mul3A_4, %add3A_5 : i32
    %dma_start3A = tpu.memref_slice %arg4[%add3A_6] : memref<320000xi32, #tpu.memory_space<hbm>> -> memref<80xi32, #tpu.memory_space<hbm>>
    %dma_start3A_7 = tpu.memref_slice %arg4[%add3A_6] : memref<320000xi32, #tpu.memory_space<hbm>> -> memref<80xi32, #tpu.memory_space<hbm>>
    tpu.enqueue_dma source(%dma_start3A_7 : memref<80xi32, #tpu.memory_space<hbm>>) target(%arg9 : memref<80xi32, #tpu.memory_space<vmem>>) target_semaphore(%arg15 : memref<!tpu.dma_semaphore, #tpu.memory_space<semaphore_mem>>)
    %dma_start3A_8 = tpu.memref_slice %arg5[%add3A_6] : memref<320000xi32, #tpu.memory_space<hbm>> -> memref<80xi32, #tpu.memory_space<hbm>>
    %dma_start3A_9 = tpu.memref_slice %arg5[%add3A_6] : memref<320000xi32, #tpu.memory_space<hbm>> -> memref<80xi32, #tpu.memory_space<hbm>>
    tpu.enqueue_dma source(%dma_start3A_9 : memref<80xi32, #tpu.memory_space<hbm>>) target(%arg10 : memref<80xi32, #tpu.memory_space<vmem>>) target_semaphore(%arg16 : memref<!tpu.dma_semaphore, #tpu.memory_space<semaphore_mem>>)
    %dma_wait3A = tpu.memref_slice %arg4[%add3A_6] : memref<320000xi32, #tpu.memory_space<hbm>> -> memref<80xi32, #tpu.memory_space<hbm>>
    %dma_wait3A_10 = tpu.memref_slice %arg4[%add3A_6] : memref<320000xi32, #tpu.memory_space<hbm>> -> memref<80xi32, #tpu.memory_space<hbm>>
    tpu.wait_dma2 semaphore(%arg15 : memref<!tpu.dma_semaphore, #tpu.memory_space<semaphore_mem>>) src(%dma_wait3A_10 : memref<80xi32, #tpu.memory_space<hbm>>) dst(%arg9 : memref<80xi32, #tpu.memory_space<vmem>>)
    %dma_wait3A_11 = tpu.memref_slice %arg5[%add3A_6] : memref<320000xi32, #tpu.memory_space<hbm>> -> memref<80xi32, #tpu.memory_space<hbm>>
    %dma_wait3A_12 = tpu.memref_slice %arg5[%add3A_6] : memref<320000xi32, #tpu.memory_space<hbm>> -> memref<80xi32, #tpu.memory_space<hbm>>
    tpu.wait_dma2 semaphore(%arg16 : memref<!tpu.dma_semaphore, #tpu.memory_space<semaphore_mem>>) src(%dma_wait3A_12 : memref<80xi32, #tpu.memory_space<hbm>>) dst(%arg10 : memref<80xi32, #tpu.memory_space<vmem>>)
    %dma_start3A_13 = arith.constant 0 : i32
    %dma_start3A_14 = arith.constant 0 : i32
    %dma_start3A_15 = tpu.memref_slice %arg2[%dma_start3A_13, %dma_start3A_14] : memref<10000x144xf32, #tpu.memory_space<hbm>> -> memref<10000x144xf32, #tpu.memory_space<hbm>>
    tpu.enqueue_indirect_dma source(%dma_start3A_15 : memref<10000x144xf32, #tpu.memory_space<hbm>>) target(%arg11 : memref<80x144xf32, #tpu.memory_space<vmem>>) offsets(%arg9 : memref<80xi32, #tpu.memory_space<vmem>>) semaphore(%arg13 : memref<!tpu.dma_semaphore, #tpu.memory_space<semaphore_mem>>)
    %dma_start3A_16 = arith.constant 0 : i32
    %dma_start3A_17 = arith.constant 0 : i32
    %dma_start3A_18 = tpu.memref_slice %arg3[%dma_start3A_16, %dma_start3A_17] : memref<10000x16xf32, #tpu.memory_space<hbm>> -> memref<10000x16xf32, #tpu.memory_space<hbm>>
    tpu.enqueue_indirect_dma source(%dma_start3A_18 : memref<10000x16xf32, #tpu.memory_space<hbm>>) target(%arg12 : memref<80x16xf32, #tpu.memory_space<vmem>>) offsets(%arg10 : memref<80xi32, #tpu.memory_space<vmem>>) semaphore(%arg14 : memref<!tpu.dma_semaphore, #tpu.memory_space<semaphore_mem>>)
    %scan3A = arith.constant 0 : i32
    %scan3A_19 = arith.constant 0 : i32
    %scan3A_20 = arith.constant 62 : i32
    %scan3A_21 = arith.addi %scan3A_19, %scan3A_20 : i32
    %scan3A_22 = arith.constant 1 : i32
    scf.for %scan3A_37 = %scan3A_19 to %scan3A_21 step %scan3A_22  : i32 {
      %mul3A_38 = arith.constant 2 : i32
      %mul3A_39 = arith.muli %mul3A_38, %scan3A_37 : i32
      %add3A_40 = arith.constant 1 : i32
      %add3A_41 = arith.addi %mul3A_39, %add3A_40 : i32
      %mul3A_42 = arith.constant 80 : i32
      %mul3A_43 = arith.muli %add3A_41, %mul3A_42 : i32
      %add3A_44 = arith.addi %mul3A_4, %mul3A_43 : i32
      %dma_start3A_45 = tpu.memref_slice %arg4[%add3A_44] : memref<320000xi32, #tpu.memory_space<hbm>> -> memref<80xi32, #tpu.memory_space<hbm>>
      %dma_start3A_46 = tpu.memref_slice %arg4[%add3A_44] : memref<320000xi32, #tpu.memory_space<hbm>> -> memref<80xi32, #tpu.memory_space<hbm>>
      tpu.enqueue_dma source(%dma_start3A_46 : memref<80xi32, #tpu.memory_space<hbm>>) target(%arg17 : memref<80xi32, #tpu.memory_space<vmem>>) target_semaphore(%arg23 : memref<!tpu.dma_semaphore, #tpu.memory_space<semaphore_mem>>)
      %dma_start3A_47 = tpu.memref_slice %arg5[%add3A_44] : memref<320000xi32, #tpu.memory_space<hbm>> -> memref<80xi32, #tpu.memory_space<hbm>>
      %dma_start3A_48 = tpu.memref_slice %arg5[%add3A_44] : memref<320000xi32, #tpu.memory_space<hbm>> -> memref<80xi32, #tpu.memory_space<hbm>>
      tpu.enqueue_dma source(%dma_start3A_48 : memref<80xi32, #tpu.memory_space<hbm>>) target(%arg18 : memref<80xi32, #tpu.memory_space<vmem>>) target_semaphore(%arg24 : memref<!tpu.dma_semaphore, #tpu.memory_space<semaphore_mem>>)
      %dma_wait3A_49 = tpu.memref_slice %arg4[%add3A_44] : memref<320000xi32, #tpu.memory_space<hbm>> -> memref<80xi32, #tpu.memory_space<hbm>>
      %dma_wait3A_50 = tpu.memref_slice %arg4[%add3A_44] : memref<320000xi32, #tpu.memory_space<hbm>> -> memref<80xi32, #tpu.memory_space<hbm>>
      tpu.wait_dma2 semaphore(%arg23 : memref<!tpu.dma_semaphore, #tpu.memory_space<semaphore_mem>>) src(%dma_wait3A_50 : memref<80xi32, #tpu.memory_space<hbm>>) dst(%arg17 : memref<80xi32, #tpu.memory_space<vmem>>)
      %dma_wait3A_51 = tpu.memref_slice %arg5[%add3A_44] : memref<320000xi32, #tpu.memory_space<hbm>> -> memref<80xi32, #tpu.memory_space<hbm>>
      %dma_wait3A_52 = tpu.memref_slice %arg5[%add3A_44] : memref<320000xi32, #tpu.memory_space<hbm>> -> memref<80xi32, #tpu.memory_space<hbm>>
      tpu.wait_dma2 semaphore(%arg24 : memref<!tpu.dma_semaphore, #tpu.memory_space<semaphore_mem>>) src(%dma_wait3A_52 : memref<80xi32, #tpu.memory_space<hbm>>) dst(%arg18 : memref<80xi32, #tpu.memory_space<vmem>>)
      %dma_start3A_53 = arith.constant 0 : i32
      %dma_start3A_54 = arith.constant 0 : i32
      %dma_start3A_55 = tpu.memref_slice %arg2[%dma_start3A_53, %dma_start3A_54] : memref<10000x144xf32, #tpu.memory_space<hbm>> -> memref<10000x144xf32, #tpu.memory_space<hbm>>
      tpu.enqueue_indirect_dma source(%dma_start3A_55 : memref<10000x144xf32, #tpu.memory_space<hbm>>) target(%arg19 : memref<80x144xf32, #tpu.memory_space<vmem>>) offsets(%arg17 : memref<80xi32, #tpu.memory_space<vmem>>) semaphore(%arg21 : memref<!tpu.dma_semaphore, #tpu.memory_space<semaphore_mem>>)
      %dma_start3A_56 = arith.constant 0 : i32
      %dma_start3A_57 = arith.constant 0 : i32
      %dma_start3A_58 = tpu.memref_slice %arg3[%dma_start3A_56, %dma_start3A_57] : memref<10000x16xf32, #tpu.memory_space<hbm>> -> memref<10000x16xf32, #tpu.memory_space<hbm>>
      tpu.enqueue_indirect_dma source(%dma_start3A_58 : memref<10000x16xf32, #tpu.memory_space<hbm>>) target(%arg20 : memref<80x16xf32, #tpu.memory_space<vmem>>) offsets(%arg18 : memref<80xi32, #tpu.memory_space<vmem>>) semaphore(%arg22 : memref<!tpu.dma_semaphore, #tpu.memory_space<semaphore_mem>>)
      %dma_wait3A_59 = arith.constant 0 : i32
      %dma_wait3A_60 = arith.constant 0 : i32
      %dma_wait3A_61 = tpu.memref_slice %arg2[%dma_wait3A_59, %dma_wait3A_60] : memref<10000x144xf32, #tpu.memory_space<hbm>> -> memref<10000x144xf32, #tpu.memory_space<hbm>>
      tpu.wait_indirect_dma semaphore(%arg13 : memref<!tpu.dma_semaphore, #tpu.memory_space<semaphore_mem>>) src(%dma_wait3A_61 : memref<10000x144xf32, #tpu.memory_space<hbm>>) dst(%arg11 : memref<80x144xf32, #tpu.memory_space<vmem>>)
      %dma_wait3A_62 = arith.constant 0 : i32
      %dma_wait3A_63 = arith.constant 0 : i32
      %dma_wait3A_64 = tpu.memref_slice %arg3[%dma_wait3A_62, %dma_wait3A_63] : memref<10000x16xf32, #tpu.memory_space<hbm>> -> memref<10000x16xf32, #tpu.memory_space<hbm>>
      tpu.wait_indirect_dma semaphore(%arg14 : memref<!tpu.dma_semaphore, #tpu.memory_space<semaphore_mem>>) src(%dma_wait3A_64 : memref<10000x16xf32, #tpu.memory_space<hbm>>) dst(%arg12 : memref<80x16xf32, #tpu.memory_space<vmem>>)
      %scan3A_65 = arith.constant 0 : i32
      %scan3A_66 = arith.constant 0 : i32
      %scan3A_67 = arith.constant 80 : i32
      %scan3A_68 = arith.addi %scan3A_66, %scan3A_67 : i32
      %scan3A_69 = arith.constant 1 : i32
      scf.for %scan3A_89 = %scan3A_66 to %scan3A_68 step %scan3A_69  : i32 {
        %get3A = arith.index_cast %scan3A_89 : i32 to index
        %get3A_90 = arith.constant 128 : index
        %get3A_91 = tpu.vector_load %arg11[%get3A, %get3A_90] {strides = array<i32>} : memref<80x144xf32, #tpu.memory_space<vmem>>, vector<1x16xf32>,
        %get3A_92 = vector.shape_cast %get3A_91 : vector<1x16xf32> to vector<16xf32>
        %get3A_93 = arith.index_cast %scan3A_89 : i32 to index
        %get3A_94 = arith.constant 0 : index
        %get3A_95 = tpu.vector_load %arg12[%get3A_93, %get3A_94] {strides = array<i32>} : memref<80x16xf32, #tpu.memory_space<vmem>>, vector<1x16xf32>,
        %get3A_96 = vector.shape_cast %get3A_95 : vector<1x16xf32> to vector<16xf32>
        %add3A_97 = arith.addf %get3A_92, %get3A_96 : vector<16xf32>
        %ge3A = arith.constant 0.000000e+00 : f32
        %ge3A_98 = vector.broadcast %ge3A : f32 to vector<16xf32>
        %ge3A_99 = arith.cmpf oge, %add3A_97, %ge3A_98 : vector<16xf32>
        %mul3A_100 = arith.constant 2.000000e-01 : f32
        %mul3A_101 = vector.broadcast %mul3A_100 : f32 to vector<16xf32>
        %mul3A_102 = arith.mulf %add3A_97, %mul3A_101 : vector<16xf32>
        %select_n3A = arith.select %ge3A_99, %add3A_97, %mul3A_102 : vector<16xi1>, vector<16xf32>
        %exp3A = math.exp %select_n3A : vector<16xf32>
        %swap3A = arith.index_cast %scan3A_89 : i32 to index
        %swap3A_103 = arith.constant 128 : index
        %swap3A_104 = tpu.vector_load %arg25[%swap3A, %swap3A_103] {strides = array<i32>} : memref<80x144xf32, #tpu.memory_space<vmem>>, vector<1x16xf32>,
        %swap3A_105 = vector.shape_cast %swap3A_104 : vector<1x16xf32> to vector<16xf32>
        %swap3A_106 = vector.shape_cast %exp3A : vector<16xf32> to vector<1x16xf32>
        tpu.vector_store %arg25[%swap3A, %swap3A_103], %swap3A_106 {strides = array<i32>} : memref<80x144xf32, #tpu.memory_space<vmem>>, vector<1x16xf32>,
        %slice3A = vector.extract_strided_slice %exp3A {offsets = [0], sizes = [1], strides = [1]} : vector<16xf32> to vector<1xf32>
        %squeeze3A = vector.extract %slice3A[0] : f32 from vector<1xf32>
        %get3A_107 = arith.index_cast %scan3A_89 : i32 to index
        %get3A_108 = arith.constant 0 : index
        %get3A_109 = tpu.vector_load %arg11[%get3A_107, %get3A_108] {strides = array<i32>} : memref<80x144xf32, #tpu.memory_space<vmem>>, vector<1x16xf32>,
        %get3A_110 = vector.shape_cast %get3A_109 : vector<1x16xf32> to vector<16xf32>
        %mul3A_111 = vector.broadcast %squeeze3A : f32 to vector<16xf32>
        %mul3A_112 = arith.mulf %get3A_110, %mul3A_111 : vector<16xf32>
        %swap3A_113 = arith.index_cast %scan3A_89 : i32 to index
        %swap3A_114 = arith.constant 0 : index
        %swap3A_115 = tpu.vector_load %arg25[%swap3A_113, %swap3A_114] {strides = array<i32>} : memref<80x144xf32, #tpu.memory_space<vmem>>, vector<1x16xf32>,
        %swap3A_116 = vector.shape_cast %swap3A_115 : vector<1x16xf32> to vector<16xf32>
        %swap3A_117 = vector.shape_cast %mul3A_112 : vector<16xf32> to vector<1x16xf32>
        tpu.vector_store %arg25[%swap3A_113, %swap3A_114], %swap3A_117 {strides = array<i32>} : memref<80x144xf32, #tpu.memory_space<vmem>>, vector<1x16xf32>,
        %slice3A_118 = vector.extract_strided_slice %exp3A {offsets = [0], sizes = [1], strides = [1]} : vector<16xf32> to vector<1xf32>
        %squeeze3A_119 = vector.extract %slice3A_118[0] : f32 from vector<1xf32>
        %get3A_120 = arith.index_cast %scan3A_89 : i32 to index
        %get3A_121 = arith.constant 16 : index
        %get3A_122 = tpu.vector_load %arg11[%get3A_120, %get3A_121] {strides = array<i32>} : memref<80x144xf32, #tpu.memory_space<vmem>>, vector<1x16xf32>,
        %get3A_123 = vector.shape_cast %get3A_122 : vector<1x16xf32> to vector<16xf32>
        %mul3A_124 = vector.broadcast %squeeze3A_119 : f32 to vector<16xf32>
        %mul3A_125 = arith.mulf %get3A_123, %mul3A_124 : vector<16xf32>
        %swap3A_126 = arith.index_cast %scan3A_89 : i32 to index
        %swap3A_127 = arith.constant 16 : index
        %swap3A_128 = tpu.vector_load %arg25[%swap3A_126, %swap3A_127] {strides = array<i32>} : memref<80x144xf32, #tpu.memory_space<vmem>>, vector<1x16xf32>,
        %swap3A_129 = vector.shape_cast %swap3A_128 : vector<1x16xf32> to vector<16xf32>
        %swap3A_130 = vector.shape_cast %mul3A_125 : vector<16xf32> to vector<1x16xf32>
        tpu.vector_store %arg25[%swap3A_126, %swap3A_127], %swap3A_130 {strides = array<i32>} : memref<80x144xf32, #tpu.memory_space<vmem>>, vector<1x16xf32>,
        %slice3A_131 = vector.extract_strided_slice %exp3A {offsets = [1], sizes = [1], strides = [1]} : vector<16xf32> to vector<1xf32>
        %squeeze3A_132 = vector.extract %slice3A_131[0] : f32 from vector<1xf32>
        %get3A_133 = arith.index_cast %scan3A_89 : i32 to index
        %get3A_134 = arith.constant 32 : index
        %get3A_135 = tpu.vector_load %arg11[%get3A_133, %get3A_134] {strides = array<i32>} : memref<80x144xf32, #tpu.memory_space<vmem>>, vector<1x16xf32>,
        %get3A_136 = vector.shape_cast %get3A_135 : vector<1x16xf32> to vector<16xf32>
        %mul3A_137 = vector.broadcast %squeeze3A_132 : f32 to vector<16xf32>
        %mul3A_138 = arith.mulf %get3A_136, %mul3A_137 : vector<16xf32>
        %swap3A_139 = arith.index_cast %scan3A_89 : i32 to index
        %swap3A_140 = arith.constant 32 : index
        %swap3A_141 = tpu.vector_load %arg25[%swap3A_139, %swap3A_140] {strides = array<i32>} : memref<80x144xf32, #tpu.memory_space<vmem>>, vector<1x16xf32>,
        %swap3A_142 = vector.shape_cast %swap3A_141 : vector<1x16xf32> to vector<16xf32>
        %swap3A_143 = vector.shape_cast %mul3A_138 : vector<16xf32> to vector<1x16xf32>
        tpu.vector_store %arg25[%swap3A_139, %swap3A_140], %swap3A_143 {strides = array<i32>} : memref<80x144xf32, #tpu.memory_space<vmem>>, vector<1x16xf32>,
        %slice3A_144 = vector.extract_strided_slice %exp3A {offsets = [1], sizes = [1], strides = [1]} : vector<16xf32> to vector<1xf32>
        %squeeze3A_145 = vector.extract %slice3A_144[0] : f32 from vector<1xf32>
        %get3A_146 = arith.index_cast %scan3A_89 : i32 to index
        %get3A_147 = arith.constant 48 : index
        %get3A_148 = tpu.vector_load %arg11[%get3A_146, %get3A_147] {strides = array<i32>} : memref<80x144xf32, #tpu.memory_space<vmem>>, vector<1x16xf32>,
        %get3A_149 = vector.shape_cast %get3A_148 : vector<1x16xf32> to vector<16xf32>
        %mul3A_150 = vector.broadcast %squeeze3A_145 : f32 to vector<16xf32>
        %mul3A_151 = arith.mulf %get3A_149, %mul3A_150 : vector<16xf32>
        %swap3A_152 = arith.index_cast %scan3A_89 : i32 to index
        %swap3A_153 = arith.constant 48 : index
        %swap3A_154 = tpu.vector_load %arg25[%swap3A_152, %swap3A_153] {strides = array<i32>} : memref<80x144xf32, #tpu.memory_space<vmem>>, vector<1x16xf32>,
        %swap3A_155 = vector.shape_cast %swap3A_154 : vector<1x16xf32> to vector<16xf32>
        %swap3A_156 = vector.shape_cast %mul3A_151 : vector<16xf32> to vector<1x16xf32>
        tpu.vector_store %arg25[%swap3A_152, %swap3A_153], %swap3A_156 {strides = array<i32>} : memref<80x144xf32, #tpu.memory_space<vmem>>, vector<1x16xf32>,
        %slice3A_157 = vector.extract_strided_slice %exp3A {offsets = [2], sizes = [1], strides = [1]} : vector<16xf32> to vector<1xf32>
        %squeeze3A_158 = vector.extract %slice3A_157[0] : f32 from vector<1xf32>
        %get3A_159 = arith.index_cast %scan3A_89 : i32 to index
        %get3A_160 = arith.constant 64 : index
        %get3A_161 = tpu.vector_load %arg11[%get3A_159, %get3A_160] {strides = array<i32>} : memref<80x144xf32, #tpu.memory_space<vmem>>, vector<1x16xf32>,
        %get3A_162 = vector.shape_cast %get3A_161 : vector<1x16xf32> to vector<16xf32>
        %mul3A_163 = vector.broadcast %squeeze3A_158 : f32 to vector<16xf32>
        %mul3A_164 = arith.mulf %get3A_162, %mul3A_163 : vector<16xf32>
        %swap3A_165 = arith.index_cast %scan3A_89 : i32 to index
        %swap3A_166 = arith.constant 64 : index
        %swap3A_167 = tpu.vector_load %arg25[%swap3A_165, %swap3A_166] {strides = array<i32>} : memref<80x144xf32, #tpu.memory_space<vmem>>, vector<1x16xf32>,
        %swap3A_168 = vector.shape_cast %swap3A_167 : vector<1x16xf32> to vector<16xf32>
        %swap3A_169 = vector.shape_cast %mul3A_164 : vector<16xf32> to vector<1x16xf32>
        tpu.vector_store %arg25[%swap3A_165, %swap3A_166], %swap3A_169 {strides = array<i32>} : memref<80x144xf32, #tpu.memory_space<vmem>>, vector<1x16xf32>,
        %slice3A_170 = vector.extract_strided_slice %exp3A {offsets = [2], sizes = [1], strides = [1]} : vector<16xf32> to vector<1xf32>
        %squeeze3A_171 = vector.extract %slice3A_170[0] : f32 from vector<1xf32>
        %get3A_172 = arith.index_cast %scan3A_89 : i32 to index
        %get3A_173 = arith.constant 80 : index
        %get3A_174 = tpu.vector_load %arg11[%get3A_172, %get3A_173] {strides = array<i32>} : memref<80x144xf32, #tpu.memory_space<vmem>>, vector<1x16xf32>,
        %get3A_175 = vector.shape_cast %get3A_174 : vector<1x16xf32> to vector<16xf32>
        %mul3A_176 = vector.broadcast %squeeze3A_171 : f32 to vector<16xf32>
        %mul3A_177 = arith.mulf %get3A_175, %mul3A_176 : vector<16xf32>
        %swap3A_178 = arith.index_cast %scan3A_89 : i32 to index
        %swap3A_179 = arith.constant 80 : index
        %swap3A_180 = tpu.vector_load %arg25[%swap3A_178, %swap3A_179] {strides = array<i32>} : memref<80x144xf32, #tpu.memory_space<vmem>>, vector<1x16xf32>,
        %swap3A_181 = vector.shape_cast %swap3A_180 : vector<1x16xf32> to vector<16xf32>
        %swap3A_182 = vector.shape_cast %mul3A_177 : vector<16xf32> to vector<1x16xf32>
        tpu.vector_store %arg25[%swap3A_178, %swap3A_179], %swap3A_182 {strides = array<i32>} : memref<80x144xf32, #tpu.memory_space<vmem>>, vector<1x16xf32>,
        %slice3A_183 = vector.extract_strided_slice %exp3A {offsets = [3], sizes = [1], strides = [1]} : vector<16xf32> to vector<1xf32>
        %squeeze3A_184 = vector.extract %slice3A_183[0] : f32 from vector<1xf32>
        %get3A_185 = arith.index_cast %scan3A_89 : i32 to index
        %get3A_186 = arith.constant 96 : index
        %get3A_187 = tpu.vector_load %arg11[%get3A_185, %get3A_186] {strides = array<i32>} : memref<80x144xf32, #tpu.memory_space<vmem>>, vector<1x16xf32>,
        %get3A_188 = vector.shape_cast %get3A_187 : vector<1x16xf32> to vector<16xf32>
        %mul3A_189 = vector.broadcast %squeeze3A_184 : f32 to vector<16xf32>
        %mul3A_190 = arith.mulf %get3A_188, %mul3A_189 : vector<16xf32>
        %swap3A_191 = arith.index_cast %scan3A_89 : i32 to index
        %swap3A_192 = arith.constant 96 : index
        %swap3A_193 = tpu.vector_load %arg25[%swap3A_191, %swap3A_192] {strides = array<i32>} : memref<80x144xf32, #tpu.memory_space<vmem>>, vector<1x16xf32>,
        %swap3A_194 = vector.shape_cast %swap3A_193 : vector<1x16xf32> to vector<16xf32>
        %swap3A_195 = vector.shape_cast %mul3A_190 : vector<16xf32> to vector<1x16xf32>
        tpu.vector_store %arg25[%swap3A_191, %swap3A_192], %swap3A_195 {strides = array<i32>} : memref<80x144xf32, #tpu.memory_space<vmem>>, vector<1x16xf32>,
        %slice3A_196 = vector.extract_strided_slice %exp3A {offsets = [3], sizes = [1], strides = [1]} : vector<16xf32> to vector<1xf32>
        %squeeze3A_197 = vector.extract %slice3A_196[0] : f32 from vector<1xf32>
        %get3A_198 = arith.index_cast %scan3A_89 : i32 to index
        %get3A_199 = arith.constant 112 : index
        %get3A_200 = tpu.vector_load %arg11[%get3A_198, %get3A_199] {strides = array<i32>} : memref<80x144xf32, #tpu.memory_space<vmem>>, vector<1x16xf32>,
        %get3A_201 = vector.shape_cast %get3A_200 : vector<1x16xf32> to vector<16xf32>
        %mul3A_202 = vector.broadcast %squeeze3A_197 : f32 to vector<16xf32>
        %mul3A_203 = arith.mulf %get3A_201, %mul3A_202 : vector<16xf32>
        %swap3A_204 = arith.index_cast %scan3A_89 : i32 to index
        %swap3A_205 = arith.constant 112 : index
        %swap3A_206 = tpu.vector_load %arg25[%swap3A_204, %swap3A_205] {strides = array<i32>} : memref<80x144xf32, #tpu.memory_space<vmem>>, vector<1x16xf32>,
        %swap3A_207 = vector.shape_cast %swap3A_206 : vector<1x16xf32> to vector<16xf32>
        %swap3A_208 = vector.shape_cast %mul3A_203 : vector<16xf32> to vector<1x16xf32>
        tpu.vector_store %arg25[%swap3A_204, %swap3A_205], %swap3A_208 {strides = array<i32>} : memref<80x144xf32, #tpu.memory_space<vmem>>, vector<1x16xf32>,
      }
      %scan3A_70 = arith.constant 80 : i32
      "tpu.region"() ({
        %run_scoped3A = tpu.sem_alloc : memref<!tpu.dma_semaphore, #tpu.memory_space<semaphore_mem>>
        %dma_start3A_89 = arith.constant 0 : i32
        %dma_start3A_90 = arith.constant 0 : i32
        %dma_start3A_91 = tpu.memref_slice %arg8[%dma_start3A_89, %dma_start3A_90] : memref<10240x144xf32, #tpu.memory_space<vmem_shared>> -> memref<10240x144xf32, #tpu.memory_space<vmem_shared>>
        tpu.enqueue_indirect_dma source(%arg25 : memref<80x144xf32, #tpu.memory_space<vmem>>) target(%dma_start3A_91 : memref<10240x144xf32, #tpu.memory_space<vmem_shared>>) offsets(%arg10 : memref<80xi32, #tpu.memory_space<vmem>>) semaphore(%run_scoped3A : memref<!tpu.dma_semaphore, #tpu.memory_space<semaphore_mem>>) {add = true}
        %dma_wait3A_92 = arith.constant 0 : i32
        %dma_wait3A_93 = arith.constant 0 : i32
        %dma_wait3A_94 = tpu.memref_slice %arg8[%dma_wait3A_92, %dma_wait3A_93] : memref<10240x144xf32, #tpu.memory_space<vmem_shared>> -> memref<10240x144xf32, #tpu.memory_space<vmem_shared>>
        tpu.wait_indirect_dma semaphore(%run_scoped3A : memref<!tpu.dma_semaphore, #tpu.memory_space<semaphore_mem>>) src(%arg25 : memref<80x144xf32, #tpu.memory_space<vmem>>) dst(%dma_wait3A_94 : memref<10240x144xf32, #tpu.memory_space<vmem_shared>>)
        tpu.yield
      }) : () -> ()
      %mul3A_71 = arith.constant 2 : i32
      %mul3A_72 = arith.muli %mul3A_71, %scan3A_37 : i32
      %add3A_73 = arith.constant 2 : i32
      %add3A_74 = arith.addi %mul3A_72, %add3A_73 : i32
      %lt3A = arith.constant 125 : i32
      %lt3A_75 = arith.cmpi slt, %add3A_74, %lt3A : i32
      %convert_element_type3A = arith.extui %lt3A_75 : i1 to i32
      %cond3A = arith.constant 0 : i32
      %cond3A_76 = arith.cmpi ne, %convert_element_type3A, %cond3A : i32
      scf.if %cond3A_76 {
        %mul3A_89 = arith.constant 2 : i32
        %mul3A_90 = arith.muli %mul3A_89, %scan3A_37 : i32
        %add3A_91 = arith.constant 2 : i32
        %add3A_92 = arith.addi %mul3A_90, %add3A_91 : i32
        %mul3A_93 = arith.constant 80 : i32
        %mul3A_94 = arith.muli %add3A_92, %mul3A_93 : i32
        %add3A_95 = arith.addi %mul3A_4, %mul3A_94 : i32
        %dma_start3A_96 = tpu.memref_slice %arg4[%add3A_95] : memref<320000xi32, #tpu.memory_space<hbm>> -> memref<80xi32, #tpu.memory_space<hbm>>
        %dma_start3A_97 = tpu.memref_slice %arg4[%add3A_95] : memref<320000xi32, #tpu.memory_space<hbm>> -> memref<80xi32, #tpu.memory_space<hbm>>
        tpu.enqueue_dma source(%dma_start3A_97 : memref<80xi32, #tpu.memory_space<hbm>>) target(%arg9 : memref<80xi32, #tpu.memory_space<vmem>>) target_semaphore(%arg15 : memref<!tpu.dma_semaphore, #tpu.memory_space<semaphore_mem>>)
        %dma_start3A_98 = tpu.memref_slice %arg5[%add3A_95] : memref<320000xi32, #tpu.memory_space<hbm>> -> memref<80xi32, #tpu.memory_space<hbm>>
        %dma_start3A_99 = tpu.memref_slice %arg5[%add3A_95] : memref<320000xi32, #tpu.memory_space<hbm>> -> memref<80xi32, #tpu.memory_space<hbm>>
        tpu.enqueue_dma source(%dma_start3A_99 : memref<80xi32, #tpu.memory_space<hbm>>) target(%arg10 : memref<80xi32, #tpu.memory_space<vmem>>) target_semaphore(%arg16 : memref<!tpu.dma_semaphore, #tpu.memory_space<semaphore_mem>>)
        %dma_wait3A_100 = tpu.memref_slice %arg4[%add3A_95] : memref<320000xi32, #tpu.memory_space<hbm>> -> memref<80xi32, #tpu.memory_space<hbm>>
        %dma_wait3A_101 = tpu.memref_slice %arg4[%add3A_95] : memref<320000xi32, #tpu.memory_space<hbm>> -> memref<80xi32, #tpu.memory_space<hbm>>
        tpu.wait_dma2 semaphore(%arg15 : memref<!tpu.dma_semaphore, #tpu.memory_space<semaphore_mem>>) src(%dma_wait3A_101 : memref<80xi32, #tpu.memory_space<hbm>>) dst(%arg9 : memref<80xi32, #tpu.memory_space<vmem>>)
        %dma_wait3A_102 = tpu.memref_slice %arg5[%add3A_95] : memref<320000xi32, #tpu.memory_space<hbm>> -> memref<80xi32, #tpu.memory_space<hbm>>
        %dma_wait3A_103 = tpu.memref_slice %arg5[%add3A_95] : memref<320000xi32, #tpu.memory_space<hbm>> -> memref<80xi32, #tpu.memory_space<hbm>>
        tpu.wait_dma2 semaphore(%arg16 : memref<!tpu.dma_semaphore, #tpu.memory_space<semaphore_mem>>) src(%dma_wait3A_103 : memref<80xi32, #tpu.memory_space<hbm>>) dst(%arg10 : memref<80xi32, #tpu.memory_space<vmem>>)
        %dma_start3A_104 = arith.constant 0 : i32
        %dma_start3A_105 = arith.constant 0 : i32
        %dma_start3A_106 = tpu.memref_slice %arg2[%dma_start3A_104, %dma_start3A_105] : memref<10000x144xf32, #tpu.memory_space<hbm>> -> memref<10000x144xf32, #tpu.memory_space<hbm>>
        tpu.enqueue_indirect_dma source(%dma_start3A_106 : memref<10000x144xf32, #tpu.memory_space<hbm>>) target(%arg11 : memref<80x144xf32, #tpu.memory_space<vmem>>) offsets(%arg9 : memref<80xi32, #tpu.memory_space<vmem>>) semaphore(%arg13 : memref<!tpu.dma_semaphore, #tpu.memory_space<semaphore_mem>>)
        %dma_start3A_107 = arith.constant 0 : i32
        %dma_start3A_108 = arith.constant 0 : i32
        %dma_start3A_109 = tpu.memref_slice %arg3[%dma_start3A_107, %dma_start3A_108] : memref<10000x16xf32, #tpu.memory_space<hbm>> -> memref<10000x16xf32, #tpu.memory_space<hbm>>
        tpu.enqueue_indirect_dma source(%dma_start3A_109 : memref<10000x16xf32, #tpu.memory_space<hbm>>) target(%arg12 : memref<80x16xf32, #tpu.memory_space<vmem>>) offsets(%arg10 : memref<80xi32, #tpu.memory_space<vmem>>) semaphore(%arg14 : memref<!tpu.dma_semaphore, #tpu.memory_space<semaphore_mem>>)
      } else {
      }
      %dma_wait3A_77 = arith.constant 0 : i32
      %dma_wait3A_78 = arith.constant 0 : i32
      %dma_wait3A_79 = tpu.memref_slice %arg2[%dma_wait3A_77, %dma_wait3A_78] : memref<10000x144xf32, #tpu.memory_space<hbm>> -> memref<10000x144xf32, #tpu.memory_space<hbm>>
      tpu.wait_indirect_dma semaphore(%arg21 : memref<!tpu.dma_semaphore, #tpu.memory_space<semaphore_mem>>) src(%dma_wait3A_79 : memref<10000x144xf32, #tpu.memory_space<hbm>>) dst(%arg19 : memref<80x144xf32, #tpu.memory_space<vmem>>)
      %dma_wait3A_80 = arith.constant 0 : i32
      %dma_wait3A_81 = arith.constant 0 : i32
      %dma_wait3A_82 = tpu.memref_slice %arg3[%dma_wait3A_80, %dma_wait3A_81] : memref<10000x16xf32, #tpu.memory_space<hbm>> -> memref<10000x16xf32, #tpu.memory_space<hbm>>
      tpu.wait_indirect_dma semaphore(%arg22 : memref<!tpu.dma_semaphore, #tpu.memory_space<semaphore_mem>>) src(%dma_wait3A_82 : memref<10000x16xf32, #tpu.memory_space<hbm>>) dst(%arg20 : memref<80x16xf32, #tpu.memory_space<vmem>>)
      %scan3A_83 = arith.constant 0 : i32
      %scan3A_84 = arith.constant 0 : i32
      %scan3A_85 = arith.constant 80 : i32
      %scan3A_86 = arith.addi %scan3A_84, %scan3A_85 : i32
      %scan3A_87 = arith.constant 1 : i32
      scf.for %scan3A_89 = %scan3A_84 to %scan3A_86 step %scan3A_87  : i32 {
        %get3A = arith.index_cast %scan3A_89 : i32 to index
        %get3A_90 = arith.constant 128 : index
        %get3A_91 = tpu.vector_load %arg19[%get3A, %get3A_90] {strides = array<i32>} : memref<80x144xf32, #tpu.memory_space<vmem>>, vector<1x16xf32>,
        %get3A_92 = vector.shape_cast %get3A_91 : vector<1x16xf32> to vector<16xf32>
        %get3A_93 = arith.index_cast %scan3A_89 : i32 to index
        %get3A_94 = arith.constant 0 : index
        %get3A_95 = tpu.vector_load %arg20[%get3A_93, %get3A_94] {strides = array<i32>} : memref<80x16xf32, #tpu.memory_space<vmem>>, vector<1x16xf32>,
        %get3A_96 = vector.shape_cast %get3A_95 : vector<1x16xf32> to vector<16xf32>
        %add3A_97 = arith.addf %get3A_92, %get3A_96 : vector<16xf32>
        %ge3A = arith.constant 0.000000e+00 : f32
        %ge3A_98 = vector.broadcast %ge3A : f32 to vector<16xf32>
        %ge3A_99 = arith.cmpf oge, %add3A_97, %ge3A_98 : vector<16xf32>
        %mul3A_100 = arith.constant 2.000000e-01 : f32
        %mul3A_101 = vector.broadcast %mul3A_100 : f32 to vector<16xf32>
        %mul3A_102 = arith.mulf %add3A_97, %mul3A_101 : vector<16xf32>
        %select_n3A = arith.select %ge3A_99, %add3A_97, %mul3A_102 : vector<16xi1>, vector<16xf32>
        %exp3A = math.exp %select_n3A : vector<16xf32>
        %swap3A = arith.index_cast %scan3A_89 : i32 to index
        %swap3A_103 = arith.constant 128 : index
        %swap3A_104 = tpu.vector_load %arg25[%swap3A, %swap3A_103] {strides = array<i32>} : memref<80x144xf32, #tpu.memory_space<vmem>>, vector<1x16xf32>,
        %swap3A_105 = vector.shape_cast %swap3A_104 : vector<1x16xf32> to vector<16xf32>
        %swap3A_106 = vector.shape_cast %exp3A : vector<16xf32> to vector<1x16xf32>
        tpu.vector_store %arg25[%swap3A, %swap3A_103], %swap3A_106 {strides = array<i32>} : memref<80x144xf32, #tpu.memory_space<vmem>>, vector<1x16xf32>,
        %slice3A = vector.extract_strided_slice %exp3A {offsets = [0], sizes = [1], strides = [1]} : vector<16xf32> to vector<1xf32>
        %squeeze3A = vector.extract %slice3A[0] : f32 from vector<1xf32>
        %get3A_107 = arith.index_cast %scan3A_89 : i32 to index
        %get3A_108 = arith.constant 0 : index
        %get3A_109 = tpu.vector_load %arg19[%get3A_107, %get3A_108] {strides = array<i32>} : memref<80x144xf32, #tpu.memory_space<vmem>>, vector<1x16xf32>,
        %get3A_110 = vector.shape_cast %get3A_109 : vector<1x16xf32> to vector<16xf32>
        %mul3A_111 = vector.broadcast %squeeze3A : f32 to vector<16xf32>
        %mul3A_112 = arith.mulf %get3A_110, %mul3A_111 : vector<16xf32>
        %swap3A_113 = arith.index_cast %scan3A_89 : i32 to index
        %swap3A_114 = arith.constant 0 : index
        %swap3A_115 = tpu.vector_load %arg25[%swap3A_113, %swap3A_114] {strides = array<i32>} : memref<80x144xf32, #tpu.memory_space<vmem>>, vector<1x16xf32>,
        %swap3A_116 = vector.shape_cast %swap3A_115 : vector<1x16xf32> to vector<16xf32>
        %swap3A_117 = vector.shape_cast %mul3A_112 : vector<16xf32> to vector<1x16xf32>
        tpu.vector_store %arg25[%swap3A_113, %swap3A_114], %swap3A_117 {strides = array<i32>} : memref<80x144xf32, #tpu.memory_space<vmem>>, vector<1x16xf32>,
        %slice3A_118 = vector.extract_strided_slice %exp3A {offsets = [0], sizes = [1], strides = [1]} : vector<16xf32> to vector<1xf32>
        %squeeze3A_119 = vector.extract %slice3A_118[0] : f32 from vector<1xf32>
        %get3A_120 = arith.index_cast %scan3A_89 : i32 to index
        %get3A_121 = arith.constant 16 : index
        %get3A_122 = tpu.vector_load %arg19[%get3A_120, %get3A_121] {strides = array<i32>} : memref<80x144xf32, #tpu.memory_space<vmem>>, vector<1x16xf32>,
        %get3A_123 = vector.shape_cast %get3A_122 : vector<1x16xf32> to vector<16xf32>
        %mul3A_124 = vector.broadcast %squeeze3A_119 : f32 to vector<16xf32>
        %mul3A_125 = arith.mulf %get3A_123, %mul3A_124 : vector<16xf32>
        %swap3A_126 = arith.index_cast %scan3A_89 : i32 to index
        %swap3A_127 = arith.constant 16 : index
        %swap3A_128 = tpu.vector_load %arg25[%swap3A_126, %swap3A_127] {strides = array<i32>} : memref<80x144xf32, #tpu.memory_space<vmem>>, vector<1x16xf32>,
        %swap3A_129 = vector.shape_cast %swap3A_128 : vector<1x16xf32> to vector<16xf32>
        %swap3A_130 = vector.shape_cast %mul3A_125 : vector<16xf32> to vector<1x16xf32>
        tpu.vector_store %arg25[%swap3A_126, %swap3A_127], %swap3A_130 {strides = array<i32>} : memref<80x144xf32, #tpu.memory_space<vmem>>, vector<1x16xf32>,
        %slice3A_131 = vector.extract_strided_slice %exp3A {offsets = [1], sizes = [1], strides = [1]} : vector<16xf32> to vector<1xf32>
        %squeeze3A_132 = vector.extract %slice3A_131[0] : f32 from vector<1xf32>
        %get3A_133 = arith.index_cast %scan3A_89 : i32 to index
        %get3A_134 = arith.constant 32 : index
        %get3A_135 = tpu.vector_load %arg19[%get3A_133, %get3A_134] {strides = array<i32>} : memref<80x144xf32, #tpu.memory_space<vmem>>, vector<1x16xf32>,
        %get3A_136 = vector.shape_cast %get3A_135 : vector<1x16xf32> to vector<16xf32>
        %mul3A_137 = vector.broadcast %squeeze3A_132 : f32 to vector<16xf32>
        %mul3A_138 = arith.mulf %get3A_136, %mul3A_137 : vector<16xf32>
        %swap3A_139 = arith.index_cast %scan3A_89 : i32 to index
        %swap3A_140 = arith.constant 32 : index
        %swap3A_141 = tpu.vector_load %arg25[%swap3A_139, %swap3A_140] {strides = array<i32>} : memref<80x144xf32, #tpu.memory_space<vmem>>, vector<1x16xf32>,
        %swap3A_142 = vector.shape_cast %swap3A_141 : vector<1x16xf32> to vector<16xf32>
        %swap3A_143 = vector.shape_cast %mul3A_138 : vector<16xf32> to vector<1x16xf32>
        tpu.vector_store %arg25[%swap3A_139, %swap3A_140], %swap3A_143 {strides = array<i32>} : memref<80x144xf32, #tpu.memory_space<vmem>>, vector<1x16xf32>,
        %slice3A_144 = vector.extract_strided_slice %exp3A {offsets = [1], sizes = [1], strides = [1]} : vector<16xf32> to vector<1xf32>
        %squeeze3A_145 = vector.extract %slice3A_144[0] : f32 from vector<1xf32>
        %get3A_146 = arith.index_cast %scan3A_89 : i32 to index
        %get3A_147 = arith.constant 48 : index
        %get3A_148 = tpu.vector_load %arg19[%get3A_146, %get3A_147] {strides = array<i32>} : memref<80x144xf32, #tpu.memory_space<vmem>>, vector<1x16xf32>,
        %get3A_149 = vector.shape_cast %get3A_148 : vector<1x16xf32> to vector<16xf32>
        %mul3A_150 = vector.broadcast %squeeze3A_145 : f32 to vector<16xf32>
        %mul3A_151 = arith.mulf %get3A_149, %mul3A_150 : vector<16xf32>
        %swap3A_152 = arith.index_cast %scan3A_89 : i32 to index
        %swap3A_153 = arith.constant 48 : index
        %swap3A_154 = tpu.vector_load %arg25[%swap3A_152, %swap3A_153] {strides = array<i32>} : memref<80x144xf32, #tpu.memory_space<vmem>>, vector<1x16xf32>,
        %swap3A_155 = vector.shape_cast %swap3A_154 : vector<1x16xf32> to vector<16xf32>
        %swap3A_156 = vector.shape_cast %mul3A_151 : vector<16xf32> to vector<1x16xf32>
        tpu.vector_store %arg25[%swap3A_152, %swap3A_153], %swap3A_156 {strides = array<i32>} : memref<80x144xf32, #tpu.memory_space<vmem>>, vector<1x16xf32>,
        %slice3A_157 = vector.extract_strided_slice %exp3A {offsets = [2], sizes = [1], strides = [1]} : vector<16xf32> to vector<1xf32>
        %squeeze3A_158 = vector.extract %slice3A_157[0] : f32 from vector<1xf32>
        %get3A_159 = arith.index_cast %scan3A_89 : i32 to index
        %get3A_160 = arith.constant 64 : index
        %get3A_161 = tpu.vector_load %arg19[%get3A_159, %get3A_160] {strides = array<i32>} : memref<80x144xf32, #tpu.memory_space<vmem>>, vector<1x16xf32>,
        %get3A_162 = vector.shape_cast %get3A_161 : vector<1x16xf32> to vector<16xf32>
        %mul3A_163 = vector.broadcast %squeeze3A_158 : f32 to vector<16xf32>
        %mul3A_164 = arith.mulf %get3A_162, %mul3A_163 : vector<16xf32>
        %swap3A_165 = arith.index_cast %scan3A_89 : i32 to index
        %swap3A_166 = arith.constant 64 : index
        %swap3A_167 = tpu.vector_load %arg25[%swap3A_165, %swap3A_166] {strides = array<i32>} : memref<80x144xf32, #tpu.memory_space<vmem>>, vector<1x16xf32>,
        %swap3A_168 = vector.shape_cast %swap3A_167 : vector<1x16xf32> to vector<16xf32>
        %swap3A_169 = vector.shape_cast %mul3A_164 : vector<16xf32> to vector<1x16xf32>
        tpu.vector_store %arg25[%swap3A_165, %swap3A_166], %swap3A_169 {strides = array<i32>} : memref<80x144xf32, #tpu.memory_space<vmem>>, vector<1x16xf32>,
        %slice3A_170 = vector.extract_strided_slice %exp3A {offsets = [2], sizes = [1], strides = [1]} : vector<16xf32> to vector<1xf32>
        %squeeze3A_171 = vector.extract %slice3A_170[0] : f32 from vector<1xf32>
        %get3A_172 = arith.index_cast %scan3A_89 : i32 to index
        %get3A_173 = arith.constant 80 : index
        %get3A_174 = tpu.vector_load %arg19[%get3A_172, %get3A_173] {strides = array<i32>} : memref<80x144xf32, #tpu.memory_space<vmem>>, vector<1x16xf32>,
        %get3A_175 = vector.shape_cast %get3A_174 : vector<1x16xf32> to vector<16xf32>
        %mul3A_176 = vector.broadcast %squeeze3A_171 : f32 to vector<16xf32>
        %mul3A_177 = arith.mulf %get3A_175, %mul3A_176 : vector<16xf32>
        %swap3A_178 = arith.index_cast %scan3A_89 : i32 to index
        %swap3A_179 = arith.constant 80 : index
        %swap3A_180 = tpu.vector_load %arg25[%swap3A_178, %swap3A_179] {strides = array<i32>} : memref<80x144xf32, #tpu.memory_space<vmem>>, vector<1x16xf32>,
        %swap3A_181 = vector.shape_cast %swap3A_180 : vector<1x16xf32> to vector<16xf32>
        %swap3A_182 = vector.shape_cast %mul3A_177 : vector<16xf32> to vector<1x16xf32>
        tpu.vector_store %arg25[%swap3A_178, %swap3A_179], %swap3A_182 {strides = array<i32>} : memref<80x144xf32, #tpu.memory_space<vmem>>, vector<1x16xf32>,
        %slice3A_183 = vector.extract_strided_slice %exp3A {offsets = [3], sizes = [1], strides = [1]} : vector<16xf32> to vector<1xf32>
        %squeeze3A_184 = vector.extract %slice3A_183[0] : f32 from vector<1xf32>
        %get3A_185 = arith.index_cast %scan3A_89 : i32 to index
        %get3A_186 = arith.constant 96 : index
        %get3A_187 = tpu.vector_load %arg19[%get3A_185, %get3A_186] {strides = array<i32>} : memref<80x144xf32, #tpu.memory_space<vmem>>, vector<1x16xf32>,
        %get3A_188 = vector.shape_cast %get3A_187 : vector<1x16xf32> to vector<16xf32>
        %mul3A_189 = vector.broadcast %squeeze3A_184 : f32 to vector<16xf32>
        %mul3A_190 = arith.mulf %get3A_188, %mul3A_189 : vector<16xf32>
        %swap3A_191 = arith.index_cast %scan3A_89 : i32 to index
        %swap3A_192 = arith.constant 96 : index
        %swap3A_193 = tpu.vector_load %arg25[%swap3A_191, %swap3A_192] {strides = array<i32>} : memref<80x144xf32, #tpu.memory_space<vmem>>, vector<1x16xf32>,
        %swap3A_194 = vector.shape_cast %swap3A_193 : vector<1x16xf32> to vector<16xf32>
        %swap3A_195 = vector.shape_cast %mul3A_190 : vector<16xf32> to vector<1x16xf32>
        tpu.vector_store %arg25[%swap3A_191, %swap3A_192], %swap3A_195 {strides = array<i32>} : memref<80x144xf32, #tpu.memory_space<vmem>>, vector<1x16xf32>,
        %slice3A_196 = vector.extract_strided_slice %exp3A {offsets = [3], sizes = [1], strides = [1]} : vector<16xf32> to vector<1xf32>
        %squeeze3A_197 = vector.extract %slice3A_196[0] : f32 from vector<1xf32>
        %get3A_198 = arith.index_cast %scan3A_89 : i32 to index
        %get3A_199 = arith.constant 112 : index
        %get3A_200 = tpu.vector_load %arg19[%get3A_198, %get3A_199] {strides = array<i32>} : memref<80x144xf32, #tpu.memory_space<vmem>>, vector<1x16xf32>,
        %get3A_201 = vector.shape_cast %get3A_200 : vector<1x16xf32> to vector<16xf32>
        %mul3A_202 = vector.broadcast %squeeze3A_197 : f32 to vector<16xf32>
        %mul3A_203 = arith.mulf %get3A_201, %mul3A_202 : vector<16xf32>
        %swap3A_204 = arith.index_cast %scan3A_89 : i32 to index
        %swap3A_205 = arith.constant 112 : index
        %swap3A_206 = tpu.vector_load %arg25[%swap3A_204, %swap3A_205] {strides = array<i32>} : memref<80x144xf32, #tpu.memory_space<vmem>>, vector<1x16xf32>,
        %swap3A_207 = vector.shape_cast %swap3A_206 : vector<1x16xf32> to vector<16xf32>
        %swap3A_208 = vector.shape_cast %mul3A_203 : vector<16xf32> to vector<1x16xf32>
        tpu.vector_store %arg25[%swap3A_204, %swap3A_205], %swap3A_208 {strides = array<i32>} : memref<80x144xf32, #tpu.memory_space<vmem>>, vector<1x16xf32>,
      }
      %scan3A_88 = arith.constant 80 : i32
      "tpu.region"() ({
        %run_scoped3A = tpu.sem_alloc : memref<!tpu.dma_semaphore, #tpu.memory_space<semaphore_mem>>
        %dma_start3A_89 = arith.constant 0 : i32
        %dma_start3A_90 = arith.constant 0 : i32
        %dma_start3A_91 = tpu.memref_slice %arg8[%dma_start3A_89, %dma_start3A_90] : memref<10240x144xf32, #tpu.memory_space<vmem_shared>> -> memref<10240x144xf32, #tpu.memory_space<vmem_shared>>
        tpu.enqueue_indirect_dma source(%arg25 : memref<80x144xf32, #tpu.memory_space<vmem>>) target(%dma_start3A_91 : memref<10240x144xf32, #tpu.memory_space<vmem_shared>>) offsets(%arg18 : memref<80xi32, #tpu.memory_space<vmem>>) semaphore(%run_scoped3A : memref<!tpu.dma_semaphore, #tpu.memory_space<semaphore_mem>>) {add = true}
        %dma_wait3A_92 = arith.constant 0 : i32
        %dma_wait3A_93 = arith.constant 0 : i32
        %dma_wait3A_94 = tpu.memref_slice %arg8[%dma_wait3A_92, %dma_wait3A_93] : memref<10240x144xf32, #tpu.memory_space<vmem_shared>> -> memref<10240x144xf32, #tpu.memory_space<vmem_shared>>
        tpu.wait_indirect_dma semaphore(%run_scoped3A : memref<!tpu.dma_semaphore, #tpu.memory_space<semaphore_mem>>) src(%arg25 : memref<80x144xf32, #tpu.memory_space<vmem>>) dst(%dma_wait3A_94 : memref<10240x144xf32, #tpu.memory_space<vmem_shared>>)
        tpu.yield
      }) : () -> ()
    }
    %scan3A_23 = arith.constant 62 : i32
    %dma_wait3A_24 = arith.constant 0 : i32
    %dma_wait3A_25 = arith.constant 0 : i32
    %dma_wait3A_26 = tpu.memref_slice %arg2[%dma_wait3A_24, %dma_wait3A_25] : memref<10000x144xf32, #tpu.memory_space<hbm>> -> memref<10000x144xf32, #tpu.memory_space<hbm>>
    tpu.wait_indirect_dma semaphore(%arg13 : memref<!tpu.dma_semaphore, #tpu.memory_space<semaphore_mem>>) src(%dma_wait3A_26 : memref<10000x144xf32, #tpu.memory_space<hbm>>) dst(%arg11 : memref<80x144xf32, #tpu.memory_space<vmem>>)
    %dma_wait3A_27 = arith.constant 0 : i32
    %dma_wait3A_28 = arith.constant 0 : i32
    %dma_wait3A_29 = tpu.memref_slice %arg3[%dma_wait3A_27, %dma_wait3A_28] : memref<10000x16xf32, #tpu.memory_space<hbm>> -> memref<10000x16xf32, #tpu.memory_space<hbm>>
    tpu.wait_indirect_dma semaphore(%arg14 : memref<!tpu.dma_semaphore, #tpu.memory_space<semaphore_mem>>) src(%dma_wait3A_29 : memref<10000x16xf32, #tpu.memory_space<hbm>>) dst(%arg12 : memref<80x16xf32, #tpu.memory_space<vmem>>)
    %scan3A_30 = arith.constant 0 : i32
    %scan3A_31 = arith.constant 0 : i32
    %scan3A_32 = arith.constant 80 : i32
    %scan3A_33 = arith.addi %scan3A_31, %scan3A_32 : i32
    %scan3A_34 = arith.constant 1 : i32
    scf.for %scan3A_37 = %scan3A_31 to %scan3A_33 step %scan3A_34  : i32 {
      %get3A = arith.index_cast %scan3A_37 : i32 to index
      %get3A_38 = arith.constant 128 : index
      %get3A_39 = tpu.vector_load %arg11[%get3A, %get3A_38] {strides = array<i32>} : memref<80x144xf32, #tpu.memory_space<vmem>>, vector<1x16xf32>,
      %get3A_40 = vector.shape_cast %get3A_39 : vector<1x16xf32> to vector<16xf32>
      %get3A_41 = arith.index_cast %scan3A_37 : i32 to index
      %get3A_42 = arith.constant 0 : index
      %get3A_43 = tpu.vector_load %arg12[%get3A_41, %get3A_42] {strides = array<i32>} : memref<80x16xf32, #tpu.memory_space<vmem>>, vector<1x16xf32>,
      %get3A_44 = vector.shape_cast %get3A_43 : vector<1x16xf32> to vector<16xf32>
      %add3A_45 = arith.addf %get3A_40, %get3A_44 : vector<16xf32>
      %ge3A = arith.constant 0.000000e+00 : f32
      %ge3A_46 = vector.broadcast %ge3A : f32 to vector<16xf32>
      %ge3A_47 = arith.cmpf oge, %add3A_45, %ge3A_46 : vector<16xf32>
      %mul3A_48 = arith.constant 2.000000e-01 : f32
      %mul3A_49 = vector.broadcast %mul3A_48 : f32 to vector<16xf32>
      %mul3A_50 = arith.mulf %add3A_45, %mul3A_49 : vector<16xf32>
      %select_n3A = arith.select %ge3A_47, %add3A_45, %mul3A_50 : vector<16xi1>, vector<16xf32>
      %exp3A = math.exp %select_n3A : vector<16xf32>
      %swap3A = arith.index_cast %scan3A_37 : i32 to index
      %swap3A_51 = arith.constant 128 : index
      %swap3A_52 = tpu.vector_load %arg25[%swap3A, %swap3A_51] {strides = array<i32>} : memref<80x144xf32, #tpu.memory_space<vmem>>, vector<1x16xf32>,
      %swap3A_53 = vector.shape_cast %swap3A_52 : vector<1x16xf32> to vector<16xf32>
      %swap3A_54 = vector.shape_cast %exp3A : vector<16xf32> to vector<1x16xf32>
      tpu.vector_store %arg25[%swap3A, %swap3A_51], %swap3A_54 {strides = array<i32>} : memref<80x144xf32, #tpu.memory_space<vmem>>, vector<1x16xf32>,
      %slice3A = vector.extract_strided_slice %exp3A {offsets = [0], sizes = [1], strides = [1]} : vector<16xf32> to vector<1xf32>
      %squeeze3A = vector.extract %slice3A[0] : f32 from vector<1xf32>
      %get3A_55 = arith.index_cast %scan3A_37 : i32 to index
      %get3A_56 = arith.constant 0 : index
      %get3A_57 = tpu.vector_load %arg11[%get3A_55, %get3A_56] {strides = array<i32>} : memref<80x144xf32, #tpu.memory_space<vmem>>, vector<1x16xf32>,
      %get3A_58 = vector.shape_cast %get3A_57 : vector<1x16xf32> to vector<16xf32>
      %mul3A_59 = vector.broadcast %squeeze3A : f32 to vector<16xf32>
      %mul3A_60 = arith.mulf %get3A_58, %mul3A_59 : vector<16xf32>
      %swap3A_61 = arith.index_cast %scan3A_37 : i32 to index
      %swap3A_62 = arith.constant 0 : index
      %swap3A_63 = tpu.vector_load %arg25[%swap3A_61, %swap3A_62] {strides = array<i32>} : memref<80x144xf32, #tpu.memory_space<vmem>>, vector<1x16xf32>,
      %swap3A_64 = vector.shape_cast %swap3A_63 : vector<1x16xf32> to vector<16xf32>
      %swap3A_65 = vector.shape_cast %mul3A_60 : vector<16xf32> to vector<1x16xf32>
      tpu.vector_store %arg25[%swap3A_61, %swap3A_62], %swap3A_65 {strides = array<i32>} : memref<80x144xf32, #tpu.memory_space<vmem>>, vector<1x16xf32>,
      %slice3A_66 = vector.extract_strided_slice %exp3A {offsets = [0], sizes = [1], strides = [1]} : vector<16xf32> to vector<1xf32>
      %squeeze3A_67 = vector.extract %slice3A_66[0] : f32 from vector<1xf32>
      %get3A_68 = arith.index_cast %scan3A_37 : i32 to index
      %get3A_69 = arith.constant 16 : index
      %get3A_70 = tpu.vector_load %arg11[%get3A_68, %get3A_69] {strides = array<i32>} : memref<80x144xf32, #tpu.memory_space<vmem>>, vector<1x16xf32>,
      %get3A_71 = vector.shape_cast %get3A_70 : vector<1x16xf32> to vector<16xf32>
      %mul3A_72 = vector.broadcast %squeeze3A_67 : f32 to vector<16xf32>
      %mul3A_73 = arith.mulf %get3A_71, %mul3A_72 : vector<16xf32>
      %swap3A_74 = arith.index_cast %scan3A_37 : i32 to index
      %swap3A_75 = arith.constant 16 : index
      %swap3A_76 = tpu.vector_load %arg25[%swap3A_74, %swap3A_75] {strides = array<i32>} : memref<80x144xf32, #tpu.memory_space<vmem>>, vector<1x16xf32>,
      %swap3A_77 = vector.shape_cast %swap3A_76 : vector<1x16xf32> to vector<16xf32>
      %swap3A_78 = vector.shape_cast %mul3A_73 : vector<16xf32> to vector<1x16xf32>
      tpu.vector_store %arg25[%swap3A_74, %swap3A_75], %swap3A_78 {strides = array<i32>} : memref<80x144xf32, #tpu.memory_space<vmem>>, vector<1x16xf32>,
      %slice3A_79 = vector.extract_strided_slice %exp3A {offsets = [1], sizes = [1], strides = [1]} : vector<16xf32> to vector<1xf32>
      %squeeze3A_80 = vector.extract %slice3A_79[0] : f32 from vector<1xf32>
      %get3A_81 = arith.index_cast %scan3A_37 : i32 to index
      %get3A_82 = arith.constant 32 : index
      %get3A_83 = tpu.vector_load %arg11[%get3A_81, %get3A_82] {strides = array<i32>} : memref<80x144xf32, #tpu.memory_space<vmem>>, vector<1x16xf32>,
      %get3A_84 = vector.shape_cast %get3A_83 : vector<1x16xf32> to vector<16xf32>
      %mul3A_85 = vector.broadcast %squeeze3A_80 : f32 to vector<16xf32>
      %mul3A_86 = arith.mulf %get3A_84, %mul3A_85 : vector<16xf32>
      %swap3A_87 = arith.index_cast %scan3A_37 : i32 to index
      %swap3A_88 = arith.constant 32 : index
      %swap3A_89 = tpu.vector_load %arg25[%swap3A_87, %swap3A_88] {strides = array<i32>} : memref<80x144xf32, #tpu.memory_space<vmem>>, vector<1x16xf32>,
      %swap3A_90 = vector.shape_cast %swap3A_89 : vector<1x16xf32> to vector<16xf32>
      %swap3A_91 = vector.shape_cast %mul3A_86 : vector<16xf32> to vector<1x16xf32>
      tpu.vector_store %arg25[%swap3A_87, %swap3A_88], %swap3A_91 {strides = array<i32>} : memref<80x144xf32, #tpu.memory_space<vmem>>, vector<1x16xf32>,
      %slice3A_92 = vector.extract_strided_slice %exp3A {offsets = [1], sizes = [1], strides = [1]} : vector<16xf32> to vector<1xf32>
      %squeeze3A_93 = vector.extract %slice3A_92[0] : f32 from vector<1xf32>
      %get3A_94 = arith.index_cast %scan3A_37 : i32 to index
      %get3A_95 = arith.constant 48 : index
      %get3A_96 = tpu.vector_load %arg11[%get3A_94, %get3A_95] {strides = array<i32>} : memref<80x144xf32, #tpu.memory_space<vmem>>, vector<1x16xf32>,
      %get3A_97 = vector.shape_cast %get3A_96 : vector<1x16xf32> to vector<16xf32>
      %mul3A_98 = vector.broadcast %squeeze3A_93 : f32 to vector<16xf32>
      %mul3A_99 = arith.mulf %get3A_97, %mul3A_98 : vector<16xf32>
      %swap3A_100 = arith.index_cast %scan3A_37 : i32 to index
      %swap3A_101 = arith.constant 48 : index
      %swap3A_102 = tpu.vector_load %arg25[%swap3A_100, %swap3A_101] {strides = array<i32>} : memref<80x144xf32, #tpu.memory_space<vmem>>, vector<1x16xf32>,
      %swap3A_103 = vector.shape_cast %swap3A_102 : vector<1x16xf32> to vector<16xf32>
      %swap3A_104 = vector.shape_cast %mul3A_99 : vector<16xf32> to vector<1x16xf32>
      tpu.vector_store %arg25[%swap3A_100, %swap3A_101], %swap3A_104 {strides = array<i32>} : memref<80x144xf32, #tpu.memory_space<vmem>>, vector<1x16xf32>,
      %slice3A_105 = vector.extract_strided_slice %exp3A {offsets = [2], sizes = [1], strides = [1]} : vector<16xf32> to vector<1xf32>
      %squeeze3A_106 = vector.extract %slice3A_105[0] : f32 from vector<1xf32>
      %get3A_107 = arith.index_cast %scan3A_37 : i32 to index
      %get3A_108 = arith.constant 64 : index
      %get3A_109 = tpu.vector_load %arg11[%get3A_107, %get3A_108] {strides = array<i32>} : memref<80x144xf32, #tpu.memory_space<vmem>>, vector<1x16xf32>,
      %get3A_110 = vector.shape_cast %get3A_109 : vector<1x16xf32> to vector<16xf32>
      %mul3A_111 = vector.broadcast %squeeze3A_106 : f32 to vector<16xf32>
      %mul3A_112 = arith.mulf %get3A_110, %mul3A_111 : vector<16xf32>
      %swap3A_113 = arith.index_cast %scan3A_37 : i32 to index
      %swap3A_114 = arith.constant 64 : index
      %swap3A_115 = tpu.vector_load %arg25[%swap3A_113, %swap3A_114] {strides = array<i32>} : memref<80x144xf32, #tpu.memory_space<vmem>>, vector<1x16xf32>,
      %swap3A_116 = vector.shape_cast %swap3A_115 : vector<1x16xf32> to vector<16xf32>
      %swap3A_117 = vector.shape_cast %mul3A_112 : vector<16xf32> to vector<1x16xf32>
      tpu.vector_store %arg25[%swap3A_113, %swap3A_114], %swap3A_117 {strides = array<i32>} : memref<80x144xf32, #tpu.memory_space<vmem>>, vector<1x16xf32>,
      %slice3A_118 = vector.extract_strided_slice %exp3A {offsets = [2], sizes = [1], strides = [1]} : vector<16xf32> to vector<1xf32>
      %squeeze3A_119 = vector.extract %slice3A_118[0] : f32 from vector<1xf32>
      %get3A_120 = arith.index_cast %scan3A_37 : i32 to index
      %get3A_121 = arith.constant 80 : index
      %get3A_122 = tpu.vector_load %arg11[%get3A_120, %get3A_121] {strides = array<i32>} : memref<80x144xf32, #tpu.memory_space<vmem>>, vector<1x16xf32>,
      %get3A_123 = vector.shape_cast %get3A_122 : vector<1x16xf32> to vector<16xf32>
      %mul3A_124 = vector.broadcast %squeeze3A_119 : f32 to vector<16xf32>
      %mul3A_125 = arith.mulf %get3A_123, %mul3A_124 : vector<16xf32>
      %swap3A_126 = arith.index_cast %scan3A_37 : i32 to index
      %swap3A_127 = arith.constant 80 : index
      %swap3A_128 = tpu.vector_load %arg25[%swap3A_126, %swap3A_127] {strides = array<i32>} : memref<80x144xf32, #tpu.memory_space<vmem>>, vector<1x16xf32>,
      %swap3A_129 = vector.shape_cast %swap3A_128 : vector<1x16xf32> to vector<16xf32>
      %swap3A_130 = vector.shape_cast %mul3A_125 : vector<16xf32> to vector<1x16xf32>
      tpu.vector_store %arg25[%swap3A_126, %swap3A_127], %swap3A_130 {strides = array<i32>} : memref<80x144xf32, #tpu.memory_space<vmem>>, vector<1x16xf32>,
      %slice3A_131 = vector.extract_strided_slice %exp3A {offsets = [3], sizes = [1], strides = [1]} : vector<16xf32> to vector<1xf32>
      %squeeze3A_132 = vector.extract %slice3A_131[0] : f32 from vector<1xf32>
      %get3A_133 = arith.index_cast %scan3A_37 : i32 to index
      %get3A_134 = arith.constant 96 : index
      %get3A_135 = tpu.vector_load %arg11[%get3A_133, %get3A_134] {strides = array<i32>} : memref<80x144xf32, #tpu.memory_space<vmem>>, vector<1x16xf32>,
      %get3A_136 = vector.shape_cast %get3A_135 : vector<1x16xf32> to vector<16xf32>
      %mul3A_137 = vector.broadcast %squeeze3A_132 : f32 to vector<16xf32>
      %mul3A_138 = arith.mulf %get3A_136, %mul3A_137 : vector<16xf32>
      %swap3A_139 = arith.index_cast %scan3A_37 : i32 to index
      %swap3A_140 = arith.constant 96 : index
      %swap3A_141 = tpu.vector_load %arg25[%swap3A_139, %swap3A_140] {strides = array<i32>} : memref<80x144xf32, #tpu.memory_space<vmem>>, vector<1x16xf32>,
      %swap3A_142 = vector.shape_cast %swap3A_141 : vector<1x16xf32> to vector<16xf32>
      %swap3A_143 = vector.shape_cast %mul3A_138 : vector<16xf32> to vector<1x16xf32>
      tpu.vector_store %arg25[%swap3A_139, %swap3A_140], %swap3A_143 {strides = array<i32>} : memref<80x144xf32, #tpu.memory_space<vmem>>, vector<1x16xf32>,
      %slice3A_144 = vector.extract_strided_slice %exp3A {offsets = [3], sizes = [1], strides = [1]} : vector<16xf32> to vector<1xf32>
      %squeeze3A_145 = vector.extract %slice3A_144[0] : f32 from vector<1xf32>
      %get3A_146 = arith.index_cast %scan3A_37 : i32 to index
      %get3A_147 = arith.constant 112 : index
      %get3A_148 = tpu.vector_load %arg11[%get3A_146, %get3A_147] {strides = array<i32>} : memref<80x144xf32, #tpu.memory_space<vmem>>, vector<1x16xf32>,
      %get3A_149 = vector.shape_cast %get3A_148 : vector<1x16xf32> to vector<16xf32>
      %mul3A_150 = vector.broadcast %squeeze3A_145 : f32 to vector<16xf32>
      %mul3A_151 = arith.mulf %get3A_149, %mul3A_150 : vector<16xf32>
      %swap3A_152 = arith.index_cast %scan3A_37 : i32 to index
      %swap3A_153 = arith.constant 112 : index
      %swap3A_154 = tpu.vector_load %arg25[%swap3A_152, %swap3A_153] {strides = array<i32>} : memref<80x144xf32, #tpu.memory_space<vmem>>, vector<1x16xf32>,
      %swap3A_155 = vector.shape_cast %swap3A_154 : vector<1x16xf32> to vector<16xf32>
      %swap3A_156 = vector.shape_cast %mul3A_151 : vector<16xf32> to vector<1x16xf32>
      tpu.vector_store %arg25[%swap3A_152, %swap3A_153], %swap3A_156 {strides = array<i32>} : memref<80x144xf32, #tpu.memory_space<vmem>>, vector<1x16xf32>,
    }
    %scan3A_35 = arith.constant 80 : i32
    "tpu.region"() ({
      %run_scoped3A = tpu.sem_alloc : memref<!tpu.dma_semaphore, #tpu.memory_space<semaphore_mem>>
      %dma_start3A_37 = arith.constant 0 : i32
      %dma_start3A_38 = arith.constant 0 : i32
      %dma_start3A_39 = tpu.memref_slice %arg8[%dma_start3A_37, %dma_start3A_38] : memref<10240x144xf32, #tpu.memory_space<vmem_shared>> -> memref<10240x144xf32, #tpu.memory_space<vmem_shared>>
      tpu.enqueue_indirect_dma source(%arg25 : memref<80x144xf32, #tpu.memory_space<vmem>>) target(%dma_start3A_39 : memref<10240x144xf32, #tpu.memory_space<vmem_shared>>) offsets(%arg10 : memref<80xi32, #tpu.memory_space<vmem>>) semaphore(%run_scoped3A : memref<!tpu.dma_semaphore, #tpu.memory_space<semaphore_mem>>) {add = true}
      %dma_wait3A_40 = arith.constant 0 : i32
      %dma_wait3A_41 = arith.constant 0 : i32
      %dma_wait3A_42 = tpu.memref_slice %arg8[%dma_wait3A_40, %dma_wait3A_41] : memref<10240x144xf32, #tpu.memory_space<vmem_shared>> -> memref<10240x144xf32, #tpu.memory_space<vmem_shared>>
      tpu.wait_indirect_dma semaphore(%run_scoped3A : memref<!tpu.dma_semaphore, #tpu.memory_space<semaphore_mem>>) src(%arg25 : memref<80x144xf32, #tpu.memory_space<vmem>>) dst(%dma_wait3A_42 : memref<10240x144xf32, #tpu.memory_space<vmem_shared>>)
      tpu.yield
    }) : () -> ()
    %barrier3A_36 = arith.constant 0 : index
    tpu.barrier barrier_id(%barrier3A_36)
    "tpu.region"() ({
      %run_scoped3A = tpu.sem_alloc : memref<!tpu.dma_semaphore, #tpu.memory_space<semaphore_mem>>
      %dma_start3A_37 = arith.constant 0 : i32
      %dma_start3A_38 = tpu.memref_slice %arg7[%arg0, %mul3A_2, %dma_start3A_37] : memref<2x10240x144xf32, #tpu.memory_space<hbm>> -> memref<1x640x144xf32, #tpu.memory_space<hbm>>
      %dma_start3A_39 = tpu.memref_squeeze %dma_start3A_38 : memref<1x640x144xf32, #tpu.memory_space<hbm>> -> memref<640x144xf32, #tpu.memory_space<hbm>>
      %dma_start3A_40 = arith.constant 0 : i32
      %dma_start3A_41 = tpu.memref_slice %arg8[%mul3A_2, %dma_start3A_40] : memref<10240x144xf32, #tpu.memory_space<vmem_shared>> -> memref<640x144xf32, #tpu.memory_space<vmem_shared>>
      tpu.enqueue_dma source(%dma_start3A_41 : memref<640x144xf32, #tpu.memory_space<vmem_shared>>) target(%dma_start3A_39 : memref<640x144xf32, #tpu.memory_space<hbm>>) target_semaphore(%run_scoped3A : memref<!tpu.dma_semaphore, #tpu.memory_space<semaphore_mem>>)
      %dma_wait3A_42 = arith.constant 0 : i32
      %dma_wait3A_43 = tpu.memref_slice %arg7[%arg0, %mul3A_2, %dma_wait3A_42] : memref<2x10240x144xf32, #tpu.memory_space<hbm>> -> memref<1x640x144xf32, #tpu.memory_space<hbm>>
      %dma_wait3A_44 = tpu.memref_squeeze %dma_wait3A_43 : memref<1x640x144xf32, #tpu.memory_space<hbm>> -> memref<640x144xf32, #tpu.memory_space<hbm>>
      %dma_wait3A_45 = arith.constant 0 : i32
      %dma_wait3A_46 = tpu.memref_slice %arg8[%mul3A_2, %dma_wait3A_45] : memref<10240x144xf32, #tpu.memory_space<vmem_shared>> -> memref<640x144xf32, #tpu.memory_space<vmem_shared>>
      tpu.wait_dma2 semaphore(%run_scoped3A : memref<!tpu.dma_semaphore, #tpu.memory_space<semaphore_mem>>) src(%dma_wait3A_46 : memref<640x144xf32, #tpu.memory_space<vmem_shared>>) dst(%dma_wait3A_44 : memref<640x144xf32, #tpu.memory_space<hbm>>)
      tpu.yield
    }) : () -> ()
    return
  }
}

#map = affine_map<(d0, d1) -> (0, 0)>
#map1 = affine_map<(d0, d1) -> (0)>
#map2 = affine_map<(d0, d1) -> (0, 0, 0)>
module attributes {stable_mosaic.version = 14 : i64} {
  func.func @edge_kernel(%arg0: i32, %arg1: i32, %arg2: memref<10000x144xf32, #tpu.memory_space<hbm>>, %arg3: memref<10000x16xf32, #tpu.memory_space<hbm>>, %arg4: memref<320000xi32, #tpu.memory_space<hbm>>, %arg5: memref<320000xi32, #tpu.memory_space<hbm>>, %arg6: memref<10240x144xf32, #tpu.memory_space<hbm>>, %arg7: memref<2x10240x144xf32, #tpu.memory_space<hbm>>, %arg8: memref<10240x144xf32, #tpu.memory_space<vmem_shared>>, %arg9: memref<80xi32, #tpu.memory_space<vmem>>, %arg10: memref<80xi32, #tpu.memory_space<vmem>>, %arg11: memref<80x144xf32, #tpu.memory_space<vmem>>, %arg12: memref<80x16xf32, #tpu.memory_space<vmem>>, %arg13: memref<!tpu.dma_semaphore, #tpu.memory_space<semaphore_mem>>, %arg14: memref<!tpu.dma_semaphore, #tpu.memory_space<semaphore_mem>>, %arg15: memref<!tpu.dma_semaphore, #tpu.memory_space<semaphore_mem>>, %arg16: memref<!tpu.dma_semaphore, #tpu.memory_space<semaphore_mem>>, %arg17: memref<80xi32, #tpu.memory_space<vmem>>, %arg18: memref<80xi32, #tpu.memory_space<vmem>>, %arg19: memref<80x144xf32, #tpu.memory_space<vmem>>, %arg20: memref<80x16xf32, #tpu.memory_space<vmem>>, %arg21: memref<!tpu.dma_semaphore, #tpu.memory_space<semaphore_mem>>, %arg22: memref<!tpu.dma_semaphore, #tpu.memory_space<semaphore_mem>>, %arg23: memref<!tpu.dma_semaphore, #tpu.memory_space<semaphore_mem>>, %arg24: memref<!tpu.dma_semaphore, #tpu.memory_space<semaphore_mem>>, %arg25: memref<80x144xf32, #tpu.memory_space<vmem>>) attributes {dimension_semantics = [#tpu.dimension_semantics<core_parallel>, #tpu.dimension_semantics<subcore_parallel>], iteration_bounds = array<i64: 2, 16>, scalar_prefetch = 0 : i64, scratch_operands = 18 : i64, tpu.core_type = #tpu.core_type<sc_vector_subcore>, window_params = [{transform_indices = #map}, {transform_indices = #map}, {transform_indices = #map1}, {transform_indices = #map1}, {transform_indices = #map}, {transform_indices = #map2}]} {
    %mul3A = arith.constant 2 : i32
    %mul3A_0 = arith.muli %arg1, %mul3A : i32
    %add3A = arith.addi %mul3A_0, %arg0 : i32
    %mul3A_1 = arith.constant 640 : i32
    %mul3A_2 = arith.muli %arg1, %mul3A_1 : i32
    "tpu.region"() ({
      %run_scoped3A = tpu.sem_alloc : memref<!tpu.dma_semaphore, #tpu.memory_space<semaphore_mem>>
      %dma_start3A_37 = arith.constant 0 : i32
      %dma_start3A_38 = tpu.memref_slice %arg8[%mul3A_2, %dma_start3A_37] : memref<10240x144xf32, #tpu.memory_space<vmem_shared>> -> memref<640x144xf32, #tpu.memory_space<vmem_shared>>
      %dma_start3A_39 = arith.constant 0 : i32
      %dma_start3A_40 = tpu.memref_slice %arg6[%mul3A_2, %dma_start3A_39] : memref<10240x144xf32, #tpu.memory_space<hbm>> -> memref<640x144xf32, #tpu.memory_space<hbm>>
      tpu.enqueue_dma source(%dma_start3A_40 : memref<640x144xf32, #tpu.memory_space<hbm>>) target(%dma_start3A_38 : memref<640x144xf32, #tpu.memory_space<vmem_shared>>) target_semaphore(%run_scoped3A : memref<!tpu.dma_semaphore, #tpu.memory_space<semaphore_mem>>)
      %dma_wait3A_41 = arith.constant 0 : i32
      %dma_wait3A_42 = tpu.memref_slice %arg8[%mul3A_2, %dma_wait3A_41] : memref<10240x144xf32, #tpu.memory_space<vmem_shared>> -> memref<640x144xf32, #tpu.memory_space<vmem_shared>>
      %dma_wait3A_43 = arith.constant 0 : i32
      %dma_wait3A_44 = tpu.memref_slice %arg6[%mul3A_2, %dma_wait3A_43] : memref<10240x144xf32, #tpu.memory_space<hbm>> -> memref<640x144xf32, #tpu.memory_space<hbm>>
      tpu.wait_dma2 semaphore(%run_scoped3A : memref<!tpu.dma_semaphore, #tpu.memory_space<semaphore_mem>>) src(%dma_wait3A_44 : memref<640x144xf32, #tpu.memory_space<hbm>>) dst(%dma_wait3A_42 : memref<640x144xf32, #tpu.memory_space<vmem_shared>>)
      tpu.yield
    }) : () -> ()
    %barrier3A = arith.constant 0 : index
    tpu.barrier barrier_id(%barrier3A)
    %mul3A_3 = arith.constant 10000 : i32
    %mul3A_4 = arith.muli %add3A, %mul3A_3 : i32
    %iota3A = tpu.iota {dimensions = array<i32: 0>} : vector<16xi32>
    %add3A_5 = arith.constant 0 : i32
    %add3A_6 = arith.addi %mul3A_4, %add3A_5 : i32
    %dma_start3A = tpu.memref_slice %arg4[%add3A_6] : memref<320000xi32, #tpu.memory_space<hbm>> -> memref<80xi32, #tpu.memory_space<hbm>>
    %dma_start3A_7 = tpu.memref_slice %arg4[%add3A_6] : memref<320000xi32, #tpu.memory_space<hbm>> -> memref<80xi32, #tpu.memory_space<hbm>>
    tpu.enqueue_dma source(%dma_start3A_7 : memref<80xi32, #tpu.memory_space<hbm>>) target(%arg9 : memref<80xi32, #tpu.memory_space<vmem>>) target_semaphore(%arg15 : memref<!tpu.dma_semaphore, #tpu.memory_space<semaphore_mem>>)
    %dma_start3A_8 = tpu.memref_slice %arg5[%add3A_6] : memref<320000xi32, #tpu.memory_space<hbm>> -> memref<80xi32, #tpu.memory_space<hbm>>
    %dma_start3A_9 = tpu.memref_slice %arg5[%add3A_6] : memref<320000xi32, #tpu.memory_space<hbm>> -> memref<80xi32, #tpu.memory_space<hbm>>
    tpu.enqueue_dma source(%dma_start3A_9 : memref<80xi32, #tpu.memory_space<hbm>>) target(%arg10 : memref<80xi32, #tpu.memory_space<vmem>>) target_semaphore(%arg16 : memref<!tpu.dma_semaphore, #tpu.memory_space<semaphore_mem>>)
    %dma_wait3A = tpu.memref_slice %arg4[%add3A_6] : memref<320000xi32, #tpu.memory_space<hbm>> -> memref<80xi32, #tpu.memory_space<hbm>>
    %dma_wait3A_10 = tpu.memref_slice %arg4[%add3A_6] : memref<320000xi32, #tpu.memory_space<hbm>> -> memref<80xi32, #tpu.memory_space<hbm>>
    tpu.wait_dma2 semaphore(%arg15 : memref<!tpu.dma_semaphore, #tpu.memory_space<semaphore_mem>>) src(%dma_wait3A_10 : memref<80xi32, #tpu.memory_space<hbm>>) dst(%arg9 : memref<80xi32, #tpu.memory_space<vmem>>)
    %dma_wait3A_11 = tpu.memref_slice %arg5[%add3A_6] : memref<320000xi32, #tpu.memory_space<hbm>> -> memref<80xi32, #tpu.memory_space<hbm>>
    %dma_wait3A_12 = tpu.memref_slice %arg5[%add3A_6] : memref<320000xi32, #tpu.memory_space<hbm>> -> memref<80xi32, #tpu.memory_space<hbm>>
    tpu.wait_dma2 semaphore(%arg16 : memref<!tpu.dma_semaphore, #tpu.memory_space<semaphore_mem>>) src(%dma_wait3A_12 : memref<80xi32, #tpu.memory_space<hbm>>) dst(%arg10 : memref<80xi32, #tpu.memory_space<vmem>>)
    %dma_start3A_13 = arith.constant 0 : i32
    %dma_start3A_14 = arith.constant 0 : i32
    %dma_start3A_15 = tpu.memref_slice %arg2[%dma_start3A_13, %dma_start3A_14] : memref<10000x144xf32, #tpu.memory_space<hbm>> -> memref<10000x144xf32, #tpu.memory_space<hbm>>
    tpu.enqueue_indirect_dma source(%dma_start3A_15 : memref<10000x144xf32, #tpu.memory_space<hbm>>) target(%arg11 : memref<80x144xf32, #tpu.memory_space<vmem>>) offsets(%arg9 : memref<80xi32, #tpu.memory_space<vmem>>) semaphore(%arg13 : memref<!tpu.dma_semaphore, #tpu.memory_space<semaphore_mem>>)
    %dma_start3A_16 = arith.constant 0 : i32
    %dma_start3A_17 = arith.constant 0 : i32
    %dma_start3A_18 = tpu.memref_slice %arg3[%dma_start3A_16, %dma_start3A_17] : memref<10000x16xf32, #tpu.memory_space<hbm>> -> memref<10000x16xf32, #tpu.memory_space<hbm>>
    tpu.enqueue_indirect_dma source(%dma_start3A_18 : memref<10000x16xf32, #tpu.memory_space<hbm>>) target(%arg12 : memref<80x16xf32, #tpu.memory_space<vmem>>) offsets(%arg10 : memref<80xi32, #tpu.memory_space<vmem>>) semaphore(%arg14 : memref<!tpu.dma_semaphore, #tpu.memory_space<semaphore_mem>>)
    %scan3A = arith.constant 0 : i32
    %scan3A_19 = arith.constant 0 : i32
    %scan3A_20 = arith.constant 62 : i32
    %scan3A_21 = arith.addi %scan3A_19, %scan3A_20 : i32
    %scan3A_22 = arith.constant 1 : i32
    scf.for %scan3A_37 = %scan3A_19 to %scan3A_21 step %scan3A_22  : i32 {
      %mul3A_38 = arith.constant 2 : i32
      %mul3A_39 = arith.muli %mul3A_38, %scan3A_37 : i32
      %add3A_40 = arith.constant 1 : i32
      %add3A_41 = arith.addi %mul3A_39, %add3A_40 : i32
      %mul3A_42 = arith.constant 80 : i32
      %mul3A_43 = arith.muli %add3A_41, %mul3A_42 : i32
      %add3A_44 = arith.addi %mul3A_4, %mul3A_43 : i32
      %dma_start3A_45 = tpu.memref_slice %arg4[%add3A_44] : memref<320000xi32, #tpu.memory_space<hbm>> -> memref<80xi32, #tpu.memory_space<hbm>>
      %dma_start3A_46 = tpu.memref_slice %arg4[%add3A_44] : memref<320000xi32, #tpu.memory_space<hbm>> -> memref<80xi32, #tpu.memory_space<hbm>>
      tpu.enqueue_dma source(%dma_start3A_46 : memref<80xi32, #tpu.memory_space<hbm>>) target(%arg17 : memref<80xi32, #tpu.memory_space<vmem>>) target_semaphore(%arg23 : memref<!tpu.dma_semaphore, #tpu.memory_space<semaphore_mem>>)
      %dma_start3A_47 = tpu.memref_slice %arg5[%add3A_44] : memref<320000xi32, #tpu.memory_space<hbm>> -> memref<80xi32, #tpu.memory_space<hbm>>
      %dma_start3A_48 = tpu.memref_slice %arg5[%add3A_44] : memref<320000xi32, #tpu.memory_space<hbm>> -> memref<80xi32, #tpu.memory_space<hbm>>
      tpu.enqueue_dma source(%dma_start3A_48 : memref<80xi32, #tpu.memory_space<hbm>>) target(%arg18 : memref<80xi32, #tpu.memory_space<vmem>>) target_semaphore(%arg24 : memref<!tpu.dma_semaphore, #tpu.memory_space<semaphore_mem>>)
      %dma_wait3A_49 = tpu.memref_slice %arg4[%add3A_44] : memref<320000xi32, #tpu.memory_space<hbm>> -> memref<80xi32, #tpu.memory_space<hbm>>
      %dma_wait3A_50 = tpu.memref_slice %arg4[%add3A_44] : memref<320000xi32, #tpu.memory_space<hbm>> -> memref<80xi32, #tpu.memory_space<hbm>>
      tpu.wait_dma2 semaphore(%arg23 : memref<!tpu.dma_semaphore, #tpu.memory_space<semaphore_mem>>) src(%dma_wait3A_50 : memref<80xi32, #tpu.memory_space<hbm>>) dst(%arg17 : memref<80xi32, #tpu.memory_space<vmem>>)
      %dma_wait3A_51 = tpu.memref_slice %arg5[%add3A_44] : memref<320000xi32, #tpu.memory_space<hbm>> -> memref<80xi32, #tpu.memory_space<hbm>>
      %dma_wait3A_52 = tpu.memref_slice %arg5[%add3A_44] : memref<320000xi32, #tpu.memory_space<hbm>> -> memref<80xi32, #tpu.memory_space<hbm>>
      tpu.wait_dma2 semaphore(%arg24 : memref<!tpu.dma_semaphore, #tpu.memory_space<semaphore_mem>>) src(%dma_wait3A_52 : memref<80xi32, #tpu.memory_space<hbm>>) dst(%arg18 : memref<80xi32, #tpu.memory_space<vmem>>)
      %dma_start3A_53 = arith.constant 0 : i32
      %dma_start3A_54 = arith.constant 0 : i32
      %dma_start3A_55 = tpu.memref_slice %arg2[%dma_start3A_53, %dma_start3A_54] : memref<10000x144xf32, #tpu.memory_space<hbm>> -> memref<10000x144xf32, #tpu.memory_space<hbm>>
      tpu.enqueue_indirect_dma source(%dma_start3A_55 : memref<10000x144xf32, #tpu.memory_space<hbm>>) target(%arg19 : memref<80x144xf32, #tpu.memory_space<vmem>>) offsets(%arg17 : memref<80xi32, #tpu.memory_space<vmem>>) semaphore(%arg21 : memref<!tpu.dma_semaphore, #tpu.memory_space<semaphore_mem>>)
      %dma_start3A_56 = arith.constant 0 : i32
      %dma_start3A_57 = arith.constant 0 : i32
      %dma_start3A_58 = tpu.memref_slice %arg3[%dma_start3A_56, %dma_start3A_57] : memref<10000x16xf32, #tpu.memory_space<hbm>> -> memref<10000x16xf32, #tpu.memory_space<hbm>>
      tpu.enqueue_indirect_dma source(%dma_start3A_58 : memref<10000x16xf32, #tpu.memory_space<hbm>>) target(%arg20 : memref<80x16xf32, #tpu.memory_space<vmem>>) offsets(%arg18 : memref<80xi32, #tpu.memory_space<vmem>>) semaphore(%arg22 : memref<!tpu.dma_semaphore, #tpu.memory_space<semaphore_mem>>)
      %dma_wait3A_59 = arith.constant 0 : i32
      %dma_wait3A_60 = arith.constant 0 : i32
      %dma_wait3A_61 = tpu.memref_slice %arg2[%dma_wait3A_59, %dma_wait3A_60] : memref<10000x144xf32, #tpu.memory_space<hbm>> -> memref<10000x144xf32, #tpu.memory_space<hbm>>
      tpu.wait_indirect_dma semaphore(%arg13 : memref<!tpu.dma_semaphore, #tpu.memory_space<semaphore_mem>>) src(%dma_wait3A_61 : memref<10000x144xf32, #tpu.memory_space<hbm>>) dst(%arg11 : memref<80x144xf32, #tpu.memory_space<vmem>>)
      %dma_wait3A_62 = arith.constant 0 : i32
      %dma_wait3A_63 = arith.constant 0 : i32
      %dma_wait3A_64 = tpu.memref_slice %arg3[%dma_wait3A_62, %dma_wait3A_63] : memref<10000x16xf32, #tpu.memory_space<hbm>> -> memref<10000x16xf32, #tpu.memory_space<hbm>>
      tpu.wait_indirect_dma semaphore(%arg14 : memref<!tpu.dma_semaphore, #tpu.memory_space<semaphore_mem>>) src(%dma_wait3A_64 : memref<10000x16xf32, #tpu.memory_space<hbm>>) dst(%arg12 : memref<80x16xf32, #tpu.memory_space<vmem>>)
      %scan3A_65 = arith.constant 0 : i32
      %scan3A_66 = arith.constant 0 : i32
      %scan3A_67 = arith.constant 80 : i32
      %scan3A_68 = arith.addi %scan3A_66, %scan3A_67 : i32
      %scan3A_69 = arith.constant 1 : i32
      scf.for %scan3A_89 = %scan3A_66 to %scan3A_68 step %scan3A_69  : i32 {
        %get3A = arith.index_cast %scan3A_89 : i32 to index
        %get3A_90 = arith.constant 128 : index
        %get3A_91 = tpu.vector_load %arg11[%get3A, %get3A_90] {strides = array<i32>} : memref<80x144xf32, #tpu.memory_space<vmem>>, vector<1x16xf32>,
        %get3A_92 = vector.shape_cast %get3A_91 : vector<1x16xf32> to vector<16xf32>
        %get3A_93 = arith.index_cast %scan3A_89 : i32 to index
        %get3A_94 = arith.constant 0 : index
        %get3A_95 = tpu.vector_load %arg12[%get3A_93, %get3A_94] {strides = array<i32>} : memref<80x16xf32, #tpu.memory_space<vmem>>, vector<1x16xf32>,
        %get3A_96 = vector.shape_cast %get3A_95 : vector<1x16xf32> to vector<16xf32>
        %add3A_97 = arith.addf %get3A_92, %get3A_96 : vector<16xf32>
        %ge3A = arith.constant 0.000000e+00 : f32
        %ge3A_98 = vector.broadcast %ge3A : f32 to vector<16xf32>
        %ge3A_99 = arith.cmpf oge, %add3A_97, %ge3A_98 : vector<16xf32>
        %mul3A_100 = arith.constant 2.000000e-01 : f32
        %mul3A_101 = vector.broadcast %mul3A_100 : f32 to vector<16xf32>
        %mul3A_102 = arith.mulf %add3A_97, %mul3A_101 : vector<16xf32>
        %select_n3A = arith.select %ge3A_99, %add3A_97, %mul3A_102 : vector<16xi1>, vector<16xf32>
        %exp3A = math.exp %select_n3A : vector<16xf32>
        %swap3A = arith.index_cast %scan3A_89 : i32 to index
        %swap3A_103 = arith.constant 128 : index
        %swap3A_104 = tpu.vector_load %arg25[%swap3A, %swap3A_103] {strides = array<i32>} : memref<80x144xf32, #tpu.memory_space<vmem>>, vector<1x16xf32>,
        %swap3A_105 = vector.shape_cast %swap3A_104 : vector<1x16xf32> to vector<16xf32>
        %swap3A_106 = vector.shape_cast %exp3A : vector<16xf32> to vector<1x16xf32>
        tpu.vector_store %arg25[%swap3A, %swap3A_103], %swap3A_106 {strides = array<i32>} : memref<80x144xf32, #tpu.memory_space<vmem>>, vector<1x16xf32>,
        %slice3A = vector.extract_strided_slice %exp3A {offsets = [0], sizes = [1], strides = [1]} : vector<16xf32> to vector<1xf32>
        %squeeze3A = vector.extract %slice3A[0] : f32 from vector<1xf32>
        %get3A_107 = arith.index_cast %scan3A_89 : i32 to index
        %get3A_108 = arith.constant 0 : index
        %get3A_109 = tpu.vector_load %arg11[%get3A_107, %get3A_108] {strides = array<i32>} : memref<80x144xf32, #tpu.memory_space<vmem>>, vector<1x16xf32>,
        %get3A_110 = vector.shape_cast %get3A_109 : vector<1x16xf32> to vector<16xf32>
        %mul3A_111 = vector.broadcast %squeeze3A : f32 to vector<16xf32>
        %mul3A_112 = arith.mulf %get3A_110, %mul3A_111 : vector<16xf32>
        %swap3A_113 = arith.index_cast %scan3A_89 : i32 to index
        %swap3A_114 = arith.constant 0 : index
        %swap3A_115 = tpu.vector_load %arg25[%swap3A_113, %swap3A_114] {strides = array<i32>} : memref<80x144xf32, #tpu.memory_space<vmem>>, vector<1x16xf32>,
        %swap3A_116 = vector.shape_cast %swap3A_115 : vector<1x16xf32> to vector<16xf32>
        %swap3A_117 = vector.shape_cast %mul3A_112 : vector<16xf32> to vector<1x16xf32>
        tpu.vector_store %arg25[%swap3A_113, %swap3A_114], %swap3A_117 {strides = array<i32>} : memref<80x144xf32, #tpu.memory_space<vmem>>, vector<1x16xf32>,
        %slice3A_118 = vector.extract_strided_slice %exp3A {offsets = [0], sizes = [1], strides = [1]} : vector<16xf32> to vector<1xf32>
        %squeeze3A_119 = vector.extract %slice3A_118[0] : f32 from vector<1xf32>
        %get3A_120 = arith.index_cast %scan3A_89 : i32 to index
        %get3A_121 = arith.constant 16 : index
        %get3A_122 = tpu.vector_load %arg11[%get3A_120, %get3A_121] {strides = array<i32>} : memref<80x144xf32, #tpu.memory_space<vmem>>, vector<1x16xf32>,
        %get3A_123 = vector.shape_cast %get3A_122 : vector<1x16xf32> to vector<16xf32>
        %mul3A_124 = vector.broadcast %squeeze3A_119 : f32 to vector<16xf32>
        %mul3A_125 = arith.mulf %get3A_123, %mul3A_124 : vector<16xf32>
        %swap3A_126 = arith.index_cast %scan3A_89 : i32 to index
        %swap3A_127 = arith.constant 16 : index
        %swap3A_128 = tpu.vector_load %arg25[%swap3A_126, %swap3A_127] {strides = array<i32>} : memref<80x144xf32, #tpu.memory_space<vmem>>, vector<1x16xf32>,
        %swap3A_129 = vector.shape_cast %swap3A_128 : vector<1x16xf32> to vector<16xf32>
        %swap3A_130 = vector.shape_cast %mul3A_125 : vector<16xf32> to vector<1x16xf32>
        tpu.vector_store %arg25[%swap3A_126, %swap3A_127], %swap3A_130 {strides = array<i32>} : memref<80x144xf32, #tpu.memory_space<vmem>>, vector<1x16xf32>,
        %slice3A_131 = vector.extract_strided_slice %exp3A {offsets = [1], sizes = [1], strides = [1]} : vector<16xf32> to vector<1xf32>
        %squeeze3A_132 = vector.extract %slice3A_131[0] : f32 from vector<1xf32>
        %get3A_133 = arith.index_cast %scan3A_89 : i32 to index
        %get3A_134 = arith.constant 32 : index
        %get3A_135 = tpu.vector_load %arg11[%get3A_133, %get3A_134] {strides = array<i32>} : memref<80x144xf32, #tpu.memory_space<vmem>>, vector<1x16xf32>,
        %get3A_136 = vector.shape_cast %get3A_135 : vector<1x16xf32> to vector<16xf32>
        %mul3A_137 = vector.broadcast %squeeze3A_132 : f32 to vector<16xf32>
        %mul3A_138 = arith.mulf %get3A_136, %mul3A_137 : vector<16xf32>
        %swap3A_139 = arith.index_cast %scan3A_89 : i32 to index
        %swap3A_140 = arith.constant 32 : index
        %swap3A_141 = tpu.vector_load %arg25[%swap3A_139, %swap3A_140] {strides = array<i32>} : memref<80x144xf32, #tpu.memory_space<vmem>>, vector<1x16xf32>,
        %swap3A_142 = vector.shape_cast %swap3A_141 : vector<1x16xf32> to vector<16xf32>
        %swap3A_143 = vector.shape_cast %mul3A_138 : vector<16xf32> to vector<1x16xf32>
        tpu.vector_store %arg25[%swap3A_139, %swap3A_140], %swap3A_143 {strides = array<i32>} : memref<80x144xf32, #tpu.memory_space<vmem>>, vector<1x16xf32>,
        %slice3A_144 = vector.extract_strided_slice %exp3A {offsets = [1], sizes = [1], strides = [1]} : vector<16xf32> to vector<1xf32>
        %squeeze3A_145 = vector.extract %slice3A_144[0] : f32 from vector<1xf32>
        %get3A_146 = arith.index_cast %scan3A_89 : i32 to index
        %get3A_147 = arith.constant 48 : index
        %get3A_148 = tpu.vector_load %arg11[%get3A_146, %get3A_147] {strides = array<i32>} : memref<80x144xf32, #tpu.memory_space<vmem>>, vector<1x16xf32>,
        %get3A_149 = vector.shape_cast %get3A_148 : vector<1x16xf32> to vector<16xf32>
        %mul3A_150 = vector.broadcast %squeeze3A_145 : f32 to vector<16xf32>
        %mul3A_151 = arith.mulf %get3A_149, %mul3A_150 : vector<16xf32>
        %swap3A_152 = arith.index_cast %scan3A_89 : i32 to index
        %swap3A_153 = arith.constant 48 : index
        %swap3A_154 = tpu.vector_load %arg25[%swap3A_152, %swap3A_153] {strides = array<i32>} : memref<80x144xf32, #tpu.memory_space<vmem>>, vector<1x16xf32>,
        %swap3A_155 = vector.shape_cast %swap3A_154 : vector<1x16xf32> to vector<16xf32>
        %swap3A_156 = vector.shape_cast %mul3A_151 : vector<16xf32> to vector<1x16xf32>
        tpu.vector_store %arg25[%swap3A_152, %swap3A_153], %swap3A_156 {strides = array<i32>} : memref<80x144xf32, #tpu.memory_space<vmem>>, vector<1x16xf32>,
        %slice3A_157 = vector.extract_strided_slice %exp3A {offsets = [2], sizes = [1], strides = [1]} : vector<16xf32> to vector<1xf32>
        %squeeze3A_158 = vector.extract %slice3A_157[0] : f32 from vector<1xf32>
        %get3A_159 = arith.index_cast %scan3A_89 : i32 to index
        %get3A_160 = arith.constant 64 : index
        %get3A_161 = tpu.vector_load %arg11[%get3A_159, %get3A_160] {strides = array<i32>} : memref<80x144xf32, #tpu.memory_space<vmem>>, vector<1x16xf32>,
        %get3A_162 = vector.shape_cast %get3A_161 : vector<1x16xf32> to vector<16xf32>
        %mul3A_163 = vector.broadcast %squeeze3A_158 : f32 to vector<16xf32>
        %mul3A_164 = arith.mulf %get3A_162, %mul3A_163 : vector<16xf32>
        %swap3A_165 = arith.index_cast %scan3A_89 : i32 to index
        %swap3A_166 = arith.constant 64 : index
        %swap3A_167 = tpu.vector_load %arg25[%swap3A_165, %swap3A_166] {strides = array<i32>} : memref<80x144xf32, #tpu.memory_space<vmem>>, vector<1x16xf32>,
        %swap3A_168 = vector.shape_cast %swap3A_167 : vector<1x16xf32> to vector<16xf32>
        %swap3A_169 = vector.shape_cast %mul3A_164 : vector<16xf32> to vector<1x16xf32>
        tpu.vector_store %arg25[%swap3A_165, %swap3A_166], %swap3A_169 {strides = array<i32>} : memref<80x144xf32, #tpu.memory_space<vmem>>, vector<1x16xf32>,
        %slice3A_170 = vector.extract_strided_slice %exp3A {offsets = [2], sizes = [1], strides = [1]} : vector<16xf32> to vector<1xf32>
        %squeeze3A_171 = vector.extract %slice3A_170[0] : f32 from vector<1xf32>
        %get3A_172 = arith.index_cast %scan3A_89 : i32 to index
        %get3A_173 = arith.constant 80 : index
        %get3A_174 = tpu.vector_load %arg11[%get3A_172, %get3A_173] {strides = array<i32>} : memref<80x144xf32, #tpu.memory_space<vmem>>, vector<1x16xf32>,
        %get3A_175 = vector.shape_cast %get3A_174 : vector<1x16xf32> to vector<16xf32>
        %mul3A_176 = vector.broadcast %squeeze3A_171 : f32 to vector<16xf32>
        %mul3A_177 = arith.mulf %get3A_175, %mul3A_176 : vector<16xf32>
        %swap3A_178 = arith.index_cast %scan3A_89 : i32 to index
        %swap3A_179 = arith.constant 80 : index
        %swap3A_180 = tpu.vector_load %arg25[%swap3A_178, %swap3A_179] {strides = array<i32>} : memref<80x144xf32, #tpu.memory_space<vmem>>, vector<1x16xf32>,
        %swap3A_181 = vector.shape_cast %swap3A_180 : vector<1x16xf32> to vector<16xf32>
        %swap3A_182 = vector.shape_cast %mul3A_177 : vector<16xf32> to vector<1x16xf32>
        tpu.vector_store %arg25[%swap3A_178, %swap3A_179], %swap3A_182 {strides = array<i32>} : memref<80x144xf32, #tpu.memory_space<vmem>>, vector<1x16xf32>,
        %slice3A_183 = vector.extract_strided_slice %exp3A {offsets = [3], sizes = [1], strides = [1]} : vector<16xf32> to vector<1xf32>
        %squeeze3A_184 = vector.extract %slice3A_183[0] : f32 from vector<1xf32>
        %get3A_185 = arith.index_cast %scan3A_89 : i32 to index
        %get3A_186 = arith.constant 96 : index
        %get3A_187 = tpu.vector_load %arg11[%get3A_185, %get3A_186] {strides = array<i32>} : memref<80x144xf32, #tpu.memory_space<vmem>>, vector<1x16xf32>,
        %get3A_188 = vector.shape_cast %get3A_187 : vector<1x16xf32> to vector<16xf32>
        %mul3A_189 = vector.broadcast %squeeze3A_184 : f32 to vector<16xf32>
        %mul3A_190 = arith.mulf %get3A_188, %mul3A_189 : vector<16xf32>
        %swap3A_191 = arith.index_cast %scan3A_89 : i32 to index
        %swap3A_192 = arith.constant 96 : index
        %swap3A_193 = tpu.vector_load %arg25[%swap3A_191, %swap3A_192] {strides = array<i32>} : memref<80x144xf32, #tpu.memory_space<vmem>>, vector<1x16xf32>,
        %swap3A_194 = vector.shape_cast %swap3A_193 : vector<1x16xf32> to vector<16xf32>
        %swap3A_195 = vector.shape_cast %mul3A_190 : vector<16xf32> to vector<1x16xf32>
        tpu.vector_store %arg25[%swap3A_191, %swap3A_192], %swap3A_195 {strides = array<i32>} : memref<80x144xf32, #tpu.memory_space<vmem>>, vector<1x16xf32>,
        %slice3A_196 = vector.extract_strided_slice %exp3A {offsets = [3], sizes = [1], strides = [1]} : vector<16xf32> to vector<1xf32>
        %squeeze3A_197 = vector.extract %slice3A_196[0] : f32 from vector<1xf32>
        %get3A_198 = arith.index_cast %scan3A_89 : i32 to index
        %get3A_199 = arith.constant 112 : index
        %get3A_200 = tpu.vector_load %arg11[%get3A_198, %get3A_199] {strides = array<i32>} : memref<80x144xf32, #tpu.memory_space<vmem>>, vector<1x16xf32>,
        %get3A_201 = vector.shape_cast %get3A_200 : vector<1x16xf32> to vector<16xf32>
        %mul3A_202 = vector.broadcast %squeeze3A_197 : f32 to vector<16xf32>
        %mul3A_203 = arith.mulf %get3A_201, %mul3A_202 : vector<16xf32>
        %swap3A_204 = arith.index_cast %scan3A_89 : i32 to index
        %swap3A_205 = arith.constant 112 : index
        %swap3A_206 = tpu.vector_load %arg25[%swap3A_204, %swap3A_205] {strides = array<i32>} : memref<80x144xf32, #tpu.memory_space<vmem>>, vector<1x16xf32>,
        %swap3A_207 = vector.shape_cast %swap3A_206 : vector<1x16xf32> to vector<16xf32>
        %swap3A_208 = vector.shape_cast %mul3A_203 : vector<16xf32> to vector<1x16xf32>
        tpu.vector_store %arg25[%swap3A_204, %swap3A_205], %swap3A_208 {strides = array<i32>} : memref<80x144xf32, #tpu.memory_space<vmem>>, vector<1x16xf32>,
      }
      %scan3A_70 = arith.constant 80 : i32
      "tpu.region"() ({
        %run_scoped3A = tpu.sem_alloc : memref<!tpu.dma_semaphore, #tpu.memory_space<semaphore_mem>>
        %dma_start3A_89 = arith.constant 0 : i32
        %dma_start3A_90 = arith.constant 0 : i32
        %dma_start3A_91 = tpu.memref_slice %arg8[%dma_start3A_89, %dma_start3A_90] : memref<10240x144xf32, #tpu.memory_space<vmem_shared>> -> memref<10240x144xf32, #tpu.memory_space<vmem_shared>>
        tpu.enqueue_indirect_dma source(%arg25 : memref<80x144xf32, #tpu.memory_space<vmem>>) target(%dma_start3A_91 : memref<10240x144xf32, #tpu.memory_space<vmem_shared>>) offsets(%arg10 : memref<80xi32, #tpu.memory_space<vmem>>) semaphore(%run_scoped3A : memref<!tpu.dma_semaphore, #tpu.memory_space<semaphore_mem>>) {add = true}
        %dma_wait3A_92 = arith.constant 0 : i32
        %dma_wait3A_93 = arith.constant 0 : i32
        %dma_wait3A_94 = tpu.memref_slice %arg8[%dma_wait3A_92, %dma_wait3A_93] : memref<10240x144xf32, #tpu.memory_space<vmem_shared>> -> memref<10240x144xf32, #tpu.memory_space<vmem_shared>>
        tpu.wait_indirect_dma semaphore(%run_scoped3A : memref<!tpu.dma_semaphore, #tpu.memory_space<semaphore_mem>>) src(%arg25 : memref<80x144xf32, #tpu.memory_space<vmem>>) dst(%dma_wait3A_94 : memref<10240x144xf32, #tpu.memory_space<vmem_shared>>)
        tpu.yield
      }) : () -> ()
      %mul3A_71 = arith.constant 2 : i32
      %mul3A_72 = arith.muli %mul3A_71, %scan3A_37 : i32
      %add3A_73 = arith.constant 2 : i32
      %add3A_74 = arith.addi %mul3A_72, %add3A_73 : i32
      %lt3A = arith.constant 125 : i32
      %lt3A_75 = arith.cmpi slt, %add3A_74, %lt3A : i32
      %convert_element_type3A = arith.extui %lt3A_75 : i1 to i32
      %cond3A = arith.constant 0 : i32
      %cond3A_76 = arith.cmpi ne, %convert_element_type3A, %cond3A : i32
      scf.if %cond3A_76 {
        %mul3A_89 = arith.constant 2 : i32
        %mul3A_90 = arith.muli %mul3A_89, %scan3A_37 : i32
        %add3A_91 = arith.constant 2 : i32
        %add3A_92 = arith.addi %mul3A_90, %add3A_91 : i32
        %mul3A_93 = arith.constant 80 : i32
        %mul3A_94 = arith.muli %add3A_92, %mul3A_93 : i32
        %add3A_95 = arith.addi %mul3A_4, %mul3A_94 : i32
        %dma_start3A_96 = tpu.memref_slice %arg4[%add3A_95] : memref<320000xi32, #tpu.memory_space<hbm>> -> memref<80xi32, #tpu.memory_space<hbm>>
        %dma_start3A_97 = tpu.memref_slice %arg4[%add3A_95] : memref<320000xi32, #tpu.memory_space<hbm>> -> memref<80xi32, #tpu.memory_space<hbm>>
        tpu.enqueue_dma source(%dma_start3A_97 : memref<80xi32, #tpu.memory_space<hbm>>) target(%arg9 : memref<80xi32, #tpu.memory_space<vmem>>) target_semaphore(%arg15 : memref<!tpu.dma_semaphore, #tpu.memory_space<semaphore_mem>>)
        %dma_start3A_98 = tpu.memref_slice %arg5[%add3A_95] : memref<320000xi32, #tpu.memory_space<hbm>> -> memref<80xi32, #tpu.memory_space<hbm>>
        %dma_start3A_99 = tpu.memref_slice %arg5[%add3A_95] : memref<320000xi32, #tpu.memory_space<hbm>> -> memref<80xi32, #tpu.memory_space<hbm>>
        tpu.enqueue_dma source(%dma_start3A_99 : memref<80xi32, #tpu.memory_space<hbm>>) target(%arg10 : memref<80xi32, #tpu.memory_space<vmem>>) target_semaphore(%arg16 : memref<!tpu.dma_semaphore, #tpu.memory_space<semaphore_mem>>)
        %dma_wait3A_100 = tpu.memref_slice %arg4[%add3A_95] : memref<320000xi32, #tpu.memory_space<hbm>> -> memref<80xi32, #tpu.memory_space<hbm>>
        %dma_wait3A_101 = tpu.memref_slice %arg4[%add3A_95] : memref<320000xi32, #tpu.memory_space<hbm>> -> memref<80xi32, #tpu.memory_space<hbm>>
        tpu.wait_dma2 semaphore(%arg15 : memref<!tpu.dma_semaphore, #tpu.memory_space<semaphore_mem>>) src(%dma_wait3A_101 : memref<80xi32, #tpu.memory_space<hbm>>) dst(%arg9 : memref<80xi32, #tpu.memory_space<vmem>>)
        %dma_wait3A_102 = tpu.memref_slice %arg5[%add3A_95] : memref<320000xi32, #tpu.memory_space<hbm>> -> memref<80xi32, #tpu.memory_space<hbm>>
        %dma_wait3A_103 = tpu.memref_slice %arg5[%add3A_95] : memref<320000xi32, #tpu.memory_space<hbm>> -> memref<80xi32, #tpu.memory_space<hbm>>
        tpu.wait_dma2 semaphore(%arg16 : memref<!tpu.dma_semaphore, #tpu.memory_space<semaphore_mem>>) src(%dma_wait3A_103 : memref<80xi32, #tpu.memory_space<hbm>>) dst(%arg10 : memref<80xi32, #tpu.memory_space<vmem>>)
        %dma_start3A_104 = arith.constant 0 : i32
        %dma_start3A_105 = arith.constant 0 : i32
        %dma_start3A_106 = tpu.memref_slice %arg2[%dma_start3A_104, %dma_start3A_105] : memref<10000x144xf32, #tpu.memory_space<hbm>> -> memref<10000x144xf32, #tpu.memory_space<hbm>>
        tpu.enqueue_indirect_dma source(%dma_start3A_106 : memref<10000x144xf32, #tpu.memory_space<hbm>>) target(%arg11 : memref<80x144xf32, #tpu.memory_space<vmem>>) offsets(%arg9 : memref<80xi32, #tpu.memory_space<vmem>>) semaphore(%arg13 : memref<!tpu.dma_semaphore, #tpu.memory_space<semaphore_mem>>)
        %dma_start3A_107 = arith.constant 0 : i32
        %dma_start3A_108 = arith.constant 0 : i32
        %dma_start3A_109 = tpu.memref_slice %arg3[%dma_start3A_107, %dma_start3A_108] : memref<10000x16xf32, #tpu.memory_space<hbm>> -> memref<10000x16xf32, #tpu.memory_space<hbm>>
        tpu.enqueue_indirect_dma source(%dma_start3A_109 : memref<10000x16xf32, #tpu.memory_space<hbm>>) target(%arg12 : memref<80x16xf32, #tpu.memory_space<vmem>>) offsets(%arg10 : memref<80xi32, #tpu.memory_space<vmem>>) semaphore(%arg14 : memref<!tpu.dma_semaphore, #tpu.memory_space<semaphore_mem>>)
      } else {
      }
      %dma_wait3A_77 = arith.constant 0 : i32
      %dma_wait3A_78 = arith.constant 0 : i32
      %dma_wait3A_79 = tpu.memref_slice %arg2[%dma_wait3A_77, %dma_wait3A_78] : memref<10000x144xf32, #tpu.memory_space<hbm>> -> memref<10000x144xf32, #tpu.memory_space<hbm>>
      tpu.wait_indirect_dma semaphore(%arg21 : memref<!tpu.dma_semaphore, #tpu.memory_space<semaphore_mem>>) src(%dma_wait3A_79 : memref<10000x144xf32, #tpu.memory_space<hbm>>) dst(%arg19 : memref<80x144xf32, #tpu.memory_space<vmem>>)
      %dma_wait3A_80 = arith.constant 0 : i32
      %dma_wait3A_81 = arith.constant 0 : i32
      %dma_wait3A_82 = tpu.memref_slice %arg3[%dma_wait3A_80, %dma_wait3A_81] : memref<10000x16xf32, #tpu.memory_space<hbm>> -> memref<10000x16xf32, #tpu.memory_space<hbm>>
      tpu.wait_indirect_dma semaphore(%arg22 : memref<!tpu.dma_semaphore, #tpu.memory_space<semaphore_mem>>) src(%dma_wait3A_82 : memref<10000x16xf32, #tpu.memory_space<hbm>>) dst(%arg20 : memref<80x16xf32, #tpu.memory_space<vmem>>)
      %scan3A_83 = arith.constant 0 : i32
      %scan3A_84 = arith.constant 0 : i32
      %scan3A_85 = arith.constant 80 : i32
      %scan3A_86 = arith.addi %scan3A_84, %scan3A_85 : i32
      %scan3A_87 = arith.constant 1 : i32
      scf.for %scan3A_89 = %scan3A_84 to %scan3A_86 step %scan3A_87  : i32 {
        %get3A = arith.index_cast %scan3A_89 : i32 to index
        %get3A_90 = arith.constant 128 : index
        %get3A_91 = tpu.vector_load %arg19[%get3A, %get3A_90] {strides = array<i32>} : memref<80x144xf32, #tpu.memory_space<vmem>>, vector<1x16xf32>,
        %get3A_92 = vector.shape_cast %get3A_91 : vector<1x16xf32> to vector<16xf32>
        %get3A_93 = arith.index_cast %scan3A_89 : i32 to index
        %get3A_94 = arith.constant 0 : index
        %get3A_95 = tpu.vector_load %arg20[%get3A_93, %get3A_94] {strides = array<i32>} : memref<80x16xf32, #tpu.memory_space<vmem>>, vector<1x16xf32>,
        %get3A_96 = vector.shape_cast %get3A_95 : vector<1x16xf32> to vector<16xf32>
        %add3A_97 = arith.addf %get3A_92, %get3A_96 : vector<16xf32>
        %ge3A = arith.constant 0.000000e+00 : f32
        %ge3A_98 = vector.broadcast %ge3A : f32 to vector<16xf32>
        %ge3A_99 = arith.cmpf oge, %add3A_97, %ge3A_98 : vector<16xf32>
        %mul3A_100 = arith.constant 2.000000e-01 : f32
        %mul3A_101 = vector.broadcast %mul3A_100 : f32 to vector<16xf32>
        %mul3A_102 = arith.mulf %add3A_97, %mul3A_101 : vector<16xf32>
        %select_n3A = arith.select %ge3A_99, %add3A_97, %mul3A_102 : vector<16xi1>, vector<16xf32>
        %exp3A = math.exp %select_n3A : vector<16xf32>
        %swap3A = arith.index_cast %scan3A_89 : i32 to index
        %swap3A_103 = arith.constant 128 : index
        %swap3A_104 = tpu.vector_load %arg25[%swap3A, %swap3A_103] {strides = array<i32>} : memref<80x144xf32, #tpu.memory_space<vmem>>, vector<1x16xf32>,
        %swap3A_105 = vector.shape_cast %swap3A_104 : vector<1x16xf32> to vector<16xf32>
        %swap3A_106 = vector.shape_cast %exp3A : vector<16xf32> to vector<1x16xf32>
        tpu.vector_store %arg25[%swap3A, %swap3A_103], %swap3A_106 {strides = array<i32>} : memref<80x144xf32, #tpu.memory_space<vmem>>, vector<1x16xf32>,
        %slice3A = vector.extract_strided_slice %exp3A {offsets = [0], sizes = [1], strides = [1]} : vector<16xf32> to vector<1xf32>
        %squeeze3A = vector.extract %slice3A[0] : f32 from vector<1xf32>
        %get3A_107 = arith.index_cast %scan3A_89 : i32 to index
        %get3A_108 = arith.constant 0 : index
        %get3A_109 = tpu.vector_load %arg19[%get3A_107, %get3A_108] {strides = array<i32>} : memref<80x144xf32, #tpu.memory_space<vmem>>, vector<1x16xf32>,
        %get3A_110 = vector.shape_cast %get3A_109 : vector<1x16xf32> to vector<16xf32>
        %mul3A_111 = vector.broadcast %squeeze3A : f32 to vector<16xf32>
        %mul3A_112 = arith.mulf %get3A_110, %mul3A_111 : vector<16xf32>
        %swap3A_113 = arith.index_cast %scan3A_89 : i32 to index
        %swap3A_114 = arith.constant 0 : index
        %swap3A_115 = tpu.vector_load %arg25[%swap3A_113, %swap3A_114] {strides = array<i32>} : memref<80x144xf32, #tpu.memory_space<vmem>>, vector<1x16xf32>,
        %swap3A_116 = vector.shape_cast %swap3A_115 : vector<1x16xf32> to vector<16xf32>
        %swap3A_117 = vector.shape_cast %mul3A_112 : vector<16xf32> to vector<1x16xf32>
        tpu.vector_store %arg25[%swap3A_113, %swap3A_114], %swap3A_117 {strides = array<i32>} : memref<80x144xf32, #tpu.memory_space<vmem>>, vector<1x16xf32>,
        %slice3A_118 = vector.extract_strided_slice %exp3A {offsets = [0], sizes = [1], strides = [1]} : vector<16xf32> to vector<1xf32>
        %squeeze3A_119 = vector.extract %slice3A_118[0] : f32 from vector<1xf32>
        %get3A_120 = arith.index_cast %scan3A_89 : i32 to index
        %get3A_121 = arith.constant 16 : index
        %get3A_122 = tpu.vector_load %arg19[%get3A_120, %get3A_121] {strides = array<i32>} : memref<80x144xf32, #tpu.memory_space<vmem>>, vector<1x16xf32>,
        %get3A_123 = vector.shape_cast %get3A_122 : vector<1x16xf32> to vector<16xf32>
        %mul3A_124 = vector.broadcast %squeeze3A_119 : f32 to vector<16xf32>
        %mul3A_125 = arith.mulf %get3A_123, %mul3A_124 : vector<16xf32>
        %swap3A_126 = arith.index_cast %scan3A_89 : i32 to index
        %swap3A_127 = arith.constant 16 : index
        %swap3A_128 = tpu.vector_load %arg25[%swap3A_126, %swap3A_127] {strides = array<i32>} : memref<80x144xf32, #tpu.memory_space<vmem>>, vector<1x16xf32>,
        %swap3A_129 = vector.shape_cast %swap3A_128 : vector<1x16xf32> to vector<16xf32>
        %swap3A_130 = vector.shape_cast %mul3A_125 : vector<16xf32> to vector<1x16xf32>
        tpu.vector_store %arg25[%swap3A_126, %swap3A_127], %swap3A_130 {strides = array<i32>} : memref<80x144xf32, #tpu.memory_space<vmem>>, vector<1x16xf32>,
        %slice3A_131 = vector.extract_strided_slice %exp3A {offsets = [1], sizes = [1], strides = [1]} : vector<16xf32> to vector<1xf32>
        %squeeze3A_132 = vector.extract %slice3A_131[0] : f32 from vector<1xf32>
        %get3A_133 = arith.index_cast %scan3A_89 : i32 to index
        %get3A_134 = arith.constant 32 : index
        %get3A_135 = tpu.vector_load %arg19[%get3A_133, %get3A_134] {strides = array<i32>} : memref<80x144xf32, #tpu.memory_space<vmem>>, vector<1x16xf32>,
        %get3A_136 = vector.shape_cast %get3A_135 : vector<1x16xf32> to vector<16xf32>
        %mul3A_137 = vector.broadcast %squeeze3A_132 : f32 to vector<16xf32>
        %mul3A_138 = arith.mulf %get3A_136, %mul3A_137 : vector<16xf32>
        %swap3A_139 = arith.index_cast %scan3A_89 : i32 to index
        %swap3A_140 = arith.constant 32 : index
        %swap3A_141 = tpu.vector_load %arg25[%swap3A_139, %swap3A_140] {strides = array<i32>} : memref<80x144xf32, #tpu.memory_space<vmem>>, vector<1x16xf32>,
        %swap3A_142 = vector.shape_cast %swap3A_141 : vector<1x16xf32> to vector<16xf32>
        %swap3A_143 = vector.shape_cast %mul3A_138 : vector<16xf32> to vector<1x16xf32>
        tpu.vector_store %arg25[%swap3A_139, %swap3A_140], %swap3A_143 {strides = array<i32>} : memref<80x144xf32, #tpu.memory_space<vmem>>, vector<1x16xf32>,
        %slice3A_144 = vector.extract_strided_slice %exp3A {offsets = [1], sizes = [1], strides = [1]} : vector<16xf32> to vector<1xf32>
        %squeeze3A_145 = vector.extract %slice3A_144[0] : f32 from vector<1xf32>
        %get3A_146 = arith.index_cast %scan3A_89 : i32 to index
        %get3A_147 = arith.constant 48 : index
        %get3A_148 = tpu.vector_load %arg19[%get3A_146, %get3A_147] {strides = array<i32>} : memref<80x144xf32, #tpu.memory_space<vmem>>, vector<1x16xf32>,
        %get3A_149 = vector.shape_cast %get3A_148 : vector<1x16xf32> to vector<16xf32>
        %mul3A_150 = vector.broadcast %squeeze3A_145 : f32 to vector<16xf32>
        %mul3A_151 = arith.mulf %get3A_149, %mul3A_150 : vector<16xf32>
        %swap3A_152 = arith.index_cast %scan3A_89 : i32 to index
        %swap3A_153 = arith.constant 48 : index
        %swap3A_154 = tpu.vector_load %arg25[%swap3A_152, %swap3A_153] {strides = array<i32>} : memref<80x144xf32, #tpu.memory_space<vmem>>, vector<1x16xf32>,
        %swap3A_155 = vector.shape_cast %swap3A_154 : vector<1x16xf32> to vector<16xf32>
        %swap3A_156 = vector.shape_cast %mul3A_151 : vector<16xf32> to vector<1x16xf32>
        tpu.vector_store %arg25[%swap3A_152, %swap3A_153], %swap3A_156 {strides = array<i32>} : memref<80x144xf32, #tpu.memory_space<vmem>>, vector<1x16xf32>,
        %slice3A_157 = vector.extract_strided_slice %exp3A {offsets = [2], sizes = [1], strides = [1]} : vector<16xf32> to vector<1xf32>
        %squeeze3A_158 = vector.extract %slice3A_157[0] : f32 from vector<1xf32>
        %get3A_159 = arith.index_cast %scan3A_89 : i32 to index
        %get3A_160 = arith.constant 64 : index
        %get3A_161 = tpu.vector_load %arg19[%get3A_159, %get3A_160] {strides = array<i32>} : memref<80x144xf32, #tpu.memory_space<vmem>>, vector<1x16xf32>,
        %get3A_162 = vector.shape_cast %get3A_161 : vector<1x16xf32> to vector<16xf32>
        %mul3A_163 = vector.broadcast %squeeze3A_158 : f32 to vector<16xf32>
        %mul3A_164 = arith.mulf %get3A_162, %mul3A_163 : vector<16xf32>
        %swap3A_165 = arith.index_cast %scan3A_89 : i32 to index
        %swap3A_166 = arith.constant 64 : index
        %swap3A_167 = tpu.vector_load %arg25[%swap3A_165, %swap3A_166] {strides = array<i32>} : memref<80x144xf32, #tpu.memory_space<vmem>>, vector<1x16xf32>,
        %swap3A_168 = vector.shape_cast %swap3A_167 : vector<1x16xf32> to vector<16xf32>
        %swap3A_169 = vector.shape_cast %mul3A_164 : vector<16xf32> to vector<1x16xf32>
        tpu.vector_store %arg25[%swap3A_165, %swap3A_166], %swap3A_169 {strides = array<i32>} : memref<80x144xf32, #tpu.memory_space<vmem>>, vector<1x16xf32>,
        %slice3A_170 = vector.extract_strided_slice %exp3A {offsets = [2], sizes = [1], strides = [1]} : vector<16xf32> to vector<1xf32>
        %squeeze3A_171 = vector.extract %slice3A_170[0] : f32 from vector<1xf32>
        %get3A_172 = arith.index_cast %scan3A_89 : i32 to index
        %get3A_173 = arith.constant 80 : index
        %get3A_174 = tpu.vector_load %arg19[%get3A_172, %get3A_173] {strides = array<i32>} : memref<80x144xf32, #tpu.memory_space<vmem>>, vector<1x16xf32>,
        %get3A_175 = vector.shape_cast %get3A_174 : vector<1x16xf32> to vector<16xf32>
        %mul3A_176 = vector.broadcast %squeeze3A_171 : f32 to vector<16xf32>
        %mul3A_177 = arith.mulf %get3A_175, %mul3A_176 : vector<16xf32>
        %swap3A_178 = arith.index_cast %scan3A_89 : i32 to index
        %swap3A_179 = arith.constant 80 : index
        %swap3A_180 = tpu.vector_load %arg25[%swap3A_178, %swap3A_179] {strides = array<i32>} : memref<80x144xf32, #tpu.memory_space<vmem>>, vector<1x16xf32>,
        %swap3A_181 = vector.shape_cast %swap3A_180 : vector<1x16xf32> to vector<16xf32>
        %swap3A_182 = vector.shape_cast %mul3A_177 : vector<16xf32> to vector<1x16xf32>
        tpu.vector_store %arg25[%swap3A_178, %swap3A_179], %swap3A_182 {strides = array<i32>} : memref<80x144xf32, #tpu.memory_space<vmem>>, vector<1x16xf32>,
        %slice3A_183 = vector.extract_strided_slice %exp3A {offsets = [3], sizes = [1], strides = [1]} : vector<16xf32> to vector<1xf32>
        %squeeze3A_184 = vector.extract %slice3A_183[0] : f32 from vector<1xf32>
        %get3A_185 = arith.index_cast %scan3A_89 : i32 to index
        %get3A_186 = arith.constant 96 : index
        %get3A_187 = tpu.vector_load %arg19[%get3A_185, %get3A_186] {strides = array<i32>} : memref<80x144xf32, #tpu.memory_space<vmem>>, vector<1x16xf32>,
        %get3A_188 = vector.shape_cast %get3A_187 : vector<1x16xf32> to vector<16xf32>
        %mul3A_189 = vector.broadcast %squeeze3A_184 : f32 to vector<16xf32>
        %mul3A_190 = arith.mulf %get3A_188, %mul3A_189 : vector<16xf32>
        %swap3A_191 = arith.index_cast %scan3A_89 : i32 to index
        %swap3A_192 = arith.constant 96 : index
        %swap3A_193 = tpu.vector_load %arg25[%swap3A_191, %swap3A_192] {strides = array<i32>} : memref<80x144xf32, #tpu.memory_space<vmem>>, vector<1x16xf32>,
        %swap3A_194 = vector.shape_cast %swap3A_193 : vector<1x16xf32> to vector<16xf32>
        %swap3A_195 = vector.shape_cast %mul3A_190 : vector<16xf32> to vector<1x16xf32>
        tpu.vector_store %arg25[%swap3A_191, %swap3A_192], %swap3A_195 {strides = array<i32>} : memref<80x144xf32, #tpu.memory_space<vmem>>, vector<1x16xf32>,
        %slice3A_196 = vector.extract_strided_slice %exp3A {offsets = [3], sizes = [1], strides = [1]} : vector<16xf32> to vector<1xf32>
        %squeeze3A_197 = vector.extract %slice3A_196[0] : f32 from vector<1xf32>
        %get3A_198 = arith.index_cast %scan3A_89 : i32 to index
        %get3A_199 = arith.constant 112 : index
        %get3A_200 = tpu.vector_load %arg19[%get3A_198, %get3A_199] {strides = array<i32>} : memref<80x144xf32, #tpu.memory_space<vmem>>, vector<1x16xf32>,
        %get3A_201 = vector.shape_cast %get3A_200 : vector<1x16xf32> to vector<16xf32>
        %mul3A_202 = vector.broadcast %squeeze3A_197 : f32 to vector<16xf32>
        %mul3A_203 = arith.mulf %get3A_201, %mul3A_202 : vector<16xf32>
        %swap3A_204 = arith.index_cast %scan3A_89 : i32 to index
        %swap3A_205 = arith.constant 112 : index
        %swap3A_206 = tpu.vector_load %arg25[%swap3A_204, %swap3A_205] {strides = array<i32>} : memref<80x144xf32, #tpu.memory_space<vmem>>, vector<1x16xf32>,
        %swap3A_207 = vector.shape_cast %swap3A_206 : vector<1x16xf32> to vector<16xf32>
        %swap3A_208 = vector.shape_cast %mul3A_203 : vector<16xf32> to vector<1x16xf32>
        tpu.vector_store %arg25[%swap3A_204, %swap3A_205], %swap3A_208 {strides = array<i32>} : memref<80x144xf32, #tpu.memory_space<vmem>>, vector<1x16xf32>,
      }
      %scan3A_88 = arith.constant 80 : i32
      "tpu.region"() ({
        %run_scoped3A = tpu.sem_alloc : memref<!tpu.dma_semaphore, #tpu.memory_space<semaphore_mem>>
        %dma_start3A_89 = arith.constant 0 : i32
        %dma_start3A_90 = arith.constant 0 : i32
        %dma_start3A_91 = tpu.memref_slice %arg8[%dma_start3A_89, %dma_start3A_90] : memref<10240x144xf32, #tpu.memory_space<vmem_shared>> -> memref<10240x144xf32, #tpu.memory_space<vmem_shared>>
        tpu.enqueue_indirect_dma source(%arg25 : memref<80x144xf32, #tpu.memory_space<vmem>>) target(%dma_start3A_91 : memref<10240x144xf32, #tpu.memory_space<vmem_shared>>) offsets(%arg18 : memref<80xi32, #tpu.memory_space<vmem>>) semaphore(%run_scoped3A : memref<!tpu.dma_semaphore, #tpu.memory_space<semaphore_mem>>) {add = true}
        %dma_wait3A_92 = arith.constant 0 : i32
        %dma_wait3A_93 = arith.constant 0 : i32
        %dma_wait3A_94 = tpu.memref_slice %arg8[%dma_wait3A_92, %dma_wait3A_93] : memref<10240x144xf32, #tpu.memory_space<vmem_shared>> -> memref<10240x144xf32, #tpu.memory_space<vmem_shared>>
        tpu.wait_indirect_dma semaphore(%run_scoped3A : memref<!tpu.dma_semaphore, #tpu.memory_space<semaphore_mem>>) src(%arg25 : memref<80x144xf32, #tpu.memory_space<vmem>>) dst(%dma_wait3A_94 : memref<10240x144xf32, #tpu.memory_space<vmem_shared>>)
        tpu.yield
      }) : () -> ()
    }
    %scan3A_23 = arith.constant 62 : i32
    %dma_wait3A_24 = arith.constant 0 : i32
    %dma_wait3A_25 = arith.constant 0 : i32
    %dma_wait3A_26 = tpu.memref_slice %arg2[%dma_wait3A_24, %dma_wait3A_25] : memref<10000x144xf32, #tpu.memory_space<hbm>> -> memref<10000x144xf32, #tpu.memory_space<hbm>>
    tpu.wait_indirect_dma semaphore(%arg13 : memref<!tpu.dma_semaphore, #tpu.memory_space<semaphore_mem>>) src(%dma_wait3A_26 : memref<10000x144xf32, #tpu.memory_space<hbm>>) dst(%arg11 : memref<80x144xf32, #tpu.memory_space<vmem>>)
    %dma_wait3A_27 = arith.constant 0 : i32
    %dma_wait3A_28 = arith.constant 0 : i32
    %dma_wait3A_29 = tpu.memref_slice %arg3[%dma_wait3A_27, %dma_wait3A_28] : memref<10000x16xf32, #tpu.memory_space<hbm>> -> memref<10000x16xf32, #tpu.memory_space<hbm>>
    tpu.wait_indirect_dma semaphore(%arg14 : memref<!tpu.dma_semaphore, #tpu.memory_space<semaphore_mem>>) src(%dma_wait3A_29 : memref<10000x16xf32, #tpu.memory_space<hbm>>) dst(%arg12 : memref<80x16xf32, #tpu.memory_space<vmem>>)
    %scan3A_30 = arith.constant 0 : i32
    %scan3A_31 = arith.constant 0 : i32
    %scan3A_32 = arith.constant 80 : i32
    %scan3A_33 = arith.addi %scan3A_31, %scan3A_32 : i32
    %scan3A_34 = arith.constant 1 : i32
    scf.for %scan3A_37 = %scan3A_31 to %scan3A_33 step %scan3A_34  : i32 {
      %get3A = arith.index_cast %scan3A_37 : i32 to index
      %get3A_38 = arith.constant 128 : index
      %get3A_39 = tpu.vector_load %arg11[%get3A, %get3A_38] {strides = array<i32>} : memref<80x144xf32, #tpu.memory_space<vmem>>, vector<1x16xf32>,
      %get3A_40 = vector.shape_cast %get3A_39 : vector<1x16xf32> to vector<16xf32>
      %get3A_41 = arith.index_cast %scan3A_37 : i32 to index
      %get3A_42 = arith.constant 0 : index
      %get3A_43 = tpu.vector_load %arg12[%get3A_41, %get3A_42] {strides = array<i32>} : memref<80x16xf32, #tpu.memory_space<vmem>>, vector<1x16xf32>,
      %get3A_44 = vector.shape_cast %get3A_43 : vector<1x16xf32> to vector<16xf32>
      %add3A_45 = arith.addf %get3A_40, %get3A_44 : vector<16xf32>
      %ge3A = arith.constant 0.000000e+00 : f32
      %ge3A_46 = vector.broadcast %ge3A : f32 to vector<16xf32>
      %ge3A_47 = arith.cmpf oge, %add3A_45, %ge3A_46 : vector<16xf32>
      %mul3A_48 = arith.constant 2.000000e-01 : f32
      %mul3A_49 = vector.broadcast %mul3A_48 : f32 to vector<16xf32>
      %mul3A_50 = arith.mulf %add3A_45, %mul3A_49 : vector<16xf32>
      %select_n3A = arith.select %ge3A_47, %add3A_45, %mul3A_50 : vector<16xi1>, vector<16xf32>
      %exp3A = math.exp %select_n3A : vector<16xf32>
      %swap3A = arith.index_cast %scan3A_37 : i32 to index
      %swap3A_51 = arith.constant 128 : index
      %swap3A_52 = tpu.vector_load %arg25[%swap3A, %swap3A_51] {strides = array<i32>} : memref<80x144xf32, #tpu.memory_space<vmem>>, vector<1x16xf32>,
      %swap3A_53 = vector.shape_cast %swap3A_52 : vector<1x16xf32> to vector<16xf32>
      %swap3A_54 = vector.shape_cast %exp3A : vector<16xf32> to vector<1x16xf32>
      tpu.vector_store %arg25[%swap3A, %swap3A_51], %swap3A_54 {strides = array<i32>} : memref<80x144xf32, #tpu.memory_space<vmem>>, vector<1x16xf32>,
      %slice3A = vector.extract_strided_slice %exp3A {offsets = [0], sizes = [1], strides = [1]} : vector<16xf32> to vector<1xf32>
      %squeeze3A = vector.extract %slice3A[0] : f32 from vector<1xf32>
      %get3A_55 = arith.index_cast %scan3A_37 : i32 to index
      %get3A_56 = arith.constant 0 : index
      %get3A_57 = tpu.vector_load %arg11[%get3A_55, %get3A_56] {strides = array<i32>} : memref<80x144xf32, #tpu.memory_space<vmem>>, vector<1x16xf32>,
      %get3A_58 = vector.shape_cast %get3A_57 : vector<1x16xf32> to vector<16xf32>
      %mul3A_59 = vector.broadcast %squeeze3A : f32 to vector<16xf32>
      %mul3A_60 = arith.mulf %get3A_58, %mul3A_59 : vector<16xf32>
      %swap3A_61 = arith.index_cast %scan3A_37 : i32 to index
      %swap3A_62 = arith.constant 0 : index
      %swap3A_63 = tpu.vector_load %arg25[%swap3A_61, %swap3A_62] {strides = array<i32>} : memref<80x144xf32, #tpu.memory_space<vmem>>, vector<1x16xf32>,
      %swap3A_64 = vector.shape_cast %swap3A_63 : vector<1x16xf32> to vector<16xf32>
      %swap3A_65 = vector.shape_cast %mul3A_60 : vector<16xf32> to vector<1x16xf32>
      tpu.vector_store %arg25[%swap3A_61, %swap3A_62], %swap3A_65 {strides = array<i32>} : memref<80x144xf32, #tpu.memory_space<vmem>>, vector<1x16xf32>,
      %slice3A_66 = vector.extract_strided_slice %exp3A {offsets = [0], sizes = [1], strides = [1]} : vector<16xf32> to vector<1xf32>
      %squeeze3A_67 = vector.extract %slice3A_66[0] : f32 from vector<1xf32>
      %get3A_68 = arith.index_cast %scan3A_37 : i32 to index
      %get3A_69 = arith.constant 16 : index
      %get3A_70 = tpu.vector_load %arg11[%get3A_68, %get3A_69] {strides = array<i32>} : memref<80x144xf32, #tpu.memory_space<vmem>>, vector<1x16xf32>,
      %get3A_71 = vector.shape_cast %get3A_70 : vector<1x16xf32> to vector<16xf32>
      %mul3A_72 = vector.broadcast %squeeze3A_67 : f32 to vector<16xf32>
      %mul3A_73 = arith.mulf %get3A_71, %mul3A_72 : vector<16xf32>
      %swap3A_74 = arith.index_cast %scan3A_37 : i32 to index
      %swap3A_75 = arith.constant 16 : index
      %swap3A_76 = tpu.vector_load %arg25[%swap3A_74, %swap3A_75] {strides = array<i32>} : memref<80x144xf32, #tpu.memory_space<vmem>>, vector<1x16xf32>,
      %swap3A_77 = vector.shape_cast %swap3A_76 : vector<1x16xf32> to vector<16xf32>
      %swap3A_78 = vector.shape_cast %mul3A_73 : vector<16xf32> to vector<1x16xf32>
      tpu.vector_store %arg25[%swap3A_74, %swap3A_75], %swap3A_78 {strides = array<i32>} : memref<80x144xf32, #tpu.memory_space<vmem>>, vector<1x16xf32>,
      %slice3A_79 = vector.extract_strided_slice %exp3A {offsets = [1], sizes = [1], strides = [1]} : vector<16xf32> to vector<1xf32>
      %squeeze3A_80 = vector.extract %slice3A_79[0] : f32 from vector<1xf32>
      %get3A_81 = arith.index_cast %scan3A_37 : i32 to index
      %get3A_82 = arith.constant 32 : index
      %get3A_83 = tpu.vector_load %arg11[%get3A_81, %get3A_82] {strides = array<i32>} : memref<80x144xf32, #tpu.memory_space<vmem>>, vector<1x16xf32>,
      %get3A_84 = vector.shape_cast %get3A_83 : vector<1x16xf32> to vector<16xf32>
      %mul3A_85 = vector.broadcast %squeeze3A_80 : f32 to vector<16xf32>
      %mul3A_86 = arith.mulf %get3A_84, %mul3A_85 : vector<16xf32>
      %swap3A_87 = arith.index_cast %scan3A_37 : i32 to index
      %swap3A_88 = arith.constant 32 : index
      %swap3A_89 = tpu.vector_load %arg25[%swap3A_87, %swap3A_88] {strides = array<i32>} : memref<80x144xf32, #tpu.memory_space<vmem>>, vector<1x16xf32>,
      %swap3A_90 = vector.shape_cast %swap3A_89 : vector<1x16xf32> to vector<16xf32>
      %swap3A_91 = vector.shape_cast %mul3A_86 : vector<16xf32> to vector<1x16xf32>
      tpu.vector_store %arg25[%swap3A_87, %swap3A_88], %swap3A_91 {strides = array<i32>} : memref<80x144xf32, #tpu.memory_space<vmem>>, vector<1x16xf32>,
      %slice3A_92 = vector.extract_strided_slice %exp3A {offsets = [1], sizes = [1], strides = [1]} : vector<16xf32> to vector<1xf32>
      %squeeze3A_93 = vector.extract %slice3A_92[0] : f32 from vector<1xf32>
      %get3A_94 = arith.index_cast %scan3A_37 : i32 to index
      %get3A_95 = arith.constant 48 : index
      %get3A_96 = tpu.vector_load %arg11[%get3A_94, %get3A_95] {strides = array<i32>} : memref<80x144xf32, #tpu.memory_space<vmem>>, vector<1x16xf32>,
      %get3A_97 = vector.shape_cast %get3A_96 : vector<1x16xf32> to vector<16xf32>
      %mul3A_98 = vector.broadcast %squeeze3A_93 : f32 to vector<16xf32>
      %mul3A_99 = arith.mulf %get3A_97, %mul3A_98 : vector<16xf32>
      %swap3A_100 = arith.index_cast %scan3A_37 : i32 to index
      %swap3A_101 = arith.constant 48 : index
      %swap3A_102 = tpu.vector_load %arg25[%swap3A_100, %swap3A_101] {strides = array<i32>} : memref<80x144xf32, #tpu.memory_space<vmem>>, vector<1x16xf32>,
      %swap3A_103 = vector.shape_cast %swap3A_102 : vector<1x16xf32> to vector<16xf32>
      %swap3A_104 = vector.shape_cast %mul3A_99 : vector<16xf32> to vector<1x16xf32>
      tpu.vector_store %arg25[%swap3A_100, %swap3A_101], %swap3A_104 {strides = array<i32>} : memref<80x144xf32, #tpu.memory_space<vmem>>, vector<1x16xf32>,
      %slice3A_105 = vector.extract_strided_slice %exp3A {offsets = [2], sizes = [1], strides = [1]} : vector<16xf32> to vector<1xf32>
      %squeeze3A_106 = vector.extract %slice3A_105[0] : f32 from vector<1xf32>
      %get3A_107 = arith.index_cast %scan3A_37 : i32 to index
      %get3A_108 = arith.constant 64 : index
      %get3A_109 = tpu.vector_load %arg11[%get3A_107, %get3A_108] {strides = array<i32>} : memref<80x144xf32, #tpu.memory_space<vmem>>, vector<1x16xf32>,
      %get3A_110 = vector.shape_cast %get3A_109 : vector<1x16xf32> to vector<16xf32>
      %mul3A_111 = vector.broadcast %squeeze3A_106 : f32 to vector<16xf32>
      %mul3A_112 = arith.mulf %get3A_110, %mul3A_111 : vector<16xf32>
      %swap3A_113 = arith.index_cast %scan3A_37 : i32 to index
      %swap3A_114 = arith.constant 64 : index
      %swap3A_115 = tpu.vector_load %arg25[%swap3A_113, %swap3A_114] {strides = array<i32>} : memref<80x144xf32, #tpu.memory_space<vmem>>, vector<1x16xf32>,
      %swap3A_116 = vector.shape_cast %swap3A_115 : vector<1x16xf32> to vector<16xf32>
      %swap3A_117 = vector.shape_cast %mul3A_112 : vector<16xf32> to vector<1x16xf32>
      tpu.vector_store %arg25[%swap3A_113, %swap3A_114], %swap3A_117 {strides = array<i32>} : memref<80x144xf32, #tpu.memory_space<vmem>>, vector<1x16xf32>,
      %slice3A_118 = vector.extract_strided_slice %exp3A {offsets = [2], sizes = [1], strides = [1]} : vector<16xf32> to vector<1xf32>
      %squeeze3A_119 = vector.extract %slice3A_118[0] : f32 from vector<1xf32>
      %get3A_120 = arith.index_cast %scan3A_37 : i32 to index
      %get3A_121 = arith.constant 80 : index
      %get3A_122 = tpu.vector_load %arg11[%get3A_120, %get3A_121] {strides = array<i32>} : memref<80x144xf32, #tpu.memory_space<vmem>>, vector<1x16xf32>,
      %get3A_123 = vector.shape_cast %get3A_122 : vector<1x16xf32> to vector<16xf32>
      %mul3A_124 = vector.broadcast %squeeze3A_119 : f32 to vector<16xf32>
      %mul3A_125 = arith.mulf %get3A_123, %mul3A_124 : vector<16xf32>
      %swap3A_126 = arith.index_cast %scan3A_37 : i32 to index
      %swap3A_127 = arith.constant 80 : index
      %swap3A_128 = tpu.vector_load %arg25[%swap3A_126, %swap3A_127] {strides = array<i32>} : memref<80x144xf32, #tpu.memory_space<vmem>>, vector<1x16xf32>,
      %swap3A_129 = vector.shape_cast %swap3A_128 : vector<1x16xf32> to vector<16xf32>
      %swap3A_130 = vector.shape_cast %mul3A_125 : vector<16xf32> to vector<1x16xf32>
      tpu.vector_store %arg25[%swap3A_126, %swap3A_127], %swap3A_130 {strides = array<i32>} : memref<80x144xf32, #tpu.memory_space<vmem>>, vector<1x16xf32>,
      %slice3A_131 = vector.extract_strided_slice %exp3A {offsets = [3], sizes = [1], strides = [1]} : vector<16xf32> to vector<1xf32>
      %squeeze3A_132 = vector.extract %slice3A_131[0] : f32 from vector<1xf32>
      %get3A_133 = arith.index_cast %scan3A_37 : i32 to index
      %get3A_134 = arith.constant 96 : index
      %get3A_135 = tpu.vector_load %arg11[%get3A_133, %get3A_134] {strides = array<i32>} : memref<80x144xf32, #tpu.memory_space<vmem>>, vector<1x16xf32>,
      %get3A_136 = vector.shape_cast %get3A_135 : vector<1x16xf32> to vector<16xf32>
      %mul3A_137 = vector.broadcast %squeeze3A_132 : f32 to vector<16xf32>
      %mul3A_138 = arith.mulf %get3A_136, %mul3A_137 : vector<16xf32>
      %swap3A_139 = arith.index_cast %scan3A_37 : i32 to index
      %swap3A_140 = arith.constant 96 : index
      %swap3A_141 = tpu.vector_load %arg25[%swap3A_139, %swap3A_140] {strides = array<i32>} : memref<80x144xf32, #tpu.memory_space<vmem>>, vector<1x16xf32>,
      %swap3A_142 = vector.shape_cast %swap3A_141 : vector<1x16xf32> to vector<16xf32>
      %swap3A_143 = vector.shape_cast %mul3A_138 : vector<16xf32> to vector<1x16xf32>
      tpu.vector_store %arg25[%swap3A_139, %swap3A_140], %swap3A_143 {strides = array<i32>} : memref<80x144xf32, #tpu.memory_space<vmem>>, vector<1x16xf32>,
      %slice3A_144 = vector.extract_strided_slice %exp3A {offsets = [3], sizes = [1], strides = [1]} : vector<16xf32> to vector<1xf32>
      %squeeze3A_145 = vector.extract %slice3A_144[0] : f32 from vector<1xf32>
      %get3A_146 = arith.index_cast %scan3A_37 : i32 to index
      %get3A_147 = arith.constant 112 : index
      %get3A_148 = tpu.vector_load %arg11[%get3A_146, %get3A_147] {strides = array<i32>} : memref<80x144xf32, #tpu.memory_space<vmem>>, vector<1x16xf32>,
      %get3A_149 = vector.shape_cast %get3A_148 : vector<1x16xf32> to vector<16xf32>
      %mul3A_150 = vector.broadcast %squeeze3A_145 : f32 to vector<16xf32>
      %mul3A_151 = arith.mulf %get3A_149, %mul3A_150 : vector<16xf32>
      %swap3A_152 = arith.index_cast %scan3A_37 : i32 to index
      %swap3A_153 = arith.constant 112 : index
      %swap3A_154 = tpu.vector_load %arg25[%swap3A_152, %swap3A_153] {strides = array<i32>} : memref<80x144xf32, #tpu.memory_space<vmem>>, vector<1x16xf32>,
      %swap3A_155 = vector.shape_cast %swap3A_154 : vector<1x16xf32> to vector<16xf32>
      %swap3A_156 = vector.shape_cast %mul3A_151 : vector<16xf32> to vector<1x16xf32>
      tpu.vector_store %arg25[%swap3A_152, %swap3A_153], %swap3A_156 {strides = array<i32>} : memref<80x144xf32, #tpu.memory_space<vmem>>, vector<1x16xf32>,
    }
    %scan3A_35 = arith.constant 80 : i32
    "tpu.region"() ({
      %run_scoped3A = tpu.sem_alloc : memref<!tpu.dma_semaphore, #tpu.memory_space<semaphore_mem>>
      %dma_start3A_37 = arith.constant 0 : i32
      %dma_start3A_38 = arith.constant 0 : i32
      %dma_start3A_39 = tpu.memref_slice %arg8[%dma_start3A_37, %dma_start3A_38] : memref<10240x144xf32, #tpu.memory_space<vmem_shared>> -> memref<10240x144xf32, #tpu.memory_space<vmem_shared>>
      tpu.enqueue_indirect_dma source(%arg25 : memref<80x144xf32, #tpu.memory_space<vmem>>) target(%dma_start3A_39 : memref<10240x144xf32, #tpu.memory_space<vmem_shared>>) offsets(%arg10 : memref<80xi32, #tpu.memory_space<vmem>>) semaphore(%run_scoped3A : memref<!tpu.dma_semaphore, #tpu.memory_space<semaphore_mem>>) {add = true}
      %dma_wait3A_40 = arith.constant 0 : i32
      %dma_wait3A_41 = arith.constant 0 : i32
      %dma_wait3A_42 = tpu.memref_slice %arg8[%dma_wait3A_40, %dma_wait3A_41] : memref<10240x144xf32, #tpu.memory_space<vmem_shared>> -> memref<10240x144xf32, #tpu.memory_space<vmem_shared>>
      tpu.wait_indirect_dma semaphore(%run_scoped3A : memref<!tpu.dma_semaphore, #tpu.memory_space<semaphore_mem>>) src(%arg25 : memref<80x144xf32, #tpu.memory_space<vmem>>) dst(%dma_wait3A_42 : memref<10240x144xf32, #tpu.memory_space<vmem_shared>>)
      tpu.yield
    }) : () -> ()
    %barrier3A_36 = arith.constant 0 : index
    tpu.barrier barrier_id(%barrier3A_36)
    "tpu.region"() ({
      %run_scoped3A = tpu.sem_alloc : memref<!tpu.dma_semaphore, #tpu.memory_space<semaphore_mem>>
      %dma_start3A_37 = arith.constant 0 : i32
      %dma_start3A_38 = tpu.memref_slice %arg7[%arg0, %mul3A_2, %dma_start3A_37] : memref<2x10240x144xf32, #tpu.memory_space<hbm>> -> memref<1x640x144xf32, #tpu.memory_space<hbm>>
      %dma_start3A_39 = tpu.memref_squeeze %dma_start3A_38 : memref<1x640x144xf32, #tpu.memory_space<hbm>> -> memref<640x144xf32, #tpu.memory_space<hbm>>
      %dma_start3A_40 = arith.constant 0 : i32
      %dma_start3A_41 = tpu.memref_slice %arg8[%mul3A_2, %dma_start3A_40] : memref<10240x144xf32, #tpu.memory_space<vmem_shared>> -> memref<640x144xf32, #tpu.memory_space<vmem_shared>>
      tpu.enqueue_dma source(%dma_start3A_41 : memref<640x144xf32, #tpu.memory_space<vmem_shared>>) target(%dma_start3A_39 : memref<640x144xf32, #tpu.memory_space<hbm>>) target_semaphore(%run_scoped3A : memref<!tpu.dma_semaphore, #tpu.memory_space<semaphore_mem>>)
      %dma_wait3A_42 = arith.constant 0 : i32
      %dma_wait3A_43 = tpu.memref_slice %arg7[%arg0, %mul3A_2, %dma_wait3A_42] : memref<2x10240x144xf32, #tpu.memory_space<hbm>> -> memref<1x640x144xf32, #tpu.memory_space<hbm>>
      %dma_wait3A_44 = tpu.memref_squeeze %dma_wait3A_43 : memref<1x640x144xf32, #tpu.memory_space<hbm>> -> memref<640x144xf32, #tpu.memory_space<hbm>>
      %dma_wait3A_45 = arith.constant 0 : i32
      %dma_wait3A_46 = tpu.memref_slice %arg8[%mul3A_2, %dma_wait3A_45] : memref<10240x144xf32, #tpu.memory_space<vmem_shared>> -> memref<640x144xf32, #tpu.memory_space<vmem_shared>>
      tpu.wait_dma2 semaphore(%run_scoped3A : memref<!tpu.dma_semaphore, #tpu.memory_space<semaphore_mem>>) src(%dma_wait3A_46 : memref<640x144xf32, #tpu.memory_space<vmem_shared>>) dst(%dma_wait3A_44 : memref<640x144xf32, #tpu.memory_space<hbm>>)
      tpu.yield
    }) : () -> ()
    return
  }
}

#map = affine_map<(d0, d1) -> (0, 0)>
#map1 = affine_map<(d0, d1) -> (0)>
#map2 = affine_map<(d0, d1) -> (0, 0, 0)>
module attributes {stable_mosaic.version = 14 : i64} {
  func.func @edge_kernel(%arg0: i32, %arg1: i32, %arg2: memref<10000x96xf32, #tpu.memory_space<hbm>>, %arg3: memref<10000x16xf32, #tpu.memory_space<hbm>>, %arg4: memref<320000xi32, #tpu.memory_space<hbm>>, %arg5: memref<320000xi32, #tpu.memory_space<hbm>>, %arg6: memref<10240x96xf32, #tpu.memory_space<hbm>>, %arg7: memref<2x10240x96xf32, #tpu.memory_space<hbm>>, %arg8: memref<10240x96xf32, #tpu.memory_space<vmem_shared>>, %arg9: memref<80xi32, #tpu.memory_space<vmem>>, %arg10: memref<80xi32, #tpu.memory_space<vmem>>, %arg11: memref<80x96xf32, #tpu.memory_space<vmem>>, %arg12: memref<80x16xf32, #tpu.memory_space<vmem>>, %arg13: memref<!tpu.dma_semaphore, #tpu.memory_space<semaphore_mem>>, %arg14: memref<!tpu.dma_semaphore, #tpu.memory_space<semaphore_mem>>, %arg15: memref<!tpu.dma_semaphore, #tpu.memory_space<semaphore_mem>>, %arg16: memref<!tpu.dma_semaphore, #tpu.memory_space<semaphore_mem>>, %arg17: memref<80xi32, #tpu.memory_space<vmem>>, %arg18: memref<80xi32, #tpu.memory_space<vmem>>, %arg19: memref<80x96xf32, #tpu.memory_space<vmem>>, %arg20: memref<80x16xf32, #tpu.memory_space<vmem>>, %arg21: memref<!tpu.dma_semaphore, #tpu.memory_space<semaphore_mem>>, %arg22: memref<!tpu.dma_semaphore, #tpu.memory_space<semaphore_mem>>, %arg23: memref<!tpu.dma_semaphore, #tpu.memory_space<semaphore_mem>>, %arg24: memref<!tpu.dma_semaphore, #tpu.memory_space<semaphore_mem>>, %arg25: memref<80x96xf32, #tpu.memory_space<vmem>>) attributes {dimension_semantics = [#tpu.dimension_semantics<core_parallel>, #tpu.dimension_semantics<subcore_parallel>], iteration_bounds = array<i64: 2, 16>, scalar_prefetch = 0 : i64, scratch_operands = 18 : i64, tpu.core_type = #tpu.core_type<sc_vector_subcore>, window_params = [{transform_indices = #map}, {transform_indices = #map}, {transform_indices = #map1}, {transform_indices = #map1}, {transform_indices = #map}, {transform_indices = #map2}]} {
    %mul3A = arith.constant 2 : i32
    %mul3A_0 = arith.muli %arg1, %mul3A : i32
    %add3A = arith.addi %mul3A_0, %arg0 : i32
    %mul3A_1 = arith.constant 640 : i32
    %mul3A_2 = arith.muli %arg1, %mul3A_1 : i32
    "tpu.region"() ({
      %run_scoped3A = tpu.sem_alloc : memref<!tpu.dma_semaphore, #tpu.memory_space<semaphore_mem>>
      %dma_start3A_37 = arith.constant 0 : i32
      %dma_start3A_38 = tpu.memref_slice %arg8[%mul3A_2, %dma_start3A_37] : memref<10240x96xf32, #tpu.memory_space<vmem_shared>> -> memref<640x96xf32, #tpu.memory_space<vmem_shared>>
      %dma_start3A_39 = arith.constant 0 : i32
      %dma_start3A_40 = tpu.memref_slice %arg6[%mul3A_2, %dma_start3A_39] : memref<10240x96xf32, #tpu.memory_space<hbm>> -> memref<640x96xf32, #tpu.memory_space<hbm>>
      tpu.enqueue_dma source(%dma_start3A_40 : memref<640x96xf32, #tpu.memory_space<hbm>>) target(%dma_start3A_38 : memref<640x96xf32, #tpu.memory_space<vmem_shared>>) target_semaphore(%run_scoped3A : memref<!tpu.dma_semaphore, #tpu.memory_space<semaphore_mem>>)
      %dma_wait3A_41 = arith.constant 0 : i32
      %dma_wait3A_42 = tpu.memref_slice %arg8[%mul3A_2, %dma_wait3A_41] : memref<10240x96xf32, #tpu.memory_space<vmem_shared>> -> memref<640x96xf32, #tpu.memory_space<vmem_shared>>
      %dma_wait3A_43 = arith.constant 0 : i32
      %dma_wait3A_44 = tpu.memref_slice %arg6[%mul3A_2, %dma_wait3A_43] : memref<10240x96xf32, #tpu.memory_space<hbm>> -> memref<640x96xf32, #tpu.memory_space<hbm>>
      tpu.wait_dma2 semaphore(%run_scoped3A : memref<!tpu.dma_semaphore, #tpu.memory_space<semaphore_mem>>) src(%dma_wait3A_44 : memref<640x96xf32, #tpu.memory_space<hbm>>) dst(%dma_wait3A_42 : memref<640x96xf32, #tpu.memory_space<vmem_shared>>)
      tpu.yield
    }) : () -> ()
    %barrier3A = arith.constant 0 : index
    tpu.barrier barrier_id(%barrier3A)
    %mul3A_3 = arith.constant 10000 : i32
    %mul3A_4 = arith.muli %add3A, %mul3A_3 : i32
    %iota3A = tpu.iota {dimensions = array<i32: 0>} : vector<16xi32>
    %add3A_5 = arith.constant 0 : i32
    %add3A_6 = arith.addi %mul3A_4, %add3A_5 : i32
    %dma_start3A = tpu.memref_slice %arg4[%add3A_6] : memref<320000xi32, #tpu.memory_space<hbm>> -> memref<80xi32, #tpu.memory_space<hbm>>
    %dma_start3A_7 = tpu.memref_slice %arg4[%add3A_6] : memref<320000xi32, #tpu.memory_space<hbm>> -> memref<80xi32, #tpu.memory_space<hbm>>
    tpu.enqueue_dma source(%dma_start3A_7 : memref<80xi32, #tpu.memory_space<hbm>>) target(%arg9 : memref<80xi32, #tpu.memory_space<vmem>>) target_semaphore(%arg15 : memref<!tpu.dma_semaphore, #tpu.memory_space<semaphore_mem>>)
    %dma_start3A_8 = tpu.memref_slice %arg5[%add3A_6] : memref<320000xi32, #tpu.memory_space<hbm>> -> memref<80xi32, #tpu.memory_space<hbm>>
    %dma_start3A_9 = tpu.memref_slice %arg5[%add3A_6] : memref<320000xi32, #tpu.memory_space<hbm>> -> memref<80xi32, #tpu.memory_space<hbm>>
    tpu.enqueue_dma source(%dma_start3A_9 : memref<80xi32, #tpu.memory_space<hbm>>) target(%arg10 : memref<80xi32, #tpu.memory_space<vmem>>) target_semaphore(%arg16 : memref<!tpu.dma_semaphore, #tpu.memory_space<semaphore_mem>>)
    %dma_wait3A = tpu.memref_slice %arg4[%add3A_6] : memref<320000xi32, #tpu.memory_space<hbm>> -> memref<80xi32, #tpu.memory_space<hbm>>
    %dma_wait3A_10 = tpu.memref_slice %arg4[%add3A_6] : memref<320000xi32, #tpu.memory_space<hbm>> -> memref<80xi32, #tpu.memory_space<hbm>>
    tpu.wait_dma2 semaphore(%arg15 : memref<!tpu.dma_semaphore, #tpu.memory_space<semaphore_mem>>) src(%dma_wait3A_10 : memref<80xi32, #tpu.memory_space<hbm>>) dst(%arg9 : memref<80xi32, #tpu.memory_space<vmem>>)
    %dma_wait3A_11 = tpu.memref_slice %arg5[%add3A_6] : memref<320000xi32, #tpu.memory_space<hbm>> -> memref<80xi32, #tpu.memory_space<hbm>>
    %dma_wait3A_12 = tpu.memref_slice %arg5[%add3A_6] : memref<320000xi32, #tpu.memory_space<hbm>> -> memref<80xi32, #tpu.memory_space<hbm>>
    tpu.wait_dma2 semaphore(%arg16 : memref<!tpu.dma_semaphore, #tpu.memory_space<semaphore_mem>>) src(%dma_wait3A_12 : memref<80xi32, #tpu.memory_space<hbm>>) dst(%arg10 : memref<80xi32, #tpu.memory_space<vmem>>)
    %dma_start3A_13 = arith.constant 0 : i32
    %dma_start3A_14 = arith.constant 0 : i32
    %dma_start3A_15 = tpu.memref_slice %arg2[%dma_start3A_13, %dma_start3A_14] : memref<10000x96xf32, #tpu.memory_space<hbm>> -> memref<10000x96xf32, #tpu.memory_space<hbm>>
    tpu.enqueue_indirect_dma source(%dma_start3A_15 : memref<10000x96xf32, #tpu.memory_space<hbm>>) target(%arg11 : memref<80x96xf32, #tpu.memory_space<vmem>>) offsets(%arg9 : memref<80xi32, #tpu.memory_space<vmem>>) semaphore(%arg13 : memref<!tpu.dma_semaphore, #tpu.memory_space<semaphore_mem>>)
    %dma_start3A_16 = arith.constant 0 : i32
    %dma_start3A_17 = arith.constant 0 : i32
    %dma_start3A_18 = tpu.memref_slice %arg3[%dma_start3A_16, %dma_start3A_17] : memref<10000x16xf32, #tpu.memory_space<hbm>> -> memref<10000x16xf32, #tpu.memory_space<hbm>>
    tpu.enqueue_indirect_dma source(%dma_start3A_18 : memref<10000x16xf32, #tpu.memory_space<hbm>>) target(%arg12 : memref<80x16xf32, #tpu.memory_space<vmem>>) offsets(%arg10 : memref<80xi32, #tpu.memory_space<vmem>>) semaphore(%arg14 : memref<!tpu.dma_semaphore, #tpu.memory_space<semaphore_mem>>)
    %scan3A = arith.constant 0 : i32
    %scan3A_19 = arith.constant 0 : i32
    %scan3A_20 = arith.constant 62 : i32
    %scan3A_21 = arith.addi %scan3A_19, %scan3A_20 : i32
    %scan3A_22 = arith.constant 1 : i32
    scf.for %scan3A_37 = %scan3A_19 to %scan3A_21 step %scan3A_22  : i32 {
      %mul3A_38 = arith.constant 2 : i32
      %mul3A_39 = arith.muli %mul3A_38, %scan3A_37 : i32
      %add3A_40 = arith.constant 1 : i32
      %add3A_41 = arith.addi %mul3A_39, %add3A_40 : i32
      %mul3A_42 = arith.constant 80 : i32
      %mul3A_43 = arith.muli %add3A_41, %mul3A_42 : i32
      %add3A_44 = arith.addi %mul3A_4, %mul3A_43 : i32
      %dma_start3A_45 = tpu.memref_slice %arg4[%add3A_44] : memref<320000xi32, #tpu.memory_space<hbm>> -> memref<80xi32, #tpu.memory_space<hbm>>
      %dma_start3A_46 = tpu.memref_slice %arg4[%add3A_44] : memref<320000xi32, #tpu.memory_space<hbm>> -> memref<80xi32, #tpu.memory_space<hbm>>
      tpu.enqueue_dma source(%dma_start3A_46 : memref<80xi32, #tpu.memory_space<hbm>>) target(%arg17 : memref<80xi32, #tpu.memory_space<vmem>>) target_semaphore(%arg23 : memref<!tpu.dma_semaphore, #tpu.memory_space<semaphore_mem>>)
      %dma_start3A_47 = tpu.memref_slice %arg5[%add3A_44] : memref<320000xi32, #tpu.memory_space<hbm>> -> memref<80xi32, #tpu.memory_space<hbm>>
      %dma_start3A_48 = tpu.memref_slice %arg5[%add3A_44] : memref<320000xi32, #tpu.memory_space<hbm>> -> memref<80xi32, #tpu.memory_space<hbm>>
      tpu.enqueue_dma source(%dma_start3A_48 : memref<80xi32, #tpu.memory_space<hbm>>) target(%arg18 : memref<80xi32, #tpu.memory_space<vmem>>) target_semaphore(%arg24 : memref<!tpu.dma_semaphore, #tpu.memory_space<semaphore_mem>>)
      %dma_wait3A_49 = tpu.memref_slice %arg4[%add3A_44] : memref<320000xi32, #tpu.memory_space<hbm>> -> memref<80xi32, #tpu.memory_space<hbm>>
      %dma_wait3A_50 = tpu.memref_slice %arg4[%add3A_44] : memref<320000xi32, #tpu.memory_space<hbm>> -> memref<80xi32, #tpu.memory_space<hbm>>
      tpu.wait_dma2 semaphore(%arg23 : memref<!tpu.dma_semaphore, #tpu.memory_space<semaphore_mem>>) src(%dma_wait3A_50 : memref<80xi32, #tpu.memory_space<hbm>>) dst(%arg17 : memref<80xi32, #tpu.memory_space<vmem>>)
      %dma_wait3A_51 = tpu.memref_slice %arg5[%add3A_44] : memref<320000xi32, #tpu.memory_space<hbm>> -> memref<80xi32, #tpu.memory_space<hbm>>
      %dma_wait3A_52 = tpu.memref_slice %arg5[%add3A_44] : memref<320000xi32, #tpu.memory_space<hbm>> -> memref<80xi32, #tpu.memory_space<hbm>>
      tpu.wait_dma2 semaphore(%arg24 : memref<!tpu.dma_semaphore, #tpu.memory_space<semaphore_mem>>) src(%dma_wait3A_52 : memref<80xi32, #tpu.memory_space<hbm>>) dst(%arg18 : memref<80xi32, #tpu.memory_space<vmem>>)
      %dma_start3A_53 = arith.constant 0 : i32
      %dma_start3A_54 = arith.constant 0 : i32
      %dma_start3A_55 = tpu.memref_slice %arg2[%dma_start3A_53, %dma_start3A_54] : memref<10000x96xf32, #tpu.memory_space<hbm>> -> memref<10000x96xf32, #tpu.memory_space<hbm>>
      tpu.enqueue_indirect_dma source(%dma_start3A_55 : memref<10000x96xf32, #tpu.memory_space<hbm>>) target(%arg19 : memref<80x96xf32, #tpu.memory_space<vmem>>) offsets(%arg17 : memref<80xi32, #tpu.memory_space<vmem>>) semaphore(%arg21 : memref<!tpu.dma_semaphore, #tpu.memory_space<semaphore_mem>>)
      %dma_start3A_56 = arith.constant 0 : i32
      %dma_start3A_57 = arith.constant 0 : i32
      %dma_start3A_58 = tpu.memref_slice %arg3[%dma_start3A_56, %dma_start3A_57] : memref<10000x16xf32, #tpu.memory_space<hbm>> -> memref<10000x16xf32, #tpu.memory_space<hbm>>
      tpu.enqueue_indirect_dma source(%dma_start3A_58 : memref<10000x16xf32, #tpu.memory_space<hbm>>) target(%arg20 : memref<80x16xf32, #tpu.memory_space<vmem>>) offsets(%arg18 : memref<80xi32, #tpu.memory_space<vmem>>) semaphore(%arg22 : memref<!tpu.dma_semaphore, #tpu.memory_space<semaphore_mem>>)
      %dma_wait3A_59 = arith.constant 0 : i32
      %dma_wait3A_60 = arith.constant 0 : i32
      %dma_wait3A_61 = tpu.memref_slice %arg2[%dma_wait3A_59, %dma_wait3A_60] : memref<10000x96xf32, #tpu.memory_space<hbm>> -> memref<10000x96xf32, #tpu.memory_space<hbm>>
      tpu.wait_indirect_dma semaphore(%arg13 : memref<!tpu.dma_semaphore, #tpu.memory_space<semaphore_mem>>) src(%dma_wait3A_61 : memref<10000x96xf32, #tpu.memory_space<hbm>>) dst(%arg11 : memref<80x96xf32, #tpu.memory_space<vmem>>)
      %dma_wait3A_62 = arith.constant 0 : i32
      %dma_wait3A_63 = arith.constant 0 : i32
      %dma_wait3A_64 = tpu.memref_slice %arg3[%dma_wait3A_62, %dma_wait3A_63] : memref<10000x16xf32, #tpu.memory_space<hbm>> -> memref<10000x16xf32, #tpu.memory_space<hbm>>
      tpu.wait_indirect_dma semaphore(%arg14 : memref<!tpu.dma_semaphore, #tpu.memory_space<semaphore_mem>>) src(%dma_wait3A_64 : memref<10000x16xf32, #tpu.memory_space<hbm>>) dst(%arg12 : memref<80x16xf32, #tpu.memory_space<vmem>>)
      %scan3A_65 = arith.constant 0 : i32
      %scan3A_66 = arith.constant 0 : i32
      %scan3A_67 = arith.constant 80 : i32
      %scan3A_68 = arith.addi %scan3A_66, %scan3A_67 : i32
      %scan3A_69 = arith.constant 1 : i32
      scf.for %scan3A_89 = %scan3A_66 to %scan3A_68 step %scan3A_69  : i32 {
        %get3A = arith.index_cast %scan3A_89 : i32 to index
        %get3A_90 = arith.constant 80 : index
        %get3A_91 = tpu.vector_load %arg11[%get3A, %get3A_90] {strides = array<i32>} : memref<80x96xf32, #tpu.memory_space<vmem>>, vector<1x16xf32>,
        %get3A_92 = vector.shape_cast %get3A_91 : vector<1x16xf32> to vector<16xf32>
        %get3A_93 = arith.index_cast %scan3A_89 : i32 to index
        %get3A_94 = arith.constant 0 : index
        %get3A_95 = tpu.vector_load %arg12[%get3A_93, %get3A_94] {strides = array<i32>} : memref<80x16xf32, #tpu.memory_space<vmem>>, vector<1x16xf32>,
        %get3A_96 = vector.shape_cast %get3A_95 : vector<1x16xf32> to vector<16xf32>
        %add3A_97 = arith.addf %get3A_92, %get3A_96 : vector<16xf32>
        %ge3A = arith.constant 0.000000e+00 : f32
        %ge3A_98 = vector.broadcast %ge3A : f32 to vector<16xf32>
        %ge3A_99 = arith.cmpf oge, %add3A_97, %ge3A_98 : vector<16xf32>
        %mul3A_100 = arith.constant 2.000000e-01 : f32
        %mul3A_101 = vector.broadcast %mul3A_100 : f32 to vector<16xf32>
        %mul3A_102 = arith.mulf %add3A_97, %mul3A_101 : vector<16xf32>
        %select_n3A = arith.select %ge3A_99, %add3A_97, %mul3A_102 : vector<16xi1>, vector<16xf32>
        %exp3A = math.exp %select_n3A : vector<16xf32>
        %swap3A = arith.index_cast %scan3A_89 : i32 to index
        %swap3A_103 = arith.constant 80 : index
        %swap3A_104 = tpu.vector_load %arg25[%swap3A, %swap3A_103] {strides = array<i32>} : memref<80x96xf32, #tpu.memory_space<vmem>>, vector<1x16xf32>,
        %swap3A_105 = vector.shape_cast %swap3A_104 : vector<1x16xf32> to vector<16xf32>
        %swap3A_106 = vector.shape_cast %exp3A : vector<16xf32> to vector<1x16xf32>
        tpu.vector_store %arg25[%swap3A, %swap3A_103], %swap3A_106 {strides = array<i32>} : memref<80x96xf32, #tpu.memory_space<vmem>>, vector<1x16xf32>,
        %slice3A = vector.extract_strided_slice %exp3A {offsets = [0], sizes = [1], strides = [1]} : vector<16xf32> to vector<1xf32>
        %squeeze3A = vector.extract %slice3A[0] : f32 from vector<1xf32>
        %get3A_107 = arith.index_cast %scan3A_89 : i32 to index
        %get3A_108 = arith.constant 0 : index
        %get3A_109 = tpu.vector_load %arg11[%get3A_107, %get3A_108] {strides = array<i32>} : memref<80x96xf32, #tpu.memory_space<vmem>>, vector<1x16xf32>,
        %get3A_110 = vector.shape_cast %get3A_109 : vector<1x16xf32> to vector<16xf32>
        %mul3A_111 = vector.broadcast %squeeze3A : f32 to vector<16xf32>
        %mul3A_112 = arith.mulf %get3A_110, %mul3A_111 : vector<16xf32>
        %swap3A_113 = arith.index_cast %scan3A_89 : i32 to index
        %swap3A_114 = arith.constant 0 : index
        %swap3A_115 = tpu.vector_load %arg25[%swap3A_113, %swap3A_114] {strides = array<i32>} : memref<80x96xf32, #tpu.memory_space<vmem>>, vector<1x16xf32>,
        %swap3A_116 = vector.shape_cast %swap3A_115 : vector<1x16xf32> to vector<16xf32>
        %swap3A_117 = vector.shape_cast %mul3A_112 : vector<16xf32> to vector<1x16xf32>
        tpu.vector_store %arg25[%swap3A_113, %swap3A_114], %swap3A_117 {strides = array<i32>} : memref<80x96xf32, #tpu.memory_space<vmem>>, vector<1x16xf32>,
        %slice3A_118 = vector.extract_strided_slice %exp3A {offsets = [0], sizes = [1], strides = [1]} : vector<16xf32> to vector<1xf32>
        %squeeze3A_119 = vector.extract %slice3A_118[0] : f32 from vector<1xf32>
        %get3A_120 = arith.index_cast %scan3A_89 : i32 to index
        %get3A_121 = arith.constant 16 : index
        %get3A_122 = tpu.vector_load %arg11[%get3A_120, %get3A_121] {strides = array<i32>} : memref<80x96xf32, #tpu.memory_space<vmem>>, vector<1x16xf32>,
        %get3A_123 = vector.shape_cast %get3A_122 : vector<1x16xf32> to vector<16xf32>
        %mul3A_124 = vector.broadcast %squeeze3A_119 : f32 to vector<16xf32>
        %mul3A_125 = arith.mulf %get3A_123, %mul3A_124 : vector<16xf32>
        %swap3A_126 = arith.index_cast %scan3A_89 : i32 to index
        %swap3A_127 = arith.constant 16 : index
        %swap3A_128 = tpu.vector_load %arg25[%swap3A_126, %swap3A_127] {strides = array<i32>} : memref<80x96xf32, #tpu.memory_space<vmem>>, vector<1x16xf32>,
        %swap3A_129 = vector.shape_cast %swap3A_128 : vector<1x16xf32> to vector<16xf32>
        %swap3A_130 = vector.shape_cast %mul3A_125 : vector<16xf32> to vector<1x16xf32>
        tpu.vector_store %arg25[%swap3A_126, %swap3A_127], %swap3A_130 {strides = array<i32>} : memref<80x96xf32, #tpu.memory_space<vmem>>, vector<1x16xf32>,
        %lt3A_131 = arith.constant 8 : i32
        %lt3A_132 = vector.broadcast %lt3A_131 : i32 to vector<16xi32>
        %lt3A_133 = arith.cmpi slt, %iota3A, %lt3A_132 : vector<16xi32>
        %slice3A_134 = vector.extract_strided_slice %exp3A {offsets = [0], sizes = [1], strides = [1]} : vector<16xf32> to vector<1xf32>
        %squeeze3A_135 = vector.extract %slice3A_134[0] : f32 from vector<1xf32>
        %slice3A_136 = vector.extract_strided_slice %exp3A {offsets = [1], sizes = [1], strides = [1]} : vector<16xf32> to vector<1xf32>
        %squeeze3A_137 = vector.extract %slice3A_136[0] : f32 from vector<1xf32>
        %broadcast_in_dim3A = vector.broadcast %squeeze3A_135 : f32 to vector<16xf32>
        %broadcast_in_dim3A_138 = vector.broadcast %squeeze3A_137 : f32 to vector<16xf32>
        %select_n3A_139 = arith.select %lt3A_133, %broadcast_in_dim3A, %broadcast_in_dim3A_138 : vector<16xi1>, vector<16xf32>
        %get3A_140 = arith.index_cast %scan3A_89 : i32 to index
        %get3A_141 = arith.constant 32 : index
        %get3A_142 = tpu.vector_load %arg11[%get3A_140, %get3A_141] {strides = array<i32>} : memref<80x96xf32, #tpu.memory_space<vmem>>, vector<1x16xf32>,
        %get3A_143 = vector.shape_cast %get3A_142 : vector<1x16xf32> to vector<16xf32>
        %mul3A_144 = arith.mulf %get3A_143, %select_n3A_139 : vector<16xf32>
        %swap3A_145 = arith.index_cast %scan3A_89 : i32 to index
        %swap3A_146 = arith.constant 32 : index
        %swap3A_147 = tpu.vector_load %arg25[%swap3A_145, %swap3A_146] {strides = array<i32>} : memref<80x96xf32, #tpu.memory_space<vmem>>, vector<1x16xf32>,
        %swap3A_148 = vector.shape_cast %swap3A_147 : vector<1x16xf32> to vector<16xf32>
        %swap3A_149 = vector.shape_cast %mul3A_144 : vector<16xf32> to vector<1x16xf32>
        tpu.vector_store %arg25[%swap3A_145, %swap3A_146], %swap3A_149 {strides = array<i32>} : memref<80x96xf32, #tpu.memory_space<vmem>>, vector<1x16xf32>,
        %slice3A_150 = vector.extract_strided_slice %exp3A {offsets = [1], sizes = [1], strides = [1]} : vector<16xf32> to vector<1xf32>
        %squeeze3A_151 = vector.extract %slice3A_150[0] : f32 from vector<1xf32>
        %get3A_152 = arith.index_cast %scan3A_89 : i32 to index
        %get3A_153 = arith.constant 48 : index
        %get3A_154 = tpu.vector_load %arg11[%get3A_152, %get3A_153] {strides = array<i32>} : memref<80x96xf32, #tpu.memory_space<vmem>>, vector<1x16xf32>,
        %get3A_155 = vector.shape_cast %get3A_154 : vector<1x16xf32> to vector<16xf32>
        %mul3A_156 = vector.broadcast %squeeze3A_151 : f32 to vector<16xf32>
        %mul3A_157 = arith.mulf %get3A_155, %mul3A_156 : vector<16xf32>
        %swap3A_158 = arith.index_cast %scan3A_89 : i32 to index
        %swap3A_159 = arith.constant 48 : index
        %swap3A_160 = tpu.vector_load %arg25[%swap3A_158, %swap3A_159] {strides = array<i32>} : memref<80x96xf32, #tpu.memory_space<vmem>>, vector<1x16xf32>,
        %swap3A_161 = vector.shape_cast %swap3A_160 : vector<1x16xf32> to vector<16xf32>
        %swap3A_162 = vector.shape_cast %mul3A_157 : vector<16xf32> to vector<1x16xf32>
        tpu.vector_store %arg25[%swap3A_158, %swap3A_159], %swap3A_162 {strides = array<i32>} : memref<80x96xf32, #tpu.memory_space<vmem>>, vector<1x16xf32>,
        %slice3A_163 = vector.extract_strided_slice %exp3A {offsets = [1], sizes = [1], strides = [1]} : vector<16xf32> to vector<1xf32>
        %squeeze3A_164 = vector.extract %slice3A_163[0] : f32 from vector<1xf32>
        %get3A_165 = arith.index_cast %scan3A_89 : i32 to index
        %get3A_166 = arith.constant 64 : index
        %get3A_167 = tpu.vector_load %arg11[%get3A_165, %get3A_166] {strides = array<i32>} : memref<80x96xf32, #tpu.memory_space<vmem>>, vector<1x16xf32>,
        %get3A_168 = vector.shape_cast %get3A_167 : vector<1x16xf32> to vector<16xf32>
        %mul3A_169 = vector.broadcast %squeeze3A_164 : f32 to vector<16xf32>
        %mul3A_170 = arith.mulf %get3A_168, %mul3A_169 : vector<16xf32>
        %swap3A_171 = arith.index_cast %scan3A_89 : i32 to index
        %swap3A_172 = arith.constant 64 : index
        %swap3A_173 = tpu.vector_load %arg25[%swap3A_171, %swap3A_172] {strides = array<i32>} : memref<80x96xf32, #tpu.memory_space<vmem>>, vector<1x16xf32>,
        %swap3A_174 = vector.shape_cast %swap3A_173 : vector<1x16xf32> to vector<16xf32>
        %swap3A_175 = vector.shape_cast %mul3A_170 : vector<16xf32> to vector<1x16xf32>
        tpu.vector_store %arg25[%swap3A_171, %swap3A_172], %swap3A_175 {strides = array<i32>} : memref<80x96xf32, #tpu.memory_space<vmem>>, vector<1x16xf32>,
      }
      %scan3A_70 = arith.constant 80 : i32
      "tpu.region"() ({
        %run_scoped3A = tpu.sem_alloc : memref<!tpu.dma_semaphore, #tpu.memory_space<semaphore_mem>>
        %dma_start3A_89 = arith.constant 0 : i32
        %dma_start3A_90 = arith.constant 0 : i32
        %dma_start3A_91 = tpu.memref_slice %arg8[%dma_start3A_89, %dma_start3A_90] : memref<10240x96xf32, #tpu.memory_space<vmem_shared>> -> memref<10240x96xf32, #tpu.memory_space<vmem_shared>>
        tpu.enqueue_indirect_dma source(%arg25 : memref<80x96xf32, #tpu.memory_space<vmem>>) target(%dma_start3A_91 : memref<10240x96xf32, #tpu.memory_space<vmem_shared>>) offsets(%arg10 : memref<80xi32, #tpu.memory_space<vmem>>) semaphore(%run_scoped3A : memref<!tpu.dma_semaphore, #tpu.memory_space<semaphore_mem>>) {add = true}
        %dma_wait3A_92 = arith.constant 0 : i32
        %dma_wait3A_93 = arith.constant 0 : i32
        %dma_wait3A_94 = tpu.memref_slice %arg8[%dma_wait3A_92, %dma_wait3A_93] : memref<10240x96xf32, #tpu.memory_space<vmem_shared>> -> memref<10240x96xf32, #tpu.memory_space<vmem_shared>>
        tpu.wait_indirect_dma semaphore(%run_scoped3A : memref<!tpu.dma_semaphore, #tpu.memory_space<semaphore_mem>>) src(%arg25 : memref<80x96xf32, #tpu.memory_space<vmem>>) dst(%dma_wait3A_94 : memref<10240x96xf32, #tpu.memory_space<vmem_shared>>)
        tpu.yield
      }) : () -> ()
      %mul3A_71 = arith.constant 2 : i32
      %mul3A_72 = arith.muli %mul3A_71, %scan3A_37 : i32
      %add3A_73 = arith.constant 2 : i32
      %add3A_74 = arith.addi %mul3A_72, %add3A_73 : i32
      %lt3A = arith.constant 125 : i32
      %lt3A_75 = arith.cmpi slt, %add3A_74, %lt3A : i32
      %convert_element_type3A = arith.extui %lt3A_75 : i1 to i32
      %cond3A = arith.constant 0 : i32
      %cond3A_76 = arith.cmpi ne, %convert_element_type3A, %cond3A : i32
      scf.if %cond3A_76 {
        %mul3A_89 = arith.constant 2 : i32
        %mul3A_90 = arith.muli %mul3A_89, %scan3A_37 : i32
        %add3A_91 = arith.constant 2 : i32
        %add3A_92 = arith.addi %mul3A_90, %add3A_91 : i32
        %mul3A_93 = arith.constant 80 : i32
        %mul3A_94 = arith.muli %add3A_92, %mul3A_93 : i32
        %add3A_95 = arith.addi %mul3A_4, %mul3A_94 : i32
        %dma_start3A_96 = tpu.memref_slice %arg4[%add3A_95] : memref<320000xi32, #tpu.memory_space<hbm>> -> memref<80xi32, #tpu.memory_space<hbm>>
        %dma_start3A_97 = tpu.memref_slice %arg4[%add3A_95] : memref<320000xi32, #tpu.memory_space<hbm>> -> memref<80xi32, #tpu.memory_space<hbm>>
        tpu.enqueue_dma source(%dma_start3A_97 : memref<80xi32, #tpu.memory_space<hbm>>) target(%arg9 : memref<80xi32, #tpu.memory_space<vmem>>) target_semaphore(%arg15 : memref<!tpu.dma_semaphore, #tpu.memory_space<semaphore_mem>>)
        %dma_start3A_98 = tpu.memref_slice %arg5[%add3A_95] : memref<320000xi32, #tpu.memory_space<hbm>> -> memref<80xi32, #tpu.memory_space<hbm>>
        %dma_start3A_99 = tpu.memref_slice %arg5[%add3A_95] : memref<320000xi32, #tpu.memory_space<hbm>> -> memref<80xi32, #tpu.memory_space<hbm>>
        tpu.enqueue_dma source(%dma_start3A_99 : memref<80xi32, #tpu.memory_space<hbm>>) target(%arg10 : memref<80xi32, #tpu.memory_space<vmem>>) target_semaphore(%arg16 : memref<!tpu.dma_semaphore, #tpu.memory_space<semaphore_mem>>)
        %dma_wait3A_100 = tpu.memref_slice %arg4[%add3A_95] : memref<320000xi32, #tpu.memory_space<hbm>> -> memref<80xi32, #tpu.memory_space<hbm>>
        %dma_wait3A_101 = tpu.memref_slice %arg4[%add3A_95] : memref<320000xi32, #tpu.memory_space<hbm>> -> memref<80xi32, #tpu.memory_space<hbm>>
        tpu.wait_dma2 semaphore(%arg15 : memref<!tpu.dma_semaphore, #tpu.memory_space<semaphore_mem>>) src(%dma_wait3A_101 : memref<80xi32, #tpu.memory_space<hbm>>) dst(%arg9 : memref<80xi32, #tpu.memory_space<vmem>>)
        %dma_wait3A_102 = tpu.memref_slice %arg5[%add3A_95] : memref<320000xi32, #tpu.memory_space<hbm>> -> memref<80xi32, #tpu.memory_space<hbm>>
        %dma_wait3A_103 = tpu.memref_slice %arg5[%add3A_95] : memref<320000xi32, #tpu.memory_space<hbm>> -> memref<80xi32, #tpu.memory_space<hbm>>
        tpu.wait_dma2 semaphore(%arg16 : memref<!tpu.dma_semaphore, #tpu.memory_space<semaphore_mem>>) src(%dma_wait3A_103 : memref<80xi32, #tpu.memory_space<hbm>>) dst(%arg10 : memref<80xi32, #tpu.memory_space<vmem>>)
        %dma_start3A_104 = arith.constant 0 : i32
        %dma_start3A_105 = arith.constant 0 : i32
        %dma_start3A_106 = tpu.memref_slice %arg2[%dma_start3A_104, %dma_start3A_105] : memref<10000x96xf32, #tpu.memory_space<hbm>> -> memref<10000x96xf32, #tpu.memory_space<hbm>>
        tpu.enqueue_indirect_dma source(%dma_start3A_106 : memref<10000x96xf32, #tpu.memory_space<hbm>>) target(%arg11 : memref<80x96xf32, #tpu.memory_space<vmem>>) offsets(%arg9 : memref<80xi32, #tpu.memory_space<vmem>>) semaphore(%arg13 : memref<!tpu.dma_semaphore, #tpu.memory_space<semaphore_mem>>)
        %dma_start3A_107 = arith.constant 0 : i32
        %dma_start3A_108 = arith.constant 0 : i32
        %dma_start3A_109 = tpu.memref_slice %arg3[%dma_start3A_107, %dma_start3A_108] : memref<10000x16xf32, #tpu.memory_space<hbm>> -> memref<10000x16xf32, #tpu.memory_space<hbm>>
        tpu.enqueue_indirect_dma source(%dma_start3A_109 : memref<10000x16xf32, #tpu.memory_space<hbm>>) target(%arg12 : memref<80x16xf32, #tpu.memory_space<vmem>>) offsets(%arg10 : memref<80xi32, #tpu.memory_space<vmem>>) semaphore(%arg14 : memref<!tpu.dma_semaphore, #tpu.memory_space<semaphore_mem>>)
      } else {
      }
      %dma_wait3A_77 = arith.constant 0 : i32
      %dma_wait3A_78 = arith.constant 0 : i32
      %dma_wait3A_79 = tpu.memref_slice %arg2[%dma_wait3A_77, %dma_wait3A_78] : memref<10000x96xf32, #tpu.memory_space<hbm>> -> memref<10000x96xf32, #tpu.memory_space<hbm>>
      tpu.wait_indirect_dma semaphore(%arg21 : memref<!tpu.dma_semaphore, #tpu.memory_space<semaphore_mem>>) src(%dma_wait3A_79 : memref<10000x96xf32, #tpu.memory_space<hbm>>) dst(%arg19 : memref<80x96xf32, #tpu.memory_space<vmem>>)
      %dma_wait3A_80 = arith.constant 0 : i32
      %dma_wait3A_81 = arith.constant 0 : i32
      %dma_wait3A_82 = tpu.memref_slice %arg3[%dma_wait3A_80, %dma_wait3A_81] : memref<10000x16xf32, #tpu.memory_space<hbm>> -> memref<10000x16xf32, #tpu.memory_space<hbm>>
      tpu.wait_indirect_dma semaphore(%arg22 : memref<!tpu.dma_semaphore, #tpu.memory_space<semaphore_mem>>) src(%dma_wait3A_82 : memref<10000x16xf32, #tpu.memory_space<hbm>>) dst(%arg20 : memref<80x16xf32, #tpu.memory_space<vmem>>)
      %scan3A_83 = arith.constant 0 : i32
      %scan3A_84 = arith.constant 0 : i32
      %scan3A_85 = arith.constant 80 : i32
      %scan3A_86 = arith.addi %scan3A_84, %scan3A_85 : i32
      %scan3A_87 = arith.constant 1 : i32
      scf.for %scan3A_89 = %scan3A_84 to %scan3A_86 step %scan3A_87  : i32 {
        %get3A = arith.index_cast %scan3A_89 : i32 to index
        %get3A_90 = arith.constant 80 : index
        %get3A_91 = tpu.vector_load %arg19[%get3A, %get3A_90] {strides = array<i32>} : memref<80x96xf32, #tpu.memory_space<vmem>>, vector<1x16xf32>,
        %get3A_92 = vector.shape_cast %get3A_91 : vector<1x16xf32> to vector<16xf32>
        %get3A_93 = arith.index_cast %scan3A_89 : i32 to index
        %get3A_94 = arith.constant 0 : index
        %get3A_95 = tpu.vector_load %arg20[%get3A_93, %get3A_94] {strides = array<i32>} : memref<80x16xf32, #tpu.memory_space<vmem>>, vector<1x16xf32>,
        %get3A_96 = vector.shape_cast %get3A_95 : vector<1x16xf32> to vector<16xf32>
        %add3A_97 = arith.addf %get3A_92, %get3A_96 : vector<16xf32>
        %ge3A = arith.constant 0.000000e+00 : f32
        %ge3A_98 = vector.broadcast %ge3A : f32 to vector<16xf32>
        %ge3A_99 = arith.cmpf oge, %add3A_97, %ge3A_98 : vector<16xf32>
        %mul3A_100 = arith.constant 2.000000e-01 : f32
        %mul3A_101 = vector.broadcast %mul3A_100 : f32 to vector<16xf32>
        %mul3A_102 = arith.mulf %add3A_97, %mul3A_101 : vector<16xf32>
        %select_n3A = arith.select %ge3A_99, %add3A_97, %mul3A_102 : vector<16xi1>, vector<16xf32>
        %exp3A = math.exp %select_n3A : vector<16xf32>
        %swap3A = arith.index_cast %scan3A_89 : i32 to index
        %swap3A_103 = arith.constant 80 : index
        %swap3A_104 = tpu.vector_load %arg25[%swap3A, %swap3A_103] {strides = array<i32>} : memref<80x96xf32, #tpu.memory_space<vmem>>, vector<1x16xf32>,
        %swap3A_105 = vector.shape_cast %swap3A_104 : vector<1x16xf32> to vector<16xf32>
        %swap3A_106 = vector.shape_cast %exp3A : vector<16xf32> to vector<1x16xf32>
        tpu.vector_store %arg25[%swap3A, %swap3A_103], %swap3A_106 {strides = array<i32>} : memref<80x96xf32, #tpu.memory_space<vmem>>, vector<1x16xf32>,
        %slice3A = vector.extract_strided_slice %exp3A {offsets = [0], sizes = [1], strides = [1]} : vector<16xf32> to vector<1xf32>
        %squeeze3A = vector.extract %slice3A[0] : f32 from vector<1xf32>
        %get3A_107 = arith.index_cast %scan3A_89 : i32 to index
        %get3A_108 = arith.constant 0 : index
        %get3A_109 = tpu.vector_load %arg19[%get3A_107, %get3A_108] {strides = array<i32>} : memref<80x96xf32, #tpu.memory_space<vmem>>, vector<1x16xf32>,
        %get3A_110 = vector.shape_cast %get3A_109 : vector<1x16xf32> to vector<16xf32>
        %mul3A_111 = vector.broadcast %squeeze3A : f32 to vector<16xf32>
        %mul3A_112 = arith.mulf %get3A_110, %mul3A_111 : vector<16xf32>
        %swap3A_113 = arith.index_cast %scan3A_89 : i32 to index
        %swap3A_114 = arith.constant 0 : index
        %swap3A_115 = tpu.vector_load %arg25[%swap3A_113, %swap3A_114] {strides = array<i32>} : memref<80x96xf32, #tpu.memory_space<vmem>>, vector<1x16xf32>,
        %swap3A_116 = vector.shape_cast %swap3A_115 : vector<1x16xf32> to vector<16xf32>
        %swap3A_117 = vector.shape_cast %mul3A_112 : vector<16xf32> to vector<1x16xf32>
        tpu.vector_store %arg25[%swap3A_113, %swap3A_114], %swap3A_117 {strides = array<i32>} : memref<80x96xf32, #tpu.memory_space<vmem>>, vector<1x16xf32>,
        %slice3A_118 = vector.extract_strided_slice %exp3A {offsets = [0], sizes = [1], strides = [1]} : vector<16xf32> to vector<1xf32>
        %squeeze3A_119 = vector.extract %slice3A_118[0] : f32 from vector<1xf32>
        %get3A_120 = arith.index_cast %scan3A_89 : i32 to index
        %get3A_121 = arith.constant 16 : index
        %get3A_122 = tpu.vector_load %arg19[%get3A_120, %get3A_121] {strides = array<i32>} : memref<80x96xf32, #tpu.memory_space<vmem>>, vector<1x16xf32>,
        %get3A_123 = vector.shape_cast %get3A_122 : vector<1x16xf32> to vector<16xf32>
        %mul3A_124 = vector.broadcast %squeeze3A_119 : f32 to vector<16xf32>
        %mul3A_125 = arith.mulf %get3A_123, %mul3A_124 : vector<16xf32>
        %swap3A_126 = arith.index_cast %scan3A_89 : i32 to index
        %swap3A_127 = arith.constant 16 : index
        %swap3A_128 = tpu.vector_load %arg25[%swap3A_126, %swap3A_127] {strides = array<i32>} : memref<80x96xf32, #tpu.memory_space<vmem>>, vector<1x16xf32>,
        %swap3A_129 = vector.shape_cast %swap3A_128 : vector<1x16xf32> to vector<16xf32>
        %swap3A_130 = vector.shape_cast %mul3A_125 : vector<16xf32> to vector<1x16xf32>
        tpu.vector_store %arg25[%swap3A_126, %swap3A_127], %swap3A_130 {strides = array<i32>} : memref<80x96xf32, #tpu.memory_space<vmem>>, vector<1x16xf32>,
        %lt3A_131 = arith.constant 8 : i32
        %lt3A_132 = vector.broadcast %lt3A_131 : i32 to vector<16xi32>
        %lt3A_133 = arith.cmpi slt, %iota3A, %lt3A_132 : vector<16xi32>
        %slice3A_134 = vector.extract_strided_slice %exp3A {offsets = [0], sizes = [1], strides = [1]} : vector<16xf32> to vector<1xf32>
        %squeeze3A_135 = vector.extract %slice3A_134[0] : f32 from vector<1xf32>
        %slice3A_136 = vector.extract_strided_slice %exp3A {offsets = [1], sizes = [1], strides = [1]} : vector<16xf32> to vector<1xf32>
        %squeeze3A_137 = vector.extract %slice3A_136[0] : f32 from vector<1xf32>
        %broadcast_in_dim3A = vector.broadcast %squeeze3A_135 : f32 to vector<16xf32>
        %broadcast_in_dim3A_138 = vector.broadcast %squeeze3A_137 : f32 to vector<16xf32>
        %select_n3A_139 = arith.select %lt3A_133, %broadcast_in_dim3A, %broadcast_in_dim3A_138 : vector<16xi1>, vector<16xf32>
        %get3A_140 = arith.index_cast %scan3A_89 : i32 to index
        %get3A_141 = arith.constant 32 : index
        %get3A_142 = tpu.vector_load %arg19[%get3A_140, %get3A_141] {strides = array<i32>} : memref<80x96xf32, #tpu.memory_space<vmem>>, vector<1x16xf32>,
        %get3A_143 = vector.shape_cast %get3A_142 : vector<1x16xf32> to vector<16xf32>
        %mul3A_144 = arith.mulf %get3A_143, %select_n3A_139 : vector<16xf32>
        %swap3A_145 = arith.index_cast %scan3A_89 : i32 to index
        %swap3A_146 = arith.constant 32 : index
        %swap3A_147 = tpu.vector_load %arg25[%swap3A_145, %swap3A_146] {strides = array<i32>} : memref<80x96xf32, #tpu.memory_space<vmem>>, vector<1x16xf32>,
        %swap3A_148 = vector.shape_cast %swap3A_147 : vector<1x16xf32> to vector<16xf32>
        %swap3A_149 = vector.shape_cast %mul3A_144 : vector<16xf32> to vector<1x16xf32>
        tpu.vector_store %arg25[%swap3A_145, %swap3A_146], %swap3A_149 {strides = array<i32>} : memref<80x96xf32, #tpu.memory_space<vmem>>, vector<1x16xf32>,
        %slice3A_150 = vector.extract_strided_slice %exp3A {offsets = [1], sizes = [1], strides = [1]} : vector<16xf32> to vector<1xf32>
        %squeeze3A_151 = vector.extract %slice3A_150[0] : f32 from vector<1xf32>
        %get3A_152 = arith.index_cast %scan3A_89 : i32 to index
        %get3A_153 = arith.constant 48 : index
        %get3A_154 = tpu.vector_load %arg19[%get3A_152, %get3A_153] {strides = array<i32>} : memref<80x96xf32, #tpu.memory_space<vmem>>, vector<1x16xf32>,
        %get3A_155 = vector.shape_cast %get3A_154 : vector<1x16xf32> to vector<16xf32>
        %mul3A_156 = vector.broadcast %squeeze3A_151 : f32 to vector<16xf32>
        %mul3A_157 = arith.mulf %get3A_155, %mul3A_156 : vector<16xf32>
        %swap3A_158 = arith.index_cast %scan3A_89 : i32 to index
        %swap3A_159 = arith.constant 48 : index
        %swap3A_160 = tpu.vector_load %arg25[%swap3A_158, %swap3A_159] {strides = array<i32>} : memref<80x96xf32, #tpu.memory_space<vmem>>, vector<1x16xf32>,
        %swap3A_161 = vector.shape_cast %swap3A_160 : vector<1x16xf32> to vector<16xf32>
        %swap3A_162 = vector.shape_cast %mul3A_157 : vector<16xf32> to vector<1x16xf32>
        tpu.vector_store %arg25[%swap3A_158, %swap3A_159], %swap3A_162 {strides = array<i32>} : memref<80x96xf32, #tpu.memory_space<vmem>>, vector<1x16xf32>,
        %slice3A_163 = vector.extract_strided_slice %exp3A {offsets = [1], sizes = [1], strides = [1]} : vector<16xf32> to vector<1xf32>
        %squeeze3A_164 = vector.extract %slice3A_163[0] : f32 from vector<1xf32>
        %get3A_165 = arith.index_cast %scan3A_89 : i32 to index
        %get3A_166 = arith.constant 64 : index
        %get3A_167 = tpu.vector_load %arg19[%get3A_165, %get3A_166] {strides = array<i32>} : memref<80x96xf32, #tpu.memory_space<vmem>>, vector<1x16xf32>,
        %get3A_168 = vector.shape_cast %get3A_167 : vector<1x16xf32> to vector<16xf32>
        %mul3A_169 = vector.broadcast %squeeze3A_164 : f32 to vector<16xf32>
        %mul3A_170 = arith.mulf %get3A_168, %mul3A_169 : vector<16xf32>
        %swap3A_171 = arith.index_cast %scan3A_89 : i32 to index
        %swap3A_172 = arith.constant 64 : index
        %swap3A_173 = tpu.vector_load %arg25[%swap3A_171, %swap3A_172] {strides = array<i32>} : memref<80x96xf32, #tpu.memory_space<vmem>>, vector<1x16xf32>,
        %swap3A_174 = vector.shape_cast %swap3A_173 : vector<1x16xf32> to vector<16xf32>
        %swap3A_175 = vector.shape_cast %mul3A_170 : vector<16xf32> to vector<1x16xf32>
        tpu.vector_store %arg25[%swap3A_171, %swap3A_172], %swap3A_175 {strides = array<i32>} : memref<80x96xf32, #tpu.memory_space<vmem>>, vector<1x16xf32>,
      }
      %scan3A_88 = arith.constant 80 : i32
      "tpu.region"() ({
        %run_scoped3A = tpu.sem_alloc : memref<!tpu.dma_semaphore, #tpu.memory_space<semaphore_mem>>
        %dma_start3A_89 = arith.constant 0 : i32
        %dma_start3A_90 = arith.constant 0 : i32
        %dma_start3A_91 = tpu.memref_slice %arg8[%dma_start3A_89, %dma_start3A_90] : memref<10240x96xf32, #tpu.memory_space<vmem_shared>> -> memref<10240x96xf32, #tpu.memory_space<vmem_shared>>
        tpu.enqueue_indirect_dma source(%arg25 : memref<80x96xf32, #tpu.memory_space<vmem>>) target(%dma_start3A_91 : memref<10240x96xf32, #tpu.memory_space<vmem_shared>>) offsets(%arg18 : memref<80xi32, #tpu.memory_space<vmem>>) semaphore(%run_scoped3A : memref<!tpu.dma_semaphore, #tpu.memory_space<semaphore_mem>>) {add = true}
        %dma_wait3A_92 = arith.constant 0 : i32
        %dma_wait3A_93 = arith.constant 0 : i32
        %dma_wait3A_94 = tpu.memref_slice %arg8[%dma_wait3A_92, %dma_wait3A_93] : memref<10240x96xf32, #tpu.memory_space<vmem_shared>> -> memref<10240x96xf32, #tpu.memory_space<vmem_shared>>
        tpu.wait_indirect_dma semaphore(%run_scoped3A : memref<!tpu.dma_semaphore, #tpu.memory_space<semaphore_mem>>) src(%arg25 : memref<80x96xf32, #tpu.memory_space<vmem>>) dst(%dma_wait3A_94 : memref<10240x96xf32, #tpu.memory_space<vmem_shared>>)
        tpu.yield
      }) : () -> ()
    }
    %scan3A_23 = arith.constant 62 : i32
    %dma_wait3A_24 = arith.constant 0 : i32
    %dma_wait3A_25 = arith.constant 0 : i32
    %dma_wait3A_26 = tpu.memref_slice %arg2[%dma_wait3A_24, %dma_wait3A_25] : memref<10000x96xf32, #tpu.memory_space<hbm>> -> memref<10000x96xf32, #tpu.memory_space<hbm>>
    tpu.wait_indirect_dma semaphore(%arg13 : memref<!tpu.dma_semaphore, #tpu.memory_space<semaphore_mem>>) src(%dma_wait3A_26 : memref<10000x96xf32, #tpu.memory_space<hbm>>) dst(%arg11 : memref<80x96xf32, #tpu.memory_space<vmem>>)
    %dma_wait3A_27 = arith.constant 0 : i32
    %dma_wait3A_28 = arith.constant 0 : i32
    %dma_wait3A_29 = tpu.memref_slice %arg3[%dma_wait3A_27, %dma_wait3A_28] : memref<10000x16xf32, #tpu.memory_space<hbm>> -> memref<10000x16xf32, #tpu.memory_space<hbm>>
    tpu.wait_indirect_dma semaphore(%arg14 : memref<!tpu.dma_semaphore, #tpu.memory_space<semaphore_mem>>) src(%dma_wait3A_29 : memref<10000x16xf32, #tpu.memory_space<hbm>>) dst(%arg12 : memref<80x16xf32, #tpu.memory_space<vmem>>)
    %scan3A_30 = arith.constant 0 : i32
    %scan3A_31 = arith.constant 0 : i32
    %scan3A_32 = arith.constant 80 : i32
    %scan3A_33 = arith.addi %scan3A_31, %scan3A_32 : i32
    %scan3A_34 = arith.constant 1 : i32
    scf.for %scan3A_37 = %scan3A_31 to %scan3A_33 step %scan3A_34  : i32 {
      %get3A = arith.index_cast %scan3A_37 : i32 to index
      %get3A_38 = arith.constant 80 : index
      %get3A_39 = tpu.vector_load %arg11[%get3A, %get3A_38] {strides = array<i32>} : memref<80x96xf32, #tpu.memory_space<vmem>>, vector<1x16xf32>,
      %get3A_40 = vector.shape_cast %get3A_39 : vector<1x16xf32> to vector<16xf32>
      %get3A_41 = arith.index_cast %scan3A_37 : i32 to index
      %get3A_42 = arith.constant 0 : index
      %get3A_43 = tpu.vector_load %arg12[%get3A_41, %get3A_42] {strides = array<i32>} : memref<80x16xf32, #tpu.memory_space<vmem>>, vector<1x16xf32>,
      %get3A_44 = vector.shape_cast %get3A_43 : vector<1x16xf32> to vector<16xf32>
      %add3A_45 = arith.addf %get3A_40, %get3A_44 : vector<16xf32>
      %ge3A = arith.constant 0.000000e+00 : f32
      %ge3A_46 = vector.broadcast %ge3A : f32 to vector<16xf32>
      %ge3A_47 = arith.cmpf oge, %add3A_45, %ge3A_46 : vector<16xf32>
      %mul3A_48 = arith.constant 2.000000e-01 : f32
      %mul3A_49 = vector.broadcast %mul3A_48 : f32 to vector<16xf32>
      %mul3A_50 = arith.mulf %add3A_45, %mul3A_49 : vector<16xf32>
      %select_n3A = arith.select %ge3A_47, %add3A_45, %mul3A_50 : vector<16xi1>, vector<16xf32>
      %exp3A = math.exp %select_n3A : vector<16xf32>
      %swap3A = arith.index_cast %scan3A_37 : i32 to index
      %swap3A_51 = arith.constant 80 : index
      %swap3A_52 = tpu.vector_load %arg25[%swap3A, %swap3A_51] {strides = array<i32>} : memref<80x96xf32, #tpu.memory_space<vmem>>, vector<1x16xf32>,
      %swap3A_53 = vector.shape_cast %swap3A_52 : vector<1x16xf32> to vector<16xf32>
      %swap3A_54 = vector.shape_cast %exp3A : vector<16xf32> to vector<1x16xf32>
      tpu.vector_store %arg25[%swap3A, %swap3A_51], %swap3A_54 {strides = array<i32>} : memref<80x96xf32, #tpu.memory_space<vmem>>, vector<1x16xf32>,
      %slice3A = vector.extract_strided_slice %exp3A {offsets = [0], sizes = [1], strides = [1]} : vector<16xf32> to vector<1xf32>
      %squeeze3A = vector.extract %slice3A[0] : f32 from vector<1xf32>
      %get3A_55 = arith.index_cast %scan3A_37 : i32 to index
      %get3A_56 = arith.constant 0 : index
      %get3A_57 = tpu.vector_load %arg11[%get3A_55, %get3A_56] {strides = array<i32>} : memref<80x96xf32, #tpu.memory_space<vmem>>, vector<1x16xf32>,
      %get3A_58 = vector.shape_cast %get3A_57 : vector<1x16xf32> to vector<16xf32>
      %mul3A_59 = vector.broadcast %squeeze3A : f32 to vector<16xf32>
      %mul3A_60 = arith.mulf %get3A_58, %mul3A_59 : vector<16xf32>
      %swap3A_61 = arith.index_cast %scan3A_37 : i32 to index
      %swap3A_62 = arith.constant 0 : index
      %swap3A_63 = tpu.vector_load %arg25[%swap3A_61, %swap3A_62] {strides = array<i32>} : memref<80x96xf32, #tpu.memory_space<vmem>>, vector<1x16xf32>,
      %swap3A_64 = vector.shape_cast %swap3A_63 : vector<1x16xf32> to vector<16xf32>
      %swap3A_65 = vector.shape_cast %mul3A_60 : vector<16xf32> to vector<1x16xf32>
      tpu.vector_store %arg25[%swap3A_61, %swap3A_62], %swap3A_65 {strides = array<i32>} : memref<80x96xf32, #tpu.memory_space<vmem>>, vector<1x16xf32>,
      %slice3A_66 = vector.extract_strided_slice %exp3A {offsets = [0], sizes = [1], strides = [1]} : vector<16xf32> to vector<1xf32>
      %squeeze3A_67 = vector.extract %slice3A_66[0] : f32 from vector<1xf32>
      %get3A_68 = arith.index_cast %scan3A_37 : i32 to index
      %get3A_69 = arith.constant 16 : index
      %get3A_70 = tpu.vector_load %arg11[%get3A_68, %get3A_69] {strides = array<i32>} : memref<80x96xf32, #tpu.memory_space<vmem>>, vector<1x16xf32>,
      %get3A_71 = vector.shape_cast %get3A_70 : vector<1x16xf32> to vector<16xf32>
      %mul3A_72 = vector.broadcast %squeeze3A_67 : f32 to vector<16xf32>
      %mul3A_73 = arith.mulf %get3A_71, %mul3A_72 : vector<16xf32>
      %swap3A_74 = arith.index_cast %scan3A_37 : i32 to index
      %swap3A_75 = arith.constant 16 : index
      %swap3A_76 = tpu.vector_load %arg25[%swap3A_74, %swap3A_75] {strides = array<i32>} : memref<80x96xf32, #tpu.memory_space<vmem>>, vector<1x16xf32>,
      %swap3A_77 = vector.shape_cast %swap3A_76 : vector<1x16xf32> to vector<16xf32>
      %swap3A_78 = vector.shape_cast %mul3A_73 : vector<16xf32> to vector<1x16xf32>
      tpu.vector_store %arg25[%swap3A_74, %swap3A_75], %swap3A_78 {strides = array<i32>} : memref<80x96xf32, #tpu.memory_space<vmem>>, vector<1x16xf32>,
      %lt3A = arith.constant 8 : i32
      %lt3A_79 = vector.broadcast %lt3A : i32 to vector<16xi32>
      %lt3A_80 = arith.cmpi slt, %iota3A, %lt3A_79 : vector<16xi32>
      %slice3A_81 = vector.extract_strided_slice %exp3A {offsets = [0], sizes = [1], strides = [1]} : vector<16xf32> to vector<1xf32>
      %squeeze3A_82 = vector.extract %slice3A_81[0] : f32 from vector<1xf32>
      %slice3A_83 = vector.extract_strided_slice %exp3A {offsets = [1], sizes = [1], strides = [1]} : vector<16xf32> to vector<1xf32>
      %squeeze3A_84 = vector.extract %slice3A_83[0] : f32 from vector<1xf32>
      %broadcast_in_dim3A = vector.broadcast %squeeze3A_82 : f32 to vector<16xf32>
      %broadcast_in_dim3A_85 = vector.broadcast %squeeze3A_84 : f32 to vector<16xf32>
      %select_n3A_86 = arith.select %lt3A_80, %broadcast_in_dim3A, %broadcast_in_dim3A_85 : vector<16xi1>, vector<16xf32>
      %get3A_87 = arith.index_cast %scan3A_37 : i32 to index
      %get3A_88 = arith.constant 32 : index
      %get3A_89 = tpu.vector_load %arg11[%get3A_87, %get3A_88] {strides = array<i32>} : memref<80x96xf32, #tpu.memory_space<vmem>>, vector<1x16xf32>,
      %get3A_90 = vector.shape_cast %get3A_89 : vector<1x16xf32> to vector<16xf32>
      %mul3A_91 = arith.mulf %get3A_90, %select_n3A_86 : vector<16xf32>
      %swap3A_92 = arith.index_cast %scan3A_37 : i32 to index
      %swap3A_93 = arith.constant 32 : index
      %swap3A_94 = tpu.vector_load %arg25[%swap3A_92, %swap3A_93] {strides = array<i32>} : memref<80x96xf32, #tpu.memory_space<vmem>>, vector<1x16xf32>,
      %swap3A_95 = vector.shape_cast %swap3A_94 : vector<1x16xf32> to vector<16xf32>
      %swap3A_96 = vector.shape_cast %mul3A_91 : vector<16xf32> to vector<1x16xf32>
      tpu.vector_store %arg25[%swap3A_92, %swap3A_93], %swap3A_96 {strides = array<i32>} : memref<80x96xf32, #tpu.memory_space<vmem>>, vector<1x16xf32>,
      %slice3A_97 = vector.extract_strided_slice %exp3A {offsets = [1], sizes = [1], strides = [1]} : vector<16xf32> to vector<1xf32>
      %squeeze3A_98 = vector.extract %slice3A_97[0] : f32 from vector<1xf32>
      %get3A_99 = arith.index_cast %scan3A_37 : i32 to index
      %get3A_100 = arith.constant 48 : index
      %get3A_101 = tpu.vector_load %arg11[%get3A_99, %get3A_100] {strides = array<i32>} : memref<80x96xf32, #tpu.memory_space<vmem>>, vector<1x16xf32>,
      %get3A_102 = vector.shape_cast %get3A_101 : vector<1x16xf32> to vector<16xf32>
      %mul3A_103 = vector.broadcast %squeeze3A_98 : f32 to vector<16xf32>
      %mul3A_104 = arith.mulf %get3A_102, %mul3A_103 : vector<16xf32>
      %swap3A_105 = arith.index_cast %scan3A_37 : i32 to index
      %swap3A_106 = arith.constant 48 : index
      %swap3A_107 = tpu.vector_load %arg25[%swap3A_105, %swap3A_106] {strides = array<i32>} : memref<80x96xf32, #tpu.memory_space<vmem>>, vector<1x16xf32>,
      %swap3A_108 = vector.shape_cast %swap3A_107 : vector<1x16xf32> to vector<16xf32>
      %swap3A_109 = vector.shape_cast %mul3A_104 : vector<16xf32> to vector<1x16xf32>
      tpu.vector_store %arg25[%swap3A_105, %swap3A_106], %swap3A_109 {strides = array<i32>} : memref<80x96xf32, #tpu.memory_space<vmem>>, vector<1x16xf32>,
      %slice3A_110 = vector.extract_strided_slice %exp3A {offsets = [1], sizes = [1], strides = [1]} : vector<16xf32> to vector<1xf32>
      %squeeze3A_111 = vector.extract %slice3A_110[0] : f32 from vector<1xf32>
      %get3A_112 = arith.index_cast %scan3A_37 : i32 to index
      %get3A_113 = arith.constant 64 : index
      %get3A_114 = tpu.vector_load %arg11[%get3A_112, %get3A_113] {strides = array<i32>} : memref<80x96xf32, #tpu.memory_space<vmem>>, vector<1x16xf32>,
      %get3A_115 = vector.shape_cast %get3A_114 : vector<1x16xf32> to vector<16xf32>
      %mul3A_116 = vector.broadcast %squeeze3A_111 : f32 to vector<16xf32>
      %mul3A_117 = arith.mulf %get3A_115, %mul3A_116 : vector<16xf32>
      %swap3A_118 = arith.index_cast %scan3A_37 : i32 to index
      %swap3A_119 = arith.constant 64 : index
      %swap3A_120 = tpu.vector_load %arg25[%swap3A_118, %swap3A_119] {strides = array<i32>} : memref<80x96xf32, #tpu.memory_space<vmem>>, vector<1x16xf32>,
      %swap3A_121 = vector.shape_cast %swap3A_120 : vector<1x16xf32> to vector<16xf32>
      %swap3A_122 = vector.shape_cast %mul3A_117 : vector<16xf32> to vector<1x16xf32>
      tpu.vector_store %arg25[%swap3A_118, %swap3A_119], %swap3A_122 {strides = array<i32>} : memref<80x96xf32, #tpu.memory_space<vmem>>, vector<1x16xf32>,
    }
    %scan3A_35 = arith.constant 80 : i32
    "tpu.region"() ({
      %run_scoped3A = tpu.sem_alloc : memref<!tpu.dma_semaphore, #tpu.memory_space<semaphore_mem>>
      %dma_start3A_37 = arith.constant 0 : i32
      %dma_start3A_38 = arith.constant 0 : i32
      %dma_start3A_39 = tpu.memref_slice %arg8[%dma_start3A_37, %dma_start3A_38] : memref<10240x96xf32, #tpu.memory_space<vmem_shared>> -> memref<10240x96xf32, #tpu.memory_space<vmem_shared>>
      tpu.enqueue_indirect_dma source(%arg25 : memref<80x96xf32, #tpu.memory_space<vmem>>) target(%dma_start3A_39 : memref<10240x96xf32, #tpu.memory_space<vmem_shared>>) offsets(%arg10 : memref<80xi32, #tpu.memory_space<vmem>>) semaphore(%run_scoped3A : memref<!tpu.dma_semaphore, #tpu.memory_space<semaphore_mem>>) {add = true}
      %dma_wait3A_40 = arith.constant 0 : i32
      %dma_wait3A_41 = arith.constant 0 : i32
      %dma_wait3A_42 = tpu.memref_slice %arg8[%dma_wait3A_40, %dma_wait3A_41] : memref<10240x96xf32, #tpu.memory_space<vmem_shared>> -> memref<10240x96xf32, #tpu.memory_space<vmem_shared>>
      tpu.wait_indirect_dma semaphore(%run_scoped3A : memref<!tpu.dma_semaphore, #tpu.memory_space<semaphore_mem>>) src(%arg25 : memref<80x96xf32, #tpu.memory_space<vmem>>) dst(%dma_wait3A_42 : memref<10240x96xf32, #tpu.memory_space<vmem_shared>>)
      tpu.yield
    }) : () -> ()
    %barrier3A_36 = arith.constant 0 : index
    tpu.barrier barrier_id(%barrier3A_36)
    "tpu.region"() ({
      %run_scoped3A = tpu.sem_alloc : memref<!tpu.dma_semaphore, #tpu.memory_space<semaphore_mem>>
      %dma_start3A_37 = arith.constant 0 : i32
      %dma_start3A_38 = tpu.memref_slice %arg7[%arg0, %mul3A_2, %dma_start3A_37] : memref<2x10240x96xf32, #tpu.memory_space<hbm>> -> memref<1x640x96xf32, #tpu.memory_space<hbm>>
      %dma_start3A_39 = tpu.memref_squeeze %dma_start3A_38 : memref<1x640x96xf32, #tpu.memory_space<hbm>> -> memref<640x96xf32, #tpu.memory_space<hbm>>
      %dma_start3A_40 = arith.constant 0 : i32
      %dma_start3A_41 = tpu.memref_slice %arg8[%mul3A_2, %dma_start3A_40] : memref<10240x96xf32, #tpu.memory_space<vmem_shared>> -> memref<640x96xf32, #tpu.memory_space<vmem_shared>>
      tpu.enqueue_dma source(%dma_start3A_41 : memref<640x96xf32, #tpu.memory_space<vmem_shared>>) target(%dma_start3A_39 : memref<640x96xf32, #tpu.memory_space<hbm>>) target_semaphore(%run_scoped3A : memref<!tpu.dma_semaphore, #tpu.memory_space<semaphore_mem>>)
      %dma_wait3A_42 = arith.constant 0 : i32
      %dma_wait3A_43 = tpu.memref_slice %arg7[%arg0, %mul3A_2, %dma_wait3A_42] : memref<2x10240x96xf32, #tpu.memory_space<hbm>> -> memref<1x640x96xf32, #tpu.memory_space<hbm>>
      %dma_wait3A_44 = tpu.memref_squeeze %dma_wait3A_43 : memref<1x640x96xf32, #tpu.memory_space<hbm>> -> memref<640x96xf32, #tpu.memory_space<hbm>>
      %dma_wait3A_45 = arith.constant 0 : i32
      %dma_wait3A_46 = tpu.memref_slice %arg8[%mul3A_2, %dma_wait3A_45] : memref<10240x96xf32, #tpu.memory_space<vmem_shared>> -> memref<640x96xf32, #tpu.memory_space<vmem_shared>>
      tpu.wait_dma2 semaphore(%run_scoped3A : memref<!tpu.dma_semaphore, #tpu.memory_space<semaphore_mem>>) src(%dma_wait3A_46 : memref<640x96xf32, #tpu.memory_space<vmem_shared>>) dst(%dma_wait3A_44 : memref<640x96xf32, #tpu.memory_space<hbm>>)
      tpu.yield
    }) : () -> ()
    return
  }
}

module attributes {stable_mosaic.version = 14 : i64} {
  func.func @_mm_body(%arg0: i32, %arg1: memref<1000x128xf32, #tpu.memory_space<vmem>>, %arg2: memref<128x384xf32, #tpu.memory_space<vmem>>, %arg3: memref<1000x384xf32, #tpu.memory_space<vmem>>) attributes {dimension_semantics = [#tpu.dimension_semantics<arbitrary>], iteration_bounds = array<i64: 10>, scalar_prefetch = 0 : i64, scratch_operands = 0 : i64, tpu.core_type = #tpu.core_type<tc>, window_params = [{transform_indices = @transform_0, window_bounds = array<i64: 1000, 128>}, {pipeline_mode = #tpu.pipeline_mode<synchronous>, transform_indices = @transform_1, window_bounds = array<i64: 128, 384>}, {transform_indices = @transform_2, window_bounds = array<i64: 1000, 384>}]} {
    %get3A = arith.constant 0 : index
    %get3A_0 = arith.constant 0 : index
    %get3A_1 = vector.load %arg1[%get3A, %get3A_0] : memref<1000x128xf32, #tpu.memory_space<vmem>>, vector<1000x128xf32>
    %get3A_2 = arith.constant 0 : index
    %get3A_3 = arith.constant 0 : index
    %get3A_4 = vector.load %arg2[%get3A_2, %get3A_3] : memref<128x384xf32, #tpu.memory_space<vmem>>, vector<128x384xf32>
    %dot_general3A = arith.constant dense<0.000000e+00> : vector<1000x384xf32>
    %dot_general3A_5 = tpu.matmul %get3A_1, %get3A_4, %dot_general3A {dimension_numbers = #tpu.dot_dimension_numbers<[1], [0], [0], [1], [0, 0, 1, 1], [], []>, transpose_lhs_hint = false} : vector<1000x128xf32>, vector<128x384xf32>, vector<1000x384xf32> -> vector<1000x384xf32>
    %swap3A = arith.constant 0 : index
    %swap3A_6 = arith.constant 0 : index
    %swap3A_7 = vector.load %arg3[%swap3A, %swap3A_6] : memref<1000x384xf32, #tpu.memory_space<vmem>>, vector<1000x384xf32>
    tpu.vector_store %arg3[%swap3A, %swap3A_6], %dot_general3A_5 {strides = array<i32>} : memref<1000x384xf32, #tpu.memory_space<vmem>>, vector<1000x384xf32>,
    return
  }
  func.func @transform_0(%arg0: i32) -> (i32, i32) {
    %c0_i32 = arith.constant 0 : i32
    %c0_i32_0 = arith.constant 0 : i32
    return %arg0, %c0_i32 : i32, i32
  }
  func.func @transform_1(%arg0: i32) -> (i32, i32) {
    %c0_i32 = arith.constant 0 : i32
    %c0_i32_0 = arith.constant 0 : i32
    %c0_i32_1 = arith.constant 0 : i32
    return %c0_i32, %c0_i32_0 : i32, i32
  }
  func.func @transform_2(%arg0: i32) -> (i32, i32) {
    %c0_i32 = arith.constant 0 : i32
    %c0_i32_0 = arith.constant 0 : i32
    return %arg0, %c0_i32 : i32, i32
  }
}

module attributes {stable_mosaic.version = 14 : i64} {
  func.func @_post01_body(%arg0: i32, %arg1: memref<1000x256xf32, #tpu.memory_space<vmem>>, %arg2: memref<1000x256xf32, #tpu.memory_space<vmem>>, %arg3: memref<1000x256xf32, #tpu.memory_space<vmem>>, %arg4: memref<1x256xf32, #tpu.memory_space<vmem>>, %arg5: memref<256x256xf32, #tpu.memory_space<vmem>>, %arg6: memref<1000x256xf32, #tpu.memory_space<vmem>>) attributes {dimension_semantics = [#tpu.dimension_semantics<arbitrary>], iteration_bounds = array<i64: 10>, scalar_prefetch = 0 : i64, scratch_operands = 0 : i64, tpu.core_type = #tpu.core_type<tc>, window_params = [{transform_indices = @transform_0, window_bounds = array<i64: 1000, 256>}, {transform_indices = @transform_1, window_bounds = array<i64: 1000, 256>}, {transform_indices = @transform_2, window_bounds = array<i64: 1000, 256>}, {pipeline_mode = #tpu.pipeline_mode<synchronous>, transform_indices = @transform_3, window_bounds = array<i64: 1, 256>}, {pipeline_mode = #tpu.pipeline_mode<synchronous>, transform_indices = @transform_4, window_bounds = array<i64: 256, 256>}, {transform_indices = @transform_5, window_bounds = array<i64: 1000, 256>}]} {
    %iota3A = tpu.iota {dimensions = array<i32: 1>} : vector<1000x256xi32>
    %lt3A = arith.constant 132 : i32
    %lt3A_0 = vector.broadcast %lt3A : i32 to vector<1000x256xi32>
    %lt3A_1 = arith.cmpi slt, %iota3A, %lt3A_0 : vector<1000x256xi32>
    %get3A = arith.constant 0 : index
    %get3A_2 = arith.constant 0 : index
    %get3A_3 = vector.load %arg1[%get3A, %get3A_2] : memref<1000x256xf32, #tpu.memory_space<vmem>>, vector<1000x256xf32>
    %get3A_4 = arith.constant 0 : index
    %get3A_5 = arith.constant 0 : index
    %get3A_6 = vector.load %arg2[%get3A_4, %get3A_5] : memref<1000x256xf32, #tpu.memory_space<vmem>>, vector<1000x256xf32>
    %add3A = arith.addf %get3A_3, %get3A_6 : vector<1000x256xf32>
    %jit3A = arith.constant 0.000000e+00 : f32
    %broadcast_in_dim3A = vector.broadcast %jit3A : f32 to vector<1000x256xf32>
    %select_n3A = arith.select %lt3A_1, %add3A, %broadcast_in_dim3A : vector<1000x256xi1>, vector<1000x256xf32>
    %get3A_7 = arith.constant 0 : index
    %get3A_8 = arith.constant 0 : index
    %get3A_9 = vector.load %arg5[%get3A_7, %get3A_8] : memref<256x256xf32, #tpu.memory_space<vmem>>, vector<256x256xf32>
    %dot_general3A = arith.constant dense<0.000000e+00> : vector<1000x256xf32>
    %dot_general3A_10 = tpu.matmul %select_n3A, %get3A_9, %dot_general3A {dimension_numbers = #tpu.dot_dimension_numbers<[1], [0], [0], [1], [0, 0, 1, 1], [], []>, transpose_lhs_hint = false} : vector<1000x256xf32>, vector<256x256xf32>, vector<1000x256xf32> -> vector<1000x256xf32>
    %add3A_11 = arith.constant 9.99999971E-10 : f32
    %add3A_12 = vector.broadcast %add3A_11 : f32 to vector<1000x256xf32>
    %add3A_13 = arith.addf %dot_general3A_10, %add3A_12 : vector<1000x256xf32>
    %lt3A_14 = arith.constant 128 : i32
    %lt3A_15 = vector.broadcast %lt3A_14 : i32 to vector<1000x256xi32>
    %lt3A_16 = arith.cmpi slt, %iota3A, %lt3A_15 : vector<1000x256xi32>
    %div3A = arith.divf %select_n3A, %add3A_13 : vector<1000x256xf32>
    %jit3A_17 = arith.constant 0.000000e+00 : f32
    %broadcast_in_dim3A_18 = vector.broadcast %jit3A_17 : f32 to vector<1000x256xf32>
    %select_n3A_19 = arith.select %lt3A_16, %div3A, %broadcast_in_dim3A_18 : vector<1000x256xi1>, vector<1000x256xf32>
    %get3A_20 = arith.constant 0 : index
    %get3A_21 = arith.constant 0 : index
    %get3A_22 = vector.load %arg3[%get3A_20, %get3A_21] : memref<1000x256xf32, #tpu.memory_space<vmem>>, vector<1000x256xf32>
    %add3A_23 = arith.addf %select_n3A_19, %get3A_22 : vector<1000x256xf32>
    %get3A_24 = arith.constant 0 : index
    %get3A_25 = arith.constant 0 : index
    %get3A_26 = vector.load %arg4[%get3A_24, %get3A_25] : memref<1x256xf32, #tpu.memory_space<vmem>>, vector<1x256xf32>
    %add3A_27 = vector.broadcast %get3A_26 : vector<1x256xf32> to vector<1000x256xf32>
    %add3A_28 = arith.addf %add3A_23, %add3A_27 : vector<1000x256xf32>
    %gt3A = arith.constant 0.000000e+00 : f32
    %gt3A_29 = vector.broadcast %gt3A : f32 to vector<1000x256xf32>
    %gt3A_30 = arith.cmpf ogt, %add3A_28, %gt3A_29 : vector<1000x256xf32>
    %exp3A = math.exp %add3A_28 : vector<1000x256xf32>
    %sub3A = arith.constant 1.000000e+00 : f32
    %sub3A_31 = vector.broadcast %sub3A : f32 to vector<1000x256xf32>
    %sub3A_32 = arith.subf %exp3A, %sub3A_31 : vector<1000x256xf32>
    %select_n3A_33 = arith.select %gt3A_30, %add3A_28, %sub3A_32 : vector<1000x256xi1>, vector<1000x256xf32>
    %swap3A = arith.constant 0 : index
    %swap3A_34 = arith.constant 0 : index
    %swap3A_35 = vector.load %arg6[%swap3A, %swap3A_34] : memref<1000x256xf32, #tpu.memory_space<vmem>>, vector<1000x256xf32>
    tpu.vector_store %arg6[%swap3A, %swap3A_34], %select_n3A_33 {strides = array<i32>} : memref<1000x256xf32, #tpu.memory_space<vmem>>, vector<1000x256xf32>,
    return
  }
  func.func @transform_0(%arg0: i32) -> (i32, i32) {
    %c0_i32 = arith.constant 0 : i32
    %c0_i32_0 = arith.constant 0 : i32
    return %arg0, %c0_i32 : i32, i32
  }
  func.func @transform_1(%arg0: i32) -> (i32, i32) {
    %c0_i32 = arith.constant 0 : i32
    %c0_i32_0 = arith.constant 0 : i32
    return %arg0, %c0_i32 : i32, i32
  }
  func.func @transform_2(%arg0: i32) -> (i32, i32) {
    %c0_i32 = arith.constant 0 : i32
    %c0_i32_0 = arith.constant 0 : i32
    return %arg0, %c0_i32 : i32, i32
  }
  func.func @transform_3(%arg0: i32) -> (i32, i32) {
    %c0_i32 = arith.constant 0 : i32
    %c0_i32_0 = arith.constant 0 : i32
    %c0_i32_1 = arith.constant 0 : i32
    return %c0_i32, %c0_i32_0 : i32, i32
  }
  func.func @transform_4(%arg0: i32) -> (i32, i32) {
    %c0_i32 = arith.constant 0 : i32
    %c0_i32_0 = arith.constant 0 : i32
    %c0_i32_1 = arith.constant 0 : i32
    return %c0_i32, %c0_i32_0 : i32, i32
  }
  func.func @transform_5(%arg0: i32) -> (i32, i32) {
    %c0_i32 = arith.constant 0 : i32
    %c0_i32_0 = arith.constant 0 : i32
    return %arg0, %c0_i32 : i32, i32
  }
}

module attributes {stable_mosaic.version = 14 : i64} {
  func.func @_mm_body(%arg0: i32, %arg1: memref<1000x128xf32, #tpu.memory_space<vmem>>, %arg2: memref<128x256xf32, #tpu.memory_space<vmem>>, %arg3: memref<1000x256xf32, #tpu.memory_space<vmem>>) attributes {dimension_semantics = [#tpu.dimension_semantics<arbitrary>], iteration_bounds = array<i64: 10>, scalar_prefetch = 0 : i64, scratch_operands = 0 : i64, tpu.core_type = #tpu.core_type<tc>, window_params = [{transform_indices = @transform_0, window_bounds = array<i64: 1000, 128>}, {pipeline_mode = #tpu.pipeline_mode<synchronous>, transform_indices = @transform_1, window_bounds = array<i64: 128, 256>}, {transform_indices = @transform_2, window_bounds = array<i64: 1000, 256>}]} {
    %get3A = arith.constant 0 : index
    %get3A_0 = arith.constant 0 : index
    %get3A_1 = vector.load %arg1[%get3A, %get3A_0] : memref<1000x128xf32, #tpu.memory_space<vmem>>, vector<1000x128xf32>
    %get3A_2 = arith.constant 0 : index
    %get3A_3 = arith.constant 0 : index
    %get3A_4 = vector.load %arg2[%get3A_2, %get3A_3] : memref<128x256xf32, #tpu.memory_space<vmem>>, vector<128x256xf32>
    %dot_general3A = arith.constant dense<0.000000e+00> : vector<1000x256xf32>
    %dot_general3A_5 = tpu.matmul %get3A_1, %get3A_4, %dot_general3A {dimension_numbers = #tpu.dot_dimension_numbers<[1], [0], [0], [1], [0, 0, 1, 1], [], []>, transpose_lhs_hint = false} : vector<1000x128xf32>, vector<128x256xf32>, vector<1000x256xf32> -> vector<1000x256xf32>
    %swap3A = arith.constant 0 : index
    %swap3A_6 = arith.constant 0 : index
    %swap3A_7 = vector.load %arg3[%swap3A, %swap3A_6] : memref<1000x256xf32, #tpu.memory_space<vmem>>, vector<1000x256xf32>
    tpu.vector_store %arg3[%swap3A, %swap3A_6], %dot_general3A_5 {strides = array<i32>} : memref<1000x256xf32, #tpu.memory_space<vmem>>, vector<1000x256xf32>,
    return
  }
  func.func @transform_0(%arg0: i32) -> (i32, i32) {
    %c0_i32 = arith.constant 0 : i32
    %c0_i32_0 = arith.constant 0 : i32
    return %arg0, %c0_i32 : i32, i32
  }
  func.func @transform_1(%arg0: i32) -> (i32, i32) {
    %c0_i32 = arith.constant 0 : i32
    %c0_i32_0 = arith.constant 0 : i32
    %c0_i32_1 = arith.constant 0 : i32
    return %c0_i32, %c0_i32_0 : i32, i32
  }
  func.func @transform_2(%arg0: i32) -> (i32, i32) {
    %c0_i32 = arith.constant 0 : i32
    %c0_i32_0 = arith.constant 0 : i32
    return %arg0, %c0_i32 : i32, i32
  }
}

module attributes {stable_mosaic.version = 14 : i64} {
  func.func @_post2_body(%arg0: i32, %arg1: memref<1000x256xf32, #tpu.memory_space<vmem>>, %arg2: memref<1000x256xf32, #tpu.memory_space<vmem>>, %arg3: memref<1000x256xf32, #tpu.memory_space<vmem>>, %arg4: memref<1x256xf32, #tpu.memory_space<vmem>>, %arg5: memref<256x256xf32, #tpu.memory_space<vmem>>, %arg6: memref<256x256xf32, #tpu.memory_space<vmem>>, %arg7: memref<1000x256xf32, #tpu.memory_space<vmem>>) attributes {dimension_semantics = [#tpu.dimension_semantics<arbitrary>], iteration_bounds = array<i64: 10>, scalar_prefetch = 0 : i64, scratch_operands = 0 : i64, tpu.core_type = #tpu.core_type<tc>, window_params = [{transform_indices = @transform_0, window_bounds = array<i64: 1000, 256>}, {transform_indices = @transform_1, window_bounds = array<i64: 1000, 256>}, {transform_indices = @transform_2, window_bounds = array<i64: 1000, 256>}, {pipeline_mode = #tpu.pipeline_mode<synchronous>, transform_indices = @transform_3, window_bounds = array<i64: 1, 256>}, {pipeline_mode = #tpu.pipeline_mode<synchronous>, transform_indices = @transform_4, window_bounds = array<i64: 256, 256>}, {pipeline_mode = #tpu.pipeline_mode<synchronous>, transform_indices = @transform_5, window_bounds = array<i64: 256, 256>}, {transform_indices = @transform_6, window_bounds = array<i64: 1000, 256>}]} {
    %iota3A = tpu.iota {dimensions = array<i32: 1>} : vector<1000x256xi32>
    %lt3A = arith.constant 164 : i32
    %lt3A_0 = vector.broadcast %lt3A : i32 to vector<1000x256xi32>
    %lt3A_1 = arith.cmpi slt, %iota3A, %lt3A_0 : vector<1000x256xi32>
    %get3A = arith.constant 0 : index
    %get3A_2 = arith.constant 0 : index
    %get3A_3 = vector.load %arg1[%get3A, %get3A_2] : memref<1000x256xf32, #tpu.memory_space<vmem>>, vector<1000x256xf32>
    %get3A_4 = arith.constant 0 : index
    %get3A_5 = arith.constant 0 : index
    %get3A_6 = vector.load %arg2[%get3A_4, %get3A_5] : memref<1000x256xf32, #tpu.memory_space<vmem>>, vector<1000x256xf32>
    %add3A = arith.addf %get3A_3, %get3A_6 : vector<1000x256xf32>
    %jit3A = arith.constant 0.000000e+00 : f32
    %broadcast_in_dim3A = vector.broadcast %jit3A : f32 to vector<1000x256xf32>
    %select_n3A = arith.select %lt3A_1, %add3A, %broadcast_in_dim3A : vector<1000x256xi1>, vector<1000x256xf32>
    %get3A_7 = arith.constant 0 : index
    %get3A_8 = arith.constant 0 : index
    %get3A_9 = vector.load %arg5[%get3A_7, %get3A_8] : memref<256x256xf32, #tpu.memory_space<vmem>>, vector<256x256xf32>
    %dot_general3A = arith.constant dense<0.000000e+00> : vector<1000x256xf32>
    %dot_general3A_10 = tpu.matmul %select_n3A, %get3A_9, %dot_general3A {dimension_numbers = #tpu.dot_dimension_numbers<[1], [0], [0], [1], [0, 0, 1, 1], [], []>, transpose_lhs_hint = false} : vector<1000x256xf32>, vector<256x256xf32>, vector<1000x256xf32> -> vector<1000x256xf32>
    %add3A_11 = arith.constant 9.99999971E-10 : f32
    %add3A_12 = vector.broadcast %add3A_11 : f32 to vector<1000x256xf32>
    %add3A_13 = arith.addf %dot_general3A_10, %add3A_12 : vector<1000x256xf32>
    %lt3A_14 = arith.constant 160 : i32
    %lt3A_15 = vector.broadcast %lt3A_14 : i32 to vector<1000x256xi32>
    %lt3A_16 = arith.cmpi slt, %iota3A, %lt3A_15 : vector<1000x256xi32>
    %div3A = arith.divf %select_n3A, %add3A_13 : vector<1000x256xf32>
    %jit3A_17 = arith.constant 0.000000e+00 : f32
    %broadcast_in_dim3A_18 = vector.broadcast %jit3A_17 : f32 to vector<1000x256xf32>
    %select_n3A_19 = arith.select %lt3A_16, %div3A, %broadcast_in_dim3A_18 : vector<1000x256xi1>, vector<1000x256xf32>
    %get3A_20 = arith.constant 0 : index
    %get3A_21 = arith.constant 0 : index
    %get3A_22 = vector.load %arg6[%get3A_20, %get3A_21] : memref<256x256xf32, #tpu.memory_space<vmem>>, vector<256x256xf32>
    %dot_general3A_23 = arith.constant dense<0.000000e+00> : vector<1000x256xf32>
    %dot_general3A_24 = tpu.matmul %select_n3A_19, %get3A_22, %dot_general3A_23 {dimension_numbers = #tpu.dot_dimension_numbers<[1], [0], [0], [1], [0, 0, 1, 1], [], []>, transpose_lhs_hint = false} : vector<1000x256xf32>, vector<256x256xf32>, vector<1000x256xf32> -> vector<1000x256xf32>
    %mul3A = arith.constant 2.500000e-01 : f32
    %mul3A_25 = vector.broadcast %mul3A : f32 to vector<1000x256xf32>
    %mul3A_26 = arith.mulf %mul3A_25, %dot_general3A_24 : vector<1000x256xf32>
    %get3A_27 = arith.constant 0 : index
    %get3A_28 = arith.constant 0 : index
    %get3A_29 = vector.load %arg3[%get3A_27, %get3A_28] : memref<1000x256xf32, #tpu.memory_space<vmem>>, vector<1000x256xf32>
    %add3A_30 = arith.addf %mul3A_26, %get3A_29 : vector<1000x256xf32>
    %get3A_31 = arith.constant 0 : index
    %get3A_32 = arith.constant 0 : index
    %get3A_33 = vector.load %arg4[%get3A_31, %get3A_32] : memref<1x256xf32, #tpu.memory_space<vmem>>, vector<1x256xf32>
    %add3A_34 = vector.broadcast %get3A_33 : vector<1x256xf32> to vector<1000x256xf32>
    %add3A_35 = arith.addf %add3A_30, %add3A_34 : vector<1000x256xf32>
    %lt3A_36 = arith.constant 40 : i32
    %lt3A_37 = vector.broadcast %lt3A_36 : i32 to vector<1000x256xi32>
    %lt3A_38 = arith.cmpi slt, %iota3A, %lt3A_37 : vector<1000x256xi32>
    %jit3A_39 = arith.constant -1.000000e+30 : f32
    %broadcast_in_dim3A_40 = vector.broadcast %jit3A_39 : f32 to vector<1000x256xf32>
    %select_n3A_41 = arith.select %lt3A_38, %add3A_35, %broadcast_in_dim3A_40 : vector<1000x256xi1>, vector<1000x256xf32>
    %reduce_max3A = arith.constant dense<0xFF800000> : vector<1000xf32>
    %reduce_max3A_42 = vector.multi_reduction <maximumf>, %select_n3A_41, %reduce_max3A [1] : vector<1000x256xf32> to vector<1000xf32>
    %broadcast_in_dim3A_43 = vector.shape_cast %reduce_max3A_42 : vector<1000xf32> to vector<1000x1xf32>
    %lt3A_44 = arith.constant 40 : i32
    %lt3A_45 = vector.broadcast %lt3A_44 : i32 to vector<1000x256xi32>
    %lt3A_46 = arith.cmpi slt, %iota3A, %lt3A_45 : vector<1000x256xi32>
    %sub3A = vector.broadcast %broadcast_in_dim3A_43 : vector<1000x1xf32> to vector<1000x256xf32>
    %sub3A_47 = arith.subf %select_n3A_41, %sub3A : vector<1000x256xf32>
    %exp3A = math.exp %sub3A_47 : vector<1000x256xf32>
    %jit3A_48 = arith.constant 0.000000e+00 : f32
    %broadcast_in_dim3A_49 = vector.broadcast %jit3A_48 : f32 to vector<1000x256xf32>
    %select_n3A_50 = arith.select %lt3A_46, %exp3A, %broadcast_in_dim3A_49 : vector<1000x256xi1>, vector<1000x256xf32>
    %reduce_sum3A = arith.constant dense<0.000000e+00> : vector<1000xf32>
    %reduce_sum3A_51 = vector.multi_reduction <add>, %select_n3A_50, %reduce_sum3A [1] : vector<1000x256xf32> to vector<1000xf32>
    %broadcast_in_dim3A_52 = vector.shape_cast %reduce_sum3A_51 : vector<1000xf32> to vector<1000x1xf32>
    %log3A = math.log %broadcast_in_dim3A_52 : vector<1000x1xf32>
    %sub3A_53 = vector.broadcast %broadcast_in_dim3A_43 : vector<1000x1xf32> to vector<1000x256xf32>
    %sub3A_54 = arith.subf %select_n3A_41, %sub3A_53 : vector<1000x256xf32>
    %sub3A_55 = vector.broadcast %log3A : vector<1000x1xf32> to vector<1000x256xf32>
    %sub3A_56 = arith.subf %sub3A_54, %sub3A_55 : vector<1000x256xf32>
    %swap3A = arith.constant 0 : index
    %swap3A_57 = arith.constant 0 : index
    %swap3A_58 = vector.load %arg7[%swap3A, %swap3A_57] : memref<1000x256xf32, #tpu.memory_space<vmem>>, vector<1000x256xf32>
    tpu.vector_store %arg7[%swap3A, %swap3A_57], %sub3A_56 {strides = array<i32>} : memref<1000x256xf32, #tpu.memory_space<vmem>>, vector<1000x256xf32>,
    return
  }
  func.func @transform_0(%arg0: i32) -> (i32, i32) {
    %c0_i32 = arith.constant 0 : i32
    %c0_i32_0 = arith.constant 0 : i32
    return %arg0, %c0_i32 : i32, i32
  }
  func.func @transform_1(%arg0: i32) -> (i32, i32) {
    %c0_i32 = arith.constant 0 : i32
    %c0_i32_0 = arith.constant 0 : i32
    return %arg0, %c0_i32 : i32, i32
  }
  func.func @transform_2(%arg0: i32) -> (i32, i32) {
    %c0_i32 = arith.constant 0 : i32
    %c0_i32_0 = arith.constant 0 : i32
    return %arg0, %c0_i32 : i32, i32
  }
  func.func @transform_3(%arg0: i32) -> (i32, i32) {
    %c0_i32 = arith.constant 0 : i32
    %c0_i32_0 = arith.constant 0 : i32
    %c0_i32_1 = arith.constant 0 : i32
    return %c0_i32, %c0_i32_0 : i32, i32
  }
  func.func @transform_4(%arg0: i32) -> (i32, i32) {
    %c0_i32 = arith.constant 0 : i32
    %c0_i32_0 = arith.constant 0 : i32
    %c0_i32_1 = arith.constant 0 : i32
    return %c0_i32, %c0_i32_0 : i32, i32
  }
  func.func @transform_5(%arg0: i32) -> (i32, i32) {
    %c0_i32 = arith.constant 0 : i32
    %c0_i32_0 = arith.constant 0 : i32
    %c0_i32_1 = arith.constant 0 : i32
    return %c0_i32, %c0_i32_0 : i32, i32
  }
  func.func @transform_6(%arg0: i32) -> (i32, i32) {
    %c0_i32 = arith.constant 0 : i32
    %c0_i32_0 = arith.constant 0 : i32
    return %arg0, %c0_i32 : i32, i32
  }
}

</mosaic_0001>

<sc_bundles>
// kernel: kernel.12.cloned.1.call-start
scs
__scs_entry_jumppad:
0x0: {  	(pc) =	sbr.rel $0x88, $3  }
0x1: {  	(tag) =	ssettag $0x0;
	lr =	simm.s32 $0x1  }
0x2: {  	[smem:$0x3F90] =	sst lr;
	_ =	strace $0xD0000000  }
0x3: {  	_ = 	snop  }
0x4: {  	_ = 	snop  }
0x5: {  	_ = 	snop  }
0x6: {  	_ = 	snop  }
0x7: {  	_ = 	snop  }
__scs_overlays_trampoline_lowered:
0x8: {  	[smem:$0x3F9F] =	sst s0  }
0x9: {  	[smem:$0x3FA0] =	sst s1  }
0xa: {  	[smem:$0x3FA1] =	sst s2  }
0xb: {  	[smem:$0x3FA2] =	sst s3  }
0xc: {  	[smem:$0x3FA3] =	sst s4  }
0xd: {  	[smem:$0x3FA4] =	sst s5  }
0xe: {  	[smem:$0x3FA5] =	sst s6  }
0xf: {  	[smem:$0x3FA6] =	sst s7  }
0x10: {  	[smem:$0x3FA7] =	sst s8  }
0x11: {  	[smem:$0x3FA8] =	sst s9;
	s0 =	simm.s32 @!p0 $0x0  }
0x12: {  	s1 =	sld [smem:$0x3F8E];
	s0 =	simm.s32 @p0 $0x1  }
0x13: {  	[smem:$0x3FA9] =	sst s0;
	s0 =	simm.s32 @!p1 $0x0  }
0x14: {  	s2 =	sld [smem:$0x3F8D];
	s0 =	simm.s32 @p1 $0x1  }
0x15: {  	[smem:$0x3FAA] =	sst s0;
	s0 =	simm.s32 @!p2 $0x0  }
0x16: {  	s3 =	sld [smem:$0x3FDB];
	s0 =	simm.s32 @p2 $0x1  }
0x17: {  	s4 =	simm.s32 $0x1BF5;
	[smem:$0x3FAC] =	sst s0  }
0x18: {  	s0 =	sld [smem:$0x3F8F];
	_ =	swait.ge [sflag:s4], $0x0  }
0x19: {  	s7 =	sld [smem:$0x3F90]  }
0x1a: {  	s8 =	sadd.s32 $0xFFFFE003, lr  }
0x1b: {  	s9 =	sadd.s32 $0xFFFFFEF7, lr;
	s5 =	simm.s32 $0xFFFFFFFF;
	p2 =	slt.u32 s8, $0xFFFFF086  }
0x1c: {  	p1 =	slt.u32 s9, $0xF7A;
	s5 =	simm.s32 @!p2 $0x0  }
0x1d: {  	s5 =	simm.s32 @p1 $0x1;
	p0 =	seq.s32 s7, s2  }
0x1e: {  	s7 =	smul.u32 @!p0 $0xF7A, s2;
	p2 =	seq.s32 @!p0 s5, $0x0  }
0x1f: {  	s9 =	smul.u32 $0xF7A, s1;
	s8 =	simm.s32 @!p0 $0x1BF5;
	p2 =	por !p2, p0  }
0x20: {  	[sflag:s8] =	ssyncset.s32 @!p0 $0xFFFFF086;
	s6 =	sadd.s32 @!p0 s3, s7;
	s7 =	simm.s32 @!p0 $0x108  }
0x21: {  	s3 =	sadd.s32 s3, s9;
	s6 =	sadd.s32 @!p0 $0x88, s6;
	s7 =	simm.s32 @p2 $0x1082  }
0x22: {  	[simem:s7], [sflag:s8] =	dma.local @!p0 [hbm:s6], $0xF7A  }
0x23: {  	s9 =	sor.u32 $0xD0000000, s2;
	s6 =	simm.s32 $0x108;
	_ =	swait.ge @!p0 [sflag:s8], $0x0  }
0x24: {  	s3 =	sadd.s32 $0x88, s3;
	s6 =	simm.s32 @!p1 $0x1082;
	[sflag:s4] =	ssyncset.s32 $0xFFFFF086  }
0x25: {  	[simem:s6], [sflag:s4] =	dma.local [hbm:s3], $0xF7A  }
0x26: {  	[smem:$0x3F90] =	sst s1;
	(tag) =	ssettag s2;
	_ =	strace s9  }
0x27: {  	s1 =	sld [smem:$0x3FA0]  }
0x28: {  	s2 =	sld [smem:$0x3FA1]  }
0x29: {  	s4 =	sld [smem:$0x3FA3]  }
0x2a: {  	p0 =	seq.s32 s5, $0x0;
	s5 =	sld [smem:$0x3FA4]  }
0x2b: {  	s6 =	sld [smem:$0x3FA5]  }
0x2c: {  	s7 =	sld [smem:$0x3FA6]  }
0x2d: {  	s3 =	simm.s32 $0x108;
	s8 =	sld [smem:$0x3FA7]  }
0x2e: {  	s3 =	simm.s32 @!p0 $0x1082;
	s9 =	sld [smem:$0x3FA8]  }
0x2f: {  	lr =	sadd.s32 s0, s3;
	s0 =	sld [smem:$0x3F9F]  }
0x30: {  	s3 =	sld [smem:$0x3FA2]  }
0x31: {  	[smem:$0x3FAB] =	sst s10  }
0x32: {  	s10 =	sld [smem:$0x3FA9];
	_ =	sdelay $0x3  }
0x33: {  	p0 =	seq.s32 s10, $0x1;
	s10 =	sld [smem:$0x3FAB];
	_ =	sdelay $0x3  }
0x34: {  	[smem:$0x3FAB] =	sst s10  }
0x35: {  	s10 =	sld [smem:$0x3FAA];
	_ =	sdelay $0x3  }
0x36: {  	p1 =	seq.s32 s10, $0x1;
	s10 =	sld [smem:$0x3FAB];
	_ =	sdelay $0x3  }
0x37: {  	[smem:$0x3FAB] =	sst s10  }
0x38: {  	s10 =	sld [smem:$0x3FAC]  }
0x39: {  	_ = 	snop;
	(pc) =	sbr.ind lr, $3  }
0x3a: {  	_ = 	snop  }
0x3b: {  	_ = 	snop  }
0x3c: {  	p2 =	seq.s32 s10, $0x1;
	s10 =	sld [smem:$0x3FAB]  }
0x3d: {  	_ =	shalt  }
0x3e: {  	_ =	shalt  }
0x3f: {  	_ =	shalt  }
0x40: {  	_ =	shalt  }
0x41: {  	_ =	shalt  }
0x42: {  	_ =	shalt  }
0x43: {  	_ =	shalt  }
0x44: {  	_ =	shalt  }
0x45: {  	_ =	shalt  }
0x46: {  	_ =	shalt  }
0x47: {  	_ =	shalt  }
0x48: {  	_ =	shalt  }
0x49: {  	_ =	shalt  }
0x4a: {  	_ =	shalt  }
0x4b: {  	_ =	shalt  }
0x4c: {  	_ =	shalt  }
0x4d: {  	_ =	shalt  }
0x4e: {  	_ =	shalt  }
0x4f: {  	_ =	shalt  }
0x50: {  	_ =	shalt  }
0x51: {  	_ =	shalt  }
0x52: {  	_ =	shalt  }
0x53: {  	_ =	shalt  }
0x54: {  	_ =	shalt  }
0x55: {  	_ =	shalt  }
0x56: {  	_ =	shalt  }
0x57: {  	_ =	shalt  }
0x58: {  	_ =	shalt  }
0x59: {  	_ =	shalt  }
0x5a: {  	_ =	shalt  }
0x5b: {  	_ =	shalt  }
0x5c: {  	_ =	shalt  }
0x5d: {  	_ =	shalt  }
0x5e: {  	_ =	shalt  }
0x5f: {  	_ =	shalt  }
0x60: {  	_ =	shalt  }
0x61: {  	_ =	shalt  }
0x62: {  	_ =	shalt  }
0x63: {  	_ =	shalt  }
0x64: {  	_ =	shalt  }
0x65: {  	_ =	shalt  }
0x66: {  	_ =	shalt  }
0x67: {  	_ =	shalt  }
0x68: {  	_ =	shalt  }
0x69: {  	_ =	shalt  }
0x6a: {  	_ =	shalt  }
0x6b: {  	_ =	shalt  }
0x6c: {  	_ =	shalt  }
0x6d: {  	_ =	shalt  }
0x6e: {  	_ =	shalt  }
0x6f: {  	_ =	shalt  }
0x70: {  	_ =	shalt  }
0x71: {  	_ =	shalt  }
0x72: {  	_ =	shalt  }
0x73: {  	_ =	shalt  }
0x74: {  	_ =	shalt  }
0x75: {  	_ =	shalt  }
0x76: {  	_ =	shalt  }
0x77: {  	_ =	shalt  }
0x78: {  	_ =	shalt  }
0x79: {  	_ =	shalt  }
0x7a: {  	_ =	shalt  }
0x7b: {  	_ =	shalt  }
0x7c: {  	_ =	shalt  }
0x7d: {  	_ =	shalt  }
0x7e: {  	_ =	shalt  }
0x7f: {  	_ =	shalt  }
0x80: {  	_ =	shalt  }
0x81: {  	_ =	shalt  }
0x82: {  	_ =	shalt  }
0x83: {  	_ =	shalt  }
0x84: {  	_ =	shalt  }
0x85: {  	_ =	shalt  }
0x86: {  	_ =	shalt  }
0x87: {  	_ =	shalt  }
.Lfunc_end0:
.L_simem_size_0:
called_computation_lowered:
.L_overlay_start_0:
0x88: {  	s2 =	sld [smem:$0x3FD9]  }
0x89: {  	s3 =	sld [smem:$0x3FFE];
	_ =	sdelay $0x1  }
0x8a: {  	s1 =	srdreg.scid  }
0x8b: {  	s0 =	sand.u32 $0x1, s1  }
0x8c: {  	s17 =	sshll.u32 s0, $0xA;
	s2 =	sadd.s32 s3, s2  }
0x8d: {  	s2 =	sadd.s32 s2, s17  }
0x8e: {  	[smem:$0x3FB7] =	sst s2  }
0x8f: {  	_ = 	snop  }
0x90: {  	s2 =	sld [smem:$0x3FD0];
	(tm) =	ssettm $0x1  }
0x91: {  	s18 =	sld [smem:$0x3FFB];
	_ =	sdelay $0x3  }
0x92: {  	_ =	strace s18  }
0x93: {  	s3 =	sld [smem:$0x3FFC];
	_ =	sdelay $0x3  }
0x94: {  	_ =	strace s3  }
0x95: {  	s3 =	sld [smem:$0x3FFD];
	_ =	sdelay $0x3  }
0x96: {  	_ =	strace s3  }
0x97: {  	_ =	strace $0x8FFFFFFF  }
0x98: {  	s19 =	sld [smem:$0x3FDB];
	_ =	sdelay $0x1  }
0x99: {  	s4 =	simm.s32 $_scs_section_size  }
0x9a: {  	s5 =	simm.s32 $_size__tile_overlayer_lowered;
	s6 =	simm.s32 $_tile_overlayer_lowered  }
0x9b: {  	s22 =	simm.s32 $0x1BFF;
	s21 =	sshll.u32 s6, $0x1;
	s3 =	sadd.s32 s4, s19  }
0x9c: {  	s7 =	simm.s32 $0x0;
	s20 =	sshll.u32 s5, $0x1;
	s5 =	sadd.s32 s21, s3  }
0x9d: {  	[timem:s7], [sflag:s22] =	dma.local [hbm:s5], s20  }
0x9e: {  	_ =	swait.ge [sflag:s22], s20  }
0x9f: {  	s4 =	ssub.s32 $0x0, s20;
	[sflag:s22] =	ssyncset.done $0x0  }
0xa0: {  	[sflag:s22] =	ssyncadd.s32 s4;
	_ =	sdelay $0x1  }
0xa1: {  	s23 =	simm.s32 $0x1B8B  }
0xa2: {  	_ =	swait.ge [sflag:s23], $0x1  }
0xa3: {  	[sflag:s23] =	ssyncset.done $0x0  }
0xa4: {  	s25 =	simm.s32 $0x1B8E;
	s24 =	sld [smem:$0x3FFE];
	[sflag:s23] =	ssyncadd.s32 $0xFFFFFFFF  }
0xa5: {  	s26 =	simm.s32 $execute0_lowered;
	[smem:$0x3FD2] =	sst s25  }
0xa6: {  	s5 =	sshll.u32 s26, $0x1;
	_ =	strace $0x80000046;
	[dreg:$0x1] =	wrdreg $0xFFFFFFFF  }
0xa7: {  	s28 =	simm.s32 $_size_execute0_lowered;
	s3 =	sadd.s32 s3, s5;
	[dreg:$0x0] =	wrdreg $0x0  }
0xa8: {  	s5 =	sshll.u32 s28, $0x1;
	[dreg:$0x2] =	wrdreg s3  }
0xa9: {  	[dreg:$0x3] =	wrdreg s5  }
0xaa: {  	[dreg:$0x4] =	wrdreg $0xC0  }
0xab: {  	_ =	task [dreg:s7], $0x5FFFF  }
0xac: {  	[dreg:$0x1] =	wrdreg $0xFFFFFFFF  }
0xad: {  	[dreg:$0x0] =	wrdreg $0x60  }
0xae: {  	[dreg:$0x2] =	wrdreg s24  }
0xaf: {  	[dreg:$0x3] =	wrdreg s2  }
0xb0: {  	[dreg:$0x4] =	wrdreg $0x0  }
0xb1: {  	[dreg:$0x5] =	wrdreg $0x9  }
0xb2: {  	_ =	task.clear_ibuf [dreg:s7], $0x6FFFF;
	_ =	strace $0x90000046  }
0xb3: {  	s29 =	simm.s32 $0x9;
	_ =	strace $0x80000048  }
0xb4: {  	_ =	swait.ge [sflag:s29], $0x1  }
0xb5: {  	[sflag:s29] =	ssyncadd.s32 $0xFFFFFFFF  }
0xb6: {  	_ =	strace $0x90000048  }
0xb7: {  	_ =	sfence  }
0xb8: {  	s30 =	sld [smem:$0x0];
	_ =	sdelay $0x2  }
0xb9: {  	s31 =	sshll.u32 s1, $0xD;
	s1 =	sshrl.u32 s1, $0x2  }
0xba: {  	s3 =	sand.u32 $0x4000, s31;
	s1 =	sadd.s32 s1, s30  }
0xbb: {  	s0 =	sor.u32 s3, s0;
	s1 =	sshll.u32 s1, $0x11  }
0xbc: {  	s0 =	sor.u32 s1, s0  }
0xbd: {  	s0 =	sadd.s32 $0x8F2B, s0  }
0xbe: {  	[sflag:s0] =	ssyncadd.remote.s32 $0x1  }
0xbf: {  	_ =	sfence.sel $0xFFFF  }
0xc0: {  	[dreg:$0x0] =	wrdreg $0xFFFFFFFF;
	(pc) =	sbr.abs _section_cstart, $3  }
0xc1: {  	[dreg:$0x1] =	wrdreg $0xFFFFFFFF  }
0xc2: {  	_ =	task.clear_ibuf [dreg:s7], $0x2FFFF;
	_ =	strace $0x9FFFFFFF  }
0xc3: {  	(tm) =	ssettm $0x7FFFFFFF  }
tec
execute0_lowered:
.L_overlay_start_1:
0x0: {  	(tag) =	ssettag $0x1  }
0x1: {  	s0 =	rddreg [dreg:$0x0]  }
0x2: {  	s2 =	rddreg [dreg:$0x1]  }
0x3: {  	s3 =	rddreg [dreg:$0x2]  }
0x4: {  	s4 =	simm.s32 $0x0;
	s12 =	stileid.u32;
	s1 =	srdreg.scid  }
0x5: {  	s17 =	simm.s32 $0x9;
	s18 =	simm.s32 $0x16800;
	s19 =	simm.s32 $0x16850  }
0x6: {  	s20 =	simm.s32 $0x3;
	s21 =	simm.s32 $0x4;
	s28 =	simm.s32 $0x7  }
0x7: {  	s29 =	simm.s32 $0x8;
	s31 =	simm.s32 $0x1C840;
	s15 =	simm.s32 $0x0  }
0x8: {  	[smem:$0x7FF] =	sst s4;
	s22 =	smul.u32 $0x16800, s12;
	s1 =	sand.u32 $0x1, s1  }
0x9: {  	s5 =	sadd.s32 $0xC600, s0;
	s6 =	sadd.s32 $0x38600, s0;
	s7 =	sadd.s32 $0x2800, s0  }
0xa: {  	s10 =	sshll.u32 s12, $0x1;
	s24 =	sshll.u32 s12, $0x6;
	_ =	strace $0x80000047  }
0xb: {  	s8 =	smul.u32 $0x168000, s1;
	s11 =	ssub.s32 $0x2, s1;
	s1 =	sor.u32 s1, s10  }
0xc: {  	s10 =	simm.s32 $0x6;
	s9 =	sshrl.u32 s22, $0x3;
	s23 =	sshrl.u32 s11, $0x1  }
0xd: {  	s1 =	smul.u32 $0x2710, s1;
	s4 =	sadd.s32 s22, s3;
	s9 =	sadd.s32 s9, s0  }
0xe: {  	s8 =	sadd.s32 s22, s8;
	s14 =	sshrl.u32 s4, $0x3;
	s22 =	simm.s32 $0x50  }
0xf: {  	s4 =	simm.s32 $0x1CD40;
	s8 =	sshrl.u32 s8, $0x3;
	s9 =	sadd.s32 $0x3D600, s9  }
0x10: {  	s25 =	sshrl.u32 s1, $0x3;
	s12 =	sadd.s32 $0x50, s1;
	s13 =	sadd.s32 $0xA0, s1  }
0x11: {  	s1 =	simm.s32 $0x2;
	[dreg:$0xa] =	wrdreg s14;
	s0 =	sadd.s32 s8, s0  }
0x12: {  	s8 =	ssub.s32 s11, s23;
	[dreg:$0x4] =	wrdreg s9;
	s26 =	sadd.s32 s7, s25  }
0x13: {  	s11 =	sor.u32 $0x1C09, s24;
	s9 =	sadd.s32 s2, s25;
	[dreg:$0x6] =	wrdreg s26  }
0x14: {  	s23 =	simm.s32 $0x168A0;
	s24 =	simm.s32 $0x195A0;
	[dreg:$0x7] =	wrdreg s9  }
0x15: {  	s25 =	simm.s32 $0x19AA0;
	s0 =	sadd.s32 $0x6A600, s0;
	[dreg:$0x5] =	wrdreg s11  }
0x16: {  	s30 =	smax.u32 s8, $0x1;
	s26 =	simm.s32 $0x19AF0;
	[dreg:$0x8] =	wrdreg s0  }
0x17: {  	s8 =	simm.s32 $0x5;
	[dreg:$0x9] =	wrdreg s30;
	s0 =	simm.s32 $0x1  }
.LBB2_1:
0x18: {  	[dreg:$0xb] =	wrdreg s15  }
0x19: {  	s9 =	rddreg [dreg:$0x4]  }
0x1a: {  	[spmem:s14], [sflag:s11] =	dma.local [hbm:s9], $0x2D00  }
0x1b: {  	_ =	swait.ge [sflag:s17], $0x2D00  }
0x1c: {  	[sflag:s17] =	ssyncset.done $0x0  }
0x1d: {  	[sflag:s17] =	ssyncadd.s32 $0xFFFFD300  }
0x1e: {  	[bflag:$0x0] =	sbarrier.arrive $0xFFFF  }
0x1f: {  	s15 =	simm.s32 $0x0;
	s16 =	rddreg [dreg:$0x6]  }
0x20: {  	[tilespmem:s18], [sflag:$0x3] =	stream.linear.gather [hbm4b:s16+s15], $0x50, $0x38;
	[tilespmem:$0x1FA40] =	vst v63  }
0x21: {  	s30 =	rddreg [dreg:$0x7]  }
0x22: {  	[tilespmem:s19], [sflag:$0x4] =	stream.linear.gather [hbm4b:s30+s15], $0x50, $0x38;
	[tilespmem:$0x1FA40] =	vst v63  }
0x23: {  	_ =	swait.ge [sflag:s20], $0x50  }
0x24: {  	[sflag:s20] =	ssyncset.done $0x0  }
0x25: {  	[sflag:s20] =	ssyncadd.s32 $0xFFFFFFB0  }
0x26: {  	_ =	swait.ge [sflag:s21], $0x50  }
0x27: {  	[sflag:s21] =	ssyncset.done $0x0  }
0x28: {  	[sflag:s21] =	ssyncadd.s32 $0xFFFFFFB0  }
0x29: {  	[tilespmem:s23], [sflag:$0x1] =	stream.indirect.gather [hbm4b:s5+s22], $0x90, s18, s22, $0xb8;
	[tilespmem:$0x1FA40] =	vst v63  }
0x2a: {  	s14 =	simm.s32 $0x0  }
0x2b: {  	[tilespmem:s24], [sflag:$0x2] =	stream.indirect.gather [hbm4b:s6+s22], $0x10, s19, s22, $0xb8;
	[tilespmem:$0x1FA40] =	vst v63  }
.LBB2_2:
0x2c: {  	s15 =	smul.u32 $0xA0, s14;
	_ =	sdelay $0x1  }
0x2d: {  	s9 =	sadd.s32 s15, s12  }
0x2e: {  	s9 =	sshrl.u32 s9, $0x3  }
0x2f: {  	s16 =	simm.s32 $0x0;
	s11 =	sadd.s32 s7, s9  }
0x30: {  	[tilespmem:s25], [sflag:$0x7] =	stream.linear.gather [hbm4b:s11+s16], $0x50, $0x38;
	[tilespmem:$0x1FA40] =	vst v63  }
0x31: {  	s9 =	sadd.s32 s2, s9  }
0x32: {  	[tilespmem:s26], [sflag:$0x8] =	stream.linear.gather [hbm4b:s9+s16], $0x50, $0x38;
	[tilespmem:$0x1FA40] =	vst v63  }
0x33: {  	_ =	swait.ge [sflag:s28], $0x50  }
0x34: {  	[sflag:s28] =	ssyncset.done $0x0  }
0x35: {  	[sflag:s28] =	ssyncadd.s32 $0xFFFFFFB0  }
0x36: {  	_ =	swait.ge [sflag:s29], $0x50  }
0x37: {  	[sflag:s29] =	ssyncset.done $0x0  }
0x38: {  	s30 =	simm.s32 $0x19B40;
	[sflag:s29] =	ssyncadd.s32 $0xFFFFFFB0  }
0x39: {  	[tilespmem:s30], [sflag:$0x5] =	stream.indirect.gather [hbm4b:s5+s22], $0x90, s25, s22, $0xb8;
	[tilespmem:$0x1FA40] =	vst v63  }
0x3a: {  	_ = 	snop  }
0x3b: {  	[tilespmem:s31], [sflag:$0x6] =	stream.indirect.gather [hbm4b:s6+s22], $0x10, s26, s22, $0xb8;
	[tilespmem:$0x1FA40] =	vst v63  }
0x3c: {  	_ =	swait.ge [sflag:s0], $0x2D00  }
0x3d: {  	[sflag:s0] =	ssyncset.done $0x0  }
0x3e: {  	[sflag:s0] =	ssyncadd.s32 $0xFFFFD300  }
0x3f: {  	_ =	swait.ge [sflag:s1], $0x500  }
0x40: {  	[sflag:s1] =	ssyncset.done $0x0  }
0x41: {  	s9 =	simm.s32 $0x0;
	[sflag:s1] =	ssyncadd.s32 $0xFFFFFB00  }
0x42: {  	s11 =	simm.s32 $0x240;
	s16 =	simm.s32 $0x195A0;
	v0 =	vld [tilespmem:s9+$0x16920]  }
.LBB2_3:
0x43: {  	p0 =	sne.s32 s11, $0xB1C0;
	v1 =	vld [tilespmem:s16+$0x0];
	_ =	sdelay $0x4  }
0x44: {  	v0 =	vadd.f32 v1, v0;
	_ =	sdelay $0x1  }
0x45: {  	v1 =	vmul.f32 $2.000000030e-01, v0  }
0x46: {  	vm0 =	vge.f32 v0, $0.0e+00  }
0x47: {  	v0 =	vsel vm0, v0, v1  }
0x48: {  	v0 =	vmul.f32 $1.442695020e+00, v0;
	_ =	sdelay $0x1  }
0x49: {  	(erf) = vpow2.f32 v0;
	_ =	sdelay $0x2  }
0x4a: {  	v0 =	vld [tilespmem:s9+$0x168A0]  }
0x4b: {  	v1 =	vld [tilespmem:s9+$0x168B0]  }
0x4c: {  	v2 =	vld [tilespmem:s9+$0x168C0]  }
0x4d: {  	v3 =	vld [tilespmem:s9+$0x168D0]  }
0x4e: {  	v4 =	vld [tilespmem:s9+$0x168E0]  }
0x4f: {  	v5 =	vld [tilespmem:s9+$0x168F0]  }
0x50: {  	v6 =	vld [tilespmem:s9+$0x16900];
	v7 =	vpop (erf)  }
0x51: {  	[tilespmem:s9+$0x1CDC0] =	vst v7;
	v8 =	vbroadcast v7, $0x0;
	v9 =	vbroadcast v7, $0x1;
	v10 =	vld [tilespmem:s9+$0x16910]  }
0x52: {  	v11 =	vbroadcast v7, $0x2;
	v7 =	vbroadcast v7, $0x3  }
0x53: {  	v0 =	vmul.f32 v8, v0;
	v1 =	vmul.f32 v8, v1  }
0x54: {  	v2 =	vmul.f32 v9, v2;
	v3 =	vmul.f32 v3, v9  }
0x55: {  	[tilespmem:s9+$0x1CD40] =	vst v0;
	v0 =	vmul.f32 v4, v11;
	v4 =	vmul.f32 v5, v11  }
0x56: {  	[tilespmem:s9+$0x1CD50] =	vst v1;
	v1 =	vmul.f32 v6, v7;
	v5 =	vmul.f32 v10, v7  }
0x57: {  	[tilespmem:s9+$0x1CD60] =	vst v2  }
.Ltmp0:
0x58: {  	[tilespmem:s9+$0x1CD70] =	vst v3;
	(pc) =	sbr.rel @p0 .LBB2_3-.Ltmp0, $4  }
0x59: {  	[tilespmem:s9+$0x1CD80] =	vst v0  }
0x5a: {  	[tilespmem:s9+$0x1CD90] =	vst v4  }
0x5b: {  	s30 =	sshra.s32 s11, $0x2;
	[tilespmem:s9+$0x1CDA0] =	vst v1  }
0x5c: {  	s11 =	sadd.s32 $0x240, s11;
	s16 =	sadd.s32 $0x10, s16;
	v0 =	vld [tilespmem:s30+$0x16920];
	[tilespmem:s9+$0x1CDB0] =	vst v5;
	s9 =	smov.u32 s30  }
0x5d: {  	v1 =	vld [tilespmem:s16+$0x0];
	_ =	sdelay $0x4  }
0x5e: {  	v0 =	vadd.f32 v1, v0;
	_ =	sdelay $0x1  }
0x5f: {  	v1 =	vmul.f32 $2.000000030e-01, v0  }
0x60: {  	vm0 =	vge.f32 v0, $0.0e+00  }
0x61: {  	v0 =	vsel vm0, v0, v1  }
0x62: {  	v0 =	vmul.f32 $1.442695020e+00, v0;
	_ =	sdelay $0x1  }
0x63: {  	(erf) = vpow2.f32 v0;
	_ =	sdelay $0x6  }
0x64: {  	v0 =	vld [tilespmem:s9+$0x168A0]  }
0x65: {  	v1 =	vld [tilespmem:s9+$0x168B0]  }
0x66: {  	v2 =	vld [tilespmem:s9+$0x168C0];
	v5 =	vpop (erf)  }
0x67: {  	v3 =	vld [tilespmem:s9+$0x168D0];
	v7 =	vbroadcast v5, $0x0  }
0x68: {  	v4 =	vld [tilespmem:s9+$0x168E0]  }
0x69: {  	v6 =	vld [tilespmem:s9+$0x168F0];
	v9 =	vbroadcast v5, $0x1;
	v0 =	vmul.f32 v7, v0  }
0x6a: {  	v8 =	vld [tilespmem:s9+$0x16900];
	[tilespmem:s9+$0x1CDC0] =	vst v5;
	v1 =	vmul.f32 v7, v1  }
0x6b: {  	v10 =	vld [tilespmem:s9+$0x16910];
	v63 =	vbroadcast v5, $0x2;
	v2 =	vmul.f32 v9, v2;
	[tilespmem:s9+$0x1CD40] =	vst v0  }
0x6c: {  	v0 =	vmul.f32 v3, v9;
	[tilespmem:s9+$0x1CD50] =	vst v1  }
0x6d: {  	v1 =	vbroadcast v5, $0x3;
	v3 =	vmul.f32 v4, v63;
	[tilespmem:s9+$0x1CD60] =	vst v2  }
0x6e: {  	v2 =	vmul.f32 v6, v63;
	[tilespmem:s9+$0x1CD70] =	vst v0  }
0x6f: {  	v0 =	vmul.f32 v8, v1;
	[tilespmem:s9+$0x1CD80] =	vst v3  }
0x70: {  	v1 =	vmul.f32 v10, v1;
	[tilespmem:s9+$0x1CD90] =	vst v2  }
0x71: {  	[tilespmem:s9+$0x1CDA0] =	vst v0  }
0x72: {  	[tilespmem:s9+$0x1CDB0] =	vst v1  }
0x73: {  	[spmem:s3] =	stream.indirect.scatter.add.f32 [tilespmem:s4], [sflag:$0x9], $0x90, s19, s22, $0xb8;
	[tilespmem:$0x1FA40] =	vst v63  }
0x74: {  	s16 =	sadd.s32 s15, s13;
	_ =	swait.ge [sflag:s17], $0x2D00  }
0x75: {  	s9 =	sshrl.u32 s16, $0x3;
	[sflag:s17] =	ssyncset.done $0x0  }
0x76: {  	s30 =	simm.s32 $0x0;
	s11 =	sadd.s32 s7, s9;
	[sflag:s17] =	ssyncadd.s32 $0xFFFFD300  }
0x77: {  	[tilespmem:s18], [sflag:$0x3] =	stream.linear.gather [hbm4b:s11+s30], $0x50, $0x38;
	[tilespmem:$0x1FA40] =	vst v63  }
0x78: {  	s9 =	sadd.s32 s2, s9  }
0x79: {  	[tilespmem:s19], [sflag:$0x4] =	stream.linear.gather [hbm4b:s9+s30], $0x50, $0x38;
	[tilespmem:$0x1FA40] =	vst v63  }
0x7a: {  	_ =	swait.ge [sflag:s20], $0x50  }
0x7b: {  	[sflag:s20] =	ssyncset.done $0x0  }
0x7c: {  	[sflag:s20] =	ssyncadd.s32 $0xFFFFFFB0  }
0x7d: {  	_ =	swait.ge [sflag:s21], $0x50  }
0x7e: {  	[sflag:s21] =	ssyncset.done $0x0  }
0x7f: {  	[sflag:s21] =	ssyncadd.s32 $0xFFFFFFB0  }
0x80: {  	[tilespmem:s23], [sflag:$0x1] =	stream.indirect.gather [hbm4b:s5+s22], $0x90, s18, s22, $0xb8;
	[tilespmem:$0x1FA40] =	vst v63  }
0x81: {  	_ = 	snop  }
0x82: {  	[tilespmem:s24], [sflag:$0x2] =	stream.indirect.gather [hbm4b:s6+s22], $0x10, s19, s22, $0xb8;
	[tilespmem:$0x1FA40] =	vst v63  }
0x83: {  	_ =	swait.ge [sflag:s8], $0x2D00  }
0x84: {  	[sflag:s8] =	ssyncset.done $0x0  }
0x85: {  	[sflag:s8] =	ssyncadd.s32 $0xFFFFD300  }
0x86: {  	_ =	swait.ge [sflag:s10], $0x500  }
0x87: {  	[sflag:s10] =	ssyncset.done $0x0  }
0x88: {  	s9 =	simm.s32 $0x0;
	[sflag:s10] =	ssyncadd.s32 $0xFFFFFB00  }
0x89: {  	s15 =	simm.s32 $0x1C840;
	s11 =	simm.s32 $0x240;
	v0 =	vld [tilespmem:s9+$0x19BC0]  }
.LBB2_5:
0x8a: {  	p0 =	sne.s32 s11, $0xB1C0;
	v1 =	vld [tilespmem:s15+$0x0];
	_ =	sdelay $0x4  }
0x8b: {  	v0 =	vadd.f32 v1, v0;
	_ =	sdelay $0x1  }
0x8c: {  	v1 =	vmul.f32 $2.000000030e-01, v0  }
0x8d: {  	vm0 =	vge.f32 v0, $0.0e+00  }
0x8e: {  	v0 =	vsel vm0, v0, v1  }
0x8f: {  	v0 =	vmul.f32 $1.442695020e+00, v0;
	_ =	sdelay $0x1  }
0x90: {  	(erf) = vpow2.f32 v0;
	_ =	sdelay $0x2  }
0x91: {  	v0 =	vld [tilespmem:s9+$0x19B40]  }
0x92: {  	v1 =	vld [tilespmem:s9+$0x19B50]  }
0x93: {  	v2 =	vld [tilespmem:s9+$0x19B60]  }
0x94: {  	v3 =	vld [tilespmem:s9+$0x19B70]  }
0x95: {  	v4 =	vld [tilespmem:s9+$0x19B80]  }
0x96: {  	v5 =	vld [tilespmem:s9+$0x19B90]  }
0x97: {  	v6 =	vld [tilespmem:s9+$0x19BA0];
	v7 =	vpop (erf)  }
0x98: {  	[tilespmem:s9+$0x1CDC0] =	vst v7;
	v8 =	vbroadcast v7, $0x0;
	v9 =	vbroadcast v7, $0x1;
	v10 =	vld [tilespmem:s9+$0x19BB0]  }
0x99: {  	v11 =	vbroadcast v7, $0x2;
	v7 =	vbroadcast v7, $0x3  }
0x9a: {  	v0 =	vmul.f32 v8, v0;
	v1 =	vmul.f32 v8, v1  }
0x9b: {  	v2 =	vmul.f32 v9, v2;
	v3 =	vmul.f32 v3, v9  }
0x9c: {  	[tilespmem:s9+$0x1CD40] =	vst v0;
	v0 =	vmul.f32 v4, v11;
	v4 =	vmul.f32 v5, v11  }
0x9d: {  	[tilespmem:s9+$0x1CD50] =	vst v1;
	v1 =	vmul.f32 v6, v7;
	v5 =	vmul.f32 v10, v7  }
0x9e: {  	[tilespmem:s9+$0x1CD60] =	vst v2  }
.Ltmp1:
0x9f: {  	[tilespmem:s9+$0x1CD70] =	vst v3;
	(pc) =	sbr.rel @p0 .LBB2_5-.Ltmp1, $4  }
0xa0: {  	[tilespmem:s9+$0x1CD80] =	vst v0  }
0xa1: {  	[tilespmem:s9+$0x1CD90] =	vst v4  }
0xa2: {  	s16 =	sshra.s32 s11, $0x2;
	[tilespmem:s9+$0x1CDA0] =	vst v1  }
0xa3: {  	s11 =	sadd.s32 $0x240, s11;
	s15 =	sadd.s32 $0x10, s15;
	v0 =	vld [tilespmem:s16+$0x19BC0];
	[tilespmem:s9+$0x1CDB0] =	vst v5;
	s9 =	smov.u32 s16  }
0xa4: {  	v1 =	vld [tilespmem:s15+$0x0];
	_ =	sdelay $0x4  }
0xa5: {  	v0 =	vadd.f32 v1, v0;
	_ =	sdelay $0x1  }
0xa6: {  	v1 =	vmul.f32 $2.000000030e-01, v0  }
0xa7: {  	vm0 =	vge.f32 v0, $0.0e+00  }
0xa8: {  	v0 =	vsel vm0, v0, v1  }
0xa9: {  	v0 =	vmul.f32 $1.442695020e+00, v0;
	_ =	sdelay $0x1  }
0xaa: {  	(erf) = vpow2.f32 v0;
	_ =	sdelay $0x6  }
0xab: {  	v56 =	vld [tilespmem:s9+$0x19B40]  }
0xac: {  	v57 =	vld [tilespmem:s9+$0x19B50]  }
0xad: {  	v2 =	vld [tilespmem:s9+$0x19B60];
	v5 =	vpop (erf)  }
0xae: {  	v3 =	vld [tilespmem:s9+$0x19B70];
	v7 =	vbroadcast v5, $0x0  }
0xaf: {  	v4 =	vld [tilespmem:s9+$0x19B80]  }
0xb0: {  	v6 =	vld [tilespmem:s9+$0x19B90];
	v9 =	vbroadcast v5, $0x1;
	v0 =	vmul.f32 v7, v56  }
0xb1: {  	v8 =	vld [tilespmem:s9+$0x19BA0];
	[tilespmem:s9+$0x1CDC0] =	vst v5;
	v1 =	vmul.f32 v7, v57  }
0xb2: {  	v10 =	vld [tilespmem:s9+$0x19BB0];
	v58 =	vbroadcast v5, $0x2;
	v2 =	vmul.f32 v9, v2;
	[tilespmem:s9+$0x1CD40] =	vst v0  }
0xb3: {  	v59 =	vmul.f32 v3, v9;
	[tilespmem:s9+$0x1CD50] =	vst v1  }
0xb4: {  	v60 =	vbroadcast v5, $0x3;
	v61 =	vmul.f32 v4, v58;
	[tilespmem:s9+$0x1CD60] =	vst v2  }
0xb5: {  	v62 =	vmul.f32 v6, v58;
	[tilespmem:s9+$0x1CD70] =	vst v59  }
0xb6: {  	v63 =	vmul.f32 v8, v60;
	[tilespmem:s9+$0x1CD80] =	vst v61  }
0xb7: {  	s14 =	sadd.s32 $0x1, s14;
	v1 =	vmul.f32 v10, v60;
	[tilespmem:s9+$0x1CD90] =	vst v62  }
0xb8: {  	p0 =	sne.s32 s14, $0x3E;
	[tilespmem:s9+$0x1CDA0] =	vst v63  }
.Ltmp2:
0xb9: {  	[tilespmem:s9+$0x1CDB0] =	vst v1;
	(pc) =	sbr.rel @p0 .LBB2_2-.Ltmp2, $4  }
0xba: {  	[spmem:s3] =	stream.indirect.scatter.add.f32 [tilespmem:s4], [sflag:$0x9], $0x90, s26, s22, $0xb8;
	[tilespmem:$0x1FA40] =	vst v63  }
0xbb: {  	_ =	swait.ge [sflag:s17], $0x2D00  }
0xbc: {  	[sflag:s17] =	ssyncset.done $0x0  }
0xbd: {  	[sflag:s17] =	ssyncadd.s32 $0xFFFFD300  }
0xbe: {  	_ =	swait.ge [sflag:s0], $0x2D00  }
0xbf: {  	[sflag:s0] =	ssyncset.done $0x0  }
0xc0: {  	[sflag:s0] =	ssyncadd.s32 $0xFFFFD300  }
0xc1: {  	_ =	swait.ge [sflag:s1], $0x500  }
0xc2: {  	[sflag:s1] =	ssyncset.done $0x0  }
0xc3: {  	s9 =	simm.s32 $0x0;
	[sflag:s1] =	ssyncadd.s32 $0xFFFFFB00  }
0xc4: {  	s14 =	simm.s32 $0x195A0;
	s11 =	simm.s32 $0x240;
	v0 =	vld [tilespmem:s9+$0x16920]  }
.LBB2_8:
0xc5: {  	p0 =	sne.s32 s11, $0xB1C0;
	v1 =	vld [tilespmem:s14+$0x0];
	_ =	sdelay $0x4  }
0xc6: {  	v0 =	vadd.f32 v1, v0;
	_ =	sdelay $0x1  }
0xc7: {  	v1 =	vmul.f32 $2.000000030e-01, v0  }
0xc8: {  	vm0 =	vge.f32 v0, $0.0e+00  }
0xc9: {  	v0 =	vsel vm0, v0, v1  }
0xca: {  	v0 =	vmul.f32 $1.442695020e+00, v0;
	_ =	sdelay $0x1  }
0xcb: {  	(erf) = vpow2.f32 v0;
	_ =	sdelay $0x2  }
0xcc: {  	v0 =	vld [tilespmem:s9+$0x168A0]  }
0xcd: {  	v1 =	vld [tilespmem:s9+$0x168B0]  }
0xce: {  	v2 =	vld [tilespmem:s9+$0x168C0]  }
0xcf: {  	v3 =	vld [tilespmem:s9+$0x168D0]  }
0xd0: {  	v4 =	vld [tilespmem:s9+$0x168E0]  }
0xd1: {  	v5 =	vld [tilespmem:s9+$0x168F0]  }
0xd2: {  	v6 =	vld [tilespmem:s9+$0x16900];
	v7 =	vpop (erf)  }
0xd3: {  	[tilespmem:s9+$0x1CDC0] =	vst v7;
	v8 =	vbroadcast v7, $0x0;
	v9 =	vbroadcast v7, $0x1;
	v10 =	vld [tilespmem:s9+$0x16910]  }
0xd4: {  	v11 =	vbroadcast v7, $0x2;
	v7 =	vbroadcast v7, $0x3  }
0xd5: {  	v0 =	vmul.f32 v8, v0;
	v1 =	vmul.f32 v8, v1  }
0xd6: {  	v2 =	vmul.f32 v9, v2;
	v3 =	vmul.f32 v3, v9  }
0xd7: {  	[tilespmem:s9+$0x1CD40] =	vst v0;
	v0 =	vmul.f32 v4, v11;
	v4 =	vmul.f32 v5, v11  }
0xd8: {  	[tilespmem:s9+$0x1CD50] =	vst v1;
	v1 =	vmul.f32 v6, v7;
	v5 =	vmul.f32 v10, v7  }
0xd9: {  	[tilespmem:s9+$0x1CD60] =	vst v2  }
.Ltmp3:
0xda: {  	[tilespmem:s9+$0x1CD70] =	vst v3;
	(pc) =	sbr.rel @p0 .LBB2_8-.Ltmp3, $4  }
0xdb: {  	[tilespmem:s9+$0x1CD80] =	vst v0  }
0xdc: {  	[tilespmem:s9+$0x1CD90] =	vst v4  }
0xdd: {  	s15 =	sshra.s32 s11, $0x2;
	[tilespmem:s9+$0x1CDA0] =	vst v1  }
0xde: {  	s11 =	sadd.s32 $0x240, s11;
	s14 =	sadd.s32 $0x10, s14;
	v0 =	vld [tilespmem:s15+$0x16920];
	[tilespmem:s9+$0x1CDB0] =	vst v5;
	s9 =	smov.u32 s15  }
0xdf: {  	v1 =	vld [tilespmem:s14+$0x0];
	_ =	sdelay $0x4  }
0xe0: {  	v0 =	vadd.f32 v1, v0;
	_ =	sdelay $0x1  }
0xe1: {  	v1 =	vmul.f32 $2.000000030e-01, v0  }
0xe2: {  	vm0 =	vge.f32 v0, $0.0e+00  }
0xe3: {  	v0 =	vsel vm0, v0, v1  }
0xe4: {  	v0 =	vmul.f32 $1.442695020e+00, v0;
	_ =	sdelay $0x1  }
0xe5: {  	(erf) = vpow2.f32 v0;
	_ =	sdelay $0x6  }
0xe6: {  	v56 =	vld [tilespmem:s9+$0x168A0]  }
0xe7: {  	v57 =	vld [tilespmem:s9+$0x168B0]  }
0xe8: {  	v2 =	vld [tilespmem:s9+$0x168C0];
	v5 =	vpop (erf)  }
0xe9: {  	v3 =	vld [tilespmem:s9+$0x168D0];
	v7 =	vbroadcast v5, $0x0  }
0xea: {  	v4 =	vld [tilespmem:s9+$0x168E0]  }
0xeb: {  	v6 =	vld [tilespmem:s9+$0x168F0];
	v9 =	vbroadcast v5, $0x1;
	v0 =	vmul.f32 v7, v56  }
0xec: {  	v8 =	vld [tilespmem:s9+$0x16900];
	[tilespmem:s9+$0x1CDC0] =	vst v5;
	v1 =	vmul.f32 v7, v57  }
0xed: {  	v10 =	vld [tilespmem:s9+$0x16910];
	v58 =	vbroadcast v5, $0x2;
	v2 =	vmul.f32 v9, v2;
	[tilespmem:s9+$0x1CD40] =	vst v0  }
0xee: {  	v59 =	vmul.f32 v3, v9;
	[tilespmem:s9+$0x1CD50] =	vst v1  }
0xef: {  	v60 =	vbroadcast v5, $0x3;
	v61 =	vmul.f32 v4, v58;
	[tilespmem:s9+$0x1CD60] =	vst v2  }
0xf0: {  	v62 =	vmul.f32 v6, v58;
	[tilespmem:s9+$0x1CD70] =	vst v59  }
0xf1: {  	v63 =	vmul.f32 v8, v60;
	[tilespmem:s9+$0x1CD80] =	vst v61  }
0xf2: {  	v1 =	vmul.f32 v10, v60;
	[tilespmem:s9+$0x1CD90] =	vst v62  }
0xf3: {  	[tilespmem:s9+$0x1CDA0] =	vst v63  }
0xf4: {  	[tilespmem:s9+$0x1CDB0] =	vst v1  }
0xf5: {  	[spmem:s3] =	stream.indirect.scatter.add.f32 [tilespmem:s4], [sflag:$0x9], $0x90, s19, s22, $0xb8;
	[tilespmem:$0x1FA40] =	vst v63  }
0xf6: {  	_ =	swait.ge [sflag:s17], $0x2D00  }
0xf7: {  	[sflag:s17] =	ssyncset.done $0x0  }
0xf8: {  	[sflag:s17] =	ssyncadd.s32 $0xFFFFD300  }
0xf9: {  	[bflag:$0x0] =	sbarrier.arrive $0xFFFF  }
0xfa: {  	s11 =	rddreg [dreg:$0x5]  }
0xfb: {  	s16 =	rddreg [dreg:$0x8]  }
0xfc: {  	s14 =	rddreg [dreg:$0xa]  }
0xfd: {  	[hbm:s16], [sflag:s11] =	dma.local [spmem:s14], $0x2D00  }
0xfe: {  	_ =	swait.ge [sflag:s17], $0x2D00  }
0xff: {  	s15 =	rddreg [dreg:$0xb]  }
0x100: {  	s30 =	rddreg [dreg:$0x9];
	s15 =	sadd.s32 $0x1, s15  }
0x101: {  	p0 =	sne.s32 s15, s30  }
.Ltmp4:
0x102: {  	_ = 	snop;
	(pc) =	sbr.rel @p0 .LBB2_1-.Ltmp4, $3  }
0x103: {  	_ =	sdelay $0x1  }
0x104: {  	[sflag:s17] =	ssyncset.done $0x0  }
0x105: {  	[sflag:s17] =	ssyncadd.s32 $0xFFFFD300  }
0x106: {  	_ =	sfence.sel $0x180000  }
0x107: {  	[bflag:$0x0] =	sbarrier.arrive $0xFFFF  }
0x108: {  	_ =	strace $0x90000047  }
0x109: {  	s0 =	stileid.u32;
	[bflag:$0x2] =	sbarrier.arrive $0xFFFF  }
0x10a: {  	p0 =	sne.s32 s0, $0x0;
	s0 =	rddreg [dreg:$0x3]  }
0x10b: {  	s0 =	sadd.s32 @!p0 $0x100000, s0  }
0x10c: {  	[sflag:s0] =	ssyncadd.tile.s32 @!p0 $0x1;
	_ =	shalt  }
.Lfunc_end2:
_tile_overlayer_lowered:
.L_overlay_start_2:
0x10d: {  	(tag) =	ssettag $0x2  }
0x10e: {  	s0 =	rddreg [dreg:$0x0];
	s2 =	stileid.u32  }
0x10f: {  	s1 =	rddreg [dreg:$0x1];
	p0 =	sne.s32 s2, $0x0  }
0x110: {  	s3 =	rddreg [dreg:$0x2];
	[bflag:$0x3] =	sbarrier.arrive $0xFFFF;
	s2 =	simm.s32 @!p0 $0x1C09  }
0x111: {  	[timem:s3], [sflag:s2] =	dma.local @!p0 [hbm:s0], s1  }
0x112: {  	s0 =	simm.s32 @!p0 $0x9  }
0x113: {  	_ =	swait.ge @!p0 [sflag:s0], s1  }
0x114: {  	s1 =	ssub.s32 @!p0 $0x0, s1;
	[sflag:s0] =	ssyncset.done @!p0 $0x0  }
0x115: {  	[sflag:s0] =	ssyncadd.s32 @!p0 s1  }
0x116: {  	[bflag:$0x3] =	sbarrier.arrive $0xFFFF  }
0x117: {  	_ =	shalt  }

// kernel: kernel.15.cloned.1.call-start
scs
__scs_entry_jumppad:
0x0: {  	(pc) =	sbr.rel $0x88, $3  }
0x1: {  	(tag) =	ssettag $0x0;
	lr =	simm.s32 $0x1  }
0x2: {  	[smem:$0x3F90] =	sst lr;
	_ =	strace $0xD0000000  }
0x3: {  	_ = 	snop  }
0x4: {  	_ = 	snop  }
0x5: {  	_ = 	snop  }
0x6: {  	_ = 	snop  }
0x7: {  	_ = 	snop  }
__scs_overlays_trampoline_lowered:
0x8: {  	[smem:$0x3F9F] =	sst s0  }
0x9: {  	[smem:$0x3FA0] =	sst s1  }
0xa: {  	[smem:$0x3FA1] =	sst s2  }
0xb: {  	[smem:$0x3FA2] =	sst s3  }
0xc: {  	[smem:$0x3FA3] =	sst s4  }
0xd: {  	[smem:$0x3FA4] =	sst s5  }
0xe: {  	[smem:$0x3FA5] =	sst s6  }
0xf: {  	[smem:$0x3FA6] =	sst s7  }
0x10: {  	[smem:$0x3FA7] =	sst s8  }
0x11: {  	[smem:$0x3FA8] =	sst s9;
	s0 =	simm.s32 @!p0 $0x0  }
0x12: {  	s1 =	sld [smem:$0x3F8E];
	s0 =	simm.s32 @p0 $0x1  }
0x13: {  	[smem:$0x3FA9] =	sst s0;
	s0 =	simm.s32 @!p1 $0x0  }
0x14: {  	s2 =	sld [smem:$0x3F8D];
	s0 =	simm.s32 @p1 $0x1  }
0x15: {  	[smem:$0x3FAA] =	sst s0;
	s0 =	simm.s32 @!p2 $0x0  }
0x16: {  	s3 =	sld [smem:$0x3FDB];
	s0 =	simm.s32 @p2 $0x1  }
0x17: {  	s4 =	simm.s32 $0x1BF5;
	[smem:$0x3FAC] =	sst s0  }
0x18: {  	s0 =	sld [smem:$0x3F8F];
	_ =	swait.ge [sflag:s4], $0x0  }
0x19: {  	s7 =	sld [smem:$0x3F90]  }
0x1a: {  	s8 =	sadd.s32 $0xFFFFE003, lr  }
0x1b: {  	s9 =	sadd.s32 $0xFFFFFEF7, lr;
	s5 =	simm.s32 $0xFFFFFFFF;
	p2 =	slt.u32 s8, $0xFFFFF086  }
0x1c: {  	p1 =	slt.u32 s9, $0xF7A;
	s5 =	simm.s32 @!p2 $0x0  }
0x1d: {  	s5 =	simm.s32 @p1 $0x1;
	p0 =	seq.s32 s7, s2  }
0x1e: {  	s7 =	smul.u32 @!p0 $0xF7A, s2;
	p2 =	seq.s32 @!p0 s5, $0x0  }
0x1f: {  	s9 =	smul.u32 $0xF7A, s1;
	s8 =	simm.s32 @!p0 $0x1BF5;
	p2 =	por !p2, p0  }
0x20: {  	[sflag:s8] =	ssyncset.s32 @!p0 $0xFFFFF086;
	s6 =	sadd.s32 @!p0 s3, s7;
	s7 =	simm.s32 @!p0 $0x108  }
0x21: {  	s3 =	sadd.s32 s3, s9;
	s6 =	sadd.s32 @!p0 $0x88, s6;
	s7 =	simm.s32 @p2 $0x1082  }
0x22: {  	[simem:s7], [sflag:s8] =	dma.local @!p0 [hbm:s6], $0xF7A  }
0x23: {  	s9 =	sor.u32 $0xD0000000, s2;
	s6 =	simm.s32 $0x108;
	_ =	swait.ge @!p0 [sflag:s8], $0x0  }
0x24: {  	s3 =	sadd.s32 $0x88, s3;
	s6 =	simm.s32 @!p1 $0x1082;
	[sflag:s4] =	ssyncset.s32 $0xFFFFF086  }
0x25: {  	[simem:s6], [sflag:s4] =	dma.local [hbm:s3], $0xF7A  }
0x26: {  	[smem:$0x3F90] =	sst s1;
	(tag) =	ssettag s2;
	_ =	strace s9  }
0x27: {  	s1 =	sld [smem:$0x3FA0]  }
0x28: {  	s2 =	sld [smem:$0x3FA1]  }
0x29: {  	s4 =	sld [smem:$0x3FA3]  }
0x2a: {  	p0 =	seq.s32 s5, $0x0;
	s5 =	sld [smem:$0x3FA4]  }
0x2b: {  	s6 =	sld [smem:$0x3FA5]  }
0x2c: {  	s7 =	sld [smem:$0x3FA6]  }
0x2d: {  	s3 =	simm.s32 $0x108;
	s8 =	sld [smem:$0x3FA7]  }
0x2e: {  	s3 =	simm.s32 @!p0 $0x1082;
	s9 =	sld [smem:$0x3FA8]  }
0x2f: {  	lr =	sadd.s32 s0, s3;
	s0 =	sld [smem:$0x3F9F]  }
0x30: {  	s3 =	sld [smem:$0x3FA2]  }
0x31: {  	[smem:$0x3FAB] =	sst s10  }
0x32: {  	s10 =	sld [smem:$0x3FA9];
	_ =	sdelay $0x3  }
0x33: {  	p0 =	seq.s32 s10, $0x1;
	s10 =	sld [smem:$0x3FAB];
	_ =	sdelay $0x3  }
0x34: {  	[smem:$0x3FAB] =	sst s10  }
0x35: {  	s10 =	sld [smem:$0x3FAA];
	_ =	sdelay $0x3  }
0x36: {  	p1 =	seq.s32 s10, $0x1;
	s10 =	sld [smem:$0x3FAB];
	_ =	sdelay $0x3  }
0x37: {  	[smem:$0x3FAB] =	sst s10  }
0x38: {  	s10 =	sld [smem:$0x3FAC]  }
0x39: {  	_ = 	snop;
	(pc) =	sbr.ind lr, $3  }
0x3a: {  	_ = 	snop  }
0x3b: {  	_ = 	snop  }
0x3c: {  	p2 =	seq.s32 s10, $0x1;
	s10 =	sld [smem:$0x3FAB]  }
0x3d: {  	_ =	shalt  }
0x3e: {  	_ =	shalt  }
0x3f: {  	_ =	shalt  }
0x40: {  	_ =	shalt  }
0x41: {  	_ =	shalt  }
0x42: {  	_ =	shalt  }
0x43: {  	_ =	shalt  }
0x44: {  	_ =	shalt  }
0x45: {  	_ =	shalt  }
0x46: {  	_ =	shalt  }
0x47: {  	_ =	shalt  }
0x48: {  	_ =	shalt  }
0x49: {  	_ =	shalt  }
0x4a: {  	_ =	shalt  }
0x4b: {  	_ =	shalt  }
0x4c: {  	_ =	shalt  }
0x4d: {  	_ =	shalt  }
0x4e: {  	_ =	shalt  }
0x4f: {  	_ =	shalt  }
0x50: {  	_ =	shalt  }
0x51: {  	_ =	shalt  }
0x52: {  	_ =	shalt  }
0x53: {  	_ =	shalt  }
0x54: {  	_ =	shalt  }
0x55: {  	_ =	shalt  }
0x56: {  	_ =	shalt  }
0x57: {  	_ =	shalt  }
0x58: {  	_ =	shalt  }
0x59: {  	_ =	shalt  }
0x5a: {  	_ =	shalt  }
0x5b: {  	_ =	shalt  }
0x5c: {  	_ =	shalt  }
0x5d: {  	_ =	shalt  }
0x5e: {  	_ =	shalt  }
0x5f: {  	_ =	shalt  }
0x60: {  	_ =	shalt  }
0x61: {  	_ =	shalt  }
0x62: {  	_ =	shalt  }
0x63: {  	_ =	shalt  }
0x64: {  	_ =	shalt  }
0x65: {  	_ =	shalt  }
0x66: {  	_ =	shalt  }
0x67: {  	_ =	shalt  }
0x68: {  	_ =	shalt  }
0x69: {  	_ =	shalt  }
0x6a: {  	_ =	shalt  }
0x6b: {  	_ =	shalt  }
0x6c: {  	_ =	shalt  }
0x6d: {  	_ =	shalt  }
0x6e: {  	_ =	shalt  }
0x6f: {  	_ =	shalt  }
0x70: {  	_ =	shalt  }
0x71: {  	_ =	shalt  }
0x72: {  	_ =	shalt  }
0x73: {  	_ =	shalt  }
0x74: {  	_ =	shalt  }
0x75: {  	_ =	shalt  }
0x76: {  	_ =	shalt  }
0x77: {  	_ =	shalt  }
0x78: {  	_ =	shalt  }
0x79: {  	_ =	shalt  }
0x7a: {  	_ =	shalt  }
0x7b: {  	_ =	shalt  }
0x7c: {  	_ =	shalt  }
0x7d: {  	_ =	shalt  }
0x7e: {  	_ =	shalt  }
0x7f: {  	_ =	shalt  }
0x80: {  	_ =	shalt  }
0x81: {  	_ =	shalt  }
0x82: {  	_ =	shalt  }
0x83: {  	_ =	shalt  }
0x84: {  	_ =	shalt  }
0x85: {  	_ =	shalt  }
0x86: {  	_ =	shalt  }
0x87: {  	_ =	shalt  }
.Lfunc_end0:
.L_simem_size_0:
called_computation.1_lowered:
.L_overlay_start_0:
0x88: {  	s2 =	sld [smem:$0x3FD9]  }
0x89: {  	s3 =	sld [smem:$0x3FFE];
	_ =	sdelay $0x1  }
0x8a: {  	s1 =	srdreg.scid  }
0x8b: {  	s0 =	sand.u32 $0x1, s1  }
0x8c: {  	s17 =	sshll.u32 s0, $0xA;
	s2 =	sadd.s32 s3, s2  }
0x8d: {  	s2 =	sadd.s32 s2, s17  }
0x8e: {  	[smem:$0x3FB7] =	sst s2  }
0x8f: {  	_ = 	snop  }
0x90: {  	s2 =	sld [smem:$0x3FD0];
	(tm) =	ssettm $0x1  }
0x91: {  	s18 =	sld [smem:$0x3FFB];
	_ =	sdelay $0x3  }
0x92: {  	_ =	strace s18  }
0x93: {  	s3 =	sld [smem:$0x3FFC];
	_ =	sdelay $0x3  }
0x94: {  	_ =	strace s3  }
0x95: {  	s3 =	sld [smem:$0x3FFD];
	_ =	sdelay $0x3  }
0x96: {  	_ =	strace s3  }
0x97: {  	_ =	strace $0x8FFFFFFF  }
0x98: {  	s19 =	sld [smem:$0x3FDB];
	_ =	sdelay $0x1  }
0x99: {  	s4 =	simm.s32 $_scs_section_size  }
0x9a: {  	s5 =	simm.s32 $_size__tile_overlayer_lowered;
	s6 =	simm.s32 $_tile_overlayer_lowered  }
0x9b: {  	s22 =	simm.s32 $0x1BFF;
	s21 =	sshll.u32 s6, $0x1;
	s3 =	sadd.s32 s4, s19  }
0x9c: {  	s7 =	simm.s32 $0x0;
	s20 =	sshll.u32 s5, $0x1;
	s5 =	sadd.s32 s21, s3  }
0x9d: {  	[timem:s7], [sflag:s22] =	dma.local [hbm:s5], s20  }
0x9e: {  	_ =	swait.ge [sflag:s22], s20  }
0x9f: {  	s4 =	ssub.s32 $0x0, s20;
	[sflag:s22] =	ssyncset.done $0x0  }
0xa0: {  	[sflag:s22] =	ssyncadd.s32 s4;
	_ =	sdelay $0x1  }
0xa1: {  	s23 =	simm.s32 $0x1B8B  }
0xa2: {  	_ =	swait.ge [sflag:s23], $0x1  }
0xa3: {  	[sflag:s23] =	ssyncset.done $0x0  }
0xa4: {  	s25 =	simm.s32 $0x1B8E;
	s24 =	sld [smem:$0x3FFE];
	[sflag:s23] =	ssyncadd.s32 $0xFFFFFFFF  }
0xa5: {  	s26 =	simm.s32 $execute0_lowered;
	[smem:$0x3FD2] =	sst s25  }
0xa6: {  	s5 =	sshll.u32 s26, $0x1;
	_ =	strace $0x80000049;
	[dreg:$0x1] =	wrdreg $0xFFFFFFFF  }
0xa7: {  	s28 =	simm.s32 $_size_execute0_lowered;
	s3 =	sadd.s32 s3, s5;
	[dreg:$0x0] =	wrdreg $0x0  }
0xa8: {  	s5 =	sshll.u32 s28, $0x1;
	[dreg:$0x2] =	wrdreg s3  }
0xa9: {  	[dreg:$0x3] =	wrdreg s5  }
0xaa: {  	[dreg:$0x4] =	wrdreg $0xC0  }
0xab: {  	_ =	task [dreg:s7], $0x5FFFF  }
0xac: {  	[dreg:$0x1] =	wrdreg $0xFFFFFFFF  }
0xad: {  	[dreg:$0x0] =	wrdreg $0x60  }
0xae: {  	[dreg:$0x2] =	wrdreg s24  }
0xaf: {  	[dreg:$0x3] =	wrdreg s2  }
0xb0: {  	[dreg:$0x4] =	wrdreg $0x0  }
0xb1: {  	[dreg:$0x5] =	wrdreg $0x9  }
0xb2: {  	_ =	task.clear_ibuf [dreg:s7], $0x6FFFF;
	_ =	strace $0x90000049  }
0xb3: {  	s29 =	simm.s32 $0x9;
	_ =	strace $0x8000004B  }
0xb4: {  	_ =	swait.ge [sflag:s29], $0x1  }
0xb5: {  	[sflag:s29] =	ssyncadd.s32 $0xFFFFFFFF  }
0xb6: {  	_ =	strace $0x9000004B  }
0xb7: {  	_ =	sfence  }
0xb8: {  	s30 =	sld [smem:$0x0];
	_ =	sdelay $0x2  }
0xb9: {  	s31 =	sshll.u32 s1, $0xD;
	s1 =	sshrl.u32 s1, $0x2  }
0xba: {  	s3 =	sand.u32 $0x4000, s31;
	s1 =	sadd.s32 s1, s30  }
0xbb: {  	s0 =	sor.u32 s3, s0;
	s1 =	sshll.u32 s1, $0x11  }
0xbc: {  	s0 =	sor.u32 s1, s0  }
0xbd: {  	s0 =	sadd.s32 $0x8F2B, s0  }
0xbe: {  	[sflag:s0] =	ssyncadd.remote.s32 $0x1  }
0xbf: {  	_ =	sfence.sel $0xFFFF  }
0xc0: {  	[dreg:$0x0] =	wrdreg $0xFFFFFFFF;
	(pc) =	sbr.abs _section_cstart, $3  }
0xc1: {  	[dreg:$0x1] =	wrdreg $0xFFFFFFFF  }
0xc2: {  	_ =	task.clear_ibuf [dreg:s7], $0x2FFFF;
	_ =	strace $0x9FFFFFFF  }
0xc3: {  	(tm) =	ssettm $0x7FFFFFFF  }
tec
execute0_lowered:
.L_overlay_start_1:
0x0: {  	(tag) =	ssettag $0x1  }
0x1: {  	s0 =	rddreg [dreg:$0x0]  }
0x2: {  	s2 =	rddreg [dreg:$0x1]  }
0x3: {  	s3 =	rddreg [dreg:$0x2]  }
0x4: {  	s4 =	simm.s32 $0x0;
	s12 =	stileid.u32;
	s1 =	srdreg.scid  }
0x5: {  	s17 =	simm.s32 $0x9;
	s18 =	simm.s32 $0x16800;
	s19 =	simm.s32 $0x16850  }
0x6: {  	s20 =	simm.s32 $0x3;
	s21 =	simm.s32 $0x4;
	s28 =	simm.s32 $0x7  }
0x7: {  	s29 =	simm.s32 $0x8;
	s31 =	simm.s32 $0x1C840;
	s15 =	simm.s32 $0x0  }
0x8: {  	[smem:$0x7FF] =	sst s4;
	s22 =	smul.u32 $0x16800, s12;
	s1 =	sand.u32 $0x1, s1  }
0x9: {  	s5 =	sadd.s32 $0xC600, s0;
	s6 =	sadd.s32 $0x38600, s0;
	s7 =	sadd.s32 $0x2800, s0  }
0xa: {  	s10 =	sshll.u32 s12, $0x1;
	s24 =	sshll.u32 s12, $0x6;
	_ =	strace $0x8000004A  }
0xb: {  	s8 =	smul.u32 $0x168000, s1;
	s11 =	ssub.s32 $0x2, s1;
	s1 =	sor.u32 s1, s10  }
0xc: {  	s10 =	simm.s32 $0x6;
	s9 =	sshrl.u32 s22, $0x3;
	s23 =	sshrl.u32 s11, $0x1  }
0xd: {  	s1 =	smul.u32 $0x2710, s1;
	s4 =	sadd.s32 s22, s3;
	s9 =	sadd.s32 s9, s0  }
0xe: {  	s8 =	sadd.s32 s22, s8;
	s14 =	sshrl.u32 s4, $0x3;
	s22 =	simm.s32 $0x50  }
0xf: {  	s4 =	simm.s32 $0x1CD40;
	s8 =	sshrl.u32 s8, $0x3;
	s9 =	sadd.s32 $0x3D600, s9  }
0x10: {  	s25 =	sshrl.u32 s1, $0x3;
	s12 =	sadd.s32 $0x50, s1;
	s13 =	sadd.s32 $0xA0, s1  }
0x11: {  	s1 =	simm.s32 $0x2;
	[dreg:$0xa] =	wrdreg s14;
	s0 =	sadd.s32 s8, s0  }
0x12: {  	s8 =	ssub.s32 s11, s23;
	[dreg:$0x4] =	wrdreg s9;
	s26 =	sadd.s32 s7, s25  }
0x13: {  	s11 =	sor.u32 $0x1C09, s24;
	s9 =	sadd.s32 s2, s25;
	[dreg:$0x6] =	wrdreg s26  }
0x14: {  	s23 =	simm.s32 $0x168A0;
	s24 =	simm.s32 $0x195A0;
	[dreg:$0x7] =	wrdreg s9  }
0x15: {  	s25 =	simm.s32 $0x19AA0;
	s0 =	sadd.s32 $0x6A600, s0;
	[dreg:$0x5] =	wrdreg s11  }
0x16: {  	s30 =	smax.u32 s8, $0x1;
	s26 =	simm.s32 $0x19AF0;
	[dreg:$0x8] =	wrdreg s0  }
0x17: {  	s8 =	simm.s32 $0x5;
	[dreg:$0x9] =	wrdreg s30;
	s0 =	simm.s32 $0x1  }
.LBB2_1:
0x18: {  	[dreg:$0xb] =	wrdreg s15  }
0x19: {  	s9 =	rddreg [dreg:$0x4]  }
0x1a: {  	[spmem:s14], [sflag:s11] =	dma.local [hbm:s9], $0x2D00  }
0x1b: {  	_ =	swait.ge [sflag:s17], $0x2D00  }
0x1c: {  	[sflag:s17] =	ssyncset.done $0x0  }
0x1d: {  	[sflag:s17] =	ssyncadd.s32 $0xFFFFD300  }
0x1e: {  	[bflag:$0x0] =	sbarrier.arrive $0xFFFF  }
0x1f: {  	s15 =	simm.s32 $0x0;
	s16 =	rddreg [dreg:$0x6]  }
0x20: {  	[tilespmem:s18], [sflag:$0x3] =	stream.linear.gather [hbm4b:s16+s15], $0x50, $0x38;
	[tilespmem:$0x1FA40] =	vst v63  }
0x21: {  	s30 =	rddreg [dreg:$0x7]  }
0x22: {  	[tilespmem:s19], [sflag:$0x4] =	stream.linear.gather [hbm4b:s30+s15], $0x50, $0x38;
	[tilespmem:$0x1FA40] =	vst v63  }
0x23: {  	_ =	swait.ge [sflag:s20], $0x50  }
0x24: {  	[sflag:s20] =	ssyncset.done $0x0  }
0x25: {  	[sflag:s20] =	ssyncadd.s32 $0xFFFFFFB0  }
0x26: {  	_ =	swait.ge [sflag:s21], $0x50  }
0x27: {  	[sflag:s21] =	ssyncset.done $0x0  }
0x28: {  	[sflag:s21] =	ssyncadd.s32 $0xFFFFFFB0  }
0x29: {  	[tilespmem:s23], [sflag:$0x1] =	stream.indirect.gather [hbm4b:s5+s22], $0x90, s18, s22, $0xb8;
	[tilespmem:$0x1FA40] =	vst v63  }
0x2a: {  	s14 =	simm.s32 $0x0  }
0x2b: {  	[tilespmem:s24], [sflag:$0x2] =	stream.indirect.gather [hbm4b:s6+s22], $0x10, s19, s22, $0xb8;
	[tilespmem:$0x1FA40] =	vst v63  }
.LBB2_2:
0x2c: {  	s15 =	smul.u32 $0xA0, s14;
	_ =	sdelay $0x1  }
0x2d: {  	s9 =	sadd.s32 s15, s12  }
0x2e: {  	s9 =	sshrl.u32 s9, $0x3  }
0x2f: {  	s16 =	simm.s32 $0x0;
	s11 =	sadd.s32 s7, s9  }
0x30: {  	[tilespmem:s25], [sflag:$0x7] =	stream.linear.gather [hbm4b:s11+s16], $0x50, $0x38;
	[tilespmem:$0x1FA40] =	vst v63  }
0x31: {  	s9 =	sadd.s32 s2, s9  }
0x32: {  	[tilespmem:s26], [sflag:$0x8] =	stream.linear.gather [hbm4b:s9+s16], $0x50, $0x38;
	[tilespmem:$0x1FA40] =	vst v63  }
0x33: {  	_ =	swait.ge [sflag:s28], $0x50  }
0x34: {  	[sflag:s28] =	ssyncset.done $0x0  }
0x35: {  	[sflag:s28] =	ssyncadd.s32 $0xFFFFFFB0  }
0x36: {  	_ =	swait.ge [sflag:s29], $0x50  }
0x37: {  	[sflag:s29] =	ssyncset.done $0x0  }
0x38: {  	s30 =	simm.s32 $0x19B40;
	[sflag:s29] =	ssyncadd.s32 $0xFFFFFFB0  }
0x39: {  	[tilespmem:s30], [sflag:$0x5] =	stream.indirect.gather [hbm4b:s5+s22], $0x90, s25, s22, $0xb8;
	[tilespmem:$0x1FA40] =	vst v63  }
0x3a: {  	_ = 	snop  }
0x3b: {  	[tilespmem:s31], [sflag:$0x6] =	stream.indirect.gather [hbm4b:s6+s22], $0x10, s26, s22, $0xb8;
	[tilespmem:$0x1FA40] =	vst v63  }
0x3c: {  	_ =	swait.ge [sflag:s0], $0x2D00  }
0x3d: {  	[sflag:s0] =	ssyncset.done $0x0  }
0x3e: {  	[sflag:s0] =	ssyncadd.s32 $0xFFFFD300  }
0x3f: {  	_ =	swait.ge [sflag:s1], $0x500  }
0x40: {  	[sflag:s1] =	ssyncset.done $0x0  }
0x41: {  	s9 =	simm.s32 $0x0;
	[sflag:s1] =	ssyncadd.s32 $0xFFFFFB00  }
0x42: {  	s11 =	simm.s32 $0x240;
	s16 =	simm.s32 $0x195A0;
	v0 =	vld [tilespmem:s9+$0x16920]  }
.LBB2_3:
0x43: {  	p0 =	sne.s32 s11, $0xB1C0;
	v1 =	vld [tilespmem:s16+$0x0];
	_ =	sdelay $0x4  }
0x44: {  	v0 =	vadd.f32 v1, v0;
	_ =	sdelay $0x1  }
0x45: {  	v1 =	vmul.f32 $2.000000030e-01, v0  }
0x46: {  	vm0 =	vge.f32 v0, $0.0e+00  }
0x47: {  	v0 =	vsel vm0, v0, v1  }
0x48: {  	v0 =	vmul.f32 $1.442695020e+00, v0;
	_ =	sdelay $0x1  }
0x49: {  	(erf) = vpow2.f32 v0;
	_ =	sdelay $0x2  }
0x4a: {  	v0 =	vld [tilespmem:s9+$0x168A0]  }
0x4b: {  	v1 =	vld [tilespmem:s9+$0x168B0]  }
0x4c: {  	v2 =	vld [tilespmem:s9+$0x168C0]  }
0x4d: {  	v3 =	vld [tilespmem:s9+$0x168D0]  }
0x4e: {  	v4 =	vld [tilespmem:s9+$0x168E0]  }
0x4f: {  	v5 =	vld [tilespmem:s9+$0x168F0]  }
0x50: {  	v6 =	vld [tilespmem:s9+$0x16900];
	v7 =	vpop (erf)  }
0x51: {  	[tilespmem:s9+$0x1CDC0] =	vst v7;
	v8 =	vbroadcast v7, $0x0;
	v9 =	vbroadcast v7, $0x1;
	v10 =	vld [tilespmem:s9+$0x16910]  }
0x52: {  	v11 =	vbroadcast v7, $0x2;
	v7 =	vbroadcast v7, $0x3  }
0x53: {  	v0 =	vmul.f32 v8, v0;
	v1 =	vmul.f32 v8, v1  }
0x54: {  	v2 =	vmul.f32 v9, v2;
	v3 =	vmul.f32 v3, v9  }
0x55: {  	[tilespmem:s9+$0x1CD40] =	vst v0;
	v0 =	vmul.f32 v4, v11;
	v4 =	vmul.f32 v5, v11  }
0x56: {  	[tilespmem:s9+$0x1CD50] =	vst v1;
	v1 =	vmul.f32 v6, v7;
	v5 =	vmul.f32 v10, v7  }
0x57: {  	[tilespmem:s9+$0x1CD60] =	vst v2  }
.Ltmp0:
0x58: {  	[tilespmem:s9+$0x1CD70] =	vst v3;
	(pc) =	sbr.rel @p0 .LBB2_3-.Ltmp0, $4  }
0x59: {  	[tilespmem:s9+$0x1CD80] =	vst v0  }
0x5a: {  	[tilespmem:s9+$0x1CD90] =	vst v4  }
0x5b: {  	s30 =	sshra.s32 s11, $0x2;
	[tilespmem:s9+$0x1CDA0] =	vst v1  }
0x5c: {  	s11 =	sadd.s32 $0x240, s11;
	s16 =	sadd.s32 $0x10, s16;
	v0 =	vld [tilespmem:s30+$0x16920];
	[tilespmem:s9+$0x1CDB0] =	vst v5;
	s9 =	smov.u32 s30  }
0x5d: {  	v1 =	vld [tilespmem:s16+$0x0];
	_ =	sdelay $0x4  }
0x5e: {  	v0 =	vadd.f32 v1, v0;
	_ =	sdelay $0x1  }
0x5f: {  	v1 =	vmul.f32 $2.000000030e-01, v0  }
0x60: {  	vm0 =	vge.f32 v0, $0.0e+00  }
0x61: {  	v0 =	vsel vm0, v0, v1  }
0x62: {  	v0 =	vmul.f32 $1.442695020e+00, v0;
	_ =	sdelay $0x1  }
0x63: {  	(erf) = vpow2.f32 v0;
	_ =	sdelay $0x6  }
0x64: {  	v0 =	vld [tilespmem:s9+$0x168A0]  }
0x65: {  	v1 =	vld [tilespmem:s9+$0x168B0]  }
0x66: {  	v2 =	vld [tilespmem:s9+$0x168C0];
	v5 =	vpop (erf)  }
0x67: {  	v3 =	vld [tilespmem:s9+$0x168D0];
	v7 =	vbroadcast v5, $0x0  }
0x68: {  	v4 =	vld [tilespmem:s9+$0x168E0]  }
0x69: {  	v6 =	vld [tilespmem:s9+$0x168F0];
	v9 =	vbroadcast v5, $0x1;
	v0 =	vmul.f32 v7, v0  }
0x6a: {  	v8 =	vld [tilespmem:s9+$0x16900];
	[tilespmem:s9+$0x1CDC0] =	vst v5;
	v1 =	vmul.f32 v7, v1  }
0x6b: {  	v10 =	vld [tilespmem:s9+$0x16910];
	v63 =	vbroadcast v5, $0x2;
	v2 =	vmul.f32 v9, v2;
	[tilespmem:s9+$0x1CD40] =	vst v0  }
0x6c: {  	v0 =	vmul.f32 v3, v9;
	[tilespmem:s9+$0x1CD50] =	vst v1  }
0x6d: {  	v1 =	vbroadcast v5, $0x3;
	v3 =	vmul.f32 v4, v63;
	[tilespmem:s9+$0x1CD60] =	vst v2  }
0x6e: {  	v2 =	vmul.f32 v6, v63;
	[tilespmem:s9+$0x1CD70] =	vst v0  }
0x6f: {  	v0 =	vmul.f32 v8, v1;
	[tilespmem:s9+$0x1CD80] =	vst v3  }
0x70: {  	v1 =	vmul.f32 v10, v1;
	[tilespmem:s9+$0x1CD90] =	vst v2  }
0x71: {  	[tilespmem:s9+$0x1CDA0] =	vst v0  }
0x72: {  	[tilespmem:s9+$0x1CDB0] =	vst v1  }
0x73: {  	[spmem:s3] =	stream.indirect.scatter.add.f32 [tilespmem:s4], [sflag:$0x9], $0x90, s19, s22, $0xb8;
	[tilespmem:$0x1FA40] =	vst v63  }
0x74: {  	s16 =	sadd.s32 s15, s13;
	_ =	swait.ge [sflag:s17], $0x2D00  }
0x75: {  	s9 =	sshrl.u32 s16, $0x3;
	[sflag:s17] =	ssyncset.done $0x0  }
0x76: {  	s30 =	simm.s32 $0x0;
	s11 =	sadd.s32 s7, s9;
	[sflag:s17] =	ssyncadd.s32 $0xFFFFD300  }
0x77: {  	[tilespmem:s18], [sflag:$0x3] =	stream.linear.gather [hbm4b:s11+s30], $0x50, $0x38;
	[tilespmem:$0x1FA40] =	vst v63  }
0x78: {  	s9 =	sadd.s32 s2, s9  }
0x79: {  	[tilespmem:s19], [sflag:$0x4] =	stream.linear.gather [hbm4b:s9+s30], $0x50, $0x38;
	[tilespmem:$0x1FA40] =	vst v63  }
0x7a: {  	_ =	swait.ge [sflag:s20], $0x50  }
0x7b: {  	[sflag:s20] =	ssyncset.done $0x0  }
0x7c: {  	[sflag:s20] =	ssyncadd.s32 $0xFFFFFFB0  }
0x7d: {  	_ =	swait.ge [sflag:s21], $0x50  }
0x7e: {  	[sflag:s21] =	ssyncset.done $0x0  }
0x7f: {  	[sflag:s21] =	ssyncadd.s32 $0xFFFFFFB0  }
0x80: {  	[tilespmem:s23], [sflag:$0x1] =	stream.indirect.gather [hbm4b:s5+s22], $0x90, s18, s22, $0xb8;
	[tilespmem:$0x1FA40] =	vst v63  }
0x81: {  	_ = 	snop  }
0x82: {  	[tilespmem:s24], [sflag:$0x2] =	stream.indirect.gather [hbm4b:s6+s22], $0x10, s19, s22, $0xb8;
	[tilespmem:$0x1FA40] =	vst v63  }
0x83: {  	_ =	swait.ge [sflag:s8], $0x2D00  }
0x84: {  	[sflag:s8] =	ssyncset.done $0x0  }
0x85: {  	[sflag:s8] =	ssyncadd.s32 $0xFFFFD300  }
0x86: {  	_ =	swait.ge [sflag:s10], $0x500  }
0x87: {  	[sflag:s10] =	ssyncset.done $0x0  }
0x88: {  	s9 =	simm.s32 $0x0;
	[sflag:s10] =	ssyncadd.s32 $0xFFFFFB00  }
0x89: {  	s15 =	simm.s32 $0x1C840;
	s11 =	simm.s32 $0x240;
	v0 =	vld [tilespmem:s9+$0x19BC0]  }
.LBB2_5:
0x8a: {  	p0 =	sne.s32 s11, $0xB1C0;
	v1 =	vld [tilespmem:s15+$0x0];
	_ =	sdelay $0x4  }
0x8b: {  	v0 =	vadd.f32 v1, v0;
	_ =	sdelay $0x1  }
0x8c: {  	v1 =	vmul.f32 $2.000000030e-01, v0  }
0x8d: {  	vm0 =	vge.f32 v0, $0.0e+00  }
0x8e: {  	v0 =	vsel vm0, v0, v1  }
0x8f: {  	v0 =	vmul.f32 $1.442695020e+00, v0;
	_ =	sdelay $0x1  }
0x90: {  	(erf) = vpow2.f32 v0;
	_ =	sdelay $0x2  }
0x91: {  	v0 =	vld [tilespmem:s9+$0x19B40]  }
0x92: {  	v1 =	vld [tilespmem:s9+$0x19B50]  }
0x93: {  	v2 =	vld [tilespmem:s9+$0x19B60]  }
0x94: {  	v3 =	vld [tilespmem:s9+$0x19B70]  }
0x95: {  	v4 =	vld [tilespmem:s9+$0x19B80]  }
0x96: {  	v5 =	vld [tilespmem:s9+$0x19B90]  }
0x97: {  	v6 =	vld [tilespmem:s9+$0x19BA0];
	v7 =	vpop (erf)  }
0x98: {  	[tilespmem:s9+$0x1CDC0] =	vst v7;
	v8 =	vbroadcast v7, $0x0;
	v9 =	vbroadcast v7, $0x1;
	v10 =	vld [tilespmem:s9+$0x19BB0]  }
0x99: {  	v11 =	vbroadcast v7, $0x2;
	v7 =	vbroadcast v7, $0x3  }
0x9a: {  	v0 =	vmul.f32 v8, v0;
	v1 =	vmul.f32 v8, v1  }
0x9b: {  	v2 =	vmul.f32 v9, v2;
	v3 =	vmul.f32 v3, v9  }
0x9c: {  	[tilespmem:s9+$0x1CD40] =	vst v0;
	v0 =	vmul.f32 v4, v11;
	v4 =	vmul.f32 v5, v11  }
0x9d: {  	[tilespmem:s9+$0x1CD50] =	vst v1;
	v1 =	vmul.f32 v6, v7;
	v5 =	vmul.f32 v10, v7  }
0x9e: {  	[tilespmem:s9+$0x1CD60] =	vst v2  }
.Ltmp1:
0x9f: {  	[tilespmem:s9+$0x1CD70] =	vst v3;
	(pc) =	sbr.rel @p0 .LBB2_5-.Ltmp1, $4  }
0xa0: {  	[tilespmem:s9+$0x1CD80] =	vst v0  }
0xa1: {  	[tilespmem:s9+$0x1CD90] =	vst v4  }
0xa2: {  	s16 =	sshra.s32 s11, $0x2;
	[tilespmem:s9+$0x1CDA0] =	vst v1  }
0xa3: {  	s11 =	sadd.s32 $0x240, s11;
	s15 =	sadd.s32 $0x10, s15;
	v0 =	vld [tilespmem:s16+$0x19BC0];
	[tilespmem:s9+$0x1CDB0] =	vst v5;
	s9 =	smov.u32 s16  }
0xa4: {  	v1 =	vld [tilespmem:s15+$0x0];
	_ =	sdelay $0x4  }
0xa5: {  	v0 =	vadd.f32 v1, v0;
	_ =	sdelay $0x1  }
0xa6: {  	v1 =	vmul.f32 $2.000000030e-01, v0  }
0xa7: {  	vm0 =	vge.f32 v0, $0.0e+00  }
0xa8: {  	v0 =	vsel vm0, v0, v1  }
0xa9: {  	v0 =	vmul.f32 $1.442695020e+00, v0;
	_ =	sdelay $0x1  }
0xaa: {  	(erf) = vpow2.f32 v0;
	_ =	sdelay $0x6  }
0xab: {  	v56 =	vld [tilespmem:s9+$0x19B40]  }
0xac: {  	v57 =	vld [tilespmem:s9+$0x19B50]  }
0xad: {  	v2 =	vld [tilespmem:s9+$0x19B60];
	v5 =	vpop (erf)  }
0xae: {  	v3 =	vld [tilespmem:s9+$0x19B70];
	v7 =	vbroadcast v5, $0x0  }
0xaf: {  	v4 =	vld [tilespmem:s9+$0x19B80]  }
0xb0: {  	v6 =	vld [tilespmem:s9+$0x19B90];
	v9 =	vbroadcast v5, $0x1;
	v0 =	vmul.f32 v7, v56  }
0xb1: {  	v8 =	vld [tilespmem:s9+$0x19BA0];
	[tilespmem:s9+$0x1CDC0] =	vst v5;
	v1 =	vmul.f32 v7, v57  }
0xb2: {  	v10 =	vld [tilespmem:s9+$0x19BB0];
	v58 =	vbroadcast v5, $0x2;
	v2 =	vmul.f32 v9, v2;
	[tilespmem:s9+$0x1CD40] =	vst v0  }
0xb3: {  	v59 =	vmul.f32 v3, v9;
	[tilespmem:s9+$0x1CD50] =	vst v1  }
0xb4: {  	v60 =	vbroadcast v5, $0x3;
	v61 =	vmul.f32 v4, v58;
	[tilespmem:s9+$0x1CD60] =	vst v2  }
0xb5: {  	v62 =	vmul.f32 v6, v58;
	[tilespmem:s9+$0x1CD70] =	vst v59  }
0xb6: {  	v63 =	vmul.f32 v8, v60;
	[tilespmem:s9+$0x1CD80] =	vst v61  }
0xb7: {  	s14 =	sadd.s32 $0x1, s14;
	v1 =	vmul.f32 v10, v60;
	[tilespmem:s9+$0x1CD90] =	vst v62  }
0xb8: {  	p0 =	sne.s32 s14, $0x3E;
	[tilespmem:s9+$0x1CDA0] =	vst v63  }
.Ltmp2:
0xb9: {  	[tilespmem:s9+$0x1CDB0] =	vst v1;
	(pc) =	sbr.rel @p0 .LBB2_2-.Ltmp2, $4  }
0xba: {  	[spmem:s3] =	stream.indirect.scatter.add.f32 [tilespmem:s4], [sflag:$0x9], $0x90, s26, s22, $0xb8;
	[tilespmem:$0x1FA40] =	vst v63  }
0xbb: {  	_ =	swait.ge [sflag:s17], $0x2D00  }
0xbc: {  	[sflag:s17] =	ssyncset.done $0x0  }
0xbd: {  	[sflag:s17] =	ssyncadd.s32 $0xFFFFD300  }
0xbe: {  	_ =	swait.ge [sflag:s0], $0x2D00  }
0xbf: {  	[sflag:s0] =	ssyncset.done $0x0  }
0xc0: {  	[sflag:s0] =	ssyncadd.s32 $0xFFFFD300  }
0xc1: {  	_ =	swait.ge [sflag:s1], $0x500  }
0xc2: {  	[sflag:s1] =	ssyncset.done $0x0  }
0xc3: {  	s9 =	simm.s32 $0x0;
	[sflag:s1] =	ssyncadd.s32 $0xFFFFFB00  }
0xc4: {  	s14 =	simm.s32 $0x195A0;
	s11 =	simm.s32 $0x240;
	v0 =	vld [tilespmem:s9+$0x16920]  }
.LBB2_8:
0xc5: {  	p0 =	sne.s32 s11, $0xB1C0;
	v1 =	vld [tilespmem:s14+$0x0];
	_ =	sdelay $0x4  }
0xc6: {  	v0 =	vadd.f32 v1, v0;
	_ =	sdelay $0x1  }
0xc7: {  	v1 =	vmul.f32 $2.000000030e-01, v0  }
0xc8: {  	vm0 =	vge.f32 v0, $0.0e+00  }
0xc9: {  	v0 =	vsel vm0, v0, v1  }
0xca: {  	v0 =	vmul.f32 $1.442695020e+00, v0;
	_ =	sdelay $0x1  }
0xcb: {  	(erf) = vpow2.f32 v0;
	_ =	sdelay $0x2  }
0xcc: {  	v0 =	vld [tilespmem:s9+$0x168A0]  }
0xcd: {  	v1 =	vld [tilespmem:s9+$0x168B0]  }
0xce: {  	v2 =	vld [tilespmem:s9+$0x168C0]  }
0xcf: {  	v3 =	vld [tilespmem:s9+$0x168D0]  }
0xd0: {  	v4 =	vld [tilespmem:s9+$0x168E0]  }
0xd1: {  	v5 =	vld [tilespmem:s9+$0x168F0]  }
0xd2: {  	v6 =	vld [tilespmem:s9+$0x16900];
	v7 =	vpop (erf)  }
0xd3: {  	[tilespmem:s9+$0x1CDC0] =	vst v7;
	v8 =	vbroadcast v7, $0x0;
	v9 =	vbroadcast v7, $0x1;
	v10 =	vld [tilespmem:s9+$0x16910]  }
0xd4: {  	v11 =	vbroadcast v7, $0x2;
	v7 =	vbroadcast v7, $0x3  }
0xd5: {  	v0 =	vmul.f32 v8, v0;
	v1 =	vmul.f32 v8, v1  }
0xd6: {  	v2 =	vmul.f32 v9, v2;
	v3 =	vmul.f32 v3, v9  }
0xd7: {  	[tilespmem:s9+$0x1CD40] =	vst v0;
	v0 =	vmul.f32 v4, v11;
	v4 =	vmul.f32 v5, v11  }
0xd8: {  	[tilespmem:s9+$0x1CD50] =	vst v1;
	v1 =	vmul.f32 v6, v7;
	v5 =	vmul.f32 v10, v7  }
0xd9: {  	[tilespmem:s9+$0x1CD60] =	vst v2  }
.Ltmp3:
0xda: {  	[tilespmem:s9+$0x1CD70] =	vst v3;
	(pc) =	sbr.rel @p0 .LBB2_8-.Ltmp3, $4  }
0xdb: {  	[tilespmem:s9+$0x1CD80] =	vst v0  }
0xdc: {  	[tilespmem:s9+$0x1CD90] =	vst v4  }
0xdd: {  	s15 =	sshra.s32 s11, $0x2;
	[tilespmem:s9+$0x1CDA0] =	vst v1  }
0xde: {  	s11 =	sadd.s32 $0x240, s11;
	s14 =	sadd.s32 $0x10, s14;
	v0 =	vld [tilespmem:s15+$0x16920];
	[tilespmem:s9+$0x1CDB0] =	vst v5;
	s9 =	smov.u32 s15  }
0xdf: {  	v1 =	vld [tilespmem:s14+$0x0];
	_ =	sdelay $0x4  }
0xe0: {  	v0 =	vadd.f32 v1, v0;
	_ =	sdelay $0x1  }
0xe1: {  	v1 =	vmul.f32 $2.000000030e-01, v0  }
0xe2: {  	vm0 =	vge.f32 v0, $0.0e+00  }
0xe3: {  	v0 =	vsel vm0, v0, v1  }
0xe4: {  	v0 =	vmul.f32 $1.442695020e+00, v0;
	_ =	sdelay $0x1  }
0xe5: {  	(erf) = vpow2.f32 v0;
	_ =	sdelay $0x6  }
0xe6: {  	v56 =	vld [tilespmem:s9+$0x168A0]  }
0xe7: {  	v57 =	vld [tilespmem:s9+$0x168B0]  }
0xe8: {  	v2 =	vld [tilespmem:s9+$0x168C0];
	v5 =	vpop (erf)  }
0xe9: {  	v3 =	vld [tilespmem:s9+$0x168D0];
	v7 =	vbroadcast v5, $0x0  }
0xea: {  	v4 =	vld [tilespmem:s9+$0x168E0]  }
0xeb: {  	v6 =	vld [tilespmem:s9+$0x168F0];
	v9 =	vbroadcast v5, $0x1;
	v0 =	vmul.f32 v7, v56  }
0xec: {  	v8 =	vld [tilespmem:s9+$0x16900];
	[tilespmem:s9+$0x1CDC0] =	vst v5;
	v1 =	vmul.f32 v7, v57  }
0xed: {  	v10 =	vld [tilespmem:s9+$0x16910];
	v58 =	vbroadcast v5, $0x2;
	v2 =	vmul.f32 v9, v2;
	[tilespmem:s9+$0x1CD40] =	vst v0  }
0xee: {  	v59 =	vmul.f32 v3, v9;
	[tilespmem:s9+$0x1CD50] =	vst v1  }
0xef: {  	v60 =	vbroadcast v5, $0x3;
	v61 =	vmul.f32 v4, v58;
	[tilespmem:s9+$0x1CD60] =	vst v2  }
0xf0: {  	v62 =	vmul.f32 v6, v58;
	[tilespmem:s9+$0x1CD70] =	vst v59  }
0xf1: {  	v63 =	vmul.f32 v8, v60;
	[tilespmem:s9+$0x1CD80] =	vst v61  }
0xf2: {  	v1 =	vmul.f32 v10, v60;
	[tilespmem:s9+$0x1CD90] =	vst v62  }
0xf3: {  	[tilespmem:s9+$0x1CDA0] =	vst v63  }
0xf4: {  	[tilespmem:s9+$0x1CDB0] =	vst v1  }
0xf5: {  	[spmem:s3] =	stream.indirect.scatter.add.f32 [tilespmem:s4], [sflag:$0x9], $0x90, s19, s22, $0xb8;
	[tilespmem:$0x1FA40] =	vst v63  }
0xf6: {  	_ =	swait.ge [sflag:s17], $0x2D00  }
0xf7: {  	[sflag:s17] =	ssyncset.done $0x0  }
0xf8: {  	[sflag:s17] =	ssyncadd.s32 $0xFFFFD300  }
0xf9: {  	[bflag:$0x0] =	sbarrier.arrive $0xFFFF  }
0xfa: {  	s11 =	rddreg [dreg:$0x5]  }
0xfb: {  	s16 =	rddreg [dreg:$0x8]  }
0xfc: {  	s14 =	rddreg [dreg:$0xa]  }
0xfd: {  	[hbm:s16], [sflag:s11] =	dma.local [spmem:s14], $0x2D00  }
0xfe: {  	_ =	swait.ge [sflag:s17], $0x2D00  }
0xff: {  	s15 =	rddreg [dreg:$0xb]  }
0x100: {  	s30 =	rddreg [dreg:$0x9];
	s15 =	sadd.s32 $0x1, s15  }
0x101: {  	p0 =	sne.s32 s15, s30  }
.Ltmp4:
0x102: {  	_ = 	snop;
	(pc) =	sbr.rel @p0 .LBB2_1-.Ltmp4, $3  }
0x103: {  	_ =	sdelay $0x1  }
0x104: {  	[sflag:s17] =	ssyncset.done $0x0  }
0x105: {  	[sflag:s17] =	ssyncadd.s32 $0xFFFFD300  }
0x106: {  	_ =	sfence.sel $0x180000  }
0x107: {  	[bflag:$0x0] =	sbarrier.arrive $0xFFFF  }
0x108: {  	_ =	strace $0x9000004A  }
0x109: {  	s0 =	stileid.u32;
	[bflag:$0x2] =	sbarrier.arrive $0xFFFF  }
0x10a: {  	p0 =	sne.s32 s0, $0x0;
	s0 =	rddreg [dreg:$0x3]  }
0x10b: {  	s0 =	sadd.s32 @!p0 $0x100000, s0  }
0x10c: {  	[sflag:s0] =	ssyncadd.tile.s32 @!p0 $0x1;
	_ =	shalt  }
.Lfunc_end2:
_tile_overlayer_lowered:
.L_overlay_start_2:
0x10d: {  	(tag) =	ssettag $0x2  }
0x10e: {  	s0 =	rddreg [dreg:$0x0];
	s2 =	stileid.u32  }
0x10f: {  	s1 =	rddreg [dreg:$0x1];
	p0 =	sne.s32 s2, $0x0  }
0x110: {  	s3 =	rddreg [dreg:$0x2];
	[bflag:$0x3] =	sbarrier.arrive $0xFFFF;
	s2 =	simm.s32 @!p0 $0x1C09  }
0x111: {  	[timem:s3], [sflag:s2] =	dma.local @!p0 [hbm:s0], s1  }
0x112: {  	s0 =	simm.s32 @!p0 $0x9  }
0x113: {  	_ =	swait.ge @!p0 [sflag:s0], s1  }
0x114: {  	s1 =	ssub.s32 @!p0 $0x0, s1;
	[sflag:s0] =	ssyncset.done @!p0 $0x0  }
0x115: {  	[sflag:s0] =	ssyncadd.s32 @!p0 s1  }
0x116: {  	[bflag:$0x3] =	sbarrier.arrive $0xFFFF  }
0x117: {  	_ =	shalt  }

// kernel: kernel.18.cloned.1.call-start
scs
__scs_entry_jumppad:
0x0: {  	(pc) =	sbr.rel $0x88, $3  }
0x1: {  	(tag) =	ssettag $0x0;
	lr =	simm.s32 $0x1  }
0x2: {  	[smem:$0x3F90] =	sst lr;
	_ =	strace $0xD0000000  }
0x3: {  	_ = 	snop  }
0x4: {  	_ = 	snop  }
0x5: {  	_ = 	snop  }
0x6: {  	_ = 	snop  }
0x7: {  	_ = 	snop  }
__scs_overlays_trampoline_lowered:
0x8: {  	[smem:$0x3F9F] =	sst s0  }
0x9: {  	[smem:$0x3FA0] =	sst s1  }
0xa: {  	[smem:$0x3FA1] =	sst s2  }
0xb: {  	[smem:$0x3FA2] =	sst s3  }
0xc: {  	[smem:$0x3FA3] =	sst s4  }
0xd: {  	[smem:$0x3FA4] =	sst s5  }
0xe: {  	[smem:$0x3FA5] =	sst s6  }
0xf: {  	[smem:$0x3FA6] =	sst s7  }
0x10: {  	[smem:$0x3FA7] =	sst s8  }
0x11: {  	[smem:$0x3FA8] =	sst s9;
	s0 =	simm.s32 @!p0 $0x0  }
0x12: {  	s1 =	sld [smem:$0x3F8E];
	s0 =	simm.s32 @p0 $0x1  }
0x13: {  	[smem:$0x3FA9] =	sst s0;
	s0 =	simm.s32 @!p1 $0x0  }
0x14: {  	s2 =	sld [smem:$0x3F8D];
	s0 =	simm.s32 @p1 $0x1  }
0x15: {  	[smem:$0x3FAA] =	sst s0;
	s0 =	simm.s32 @!p2 $0x0  }
0x16: {  	s3 =	sld [smem:$0x3FDB];
	s0 =	simm.s32 @p2 $0x1  }
0x17: {  	s4 =	simm.s32 $0x1BF5;
	[smem:$0x3FAC] =	sst s0  }
0x18: {  	s0 =	sld [smem:$0x3F8F];
	_ =	swait.ge [sflag:s4], $0x0  }
0x19: {  	s7 =	sld [smem:$0x3F90]  }
0x1a: {  	s8 =	sadd.s32 $0xFFFFE003, lr  }
0x1b: {  	s9 =	sadd.s32 $0xFFFFFEF7, lr;
	s5 =	simm.s32 $0xFFFFFFFF;
	p2 =	slt.u32 s8, $0xFFFFF086  }
0x1c: {  	p1 =	slt.u32 s9, $0xF7A;
	s5 =	simm.s32 @!p2 $0x0  }
0x1d: {  	s5 =	simm.s32 @p1 $0x1;
	p0 =	seq.s32 s7, s2  }
0x1e: {  	s7 =	smul.u32 @!p0 $0xF7A, s2;
	p2 =	seq.s32 @!p0 s5, $0x0  }
0x1f: {  	s9 =	smul.u32 $0xF7A, s1;
	s8 =	simm.s32 @!p0 $0x1BF5;
	p2 =	por !p2, p0  }
0x20: {  	[sflag:s8] =	ssyncset.s32 @!p0 $0xFFFFF086;
	s6 =	sadd.s32 @!p0 s3, s7;
	s7 =	simm.s32 @!p0 $0x108  }
0x21: {  	s3 =	sadd.s32 s3, s9;
	s6 =	sadd.s32 @!p0 $0x88, s6;
	s7 =	simm.s32 @p2 $0x1082  }
0x22: {  	[simem:s7], [sflag:s8] =	dma.local @!p0 [hbm:s6], $0xF7A  }
0x23: {  	s9 =	sor.u32 $0xD0000000, s2;
	s6 =	simm.s32 $0x108;
	_ =	swait.ge @!p0 [sflag:s8], $0x0  }
0x24: {  	s3 =	sadd.s32 $0x88, s3;
	s6 =	simm.s32 @!p1 $0x1082;
	[sflag:s4] =	ssyncset.s32 $0xFFFFF086  }
0x25: {  	[simem:s6], [sflag:s4] =	dma.local [hbm:s3], $0xF7A  }
0x26: {  	[smem:$0x3F90] =	sst s1;
	(tag) =	ssettag s2;
	_ =	strace s9  }
0x27: {  	s1 =	sld [smem:$0x3FA0]  }
0x28: {  	s2 =	sld [smem:$0x3FA1]  }
0x29: {  	s4 =	sld [smem:$0x3FA3]  }
0x2a: {  	p0 =	seq.s32 s5, $0x0;
	s5 =	sld [smem:$0x3FA4]  }
0x2b: {  	s6 =	sld [smem:$0x3FA5]  }
0x2c: {  	s7 =	sld [smem:$0x3FA6]  }
0x2d: {  	s3 =	simm.s32 $0x108;
	s8 =	sld [smem:$0x3FA7]  }
0x2e: {  	s3 =	simm.s32 @!p0 $0x1082;
	s9 =	sld [smem:$0x3FA8]  }
0x2f: {  	lr =	sadd.s32 s0, s3;
	s0 =	sld [smem:$0x3F9F]  }
0x30: {  	s3 =	sld [smem:$0x3FA2]  }
0x31: {  	[smem:$0x3FAB] =	sst s10  }
0x32: {  	s10 =	sld [smem:$0x3FA9];
	_ =	sdelay $0x3  }
0x33: {  	p0 =	seq.s32 s10, $0x1;
	s10 =	sld [smem:$0x3FAB];
	_ =	sdelay $0x3  }
0x34: {  	[smem:$0x3FAB] =	sst s10  }
0x35: {  	s10 =	sld [smem:$0x3FAA];
	_ =	sdelay $0x3  }
0x36: {  	p1 =	seq.s32 s10, $0x1;
	s10 =	sld [smem:$0x3FAB];
	_ =	sdelay $0x3  }
0x37: {  	[smem:$0x3FAB] =	sst s10  }
0x38: {  	s10 =	sld [smem:$0x3FAC]  }
0x39: {  	_ = 	snop;
	(pc) =	sbr.ind lr, $3  }
0x3a: {  	_ = 	snop  }
0x3b: {  	_ = 	snop  }
0x3c: {  	p2 =	seq.s32 s10, $0x1;
	s10 =	sld [smem:$0x3FAB]  }
0x3d: {  	_ =	shalt  }
0x3e: {  	_ =	shalt  }
0x3f: {  	_ =	shalt  }
0x40: {  	_ =	shalt  }
0x41: {  	_ =	shalt  }
0x42: {  	_ =	shalt  }
0x43: {  	_ =	shalt  }
0x44: {  	_ =	shalt  }
0x45: {  	_ =	shalt  }
0x46: {  	_ =	shalt  }
0x47: {  	_ =	shalt  }
0x48: {  	_ =	shalt  }
0x49: {  	_ =	shalt  }
0x4a: {  	_ =	shalt  }
0x4b: {  	_ =	shalt  }
0x4c: {  	_ =	shalt  }
0x4d: {  	_ =	shalt  }
0x4e: {  	_ =	shalt  }
0x4f: {  	_ =	shalt  }
0x50: {  	_ =	shalt  }
0x51: {  	_ =	shalt  }
0x52: {  	_ =	shalt  }
0x53: {  	_ =	shalt  }
0x54: {  	_ =	shalt  }
0x55: {  	_ =	shalt  }
0x56: {  	_ =	shalt  }
0x57: {  	_ =	shalt  }
0x58: {  	_ =	shalt  }
0x59: {  	_ =	shalt  }
0x5a: {  	_ =	shalt  }
0x5b: {  	_ =	shalt  }
0x5c: {  	_ =	shalt  }
0x5d: {  	_ =	shalt  }
0x5e: {  	_ =	shalt  }
0x5f: {  	_ =	shalt  }
0x60: {  	_ =	shalt  }
0x61: {  	_ =	shalt  }
0x62: {  	_ =	shalt  }
0x63: {  	_ =	shalt  }
0x64: {  	_ =	shalt  }
0x65: {  	_ =	shalt  }
0x66: {  	_ =	shalt  }
0x67: {  	_ =	shalt  }
0x68: {  	_ =	shalt  }
0x69: {  	_ =	shalt  }
0x6a: {  	_ =	shalt  }
0x6b: {  	_ =	shalt  }
0x6c: {  	_ =	shalt  }
0x6d: {  	_ =	shalt  }
0x6e: {  	_ =	shalt  }
0x6f: {  	_ =	shalt  }
0x70: {  	_ =	shalt  }
0x71: {  	_ =	shalt  }
0x72: {  	_ =	shalt  }
0x73: {  	_ =	shalt  }
0x74: {  	_ =	shalt  }
0x75: {  	_ =	shalt  }
0x76: {  	_ =	shalt  }
0x77: {  	_ =	shalt  }
0x78: {  	_ =	shalt  }
0x79: {  	_ =	shalt  }
0x7a: {  	_ =	shalt  }
0x7b: {  	_ =	shalt  }
0x7c: {  	_ =	shalt  }
0x7d: {  	_ =	shalt  }
0x7e: {  	_ =	shalt  }
0x7f: {  	_ =	shalt  }
0x80: {  	_ =	shalt  }
0x81: {  	_ =	shalt  }
0x82: {  	_ =	shalt  }
0x83: {  	_ =	shalt  }
0x84: {  	_ =	shalt  }
0x85: {  	_ =	shalt  }
0x86: {  	_ =	shalt  }
0x87: {  	_ =	shalt  }
.Lfunc_end0:
.L_simem_size_0:
called_computation.2_lowered:
.L_overlay_start_0:
0x88: {  	s2 =	sld [smem:$0x3FD9]  }
0x89: {  	s3 =	sld [smem:$0x3FFE];
	_ =	sdelay $0x1  }
0x8a: {  	s1 =	srdreg.scid  }
0x8b: {  	s0 =	sand.u32 $0x1, s1  }
0x8c: {  	s17 =	sshll.u32 s0, $0xA;
	s2 =	sadd.s32 s3, s2  }
0x8d: {  	s2 =	sadd.s32 s2, s17  }
0x8e: {  	[smem:$0x3FB7] =	sst s2  }
0x8f: {  	_ = 	snop  }
0x90: {  	s18 =	sld [smem:$0x3FD0];
	(tm) =	ssettm $0x1  }
0x91: {  	s19 =	sld [smem:$0x3FFB];
	_ =	sdelay $0x3  }
0x92: {  	_ =	strace s19  }
0x93: {  	s2 =	sld [smem:$0x3FFC];
	_ =	sdelay $0x3  }
0x94: {  	_ =	strace s2  }
0x95: {  	s2 =	sld [smem:$0x3FFD];
	_ =	sdelay $0x3  }
0x96: {  	_ =	strace s2  }
0x97: {  	_ =	strace $0x8FFFFFFF  }
0x98: {  	s20 =	sld [smem:$0x3FDB];
	_ =	sdelay $0x1  }
0x99: {  	s4 =	simm.s32 $_scs_section_size  }
0x9a: {  	s5 =	simm.s32 $_size__tile_overlayer_lowered;
	s6 =	simm.s32 $_tile_overlayer_lowered  }
0x9b: {  	s7 =	simm.s32 $0x1BFF;
	s21 =	sshll.u32 s6, $0x1;
	s4 =	sadd.s32 s4, s20  }
0x9c: {  	s22 =	simm.s32 $0x0;
	s5 =	sshll.u32 s5, $0x1;
	s6 =	sadd.s32 s21, s4  }
0x9d: {  	[timem:s22], [sflag:s7] =	dma.local [hbm:s6], s5  }
0x9e: {  	_ =	swait.ge [sflag:s7], s5  }
0x9f: {  	s5 =	ssub.s32 $0x0, s5;
	[sflag:s7] =	ssyncset.done $0x0  }
0xa0: {  	[sflag:s7] =	ssyncadd.s32 s5;
	_ =	sdelay $0x1  }
0xa1: {  	s23 =	simm.s32 $0x1B8B  }
0xa2: {  	_ =	swait.ge [sflag:s23], $0x1  }
0xa3: {  	[sflag:s23] =	ssyncset.done $0x0  }
0xa4: {  	[sflag:s23] =	ssyncadd.s32 $0xFFFFFFFF  }
0xa5: {  	s5 =	sld [smem:$0x0]  }
0xa6: {  	s6 =	sand.u32 $0xFFFFFFFE, s1  }
0xa7: {  	p0 =	sne.s32 s1, s6  }
0xa8: {  	s6 =	sshll.u32 @p0 s6, $0xE  }
0xa9: {  	s6 =	sadd.s32 @p0 $0x11B8D, s6;
	s7 =	sshll.u32 @p0 s5, $0x11  }
0xaa: {  	s6 =	sor.u32 @p0 s7, s6  }
0xab: {  	[sflag:s6] =	ssyncadd.remote.s32 @p0 $0x1;
	_ =	sdelay $0x1  }
0xac: {  	s6 =	simm.s32 @p0 $0x1B8D  }
0xad: {  	_ =	swait.eq @p0 [sflag:s6], $0x1  }
0xae: {  	[sflag:s6] =	ssyncadd.s32 @p0 $0xFFFFFFFF  }
0xaf: {  	s7 =	sshll.u32 @!p0 s1, $0xE  }
0xb0: {  	s7 =	sor.u32 @!p0 $0x4000, s7;
	s6 =	simm.s32 @!p0 $0x1B8D  }
0xb1: {  	s5 =	sshll.u32 @!p0 s5, $0x11;
	s7 =	sadd.s32 @!p0 $0x11B8D, s7;
	_ =	swait.eq @!p0 [sflag:s6], $0x1  }
0xb2: {  	s5 =	sor.u32 @!p0 s5, s7;
	[sflag:s6] =	ssyncadd.s32 @!p0 $0xFFFFFFFF  }
0xb3: {  	s25 =	simm.s32 $0x1B8E;
	s24 =	sld [smem:$0x3FFE];
	[sflag:s5] =	ssyncadd.remote.s32 @!p0 $0x1  }
0xb4: {  	s26 =	simm.s32 $execute0_lowered;
	[smem:$0x3FD2] =	sst s25  }
0xb5: {  	s6 =	sshll.u32 s26, $0x1;
	_ =	strace $0x8000004F;
	[dreg:$0x1] =	wrdreg $0xFFFFFFFF  }
0xb6: {  	s28 =	simm.s32 $_size_execute0_lowered;
	s4 =	sadd.s32 s4, s6;
	[dreg:$0x0] =	wrdreg $0x0  }
0xb7: {  	s6 =	sshll.u32 s28, $0x1;
	[dreg:$0x2] =	wrdreg s4  }
0xb8: {  	[dreg:$0x3] =	wrdreg s6  }
0xb9: {  	[dreg:$0x4] =	wrdreg $0xC0  }
0xba: {  	_ =	task [dreg:s22], $0x5FFFF  }
0xbb: {  	[dreg:$0x1] =	wrdreg $0xFFFFFFFF  }
0xbc: {  	[dreg:$0x0] =	wrdreg $0x60  }
0xbd: {  	[dreg:$0x2] =	wrdreg s24  }
0xbe: {  	[dreg:$0x3] =	wrdreg s18  }
0xbf: {  	[dreg:$0x4] =	wrdreg $0x0  }
0xc0: {  	[dreg:$0x5] =	wrdreg $0x9  }
0xc1: {  	_ =	task.clear_ibuf [dreg:s22], $0x6FFFF;
	_ =	strace $0x9000004F  }
0xc2: {  	s29 =	simm.s32 $0x9;
	_ =	strace $0x80000051  }
0xc3: {  	_ =	swait.ge [sflag:s29], $0x1  }
0xc4: {  	[sflag:s29] =	ssyncadd.s32 $0xFFFFFFFF  }
0xc5: {  	_ =	strace $0x90000051  }
0xc6: {  	_ =	sfence  }
0xc7: {  	s30 =	sld [smem:$0x0];
	_ =	sdelay $0x2  }
0xc8: {  	s31 =	sshll.u32 s1, $0xD;
	s1 =	sshrl.u32 s1, $0x2  }
0xc9: {  	s4 =	sand.u32 $0x4000, s31;
	s1 =	sadd.s32 s1, s30  }
0xca: {  	s0 =	sor.u32 s4, s0;
	s1 =	sshll.u32 s1, $0x11  }
0xcb: {  	s0 =	sor.u32 s1, s0  }
0xcc: {  	s0 =	sadd.s32 $0x8F2B, s0  }
0xcd: {  	[sflag:s0] =	ssyncadd.remote.s32 $0x1  }
0xce: {  	_ =	sfence.sel $0xFFFF  }
0xcf: {  	[dreg:$0x0] =	wrdreg $0xFFFFFFFF;
	(pc) =	sbr.abs _section_cstart, $3  }
0xd0: {  	[dreg:$0x1] =	wrdreg $0xFFFFFFFF  }
0xd1: {  	_ =	task.clear_ibuf [dreg:s22], $0x2FFFF;
	_ =	strace $0x9FFFFFFF  }
0xd2: {  	(tm) =	ssettm $0x7FFFFFFF  }
0xd3: {  	_ =	shalt  }
tec
execute0_lowered:
.L_overlay_start_1:
0x0: {  	(tag) =	ssettag $0x1  }
0x1: {  	s0 =	rddreg [dreg:$0x0]  }
0x2: {  	s2 =	rddreg [dreg:$0x1]  }
0x3: {  	s3 =	rddreg [dreg:$0x2]  }
0x4: {  	s4 =	simm.s32 $0x0;
	s12 =	stileid.u32;
	s1 =	srdreg.scid  }
0x5: {  	s17 =	simm.s32 $0x9;
	s18 =	simm.s32 $0xF000;
	s19 =	simm.s32 $0xF050  }
0x6: {  	s20 =	simm.s32 $0x3;
	s21 =	simm.s32 $0x4;
	s28 =	simm.s32 $0x7  }
0x7: {  	s29 =	simm.s32 $0x8;
	s31 =	simm.s32 $0x13240;
	s15 =	simm.s32 $0x0  }
0x8: {  	[smem:$0x7FF] =	sst s4;
	s22 =	smul.u32 $0xF000, s12;
	s1 =	sand.u32 $0x1, s1  }
0x9: {  	s5 =	sadd.s32 $0x4CC00, s0;
	s6 =	sadd.s32 $0x47C00, s0;
	s7 =	sadd.s32 $0x2800, s0  }
0xa: {  	s10 =	sshll.u32 s12, $0x1;
	s24 =	sshll.u32 s12, $0x6;
	_ =	strace $0x80000050  }
0xb: {  	s8 =	smul.u32 $0xF0000, s1;
	s11 =	ssub.s32 $0x2, s1;
	s1 =	sor.u32 s1, s10  }
0xc: {  	s10 =	simm.s32 $0x6;
	s9 =	sshrl.u32 s22, $0x3;
	s23 =	sshrl.u32 s11, $0x1  }
0xd: {  	s1 =	smul.u32 $0x2710, s1;
	s4 =	sadd.s32 s22, s3;
	s9 =	sadd.s32 s9, s0  }
0xe: {  	s8 =	sadd.s32 s22, s8;
	s14 =	sshrl.u32 s4, $0x3;
	s22 =	simm.s32 $0x50  }
0xf: {  	s4 =	simm.s32 $0x13740;
	s8 =	sshrl.u32 s8, $0x3;
	s9 =	sadd.s32 $0x29C00, s9  }
0x10: {  	s25 =	sshrl.u32 s1, $0x3;
	s12 =	sadd.s32 $0x50, s1;
	s13 =	sadd.s32 $0xA0, s1  }
0x11: {  	s1 =	simm.s32 $0x2;
	[dreg:$0xa] =	wrdreg s14;
	s0 =	sadd.s32 s8, s0  }
0x12: {  	s8 =	ssub.s32 s11, s23;
	[dreg:$0x4] =	wrdreg s9;
	s26 =	sadd.s32 s7, s25  }
0x13: {  	s11 =	sor.u32 $0x1C09, s24;
	s9 =	sadd.s32 s2, s25;
	[dreg:$0x6] =	wrdreg s26  }
0x14: {  	s23 =	simm.s32 $0xF0A0;
	s24 =	simm.s32 $0x10EA0;
	[dreg:$0x7] =	wrdreg s9  }
0x15: {  	s25 =	simm.s32 $0x113A0;
	s0 =	sadd.s32 $0xC2C00, s0;
	[dreg:$0x5] =	wrdreg s11  }
0x16: {  	s30 =	smax.u32 s8, $0x1;
	s26 =	simm.s32 $0x113F0;
	[dreg:$0x8] =	wrdreg s0  }
0x17: {  	vm0 =	vmmov $0xff;
	s8 =	simm.s32 $0x5;
	[dreg:$0x9] =	wrdreg s30;
	s0 =	simm.s32 $0x1  }
.LBB2_1:
0x18: {  	[dreg:$0xb] =	wrdreg s15  }
0x19: {  	s9 =	rddreg [dreg:$0x4]  }
0x1a: {  	[spmem:s14], [sflag:s11] =	dma.local [hbm:s9], $0x1E00  }
0x1b: {  	_ =	swait.ge [sflag:s17], $0x1E00  }
0x1c: {  	[sflag:s17] =	ssyncset.done $0x0  }
0x1d: {  	[sflag:s17] =	ssyncadd.s32 $0xFFFFE200  }
0x1e: {  	[bflag:$0x0] =	sbarrier.arrive $0xFFFF  }
0x1f: {  	s15 =	simm.s32 $0x0;
	s16 =	rddreg [dreg:$0x6]  }
0x20: {  	[tilespmem:s18], [sflag:$0x3] =	stream.linear.gather [hbm4b:s16+s15], $0x50, $0x38;
	[tilespmem:$0x15540] =	vst v63  }
0x21: {  	s30 =	rddreg [dreg:$0x7]  }
0x22: {  	[tilespmem:s19], [sflag:$0x4] =	stream.linear.gather [hbm4b:s30+s15], $0x50, $0x38;
	[tilespmem:$0x15540] =	vst v63  }
0x23: {  	_ =	swait.ge [sflag:s20], $0x50  }
0x24: {  	[sflag:s20] =	ssyncset.done $0x0  }
0x25: {  	[sflag:s20] =	ssyncadd.s32 $0xFFFFFFB0  }
0x26: {  	_ =	swait.ge [sflag:s21], $0x50  }
0x27: {  	[sflag:s21] =	ssyncset.done $0x0  }
0x28: {  	[sflag:s21] =	ssyncadd.s32 $0xFFFFFFB0  }
0x29: {  	[tilespmem:s23], [sflag:$0x1] =	stream.indirect.gather [hbm4b:s5+s22], $0x60, s18, s22, $0xb8;
	[tilespmem:$0x15540] =	vst v63  }
0x2a: {  	s14 =	simm.s32 $0x0  }
0x2b: {  	[tilespmem:s24], [sflag:$0x2] =	stream.indirect.gather [hbm4b:s6+s22], $0x10, s19, s22, $0xb8;
	[tilespmem:$0x15540] =	vst v63  }
.LBB2_2:
0x2c: {  	s15 =	smul.u32 $0xA0, s14;
	_ =	sdelay $0x1  }
0x2d: {  	s9 =	sadd.s32 s15, s12  }
0x2e: {  	s9 =	sshrl.u32 s9, $0x3  }
0x2f: {  	s16 =	simm.s32 $0x0;
	s11 =	sadd.s32 s7, s9  }
0x30: {  	[tilespmem:s25], [sflag:$0x7] =	stream.linear.gather [hbm4b:s11+s16], $0x50, $0x38;
	[tilespmem:$0x15540] =	vst v63  }
0x31: {  	s9 =	sadd.s32 s2, s9  }
0x32: {  	[tilespmem:s26], [sflag:$0x8] =	stream.linear.gather [hbm4b:s9+s16], $0x50, $0x38;
	[tilespmem:$0x15540] =	vst v63  }
0x33: {  	_ =	swait.ge [sflag:s28], $0x50  }
0x34: {  	[sflag:s28] =	ssyncset.done $0x0  }
0x35: {  	[sflag:s28] =	ssyncadd.s32 $0xFFFFFFB0  }
0x36: {  	_ =	swait.ge [sflag:s29], $0x50  }
0x37: {  	[sflag:s29] =	ssyncset.done $0x0  }
0x38: {  	s30 =	simm.s32 $0x11440;
	[sflag:s29] =	ssyncadd.s32 $0xFFFFFFB0  }
0x39: {  	[tilespmem:s30], [sflag:$0x5] =	stream.indirect.gather [hbm4b:s5+s22], $0x60, s25, s22, $0xb8;
	[tilespmem:$0x15540] =	vst v63  }
0x3a: {  	_ = 	snop  }
0x3b: {  	[tilespmem:s31], [sflag:$0x6] =	stream.indirect.gather [hbm4b:s6+s22], $0x10, s26, s22, $0xb8;
	[tilespmem:$0x15540] =	vst v63  }
0x3c: {  	_ =	swait.ge [sflag:s0], $0x1E00  }
0x3d: {  	[sflag:s0] =	ssyncset.done $0x0  }
0x3e: {  	[sflag:s0] =	ssyncadd.s32 $0xFFFFE200  }
0x3f: {  	_ =	swait.ge [sflag:s1], $0x500  }
0x40: {  	[sflag:s1] =	ssyncset.done $0x0  }
0x41: {  	s9 =	simm.s32 $0x0;
	[sflag:s1] =	ssyncadd.s32 $0xFFFFFB00  }
0x42: {  	s11 =	simm.s32 $0x180;
	s16 =	simm.s32 $0x10EA0;
	v0 =	vld [tilespmem:s9+$0xF0F0]  }
.LBB2_3:
0x43: {  	p0 =	sne.s32 s11, $0x7680;
	v1 =	vld [tilespmem:s16+$0x0];
	_ =	sdelay $0x4  }
0x44: {  	v0 =	vadd.f32 v1, v0;
	_ =	sdelay $0x1  }
0x45: {  	v1 =	vmul.f32 $2.000000030e-01, v0  }
0x46: {  	vm1 =	vge.f32 v0, $0.0e+00  }
0x47: {  	v0 =	vsel vm1, v0, v1  }
0x48: {  	v0 =	vmul.f32 $1.442695020e+00, v0;
	_ =	sdelay $0x1  }
0x49: {  	(erf) = vpow2.f32 v0;
	_ =	sdelay $0x4  }
0x4a: {  	v0 =	vld [tilespmem:s9+$0xF0A0]  }
0x4b: {  	v1 =	vld [tilespmem:s9+$0xF0B0]  }
0x4c: {  	v2 =	vld [tilespmem:s9+$0xF0C0]  }
0x4d: {  	v3 =	vld [tilespmem:s9+$0xF0D0]  }
0x4e: {  	v4 =	vld [tilespmem:s9+$0xF0E0];
	v5 =	vpop (erf)  }
0x4f: {  	[tilespmem:s9+$0x13790] =	vst v5;
	v6 =	vbroadcast v5, $0x0;
	v5 =	vbroadcast v5, $0x1;
	_ =	sdelay $0x1  }
0x50: {  	v0 =	vmul.f32 v6, v0;
	v1 =	vmul.f32 v6, v1;
	v6 =	vsel vm0, v6, v5  }
0x51: {  	v2 =	vmul.f32 v6, v2;
	v3 =	vmul.f32 v3, v5  }
.Ltmp0:
0x52: {  	[tilespmem:s9+$0x13740] =	vst v0;
	v4 =	vmul.f32 v4, v5;
	(pc) =	sbr.rel @p0 .LBB2_3-.Ltmp0, $4  }
0x53: {  	[tilespmem:s9+$0x13760] =	vst v2  }
0x54: {  	[tilespmem:s9+$0x13750] =	vst v1  }
0x55: {  	s30 =	sshra.s32 s11, $0x2;
	[tilespmem:s9+$0x13770] =	vst v3  }
0x56: {  	s11 =	sadd.s32 $0x180, s11;
	s16 =	sadd.s32 $0x10, s16;
	v0 =	vld [tilespmem:s30+$0xF0F0];
	[tilespmem:s9+$0x13780] =	vst v4;
	s9 =	smov.u32 s30  }
0x57: {  	v1 =	vld [tilespmem:s16+$0x0];
	_ =	sdelay $0x4  }
0x58: {  	v0 =	vadd.f32 v1, v0;
	_ =	sdelay $0x1  }
0x59: {  	v1 =	vmul.f32 $2.000000030e-01, v0  }
0x5a: {  	vm1 =	vge.f32 v0, $0.0e+00  }
0x5b: {  	v0 =	vsel vm1, v0, v1  }
0x5c: {  	v0 =	vmul.f32 $1.442695020e+00, v0;
	_ =	sdelay $0x1  }
0x5d: {  	(erf) = vpow2.f32 v0;
	_ =	sdelay $0x6  }
0x5e: {  	v0 =	vld [tilespmem:s9+$0xF0A0]  }
0x5f: {  	v2 =	vld [tilespmem:s9+$0xF0B0]  }
0x60: {  	v1 =	vld [tilespmem:s9+$0xF0C0];
	v3 =	vpop (erf)  }
0x61: {  	v4 =	vld [tilespmem:s9+$0xF0D0];
	v5 =	vbroadcast v3, $0x0  }
0x62: {  	v7 =	vld [tilespmem:s9+$0xF0E0];
	v6 =	vbroadcast v3, $0x1  }
0x63: {  	v0 =	vmul.f32 v5, v0  }
0x64: {  	[tilespmem:s9+$0x13790] =	vst v3;
	v8 =	vsel vm0, v5, v6;
	v2 =	vmul.f32 v5, v2  }
0x65: {  	v1 =	vmul.f32 v8, v1;
	[tilespmem:s9+$0x13740] =	vst v0  }
0x66: {  	v0 =	vmul.f32 v4, v6;
	[tilespmem:s9+$0x13750] =	vst v2  }
0x67: {  	[tilespmem:s9+$0x13760] =	vst v1;
	v1 =	vmul.f32 v7, v6  }
0x68: {  	[tilespmem:s9+$0x13770] =	vst v0  }
0x69: {  	[tilespmem:s9+$0x13780] =	vst v1  }
0x6a: {  	[spmem:s3] =	stream.indirect.scatter.add.f32 [tilespmem:s4], [sflag:$0x9], $0x60, s19, s22, $0xb8;
	[tilespmem:$0x15540] =	vst v63  }
0x6b: {  	s16 =	sadd.s32 s15, s13;
	_ =	swait.ge [sflag:s17], $0x1E00  }
0x6c: {  	s9 =	sshrl.u32 s16, $0x3;
	[sflag:s17] =	ssyncset.done $0x0  }
0x6d: {  	s30 =	simm.s32 $0x0;
	s11 =	sadd.s32 s7, s9;
	[sflag:s17] =	ssyncadd.s32 $0xFFFFE200  }
0x6e: {  	[tilespmem:s18], [sflag:$0x3] =	stream.linear.gather [hbm4b:s11+s30], $0x50, $0x38;
	[tilespmem:$0x15540] =	vst v63  }
0x6f: {  	s9 =	sadd.s32 s2, s9  }
0x70: {  	[tilespmem:s19], [sflag:$0x4] =	stream.linear.gather [hbm4b:s9+s30], $0x50, $0x38;
	[tilespmem:$0x15540] =	vst v63  }
0x71: {  	_ =	swait.ge [sflag:s20], $0x50  }
0x72: {  	[sflag:s20] =	ssyncset.done $0x0  }
0x73: {  	[sflag:s20] =	ssyncadd.s32 $0xFFFFFFB0  }
0x74: {  	_ =	swait.ge [sflag:s21], $0x50  }
0x75: {  	[sflag:s21] =	ssyncset.done $0x0  }
0x76: {  	[sflag:s21] =	ssyncadd.s32 $0xFFFFFFB0  }
0x77: {  	[tilespmem:s23], [sflag:$0x1] =	stream.indirect.gather [hbm4b:s5+s22], $0x60, s18, s22, $0xb8;
	[tilespmem:$0x15540] =	vst v63  }
0x78: {  	_ = 	snop  }
0x79: {  	[tilespmem:s24], [sflag:$0x2] =	stream.indirect.gather [hbm4b:s6+s22], $0x10, s19, s22, $0xb8;
	[tilespmem:$0x15540] =	vst v63  }
0x7a: {  	_ =	swait.ge [sflag:s8], $0x1E00  }
0x7b: {  	[sflag:s8] =	ssyncset.done $0x0  }
0x7c: {  	[sflag:s8] =	ssyncadd.s32 $0xFFFFE200  }
0x7d: {  	_ =	swait.ge [sflag:s10], $0x500  }
0x7e: {  	[sflag:s10] =	ssyncset.done $0x0  }
0x7f: {  	s9 =	simm.s32 $0x0;
	[sflag:s10] =	ssyncadd.s32 $0xFFFFFB00  }
0x80: {  	s15 =	simm.s32 $0x13240;
	s11 =	simm.s32 $0x180;
	v0 =	vld [tilespmem:s9+$0x11490]  }
.LBB2_5:
0x81: {  	p0 =	sne.s32 s11, $0x7680;
	v1 =	vld [tilespmem:s15+$0x0];
	_ =	sdelay $0x4  }
0x82: {  	v0 =	vadd.f32 v1, v0;
	_ =	sdelay $0x1  }
0x83: {  	v1 =	vmul.f32 $2.000000030e-01, v0  }
0x84: {  	vm1 =	vge.f32 v0, $0.0e+00  }
0x85: {  	v0 =	vsel vm1, v0, v1  }
0x86: {  	v0 =	vmul.f32 $1.442695020e+00, v0;
	_ =	sdelay $0x1  }
0x87: {  	(erf) = vpow2.f32 v0;
	_ =	sdelay $0x4  }
0x88: {  	v0 =	vld [tilespmem:s9+$0x11440]  }
0x89: {  	v1 =	vld [tilespmem:s9+$0x11450]  }
0x8a: {  	v2 =	vld [tilespmem:s9+$0x11460]  }
0x8b: {  	v3 =	vld [tilespmem:s9+$0x11470]  }
0x8c: {  	v4 =	vld [tilespmem:s9+$0x11480];
	v5 =	vpop (erf)  }
0x8d: {  	[tilespmem:s9+$0x13790] =	vst v5;
	v6 =	vbroadcast v5, $0x0;
	v5 =	vbroadcast v5, $0x1;
	_ =	sdelay $0x1  }
0x8e: {  	v0 =	vmul.f32 v6, v0;
	v1 =	vmul.f32 v6, v1;
	v6 =	vsel vm0, v6, v5  }
0x8f: {  	v2 =	vmul.f32 v6, v2;
	v3 =	vmul.f32 v3, v5  }
.Ltmp1:
0x90: {  	[tilespmem:s9+$0x13740] =	vst v0;
	v4 =	vmul.f32 v4, v5;
	(pc) =	sbr.rel @p0 .LBB2_5-.Ltmp1, $4  }
0x91: {  	[tilespmem:s9+$0x13760] =	vst v2  }
0x92: {  	[tilespmem:s9+$0x13750] =	vst v1  }
0x93: {  	s16 =	sshra.s32 s11, $0x2;
	[tilespmem:s9+$0x13770] =	vst v3  }
0x94: {  	s11 =	sadd.s32 $0x180, s11;
	s15 =	sadd.s32 $0x10, s15;
	v0 =	vld [tilespmem:s16+$0x11490];
	[tilespmem:s9+$0x13780] =	vst v4;
	s9 =	smov.u32 s16  }
0x95: {  	v1 =	vld [tilespmem:s15+$0x0];
	_ =	sdelay $0x4  }
0x96: {  	v0 =	vadd.f32 v1, v0;
	_ =	sdelay $0x1  }
0x97: {  	v1 =	vmul.f32 $2.000000030e-01, v0  }
0x98: {  	vm1 =	vge.f32 v0, $0.0e+00  }
0x99: {  	v0 =	vsel vm1, v0, v1  }
0x9a: {  	v0 =	vmul.f32 $1.442695020e+00, v0;
	_ =	sdelay $0x1  }
0x9b: {  	(erf) = vpow2.f32 v0;
	_ =	sdelay $0x6  }
0x9c: {  	v60 =	vld [tilespmem:s9+$0x11440]  }
0x9d: {  	v2 =	vld [tilespmem:s9+$0x11450]  }
0x9e: {  	v4 =	vld [tilespmem:s9+$0x11470];
	v3 =	vpop (erf)  }
0x9f: {  	v7 =	vld [tilespmem:s9+$0x11480];
	v5 =	vbroadcast v3, $0x0  }
0xa0: {  	v61 =	vld [tilespmem:s9+$0x11460]  }
0xa1: {  	v6 =	vbroadcast v3, $0x1;
	v0 =	vmul.f32 v5, v60  }
0xa2: {  	[tilespmem:s9+$0x13790] =	vst v3;
	v2 =	vmul.f32 v5, v2  }
0xa3: {  	v62 =	vmul.f32 v4, v6;
	[tilespmem:s9+$0x13740] =	vst v0  }
0xa4: {  	v8 =	vsel vm0, v5, v6;
	v63 =	vmul.f32 v7, v6;
	[tilespmem:s9+$0x13750] =	vst v2  }
0xa5: {  	s14 =	sadd.s32 $0x1, s14;
	v1 =	vmul.f32 v8, v61;
	[tilespmem:s9+$0x13770] =	vst v62  }
0xa6: {  	p0 =	sne.s32 s14, $0x3E;
	[tilespmem:s9+$0x13780] =	vst v63  }
.Ltmp2:
0xa7: {  	[tilespmem:s9+$0x13760] =	vst v1;
	(pc) =	sbr.rel @p0 .LBB2_2-.Ltmp2, $4  }
0xa8: {  	[spmem:s3] =	stream.indirect.scatter.add.f32 [tilespmem:s4], [sflag:$0x9], $0x60, s26, s22, $0xb8;
	[tilespmem:$0x15540] =	vst v63  }
0xa9: {  	_ =	swait.ge [sflag:s17], $0x1E00  }
0xaa: {  	[sflag:s17] =	ssyncset.done $0x0  }
0xab: {  	[sflag:s17] =	ssyncadd.s32 $0xFFFFE200  }
0xac: {  	_ =	swait.ge [sflag:s0], $0x1E00  }
0xad: {  	[sflag:s0] =	ssyncset.done $0x0  }
0xae: {  	[sflag:s0] =	ssyncadd.s32 $0xFFFFE200  }
0xaf: {  	_ =	swait.ge [sflag:s1], $0x500  }
0xb0: {  	[sflag:s1] =	ssyncset.done $0x0  }
0xb1: {  	s9 =	simm.s32 $0x0;
	[sflag:s1] =	ssyncadd.s32 $0xFFFFFB00  }
0xb2: {  	s14 =	simm.s32 $0x10EA0;
	s11 =	simm.s32 $0x180;
	v0 =	vld [tilespmem:s9+$0xF0F0]  }
.LBB2_8:
0xb3: {  	p0 =	sne.s32 s11, $0x7680;
	v1 =	vld [tilespmem:s14+$0x0];
	_ =	sdelay $0x4  }
0xb4: {  	v0 =	vadd.f32 v1, v0;
	_ =	sdelay $0x1  }
0xb5: {  	v1 =	vmul.f32 $2.000000030e-01, v0  }
0xb6: {  	vm1 =	vge.f32 v0, $0.0e+00  }
0xb7: {  	v0 =	vsel vm1, v0, v1  }
0xb8: {  	v0 =	vmul.f32 $1.442695020e+00, v0;
	_ =	sdelay $0x1  }
0xb9: {  	(erf) = vpow2.f32 v0;
	_ =	sdelay $0x4  }
0xba: {  	v0 =	vld [tilespmem:s9+$0xF0A0]  }
0xbb: {  	v1 =	vld [tilespmem:s9+$0xF0B0]  }
0xbc: {  	v2 =	vld [tilespmem:s9+$0xF0C0]  }
0xbd: {  	v3 =	vld [tilespmem:s9+$0xF0D0]  }
0xbe: {  	v4 =	vld [tilespmem:s9+$0xF0E0];
	v5 =	vpop (erf)  }
0xbf: {  	[tilespmem:s9+$0x13790] =	vst v5;
	v6 =	vbroadcast v5, $0x0;
	v5 =	vbroadcast v5, $0x1;
	_ =	sdelay $0x1  }
0xc0: {  	v0 =	vmul.f32 v6, v0;
	v1 =	vmul.f32 v6, v1;
	v6 =	vsel vm0, v6, v5  }
0xc1: {  	v2 =	vmul.f32 v6, v2;
	v3 =	vmul.f32 v3, v5  }
.Ltmp3:
0xc2: {  	[tilespmem:s9+$0x13740] =	vst v0;
	v4 =	vmul.f32 v4, v5;
	(pc) =	sbr.rel @p0 .LBB2_8-.Ltmp3, $4  }
0xc3: {  	[tilespmem:s9+$0x13760] =	vst v2  }
0xc4: {  	[tilespmem:s9+$0x13750] =	vst v1  }
0xc5: {  	s15 =	sshra.s32 s11, $0x2;
	[tilespmem:s9+$0x13770] =	vst v3  }
0xc6: {  	s11 =	sadd.s32 $0x180, s11;
	s14 =	sadd.s32 $0x10, s14;
	v0 =	vld [tilespmem:s15+$0xF0F0];
	[tilespmem:s9+$0x13780] =	vst v4;
	s9 =	smov.u32 s15  }
0xc7: {  	v1 =	vld [tilespmem:s14+$0x0];
	_ =	sdelay $0x4  }
0xc8: {  	v0 =	vadd.f32 v1, v0;
	_ =	sdelay $0x1  }
0xc9: {  	v1 =	vmul.f32 $2.000000030e-01, v0  }
0xca: {  	vm1 =	vge.f32 v0, $0.0e+00  }
0xcb: {  	v0 =	vsel vm1, v0, v1  }
0xcc: {  	v0 =	vmul.f32 $1.442695020e+00, v0;
	_ =	sdelay $0x1  }
0xcd: {  	(erf) = vpow2.f32 v0;
	_ =	sdelay $0x6  }
0xce: {  	v60 =	vld [tilespmem:s9+$0xF0A0]  }
0xcf: {  	v2 =	vld [tilespmem:s9+$0xF0B0]  }
0xd0: {  	v4 =	vld [tilespmem:s9+$0xF0D0];
	v3 =	vpop (erf)  }
0xd1: {  	v7 =	vld [tilespmem:s9+$0xF0E0];
	v5 =	vbroadcast v3, $0x0  }
0xd2: {  	v61 =	vld [tilespmem:s9+$0xF0C0]  }
0xd3: {  	v6 =	vbroadcast v3, $0x1;
	v0 =	vmul.f32 v5, v60  }
0xd4: {  	[tilespmem:s9+$0x13790] =	vst v3;
	v2 =	vmul.f32 v5, v2  }
0xd5: {  	v62 =	vmul.f32 v4, v6;
	[tilespmem:s9+$0x13740] =	vst v0  }
0xd6: {  	v8 =	vsel vm0, v5, v6;
	v63 =	vmul.f32 v7, v6;
	[tilespmem:s9+$0x13750] =	vst v2  }
0xd7: {  	v1 =	vmul.f32 v8, v61;
	[tilespmem:s9+$0x13770] =	vst v62  }
0xd8: {  	[tilespmem:s9+$0x13780] =	vst v63  }
0xd9: {  	[tilespmem:s9+$0x13760] =	vst v1  }
0xda: {  	[spmem:s3] =	stream.indirect.scatter.add.f32 [tilespmem:s4], [sflag:$0x9], $0x60, s19, s22, $0xb8;
	[tilespmem:$0x15540] =	vst v63  }
0xdb: {  	_ =	swait.ge [sflag:s17], $0x1E00  }
0xdc: {  	[sflag:s17] =	ssyncset.done $0x0  }
0xdd: {  	[sflag:s17] =	ssyncadd.s32 $0xFFFFE200  }
0xde: {  	[bflag:$0x0] =	sbarrier.arrive $0xFFFF  }
0xdf: {  	s11 =	rddreg [dreg:$0x5]  }
0xe0: {  	s16 =	rddreg [dreg:$0x8]  }
0xe1: {  	s14 =	rddreg [dreg:$0xa]  }
0xe2: {  	[hbm:s16], [sflag:s11] =	dma.local [spmem:s14], $0x1E00  }
0xe3: {  	_ =	swait.ge [sflag:s17], $0x1E00  }
0xe4: {  	s15 =	rddreg [dreg:$0xb]  }
0xe5: {  	s30 =	rddreg [dreg:$0x9];
	s15 =	sadd.s32 $0x1, s15  }
0xe6: {  	p0 =	sne.s32 s15, s30  }
.Ltmp4:
0xe7: {  	_ = 	snop;
	(pc) =	sbr.rel @p0 .LBB2_1-.Ltmp4, $3  }
0xe8: {  	_ =	sdelay $0x1  }
0xe9: {  	[sflag:s17] =	ssyncset.done $0x0  }
0xea: {  	[sflag:s17] =	ssyncadd.s32 $0xFFFFE200  }
0xeb: {  	_ =	sfence.sel $0x180000  }
0xec: {  	[bflag:$0x0] =	sbarrier.arrive $0xFFFF  }
0xed: {  	_ =	strace $0x90000050  }
0xee: {  	s0 =	stileid.u32;
	[bflag:$0x2] =	sbarrier.arrive $0xFFFF  }
0xef: {  	p0 =	sne.s32 s0, $0x0;
	s0 =	rddreg [dreg:$0x3]  }
0xf0: {  	s0 =	sadd.s32 @!p0 $0x100000, s0  }
0xf1: {  	[sflag:s0] =	ssyncadd.tile.s32 @!p0 $0x1;
	_ =	shalt  }
.Lfunc_end2:
_tile_overlayer_lowered:
.L_overlay_start_2:
0xf2: {  	(tag) =	ssettag $0x2  }
0xf3: {  	s0 =	rddreg [dreg:$0x0];
	s2 =	stileid.u32  }
0xf4: {  	s1 =	rddreg [dreg:$0x1];
	p0 =	sne.s32 s2, $0x0  }
0xf5: {  	s3 =	rddreg [dreg:$0x2];
	[bflag:$0x3] =	sbarrier.arrive $0xFFFF;
	s2 =	simm.s32 @!p0 $0x1C09  }
0xf6: {  	[timem:s3], [sflag:s2] =	dma.local @!p0 [hbm:s0], s1  }
0xf7: {  	s0 =	simm.s32 @!p0 $0x9  }
0xf8: {  	_ =	swait.ge @!p0 [sflag:s0], s1  }
0xf9: {  	s1 =	ssub.s32 @!p0 $0x0, s1;
	[sflag:s0] =	ssyncset.done @!p0 $0x0  }
0xfa: {  	[sflag:s0] =	ssyncadd.s32 @!p0 s1  }
0xfb: {  	[bflag:$0x3] =	sbarrier.arrive $0xFFFF  }
0xfc: {  	_ =	shalt  }

// kernel: kernel.21.cloned.1.call-start
scs
__scs_entry_jumppad:
0x0: {  	(pc) =	sbr.rel $0x88, $3  }
0x1: {  	(tag) =	ssettag $0x0;
	lr =	simm.s32 $0x1  }
0x2: {  	[smem:$0x3F90] =	sst lr;
	_ =	strace $0xD0000000  }
0x3: {  	_ = 	snop  }
0x4: {  	_ = 	snop  }
0x5: {  	_ = 	snop  }
0x6: {  	_ = 	snop  }
0x7: {  	_ = 	snop  }
__scs_overlays_trampoline_lowered:
0x8: {  	[smem:$0x3F9F] =	sst s0  }
0x9: {  	[smem:$0x3FA0] =	sst s1  }
0xa: {  	[smem:$0x3FA1] =	sst s2  }
0xb: {  	[smem:$0x3FA2] =	sst s3  }
0xc: {  	[smem:$0x3FA3] =	sst s4  }
0xd: {  	[smem:$0x3FA4] =	sst s5  }
0xe: {  	[smem:$0x3FA5] =	sst s6  }
0xf: {  	[smem:$0x3FA6] =	sst s7  }
0x10: {  	[smem:$0x3FA7] =	sst s8  }
0x11: {  	[smem:$0x3FA8] =	sst s9;
	s0 =	simm.s32 @!p0 $0x0  }
0x12: {  	s1 =	sld [smem:$0x3F8E];
	s0 =	simm.s32 @p0 $0x1  }
0x13: {  	[smem:$0x3FA9] =	sst s0;
	s0 =	simm.s32 @!p1 $0x0  }
0x14: {  	s2 =	sld [smem:$0x3F8D];
	s0 =	simm.s32 @p1 $0x1  }
0x15: {  	[smem:$0x3FAA] =	sst s0;
	s0 =	simm.s32 @!p2 $0x0  }
0x16: {  	s3 =	sld [smem:$0x3FDB];
	s0 =	simm.s32 @p2 $0x1  }
0x17: {  	s4 =	simm.s32 $0x1BF5;
	[smem:$0x3FAC] =	sst s0  }
0x18: {  	s0 =	sld [smem:$0x3F8F];
	_ =	swait.ge [sflag:s4], $0x0  }
0x19: {  	s7 =	sld [smem:$0x3F90]  }
0x1a: {  	s8 =	sadd.s32 $0xFFFFE003, lr  }
0x1b: {  	s9 =	sadd.s32 $0xFFFFFEF7, lr;
	s5 =	simm.s32 $0xFFFFFFFF;
	p2 =	slt.u32 s8, $0xFFFFF086  }
0x1c: {  	p1 =	slt.u32 s9, $0xF7A;
	s5 =	simm.s32 @!p2 $0x0  }
0x1d: {  	s5 =	simm.s32 @p1 $0x1;
	p0 =	seq.s32 s7, s2  }
0x1e: {  	s7 =	smul.u32 @!p0 $0xF7A, s2;
	p2 =	seq.s32 @!p0 s5, $0x0  }
0x1f: {  	s9 =	smul.u32 $0xF7A, s1;
	s8 =	simm.s32 @!p0 $0x1BF5;
	p2 =	por !p2, p0  }
0x20: {  	[sflag:s8] =	ssyncset.s32 @!p0 $0xFFFFF086;
	s6 =	sadd.s32 @!p0 s3, s7;
	s7 =	simm.s32 @!p0 $0x108  }
0x21: {  	s3 =	sadd.s32 s3, s9;
	s6 =	sadd.s32 @!p0 $0x88, s6;
	s7 =	simm.s32 @p2 $0x1082  }
0x22: {  	[simem:s7], [sflag:s8] =	dma.local @!p0 [hbm:s6], $0xF7A  }
0x23: {  	s9 =	sor.u32 $0xD0000000, s2;
	s6 =	simm.s32 $0x108;
	_ =	swait.ge @!p0 [sflag:s8], $0x0  }
0x24: {  	s3 =	sadd.s32 $0x88, s3;
	s6 =	simm.s32 @!p1 $0x1082;
	[sflag:s4] =	ssyncset.s32 $0xFFFFF086  }
0x25: {  	[simem:s6], [sflag:s4] =	dma.local [hbm:s3], $0xF7A  }
0x26: {  	[smem:$0x3F90] =	sst s1;
	(tag) =	ssettag s2;
	_ =	strace s9  }
0x27: {  	s1 =	sld [smem:$0x3FA0]  }
0x28: {  	s2 =	sld [smem:$0x3FA1]  }
0x29: {  	s4 =	sld [smem:$0x3FA3]  }
0x2a: {  	p0 =	seq.s32 s5, $0x0;
	s5 =	sld [smem:$0x3FA4]  }
0x2b: {  	s6 =	sld [smem:$0x3FA5]  }
0x2c: {  	s7 =	sld [smem:$0x3FA6]  }
0x2d: {  	s3 =	simm.s32 $0x108;
	s8 =	sld [smem:$0x3FA7]  }
0x2e: {  	s3 =	simm.s32 @!p0 $0x1082;
	s9 =	sld [smem:$0x3FA8]  }
0x2f: {  	lr =	sadd.s32 s0, s3;
	s0 =	sld [smem:$0x3F9F]  }
0x30: {  	s3 =	sld [smem:$0x3FA2]  }
0x31: {  	[smem:$0x3FAB] =	sst s10  }
0x32: {  	s10 =	sld [smem:$0x3FA9];
	_ =	sdelay $0x3  }
0x33: {  	p0 =	seq.s32 s10, $0x1;
	s10 =	sld [smem:$0x3FAB];
	_ =	sdelay $0x3  }
0x34: {  	[smem:$0x3FAB] =	sst s10  }
0x35: {  	s10 =	sld [smem:$0x3FAA];
	_ =	sdelay $0x3  }
0x36: {  	p1 =	seq.s32 s10, $0x1;
	s10 =	sld [smem:$0x3FAB];
	_ =	sdelay $0x3  }
0x37: {  	[smem:$0x3FAB] =	sst s10  }
0x38: {  	s10 =	sld [smem:$0x3FAC]  }
0x39: {  	_ = 	snop;
	(pc) =	sbr.ind lr, $3  }
0x3a: {  	_ = 	snop  }
0x3b: {  	_ = 	snop  }
0x3c: {  	p2 =	seq.s32 s10, $0x1;
	s10 =	sld [smem:$0x3FAB]  }
0x3d: {  	_ =	shalt  }
0x3e: {  	_ =	shalt  }
0x3f: {  	_ =	shalt  }
0x40: {  	_ =	shalt  }
0x41: {  	_ =	shalt  }
0x42: {  	_ =	shalt  }
0x43: {  	_ =	shalt  }
0x44: {  	_ =	shalt  }
0x45: {  	_ =	shalt  }
0x46: {  	_ =	shalt  }
0x47: {  	_ =	shalt  }
0x48: {  	_ =	shalt  }
0x49: {  	_ =	shalt  }
0x4a: {  	_ =	shalt  }
0x4b: {  	_ =	shalt  }
0x4c: {  	_ =	shalt  }
0x4d: {  	_ =	shalt  }
0x4e: {  	_ =	shalt  }
0x4f: {  	_ =	shalt  }
0x50: {  	_ =	shalt  }
0x51: {  	_ =	shalt  }
0x52: {  	_ =	shalt  }
0x53: {  	_ =	shalt  }
0x54: {  	_ =	shalt  }
0x55: {  	_ =	shalt  }
0x56: {  	_ =	shalt  }
0x57: {  	_ =	shalt  }
0x58: {  	_ =	shalt  }
0x59: {  	_ =	shalt  }
0x5a: {  	_ =	shalt  }
0x5b: {  	_ =	shalt  }
0x5c: {  	_ =	shalt  }
0x5d: {  	_ =	shalt  }
0x5e: {  	_ =	shalt  }
0x5f: {  	_ =	shalt  }
0x60: {  	_ =	shalt  }
0x61: {  	_ =	shalt  }
0x62: {  	_ =	shalt  }
0x63: {  	_ =	shalt  }
0x64: {  	_ =	shalt  }
0x65: {  	_ =	shalt  }
0x66: {  	_ =	shalt  }
0x67: {  	_ =	shalt  }
0x68: {  	_ =	shalt  }
0x69: {  	_ =	shalt  }
0x6a: {  	_ =	shalt  }
0x6b: {  	_ =	shalt  }
0x6c: {  	_ =	shalt  }
0x6d: {  	_ =	shalt  }
0x6e: {  	_ =	shalt  }
0x6f: {  	_ =	shalt  }
0x70: {  	_ =	shalt  }
0x71: {  	_ =	shalt  }
0x72: {  	_ =	shalt  }
0x73: {  	_ =	shalt  }
0x74: {  	_ =	shalt  }
0x75: {  	_ =	shalt  }
0x76: {  	_ =	shalt  }
0x77: {  	_ =	shalt  }
0x78: {  	_ =	shalt  }
0x79: {  	_ =	shalt  }
0x7a: {  	_ =	shalt  }
0x7b: {  	_ =	shalt  }
0x7c: {  	_ =	shalt  }
0x7d: {  	_ =	shalt  }
0x7e: {  	_ =	shalt  }
0x7f: {  	_ =	shalt  }
0x80: {  	_ =	shalt  }
0x81: {  	_ =	shalt  }
0x82: {  	_ =	shalt  }
0x83: {  	_ =	shalt  }
0x84: {  	_ =	shalt  }
0x85: {  	_ =	shalt  }
0x86: {  	_ =	shalt  }
0x87: {  	_ =	shalt  }
.Lfunc_end0:
.L_simem_size_0:
called_computation.3_lowered:
.L_overlay_start_0:
0x88: {  	s2 =	sld [smem:$0x3FD9]  }
0x89: {  	s3 =	sld [smem:$0x3FFE];
	_ =	sdelay $0x1  }
0x8a: {  	s1 =	srdreg.scid  }
0x8b: {  	s0 =	sand.u32 $0x1, s1  }
0x8c: {  	s17 =	sshll.u32 s0, $0xA;
	s2 =	sadd.s32 s3, s2  }
0x8d: {  	s2 =	sadd.s32 s2, s17  }
0x8e: {  	[smem:$0x3FB7] =	sst s2  }
0x8f: {  	_ = 	snop  }
0x90: {  	s2 =	sld [smem:$0x3FD0];
	(tm) =	ssettm $0x1  }
0x91: {  	s18 =	sld [smem:$0x3FFB];
	_ =	sdelay $0x3  }
0x92: {  	_ =	strace s18  }
0x93: {  	s3 =	sld [smem:$0x3FFC];
	_ =	sdelay $0x3  }
0x94: {  	_ =	strace s3  }
0x95: {  	s3 =	sld [smem:$0x3FFD];
	_ =	sdelay $0x3  }
0x96: {  	_ =	strace s3  }
0x97: {  	_ =	strace $0x8FFFFFFF  }
0x98: {  	s19 =	sld [smem:$0x3FDB];
	_ =	sdelay $0x1  }
0x99: {  	s4 =	simm.s32 $_scs_section_size  }
0x9a: {  	s5 =	simm.s32 $_size__tile_overlayer_lowered;
	s6 =	simm.s32 $_tile_overlayer_lowered  }
0x9b: {  	s22 =	simm.s32 $0x1BFF;
	s21 =	sshll.u32 s6, $0x1;
	s3 =	sadd.s32 s4, s19  }
0x9c: {  	s7 =	simm.s32 $0x0;
	s20 =	sshll.u32 s5, $0x1;
	s5 =	sadd.s32 s21, s3  }
0x9d: {  	[timem:s7], [sflag:s22] =	dma.local [hbm:s5], s20  }
0x9e: {  	_ =	swait.ge [sflag:s22], s20  }
0x9f: {  	s4 =	ssub.s32 $0x0, s20;
	[sflag:s22] =	ssyncset.done $0x0  }
0xa0: {  	[sflag:s22] =	ssyncadd.s32 s4;
	_ =	sdelay $0x1  }
0xa1: {  	s23 =	simm.s32 $0x1B8B  }
0xa2: {  	_ =	swait.ge [sflag:s23], $0x1  }
0xa3: {  	[sflag:s23] =	ssyncset.done $0x0  }
0xa4: {  	s25 =	simm.s32 $0x1B8E;
	s24 =	sld [smem:$0x3FFE];
	[sflag:s23] =	ssyncadd.s32 $0xFFFFFFFF  }
0xa5: {  	s26 =	simm.s32 $execute0_lowered;
	[smem:$0x3FD2] =	sst s25  }
0xa6: {  	s5 =	sshll.u32 s26, $0x1;
	_ =	strace $0x8000004C;
	[dreg:$0x1] =	wrdreg $0xFFFFFFFF  }
0xa7: {  	s28 =	simm.s32 $_size_execute0_lowered;
	s3 =	sadd.s32 s3, s5;
	[dreg:$0x0] =	wrdreg $0x0  }
0xa8: {  	s5 =	sshll.u32 s28, $0x1;
	[dreg:$0x2] =	wrdreg s3  }
0xa9: {  	[dreg:$0x3] =	wrdreg s5  }
0xaa: {  	[dreg:$0x4] =	wrdreg $0xC0  }
0xab: {  	_ =	task [dreg:s7], $0x5FFFF  }
0xac: {  	[dreg:$0x1] =	wrdreg $0xFFFFFFFF  }
0xad: {  	[dreg:$0x0] =	wrdreg $0x60  }
0xae: {  	[dreg:$0x2] =	wrdreg s24  }
0xaf: {  	[dreg:$0x3] =	wrdreg s2  }
0xb0: {  	[dreg:$0x4] =	wrdreg $0x0  }
0xb1: {  	[dreg:$0x5] =	wrdreg $0xA  }
0xb2: {  	_ =	task.clear_ibuf [dreg:s7], $0x6FFFF;
	_ =	strace $0x9000004C  }
0xb3: {  	s29 =	simm.s32 $0xA;
	_ =	strace $0x8000004E  }
0xb4: {  	_ =	swait.ge [sflag:s29], $0x1  }
0xb5: {  	[sflag:s29] =	ssyncadd.s32 $0xFFFFFFFF  }
0xb6: {  	_ =	strace $0x9000004E  }
0xb7: {  	_ =	sfence  }
0xb8: {  	s30 =	sld [smem:$0x0];
	_ =	sdelay $0x2  }
0xb9: {  	s31 =	sshll.u32 s1, $0xD;
	s1 =	sshrl.u32 s1, $0x2  }
0xba: {  	s3 =	sand.u32 $0x4000, s31;
	s1 =	sadd.s32 s1, s30  }
0xbb: {  	s0 =	sor.u32 s3, s0;
	s1 =	sshll.u32 s1, $0x11  }
0xbc: {  	s0 =	sor.u32 s1, s0  }
0xbd: {  	s0 =	sadd.s32 $0x8F2B, s0  }
0xbe: {  	[sflag:s0] =	ssyncadd.remote.s32 $0x1  }
0xbf: {  	_ =	sfence.sel $0xFFFF  }
0xc0: {  	[dreg:$0x0] =	wrdreg $0xFFFFFFFF;
	(pc) =	sbr.abs _section_cstart, $3  }
0xc1: {  	[dreg:$0x1] =	wrdreg $0xFFFFFFFF  }
0xc2: {  	_ =	task.clear_ibuf [dreg:s7], $0x2FFFF;
	_ =	strace $0x9FFFFFFF  }
0xc3: {  	(tm) =	ssettm $0x7FFFFFFF  }
tec
execute0_lowered:
.L_overlay_start_1:
0x0: {  	(tag) =	ssettag $0x1  }
0x1: {  	s0 =	rddreg [dreg:$0x0]  }
0x2: {  	s2 =	rddreg [dreg:$0x1]  }
0x3: {  	s3 =	rddreg [dreg:$0x2]  }
0x4: {  	s4 =	simm.s32 $0x0;
	s12 =	stileid.u32;
	s1 =	srdreg.scid  }
0x5: {  	s17 =	simm.s32 $0x9;
	s18 =	simm.s32 $0xF000;
	s19 =	simm.s32 $0xF050  }
0x6: {  	s20 =	simm.s32 $0x3;
	s21 =	simm.s32 $0x4;
	s28 =	simm.s32 $0x7  }
0x7: {  	s29 =	simm.s32 $0x8;
	s31 =	simm.s32 $0x13240;
	s15 =	simm.s32 $0x0  }
0x8: {  	[smem:$0x7FF] =	sst s4;
	s22 =	smul.u32 $0xF000, s12;
	s1 =	sand.u32 $0x1, s1  }
0x9: {  	s5 =	sadd.s32 $0xC600, s0;
	s6 =	sadd.s32 $0x81C00, s0;
	s7 =	sadd.s32 $0x2800, s0  }
0xa: {  	s10 =	sshll.u32 s12, $0x1;
	s24 =	sshll.u32 s12, $0x6;
	_ =	strace $0x8000004D  }
0xb: {  	s8 =	smul.u32 $0xF0000, s1;
	s11 =	ssub.s32 $0x2, s1;
	s1 =	sor.u32 s1, s10  }
0xc: {  	s10 =	simm.s32 $0x6;
	s9 =	sshrl.u32 s22, $0x3;
	s23 =	sshrl.u32 s11, $0x1  }
0xd: {  	s1 =	smul.u32 $0x2710, s1;
	s4 =	sadd.s32 s22, s3;
	s9 =	sadd.s32 s9, s0  }
0xe: {  	s8 =	sadd.s32 s22, s8;
	s14 =	sshrl.u32 s4, $0x3;
	s22 =	simm.s32 $0x50  }
0xf: {  	s4 =	simm.s32 $0x13740;
	s8 =	sshrl.u32 s8, $0x3;
	s9 =	sadd.s32 $0x29C00, s9  }
0x10: {  	s25 =	sshrl.u32 s1, $0x3;
	s12 =	sadd.s32 $0x50, s1;
	s13 =	sadd.s32 $0xA0, s1  }
0x11: {  	s1 =	simm.s32 $0x2;
	[dreg:$0xa] =	wrdreg s14;
	s0 =	sadd.s32 s8, s0  }
0x12: {  	s8 =	ssub.s32 s11, s23;
	[dreg:$0x4] =	wrdreg s9;
	s26 =	sadd.s32 s7, s25  }
0x13: {  	s11 =	sor.u32 $0x1C09, s24;
	s9 =	sadd.s32 s2, s25;
	[dreg:$0x6] =	wrdreg s26  }
0x14: {  	s23 =	simm.s32 $0xF0A0;
	s24 =	simm.s32 $0x10EA0;
	[dreg:$0x7] =	wrdreg s9  }
0x15: {  	s25 =	simm.s32 $0x113A0;
	s0 =	sadd.s32 $0x86C00, s0;
	[dreg:$0x5] =	wrdreg s11  }
0x16: {  	s30 =	smax.u32 s8, $0x1;
	s26 =	simm.s32 $0x113F0;
	[dreg:$0x8] =	wrdreg s0  }
0x17: {  	vm0 =	vmmov $0xff;
	s8 =	simm.s32 $0x5;
	[dreg:$0x9] =	wrdreg s30;
	s0 =	simm.s32 $0x1  }
.LBB2_1:
0x18: {  	[dreg:$0xb] =	wrdreg s15  }
0x19: {  	s9 =	rddreg [dreg:$0x4]  }
0x1a: {  	[spmem:s14], [sflag:s11] =	dma.local [hbm:s9], $0x1E00  }
0x1b: {  	_ =	swait.ge [sflag:s17], $0x1E00  }
0x1c: {  	[sflag:s17] =	ssyncset.done $0x0  }
0x1d: {  	[sflag:s17] =	ssyncadd.s32 $0xFFFFE200  }
0x1e: {  	[bflag:$0x0] =	sbarrier.arrive $0xFFFF  }
0x1f: {  	s15 =	simm.s32 $0x0;
	s16 =	rddreg [dreg:$0x6]  }
0x20: {  	[tilespmem:s18], [sflag:$0x3] =	stream.linear.gather [hbm4b:s16+s15], $0x50, $0x38;
	[tilespmem:$0x15540] =	vst v63  }
0x21: {  	s30 =	rddreg [dreg:$0x7]  }
0x22: {  	[tilespmem:s19], [sflag:$0x4] =	stream.linear.gather [hbm4b:s30+s15], $0x50, $0x38;
	[tilespmem:$0x15540] =	vst v63  }
0x23: {  	_ =	swait.ge [sflag:s20], $0x50  }
0x24: {  	[sflag:s20] =	ssyncset.done $0x0  }
0x25: {  	[sflag:s20] =	ssyncadd.s32 $0xFFFFFFB0  }
0x26: {  	_ =	swait.ge [sflag:s21], $0x50  }
0x27: {  	[sflag:s21] =	ssyncset.done $0x0  }
0x28: {  	[sflag:s21] =	ssyncadd.s32 $0xFFFFFFB0  }
0x29: {  	[tilespmem:s23], [sflag:$0x1] =	stream.indirect.gather [hbm4b:s5+s22], $0x60, s18, s22, $0xb8;
	[tilespmem:$0x15540] =	vst v63  }
0x2a: {  	s14 =	simm.s32 $0x0  }
0x2b: {  	[tilespmem:s24], [sflag:$0x2] =	stream.indirect.gather [hbm4b:s6+s22], $0x10, s19, s22, $0xb8;
	[tilespmem:$0x15540] =	vst v63  }
.LBB2_2:
0x2c: {  	s15 =	smul.u32 $0xA0, s14;
	_ =	sdelay $0x1  }
0x2d: {  	s9 =	sadd.s32 s15, s12  }
0x2e: {  	s9 =	sshrl.u32 s9, $0x3  }
0x2f: {  	s16 =	simm.s32 $0x0;
	s11 =	sadd.s32 s7, s9  }
0x30: {  	[tilespmem:s25], [sflag:$0x7] =	stream.linear.gather [hbm4b:s11+s16], $0x50, $0x38;
	[tilespmem:$0x15540] =	vst v63  }
0x31: {  	s9 =	sadd.s32 s2, s9  }
0x32: {  	[tilespmem:s26], [sflag:$0x8] =	stream.linear.gather [hbm4b:s9+s16], $0x50, $0x38;
	[tilespmem:$0x15540] =	vst v63  }
0x33: {  	_ =	swait.ge [sflag:s28], $0x50  }
0x34: {  	[sflag:s28] =	ssyncset.done $0x0  }
0x35: {  	[sflag:s28] =	ssyncadd.s32 $0xFFFFFFB0  }
0x36: {  	_ =	swait.ge [sflag:s29], $0x50  }
0x37: {  	[sflag:s29] =	ssyncset.done $0x0  }
0x38: {  	s30 =	simm.s32 $0x11440;
	[sflag:s29] =	ssyncadd.s32 $0xFFFFFFB0  }
0x39: {  	[tilespmem:s30], [sflag:$0x5] =	stream.indirect.gather [hbm4b:s5+s22], $0x60, s25, s22, $0xb8;
	[tilespmem:$0x15540] =	vst v63  }
0x3a: {  	_ = 	snop  }
0x3b: {  	[tilespmem:s31], [sflag:$0x6] =	stream.indirect.gather [hbm4b:s6+s22], $0x10, s26, s22, $0xb8;
	[tilespmem:$0x15540] =	vst v63  }
0x3c: {  	_ =	swait.ge [sflag:s0], $0x1E00  }
0x3d: {  	[sflag:s0] =	ssyncset.done $0x0  }
0x3e: {  	[sflag:s0] =	ssyncadd.s32 $0xFFFFE200  }
0x3f: {  	_ =	swait.ge [sflag:s1], $0x500  }
0x40: {  	[sflag:s1] =	ssyncset.done $0x0  }
0x41: {  	s9 =	simm.s32 $0x0;
	[sflag:s1] =	ssyncadd.s32 $0xFFFFFB00  }
0x42: {  	s11 =	simm.s32 $0x180;
	s16 =	simm.s32 $0x10EA0;
	v0 =	vld [tilespmem:s9+$0xF0F0]  }
.LBB2_3:
0x43: {  	p0 =	sne.s32 s11, $0x7680;
	v1 =	vld [tilespmem:s16+$0x0];
	_ =	sdelay $0x4  }
0x44: {  	v0 =	vadd.f32 v1, v0;
	_ =	sdelay $0x1  }
0x45: {  	v1 =	vmul.f32 $2.000000030e-01, v0  }
0x46: {  	vm1 =	vge.f32 v0, $0.0e+00  }
0x47: {  	v0 =	vsel vm1, v0, v1  }
0x48: {  	v0 =	vmul.f32 $1.442695020e+00, v0;
	_ =	sdelay $0x1  }
0x49: {  	(erf) = vpow2.f32 v0;
	_ =	sdelay $0x4  }
0x4a: {  	v0 =	vld [tilespmem:s9+$0xF0A0]  }
0x4b: {  	v1 =	vld [tilespmem:s9+$0xF0B0]  }
0x4c: {  	v2 =	vld [tilespmem:s9+$0xF0C0]  }
0x4d: {  	v3 =	vld [tilespmem:s9+$0xF0D0]  }
0x4e: {  	v4 =	vld [tilespmem:s9+$0xF0E0];
	v5 =	vpop (erf)  }
0x4f: {  	[tilespmem:s9+$0x13790] =	vst v5;
	v6 =	vbroadcast v5, $0x0;
	v5 =	vbroadcast v5, $0x1;
	_ =	sdelay $0x1  }
0x50: {  	v0 =	vmul.f32 v6, v0;
	v1 =	vmul.f32 v6, v1;
	v6 =	vsel vm0, v6, v5  }
0x51: {  	v2 =	vmul.f32 v6, v2;
	v3 =	vmul.f32 v3, v5  }
.Ltmp0:
0x52: {  	[tilespmem:s9+$0x13740] =	vst v0;
	v4 =	vmul.f32 v4, v5;
	(pc) =	sbr.rel @p0 .LBB2_3-.Ltmp0, $4  }
0x53: {  	[tilespmem:s9+$0x13760] =	vst v2  }
0x54: {  	[tilespmem:s9+$0x13750] =	vst v1  }
0x55: {  	s30 =	sshra.s32 s11, $0x2;
	[tilespmem:s9+$0x13770] =	vst v3  }
0x56: {  	s11 =	sadd.s32 $0x180, s11;
	s16 =	sadd.s32 $0x10, s16;
	v0 =	vld [tilespmem:s30+$0xF0F0];
	[tilespmem:s9+$0x13780] =	vst v4;
	s9 =	smov.u32 s30  }
0x57: {  	v1 =	vld [tilespmem:s16+$0x0];
	_ =	sdelay $0x4  }
0x58: {  	v0 =	vadd.f32 v1, v0;
	_ =	sdelay $0x1  }
0x59: {  	v1 =	vmul.f32 $2.000000030e-01, v0  }
0x5a: {  	vm1 =	vge.f32 v0, $0.0e+00  }
0x5b: {  	v0 =	vsel vm1, v0, v1  }
0x5c: {  	v0 =	vmul.f32 $1.442695020e+00, v0;
	_ =	sdelay $0x1  }
0x5d: {  	(erf) = vpow2.f32 v0;
	_ =	sdelay $0x6  }
0x5e: {  	v0 =	vld [tilespmem:s9+$0xF0A0]  }
0x5f: {  	v2 =	vld [tilespmem:s9+$0xF0B0]  }
0x60: {  	v1 =	vld [tilespmem:s9+$0xF0C0];
	v3 =	vpop (erf)  }
0x61: {  	v4 =	vld [tilespmem:s9+$0xF0D0];
	v5 =	vbroadcast v3, $0x0  }
0x62: {  	v7 =	vld [tilespmem:s9+$0xF0E0];
	v6 =	vbroadcast v3, $0x1  }
0x63: {  	v0 =	vmul.f32 v5, v0  }
0x64: {  	[tilespmem:s9+$0x13790] =	vst v3;
	v8 =	vsel vm0, v5, v6;
	v2 =	vmul.f32 v5, v2  }
0x65: {  	v1 =	vmul.f32 v8, v1;
	[tilespmem:s9+$0x13740] =	vst v0  }
0x66: {  	v0 =	vmul.f32 v4, v6;
	[tilespmem:s9+$0x13750] =	vst v2  }
0x67: {  	[tilespmem:s9+$0x13760] =	vst v1;
	v1 =	vmul.f32 v7, v6  }
0x68: {  	[tilespmem:s9+$0x13770] =	vst v0  }
0x69: {  	[tilespmem:s9+$0x13780] =	vst v1  }
0x6a: {  	[spmem:s3] =	stream.indirect.scatter.add.f32 [tilespmem:s4], [sflag:$0x9], $0x60, s19, s22, $0xb8;
	[tilespmem:$0x15540] =	vst v63  }
0x6b: {  	s16 =	sadd.s32 s15, s13;
	_ =	swait.ge [sflag:s17], $0x1E00  }
0x6c: {  	s9 =	sshrl.u32 s16, $0x3;
	[sflag:s17] =	ssyncset.done $0x0  }
0x6d: {  	s30 =	simm.s32 $0x0;
	s11 =	sadd.s32 s7, s9;
	[sflag:s17] =	ssyncadd.s32 $0xFFFFE200  }
0x6e: {  	[tilespmem:s18], [sflag:$0x3] =	stream.linear.gather [hbm4b:s11+s30], $0x50, $0x38;
	[tilespmem:$0x15540] =	vst v63  }
0x6f: {  	s9 =	sadd.s32 s2, s9  }
0x70: {  	[tilespmem:s19], [sflag:$0x4] =	stream.linear.gather [hbm4b:s9+s30], $0x50, $0x38;
	[tilespmem:$0x15540] =	vst v63  }
0x71: {  	_ =	swait.ge [sflag:s20], $0x50  }
0x72: {  	[sflag:s20] =	ssyncset.done $0x0  }
0x73: {  	[sflag:s20] =	ssyncadd.s32 $0xFFFFFFB0  }
0x74: {  	_ =	swait.ge [sflag:s21], $0x50  }
0x75: {  	[sflag:s21] =	ssyncset.done $0x0  }
0x76: {  	[sflag:s21] =	ssyncadd.s32 $0xFFFFFFB0  }
0x77: {  	[tilespmem:s23], [sflag:$0x1] =	stream.indirect.gather [hbm4b:s5+s22], $0x60, s18, s22, $0xb8;
	[tilespmem:$0x15540] =	vst v63  }
0x78: {  	_ = 	snop  }
0x79: {  	[tilespmem:s24], [sflag:$0x2] =	stream.indirect.gather [hbm4b:s6+s22], $0x10, s19, s22, $0xb8;
	[tilespmem:$0x15540] =	vst v63  }
0x7a: {  	_ =	swait.ge [sflag:s8], $0x1E00  }
0x7b: {  	[sflag:s8] =	ssyncset.done $0x0  }
0x7c: {  	[sflag:s8] =	ssyncadd.s32 $0xFFFFE200  }
0x7d: {  	_ =	swait.ge [sflag:s10], $0x500  }
0x7e: {  	[sflag:s10] =	ssyncset.done $0x0  }
0x7f: {  	s9 =	simm.s32 $0x0;
	[sflag:s10] =	ssyncadd.s32 $0xFFFFFB00  }
0x80: {  	s15 =	simm.s32 $0x13240;
	s11 =	simm.s32 $0x180;
	v0 =	vld [tilespmem:s9+$0x11490]  }
.LBB2_5:
0x81: {  	p0 =	sne.s32 s11, $0x7680;
	v1 =	vld [tilespmem:s15+$0x0];
	_ =	sdelay $0x4  }
0x82: {  	v0 =	vadd.f32 v1, v0;
	_ =	sdelay $0x1  }
0x83: {  	v1 =	vmul.f32 $2.000000030e-01, v0  }
0x84: {  	vm1 =	vge.f32 v0, $0.0e+00  }
0x85: {  	v0 =	vsel vm1, v0, v1  }
0x86: {  	v0 =	vmul.f32 $1.442695020e+00, v0;
	_ =	sdelay $0x1  }
0x87: {  	(erf) = vpow2.f32 v0;
	_ =	sdelay $0x4  }
0x88: {  	v0 =	vld [tilespmem:s9+$0x11440]  }
0x89: {  	v1 =	vld [tilespmem:s9+$0x11450]  }
0x8a: {  	v2 =	vld [tilespmem:s9+$0x11460]  }
0x8b: {  	v3 =	vld [tilespmem:s9+$0x11470]  }
0x8c: {  	v4 =	vld [tilespmem:s9+$0x11480];
	v5 =	vpop (erf)  }
0x8d: {  	[tilespmem:s9+$0x13790] =	vst v5;
	v6 =	vbroadcast v5, $0x0;
	v5 =	vbroadcast v5, $0x1;
	_ =	sdelay $0x1  }
0x8e: {  	v0 =	vmul.f32 v6, v0;
	v1 =	vmul.f32 v6, v1;
	v6 =	vsel vm0, v6, v5  }
0x8f: {  	v2 =	vmul.f32 v6, v2;
	v3 =	vmul.f32 v3, v5  }
.Ltmp1:
0x90: {  	[tilespmem:s9+$0x13740] =	vst v0;
	v4 =	vmul.f32 v4, v5;
	(pc) =	sbr.rel @p0 .LBB2_5-.Ltmp1, $4  }
0x91: {  	[tilespmem:s9+$0x13760] =	vst v2  }
0x92: {  	[tilespmem:s9+$0x13750] =	vst v1  }
0x93: {  	s16 =	sshra.s32 s11, $0x2;
	[tilespmem:s9+$0x13770] =	vst v3  }
0x94: {  	s11 =	sadd.s32 $0x180, s11;
	s15 =	sadd.s32 $0x10, s15;
	v0 =	vld [tilespmem:s16+$0x11490];
	[tilespmem:s9+$0x13780] =	vst v4;
	s9 =	smov.u32 s16  }
0x95: {  	v1 =	vld [tilespmem:s15+$0x0];
	_ =	sdelay $0x4  }
0x96: {  	v0 =	vadd.f32 v1, v0;
	_ =	sdelay $0x1  }
0x97: {  	v1 =	vmul.f32 $2.000000030e-01, v0  }
0x98: {  	vm1 =	vge.f32 v0, $0.0e+00  }
0x99: {  	v0 =	vsel vm1, v0, v1  }
0x9a: {  	v0 =	vmul.f32 $1.442695020e+00, v0;
	_ =	sdelay $0x1  }
0x9b: {  	(erf) = vpow2.f32 v0;
	_ =	sdelay $0x6  }
0x9c: {  	v60 =	vld [tilespmem:s9+$0x11440]  }
0x9d: {  	v2 =	vld [tilespmem:s9+$0x11450]  }
0x9e: {  	v4 =	vld [tilespmem:s9+$0x11470];
	v3 =	vpop (erf)  }
0x9f: {  	v7 =	vld [tilespmem:s9+$0x11480];
	v5 =	vbroadcast v3, $0x0  }
0xa0: {  	v61 =	vld [tilespmem:s9+$0x11460]  }
0xa1: {  	v6 =	vbroadcast v3, $0x1;
	v0 =	vmul.f32 v5, v60  }
0xa2: {  	[tilespmem:s9+$0x13790] =	vst v3;
	v2 =	vmul.f32 v5, v2  }
0xa3: {  	v62 =	vmul.f32 v4, v6;
	[tilespmem:s9+$0x13740] =	vst v0  }
0xa4: {  	v8 =	vsel vm0, v5, v6;
	v63 =	vmul.f32 v7, v6;
	[tilespmem:s9+$0x13750] =	vst v2  }
0xa5: {  	s14 =	sadd.s32 $0x1, s14;
	v1 =	vmul.f32 v8, v61;
	[tilespmem:s9+$0x13770] =	vst v62  }
0xa6: {  	p0 =	sne.s32 s14, $0x3E;
	[tilespmem:s9+$0x13780] =	vst v63  }
.Ltmp2:
0xa7: {  	[tilespmem:s9+$0x13760] =	vst v1;
	(pc) =	sbr.rel @p0 .LBB2_2-.Ltmp2, $4  }
0xa8: {  	[spmem:s3] =	stream.indirect.scatter.add.f32 [tilespmem:s4], [sflag:$0x9], $0x60, s26, s22, $0xb8;
	[tilespmem:$0x15540] =	vst v63  }
0xa9: {  	_ =	swait.ge [sflag:s17], $0x1E00  }
0xaa: {  	[sflag:s17] =	ssyncset.done $0x0  }
0xab: {  	[sflag:s17] =	ssyncadd.s32 $0xFFFFE200  }
0xac: {  	_ =	swait.ge [sflag:s0], $0x1E00  }
0xad: {  	[sflag:s0] =	ssyncset.done $0x0  }
0xae: {  	[sflag:s0] =	ssyncadd.s32 $0xFFFFE200  }
0xaf: {  	_ =	swait.ge [sflag:s1], $0x500  }
0xb0: {  	[sflag:s1] =	ssyncset.done $0x0  }
0xb1: {  	s9 =	simm.s32 $0x0;
	[sflag:s1] =	ssyncadd.s32 $0xFFFFFB00  }
0xb2: {  	s14 =	simm.s32 $0x10EA0;
	s11 =	simm.s32 $0x180;
	v0 =	vld [tilespmem:s9+$0xF0F0]  }
.LBB2_8:
0xb3: {  	p0 =	sne.s32 s11, $0x7680;
	v1 =	vld [tilespmem:s14+$0x0];
	_ =	sdelay $0x4  }
0xb4: {  	v0 =	vadd.f32 v1, v0;
	_ =	sdelay $0x1  }
0xb5: {  	v1 =	vmul.f32 $2.000000030e-01, v0  }
0xb6: {  	vm1 =	vge.f32 v0, $0.0e+00  }
0xb7: {  	v0 =	vsel vm1, v0, v1  }
0xb8: {  	v0 =	vmul.f32 $1.442695020e+00, v0;
	_ =	sdelay $0x1  }
0xb9: {  	(erf) = vpow2.f32 v0;
	_ =	sdelay $0x4  }
0xba: {  	v0 =	vld [tilespmem:s9+$0xF0A0]  }
0xbb: {  	v1 =	vld [tilespmem:s9+$0xF0B0]  }
0xbc: {  	v2 =	vld [tilespmem:s9+$0xF0C0]  }
0xbd: {  	v3 =	vld [tilespmem:s9+$0xF0D0]  }
0xbe: {  	v4 =	vld [tilespmem:s9+$0xF0E0];
	v5 =	vpop (erf)  }
0xbf: {  	[tilespmem:s9+$0x13790] =	vst v5;
	v6 =	vbroadcast v5, $0x0;
	v5 =	vbroadcast v5, $0x1;
	_ =	sdelay $0x1  }
0xc0: {  	v0 =	vmul.f32 v6, v0;
	v1 =	vmul.f32 v6, v1;
	v6 =	vsel vm0, v6, v5  }
0xc1: {  	v2 =	vmul.f32 v6, v2;
	v3 =	vmul.f32 v3, v5  }
.Ltmp3:
0xc2: {  	[tilespmem:s9+$0x13740] =	vst v0;
	v4 =	vmul.f32 v4, v5;
	(pc) =	sbr.rel @p0 .LBB2_8-.Ltmp3, $4  }
0xc3: {  	[tilespmem:s9+$0x13760] =	vst v2  }
0xc4: {  	[tilespmem:s9+$0x13750] =	vst v1  }
0xc5: {  	s15 =	sshra.s32 s11, $0x2;
	[tilespmem:s9+$0x13770] =	vst v3  }
0xc6: {  	s11 =	sadd.s32 $0x180, s11;
	s14 =	sadd.s32 $0x10, s14;
	v0 =	vld [tilespmem:s15+$0xF0F0];
	[tilespmem:s9+$0x13780] =	vst v4;
	s9 =	smov.u32 s15  }
0xc7: {  	v1 =	vld [tilespmem:s14+$0x0];
	_ =	sdelay $0x4  }
0xc8: {  	v0 =	vadd.f32 v1, v0;
	_ =	sdelay $0x1  }
0xc9: {  	v1 =	vmul.f32 $2.000000030e-01, v0  }
0xca: {  	vm1 =	vge.f32 v0, $0.0e+00  }
0xcb: {  	v0 =	vsel vm1, v0, v1  }
0xcc: {  	v0 =	vmul.f32 $1.442695020e+00, v0;
	_ =	sdelay $0x1  }
0xcd: {  	(erf) = vpow2.f32 v0;
	_ =	sdelay $0x6  }
0xce: {  	v60 =	vld [tilespmem:s9+$0xF0A0]  }
0xcf: {  	v2 =	vld [tilespmem:s9+$0xF0B0]  }
0xd0: {  	v4 =	vld [tilespmem:s9+$0xF0D0];
	v3 =	vpop (erf)  }
0xd1: {  	v7 =	vld [tilespmem:s9+$0xF0E0];
	v5 =	vbroadcast v3, $0x0  }
0xd2: {  	v61 =	vld [tilespmem:s9+$0xF0C0]  }
0xd3: {  	v6 =	vbroadcast v3, $0x1;
	v0 =	vmul.f32 v5, v60  }
0xd4: {  	[tilespmem:s9+$0x13790] =	vst v3;
	v2 =	vmul.f32 v5, v2  }
0xd5: {  	v62 =	vmul.f32 v4, v6;
	[tilespmem:s9+$0x13740] =	vst v0  }
0xd6: {  	v8 =	vsel vm0, v5, v6;
	v63 =	vmul.f32 v7, v6;
	[tilespmem:s9+$0x13750] =	vst v2  }
0xd7: {  	v1 =	vmul.f32 v8, v61;
	[tilespmem:s9+$0x13770] =	vst v62  }
0xd8: {  	[tilespmem:s9+$0x13780] =	vst v63  }
0xd9: {  	[tilespmem:s9+$0x13760] =	vst v1  }
0xda: {  	[spmem:s3] =	stream.indirect.scatter.add.f32 [tilespmem:s4], [sflag:$0x9], $0x60, s19, s22, $0xb8;
	[tilespmem:$0x15540] =	vst v63  }
0xdb: {  	_ =	swait.ge [sflag:s17], $0x1E00  }
0xdc: {  	[sflag:s17] =	ssyncset.done $0x0  }
0xdd: {  	[sflag:s17] =	ssyncadd.s32 $0xFFFFE200  }
0xde: {  	[bflag:$0x0] =	sbarrier.arrive $0xFFFF  }
0xdf: {  	s11 =	rddreg [dreg:$0x5]  }
0xe0: {  	s16 =	rddreg [dreg:$0x8]  }
0xe1: {  	s14 =	rddreg [dreg:$0xa]  }
0xe2: {  	[hbm:s16], [sflag:s11] =	dma.local [spmem:s14], $0x1E00  }
0xe3: {  	_ =	swait.ge [sflag:s17], $0x1E00  }
0xe4: {  	s15 =	rddreg [dreg:$0xb]  }
0xe5: {  	s30 =	rddreg [dreg:$0x9];
	s15 =	sadd.s32 $0x1, s15  }
0xe6: {  	p0 =	sne.s32 s15, s30  }
.Ltmp4:
0xe7: {  	_ = 	snop;
	(pc) =	sbr.rel @p0 .LBB2_1-.Ltmp4, $3  }
0xe8: {  	_ =	sdelay $0x1  }
0xe9: {  	[sflag:s17] =	ssyncset.done $0x0  }
0xea: {  	[sflag:s17] =	ssyncadd.s32 $0xFFFFE200  }
0xeb: {  	_ =	sfence.sel $0x180000  }
0xec: {  	[bflag:$0x0] =	sbarrier.arrive $0xFFFF  }
0xed: {  	_ =	strace $0x9000004D  }
0xee: {  	s0 =	stileid.u32;
	[bflag:$0x2] =	sbarrier.arrive $0xFFFF  }
0xef: {  	p0 =	sne.s32 s0, $0x0;
	s0 =	rddreg [dreg:$0x3]  }
0xf0: {  	s0 =	sadd.s32 @!p0 $0x100000, s0  }
0xf1: {  	[sflag:s0] =	ssyncadd.tile.s32 @!p0 $0x1;
	_ =	shalt  }
.Lfunc_end2:
_tile_overlayer_lowered:
.L_overlay_start_2:
0xf2: {  	(tag) =	ssettag $0x2  }
0xf3: {  	s0 =	rddreg [dreg:$0x0];
	s2 =	stileid.u32  }
0xf4: {  	s1 =	rddreg [dreg:$0x1];
	p0 =	sne.s32 s2, $0x0  }
0xf5: {  	s3 =	rddreg [dreg:$0x2];
	[bflag:$0x3] =	sbarrier.arrive $0xFFFF;
	s2 =	simm.s32 @!p0 $0x1C09  }
0xf6: {  	[timem:s3], [sflag:s2] =	dma.local @!p0 [hbm:s0], s1  }
0xf7: {  	s0 =	simm.s32 @!p0 $0x9  }
0xf8: {  	_ =	swait.ge @!p0 [sflag:s0], s1  }
0xf9: {  	s1 =	ssub.s32 @!p0 $0x0, s1;
	[sflag:s0] =	ssyncset.done @!p0 $0x0  }
0xfa: {  	[sflag:s0] =	ssyncadd.s32 @!p0 s1  }
0xfb: {  	[bflag:$0x3] =	sbarrier.arrive $0xFFFF  }
0xfc: {  	_ =	shalt  }

</sc_bundles>
